<compile_context>
chip_gen: v7x
topology: tpu7x:2x2x1
jax: 0.10.2.dev20260603
libtpu: 0.0.44.dev20260713+nightly
codegen_flags: <defaults>
</compile_context>

<pallas_src>
import functools

import jax
import jax.numpy as jnp
from jax import lax
from jax.experimental import pallas as pl
from jax.experimental.pallas import tpu as pltpu
from jax.experimental.pallas import tpu_sc as plsc

B = 8
HW = 1024
N = B * HW
D = 512
MS = 2048
TN = 1024
NC, NS = 2, 16
NEG = -3.0e38
LANES = 16

DS = D // NS
PSC = N // NC
CHP = 512
NCHK = PSC // CHP
ACC_N = MS * DS


def _tc1_body(q_ref, mem_ref, memb_ref, qh_ref, a_ref, sval_ref, m_ref):
    i = pl.program_id(0)
    q = q_ref[...]
    score = lax.dot_general(q, mem_ref[...], (((1,), (1,)), ((), ())),
                            preferred_element_type=jnp.float32)
    rowmax = jnp.max(score, axis=1, keepdims=True)
    e = jnp.exp(score - rowmax)
    z = jnp.sum(e, axis=1, keepdims=True)
    cols = lax.broadcasted_iota(jnp.int32, score.shape, 1).astype(jnp.float32)
    eqmask = score == rowmax
    a = jnp.min(jnp.where(eqmask, cols, float(MS)), axis=1).astype(jnp.int32)
    s_e = jnp.where(e < z * (1.0 / MS), 0.0, e)
    denom = jnp.maximum(jnp.sum(s_e, axis=1, keepdims=True), 1e-12)
    qh = lax.dot_general(s_e.astype(jnp.bfloat16), memb_ref[...],
                         (((1,), (0,)), ((), ())),
                         preferred_element_type=jnp.float32)
    qh_ref[...] = qh * (1.0 / denom)
    a_ref[...] = a
    sval_ref[...] = rowmax[:, 0]
    mpart = jnp.max(jnp.where(eqmask, rowmax, NEG), axis=0)

    @pl.when(i == 0)
    def _():
        m_ref[...] = mpart

    @pl.when(i != 0)
    def _():
        m_ref[...] = jnp.maximum(m_ref[...], mpart)


def _tc1(q2d, mem, memb, interpret=False):
    return pl.pallas_call(
        _tc1_body,
        grid=(N // TN,),
        in_specs=[
            pl.BlockSpec((TN, D), lambda i: (i, 0)),
            pl.BlockSpec((MS, D), lambda i: (0, 0)),
            pl.BlockSpec((MS, D), lambda i: (0, 0)),
        ],
        out_specs=[
            pl.BlockSpec((TN, D), lambda i: (i, 0)),
            pl.BlockSpec((TN,), lambda i: (i,)),
            pl.BlockSpec((TN,), lambda i: (i,)),
            pl.BlockSpec((MS,), lambda i: (0,)),
        ],
        out_shape=[
            jax.ShapeDtypeStruct((N, D), jnp.float32),
            jax.ShapeDtypeStruct((N,), jnp.int32),
            jax.ShapeDtypeStruct((N,), jnp.float32),
            jax.ShapeDtypeStruct((MS,), jnp.float32),
        ],
        interpret=interpret,
    )(q2d, mem, memb)


def _sc_body(q_hbm, a_hbm, sval_hbm, m_hbm, out_hbm,
             m_v, a_v, sval_v, w_v, qt_v, qt_v2, acc,
             semm, sema, semsv, semq0, semq1):
    cid = lax.axis_index("c")
    sid = lax.axis_index("s")
    pbase = cid * PSC
    f0 = sid * DS

    def _src(ch):
        bidx = cid * (PSC // HW) + ch // (HW // CHP)
        hw0 = (ch % (HW // CHP)) * CHP
        return q_hbm.at[bidx, pl.ds(f0, DS), pl.ds(hw0, CHP)]

    mcp = pltpu.async_copy(m_hbm, m_v, semm)
    acp = pltpu.async_copy(a_hbm.at[pl.ds(pbase, PSC)], a_v, sema)
    scp = pltpu.async_copy(sval_hbm.at[pl.ds(pbase, PSC)], sval_v, semsv)
    bufs = (qt_v, qt_v2)
    sems = (semq0, semq1)
    cps = [pltpu.async_copy(_src(0), bufs[0], sems[0]),
           pltpu.async_copy(_src(1), bufs[1], sems[1])]

    def zrow(i, carry):
        for k in range(16):
            acc[pl.ds(i * 16 * LANES + k * LANES, LANES)] = (
                jnp.zeros((LANES,), jnp.float32))
        return carry
    lax.fori_loop(0, ACC_N // (16 * LANES), zrow, 0)
    mcp.wait()
    acp.wait()
    scp.wait()

    def wbody(i, carry):
        off = i * LANES
        av = a_v[pl.ds(off, LANES)]
        mv = plsc.load_gather(m_v, [av])
        w_v[pl.ds(off, LANES)] = jnp.exp(sval_v[pl.ds(off, LANES)] - mv)
        return carry
    lax.fori_loop(0, PSC // LANES, wbody, 0)

    for ch in range(NCHK):
        cps[ch % 2].wait()
        buf = bufs[ch % 2]

        def gbody(g, carry):
            goff = ch * CHP + g * LANES
            a16 = a_v[pl.ds(goff, LANES)]
            w16 = w_v[pl.ds(goff, LANES)]
            for fo in range(DS):
                x = buf[fo, pl.ds(g * LANES, LANES)] * w16
                plsc.addupdate_scatter(acc.at[pl.ds(fo * MS, MS)], [a16], x)
            return carry
        lax.fori_loop(0, CHP // LANES, gbody, 0)
        if ch + 2 < NCHK:
            cps[ch % 2] = pltpu.async_copy(
                _src(ch + 2), bufs[ch % 2], sems[ch % 2])

    pltpu.sync_copy(acc, out_hbm.at[cid, sid])


@functools.cache
def _sc_scatter_fn():
    return pl.kernel(
        _sc_body,
        out_type=jax.ShapeDtypeStruct((NC, NS, ACC_N), jnp.float32),
        mesh=plsc.VectorSubcoreMesh(core_axis_name="c", subcore_axis_name="s"),
        scratch_types=[
            pltpu.VMEM((MS,), jnp.float32),
            pltpu.VMEM((PSC,), jnp.int32),
            pltpu.VMEM((PSC,), jnp.float32),
            pltpu.VMEM((PSC,), jnp.float32),
            pltpu.VMEM((DS, CHP), jnp.float32),
            pltpu.VMEM((DS, CHP), jnp.float32),
            pltpu.VMEM((ACC_N,), jnp.float32),
            pltpu.SemaphoreType.DMA,
            pltpu.SemaphoreType.DMA,
            pltpu.SemaphoreType.DMA,
            pltpu.SemaphoreType.DMA,
            pltpu.SemaphoreType.DMA,
        ],
        compiler_params=pltpu.CompilerParams(needs_layout_passes=False),
    )


def _sc_scatter(qr, a, sval, m_seg):
    return _sc_scatter_fn()(qr, a, sval, m_seg)


TMS = 512


def _tc2_body(mem_ref, agg_ref, m_ref, out_ref):
    aggt = jnp.concatenate(
        [agg_ref[0, s] + agg_ref[1, s] for s in range(NS)], axis=0)
    ut = jnp.transpose(mem_ref[...]) + aggt
    nrm = jnp.sqrt(jnp.sum(ut * ut, axis=0, keepdims=True))
    ut = ut / jnp.maximum(nrm, 1e-12)
    ut = jnp.where(m_ref[...] > -1.0e30, ut, 0.0)
    out_ref[...] = jnp.transpose(ut)


def _tc2(mem, agg, m2, interpret=False):
    return pl.pallas_call(
        _tc2_body,
        grid=(MS // TMS,),
        in_specs=[
            pl.BlockSpec((TMS, D), lambda i: (i, 0)),
            pl.BlockSpec((NC, NS, DS, TMS), lambda i: (0, 0, 0, i)),
            pl.BlockSpec((1, TMS), lambda i: (0, i)),
        ],
        out_specs=pl.BlockSpec((TMS, D), lambda i: (i, 0)),
        out_shape=jax.ShapeDtypeStruct((MS, D), jnp.float32),
        interpret=interpret,
    )(mem, agg, m2)


def kernel(query, mem):
    b, d, h, w = query.shape
    q2d = jnp.transpose(query, (0, 2, 3, 1)).reshape(b * h * w, d)
    qh2d, a, sval, m_seg = _tc1(q2d, mem, mem.astype(jnp.bfloat16))
    qr = query.reshape(b, d, h * w)
    agg = _sc_scatter(qr, a, sval, m_seg)
    mem_update = _tc2(mem, agg.reshape(NC, NS, DS, MS), m_seg.reshape(1, MS))
    query_hat = qh2d.reshape(b, h, w, d).transpose(0, 3, 1, 2)
    return (query_hat, mem_update)

# --- scband reference (transcript-rebuilt; emitter-appended) ---
"""Pipeline reference for scband-block-memory-trainable-false-1297080123749 (READ-ONLY COPY).

The authoritative reference and input builder live on the scoring server;
editing this copy changes nothing except your own understanding.
"""

import jax, jax.numpy as jnp
import numpy as np


def _l1_normalize(x, axis):
    denom = jnp.sum(jnp.abs(x), axis=axis, keepdims=True)
    denom = jnp.maximum(denom, 1e-12)
    return x / denom


def _l2_normalize(x, axis):
    denom = jnp.sqrt(jnp.sum(x * x, axis=axis, keepdims=True))
    denom = jnp.maximum(denom, 1e-12)
    return x / denom


def setup_inputs(seed: int = 0) -> dict:
    key = jax.random.key(seed)
    k1, k2 = jax.random.split(key)
    query = jax.random.normal(k1, (8, 512, 32, 32), dtype=jnp.float32)
    mem = jax.random.normal(k2, (2048, 512), dtype=jnp.float32)
    return {"query": query, "mem": mem}


def reference(query, mem):
    b, d, h, w = query.shape
    m = mem.shape[0]
    # similarity_score
    q = jnp.transpose(query, (0, 2, 3, 1)).reshape((b * h * w, d))
    score = jnp.matmul(q, mem.T)
    score_of_mem = jax.nn.softmax(score, axis=1)          # [N, m]
    score_of_query = jax.nn.softmax(score.T, axis=1)      # [m, N]
    # read
    weight_thres = 1.0 / m
    s = jnp.where(score_of_mem < weight_thres, jnp.zeros_like(score_of_mem), score_of_mem)
    s = _l1_normalize(s, 1)
    query_hat = jnp.matmul(s, mem)                        # [N, d]
    query_hat = query_hat.reshape((b, h, w, d)).transpose((0, 3, 1, 2))
    # update (vectorized form of the per-memory-slot loop)
    nearest_mem_idx = jnp.argmax(score_of_mem, axis=1)    # [N]
    onehot = jax.nn.one_hot(nearest_mem_idx, m, dtype=score_of_query.dtype).T  # [m, N]
    masked = score_of_query * onehot                      # weight only on assigned pixels
    has_any = jnp.sum(onehot, axis=1) > 0                 # [m]
    maxw = jnp.max(masked, axis=1, keepdims=True)         # softmax vals > 0, so max over assigned
    maxw_safe = jnp.where(maxw > 0, maxw, jnp.ones_like(maxw))
    weight = masked / maxw_safe
    agg = jnp.matmul(weight, q)                           # [m, d]
    upd = _l2_normalize(mem + agg, 1)
    mem_update = jnp.where(has_any[:, None], upd, jnp.zeros_like(upd))
    mem_update = jax.lax.stop_gradient(mem_update)        # .detach() in torch
    return (query_hat, mem_update)

if __name__ == "__main__":
    import jax
    _d = setup_inputs()
    print(jax.jit(kernel)(*tuple(_d.values())))

</pallas_src>

<mosaic_0001>
#map = affine_map<(d0, d1) -> (0, 0, 0)>
#map1 = affine_map<(d0, d1) -> (0)>
module attributes {stable_mosaic.version = 14 : i64} {
  func.func @_sc_body(%arg0: i32, %arg1: i32, %arg2: memref<8x512x1024xf32, #tpu.memory_space<hbm>>, %arg3: memref<8192xi32, #tpu.memory_space<hbm>>, %arg4: memref<8192xf32, #tpu.memory_space<hbm>>, %arg5: memref<2048xf32, #tpu.memory_space<hbm>>, %arg6: memref<2x16x65536xf32, #tpu.memory_space<hbm>>, %arg7: memref<2048xf32, #tpu.memory_space<vmem>>, %arg8: memref<4096xi32, #tpu.memory_space<vmem>>, %arg9: memref<4096xf32, #tpu.memory_space<vmem>>, %arg10: memref<4096xf32, #tpu.memory_space<vmem>>, %arg11: memref<32x512xf32, #tpu.memory_space<vmem>>, %arg12: memref<32x512xf32, #tpu.memory_space<vmem>>, %arg13: memref<65536xf32, #tpu.memory_space<vmem>>, %arg14: memref<!tpu.dma_semaphore, #tpu.memory_space<semaphore_mem>>, %arg15: memref<!tpu.dma_semaphore, #tpu.memory_space<semaphore_mem>>, %arg16: memref<!tpu.dma_semaphore, #tpu.memory_space<semaphore_mem>>, %arg17: memref<!tpu.dma_semaphore, #tpu.memory_space<semaphore_mem>>, %arg18: memref<!tpu.dma_semaphore, #tpu.memory_space<semaphore_mem>>) attributes {dimension_semantics = [#tpu.dimension_semantics<core_parallel>, #tpu.dimension_semantics<subcore_parallel>], iteration_bounds = array<i64: 2, 16>, scalar_prefetch = 0 : i64, scratch_operands = 12 : i64, tpu.core_type = #tpu.core_type<sc_vector_subcore>, window_params = [{transform_indices = #map}, {transform_indices = #map1}, {transform_indices = #map1}, {transform_indices = #map1}, {transform_indices = #map}]} {
    %mul3A = arith.constant 4096 : i32
    %mul3A_0 = arith.muli %arg0, %mul3A : i32
    %mul3A_1 = arith.constant 32 : i32
    %mul3A_2 = arith.muli %arg1, %mul3A_1 : i32
    tpu.enqueue_dma source(%arg5 : memref<2048xf32, #tpu.memory_space<hbm>>) target(%arg7 : memref<2048xf32, #tpu.memory_space<vmem>>) target_semaphore(%arg14 : memref<!tpu.dma_semaphore, #tpu.memory_space<semaphore_mem>>)
    %dma_start3A = tpu.memref_slice %arg3[%mul3A_0] : memref<8192xi32, #tpu.memory_space<hbm>> -> memref<4096xi32, #tpu.memory_space<hbm>>
    %dma_start3A_3 = tpu.memref_slice %arg3[%mul3A_0] : memref<8192xi32, #tpu.memory_space<hbm>> -> memref<4096xi32, #tpu.memory_space<hbm>>
    tpu.enqueue_dma source(%dma_start3A_3 : memref<4096xi32, #tpu.memory_space<hbm>>) target(%arg8 : memref<4096xi32, #tpu.memory_space<vmem>>) target_semaphore(%arg15 : memref<!tpu.dma_semaphore, #tpu.memory_space<semaphore_mem>>)
    %dma_start3A_4 = tpu.memref_slice %arg4[%mul3A_0] : memref<8192xf32, #tpu.memory_space<hbm>> -> memref<4096xf32, #tpu.memory_space<hbm>>
    %dma_start3A_5 = tpu.memref_slice %arg4[%mul3A_0] : memref<8192xf32, #tpu.memory_space<hbm>> -> memref<4096xf32, #tpu.memory_space<hbm>>
    tpu.enqueue_dma source(%dma_start3A_5 : memref<4096xf32, #tpu.memory_space<hbm>>) target(%arg9 : memref<4096xf32, #tpu.memory_space<vmem>>) target_semaphore(%arg16 : memref<!tpu.dma_semaphore, #tpu.memory_space<semaphore_mem>>)
    %mul3A_6 = arith.constant 4 : i32
    %mul3A_7 = arith.muli %arg0, %mul3A_6 : i32
    %add3A = arith.constant 0 : i32
    %add3A_8 = arith.addi %mul3A_7, %add3A : i32
    %dma_start3A_9 = arith.constant 0 : i32
    %dma_start3A_10 = tpu.memref_slice %arg2[%add3A_8, %mul3A_2, %dma_start3A_9] : memref<8x512x1024xf32, #tpu.memory_space<hbm>> -> memref<1x32x512xf32, #tpu.memory_space<hbm>>
    %dma_start3A_11 = tpu.memref_squeeze %dma_start3A_10 : memref<1x32x512xf32, #tpu.memory_space<hbm>> -> memref<32x512xf32, #tpu.memory_space<hbm>>
    %dma_start3A_12 = arith.constant 0 : i32
    %dma_start3A_13 = tpu.memref_slice %arg2[%add3A_8, %mul3A_2, %dma_start3A_12] : memref<8x512x1024xf32, #tpu.memory_space<hbm>> -> memref<1x32x512xf32, #tpu.memory_space<hbm>>
    %dma_start3A_14 = tpu.memref_squeeze %dma_start3A_13 : memref<1x32x512xf32, #tpu.memory_space<hbm>> -> memref<32x512xf32, #tpu.memory_space<hbm>>
    tpu.enqueue_dma source(%dma_start3A_14 : memref<32x512xf32, #tpu.memory_space<hbm>>) target(%arg11 : memref<32x512xf32, #tpu.memory_space<vmem>>) target_semaphore(%arg17 : memref<!tpu.dma_semaphore, #tpu.memory_space<semaphore_mem>>)
    %mul3A_15 = arith.constant 4 : i32
    %mul3A_16 = arith.muli %arg0, %mul3A_15 : i32
    %add3A_17 = arith.constant 0 : i32
    %add3A_18 = arith.addi %mul3A_16, %add3A_17 : i32
    %dma_start3A_19 = arith.constant 512 : i32
    %dma_start3A_20 = tpu.memref_slice %arg2[%add3A_18, %mul3A_2, %dma_start3A_19] : memref<8x512x1024xf32, #tpu.memory_space<hbm>> -> memref<1x32x512xf32, #tpu.memory_space<hbm>>
    %dma_start3A_21 = tpu.memref_squeeze %dma_start3A_20 : memref<1x32x512xf32, #tpu.memory_space<hbm>> -> memref<32x512xf32, #tpu.memory_space<hbm>>
    %dma_start3A_22 = arith.constant 512 : i32
    %dma_start3A_23 = tpu.memref_slice %arg2[%add3A_18, %mul3A_2, %dma_start3A_22] : memref<8x512x1024xf32, #tpu.memory_space<hbm>> -> memref<1x32x512xf32, #tpu.memory_space<hbm>>
    %dma_start3A_24 = tpu.memref_squeeze %dma_start3A_23 : memref<1x32x512xf32, #tpu.memory_space<hbm>> -> memref<32x512xf32, #tpu.memory_space<hbm>>
    tpu.enqueue_dma source(%dma_start3A_24 : memref<32x512xf32, #tpu.memory_space<hbm>>) target(%arg12 : memref<32x512xf32, #tpu.memory_space<vmem>>) target_semaphore(%arg18 : memref<!tpu.dma_semaphore, #tpu.memory_space<semaphore_mem>>)
    %scan3A = arith.constant 0 : i32
    %scan3A_25 = arith.constant 0 : i32
    %scan3A_26 = arith.constant 256 : i32
    %scan3A_27 = arith.addi %scan3A_25, %scan3A_26 : i32
    %scan3A_28 = arith.constant 1 : i32
    scf.for %scan3A_195 = %scan3A_25 to %scan3A_27 step %scan3A_28  : i32 {
      %broadcast_in_dim3A = arith.constant 0.000000e+00 : f32
      %broadcast_in_dim3A_196 = vector.broadcast %broadcast_in_dim3A : f32 to vector<16xf32>
      %mul3A_197 = arith.constant 16 : i32
      %mul3A_198 = arith.muli %scan3A_195, %mul3A_197 : i32
      %mul3A_199 = arith.constant 16 : i32
      %mul3A_200 = arith.muli %mul3A_198, %mul3A_199 : i32
      %add3A_201 = arith.constant 0 : i32
      %add3A_202 = arith.addi %mul3A_200, %add3A_201 : i32
      %swap3A = arith.index_cast %add3A_202 : i32 to index
      %swap3A_203 = tpu.vector_load %arg13[%swap3A] {strides = array<i32>} : memref<65536xf32, #tpu.memory_space<vmem>>, vector<16xf32>,
      tpu.vector_store %arg13[%swap3A], %broadcast_in_dim3A_196 {strides = array<i32>} : memref<65536xf32, #tpu.memory_space<vmem>>, vector<16xf32>,
      %broadcast_in_dim3A_204 = arith.constant 0.000000e+00 : f32
      %broadcast_in_dim3A_205 = vector.broadcast %broadcast_in_dim3A_204 : f32 to vector<16xf32>
      %mul3A_206 = arith.constant 16 : i32
      %mul3A_207 = arith.muli %scan3A_195, %mul3A_206 : i32
      %mul3A_208 = arith.constant 16 : i32
      %mul3A_209 = arith.muli %mul3A_207, %mul3A_208 : i32
      %add3A_210 = arith.constant 16 : i32
      %add3A_211 = arith.addi %mul3A_209, %add3A_210 : i32
      %swap3A_212 = arith.index_cast %add3A_211 : i32 to index
      %swap3A_213 = tpu.vector_load %arg13[%swap3A_212] {strides = array<i32>} : memref<65536xf32, #tpu.memory_space<vmem>>, vector<16xf32>,
      tpu.vector_store %arg13[%swap3A_212], %broadcast_in_dim3A_205 {strides = array<i32>} : memref<65536xf32, #tpu.memory_space<vmem>>, vector<16xf32>,
      %broadcast_in_dim3A_214 = arith.constant 0.000000e+00 : f32
      %broadcast_in_dim3A_215 = vector.broadcast %broadcast_in_dim3A_214 : f32 to vector<16xf32>
      %mul3A_216 = arith.constant 16 : i32
      %mul3A_217 = arith.muli %scan3A_195, %mul3A_216 : i32
      %mul3A_218 = arith.constant 16 : i32
      %mul3A_219 = arith.muli %mul3A_217, %mul3A_218 : i32
      %add3A_220 = arith.constant 32 : i32
      %add3A_221 = arith.addi %mul3A_219, %add3A_220 : i32
      %swap3A_222 = arith.index_cast %add3A_221 : i32 to index
      %swap3A_223 = tpu.vector_load %arg13[%swap3A_222] {strides = array<i32>} : memref<65536xf32, #tpu.memory_space<vmem>>, vector<16xf32>,
      tpu.vector_store %arg13[%swap3A_222], %broadcast_in_dim3A_215 {strides = array<i32>} : memref<65536xf32, #tpu.memory_space<vmem>>, vector<16xf32>,
      %broadcast_in_dim3A_224 = arith.constant 0.000000e+00 : f32
      %broadcast_in_dim3A_225 = vector.broadcast %broadcast_in_dim3A_224 : f32 to vector<16xf32>
      %mul3A_226 = arith.constant 16 : i32
      %mul3A_227 = arith.muli %scan3A_195, %mul3A_226 : i32
      %mul3A_228 = arith.constant 16 : i32
      %mul3A_229 = arith.muli %mul3A_227, %mul3A_228 : i32
      %add3A_230 = arith.constant 48 : i32
      %add3A_231 = arith.addi %mul3A_229, %add3A_230 : i32
      %swap3A_232 = arith.index_cast %add3A_231 : i32 to index
      %swap3A_233 = tpu.vector_load %arg13[%swap3A_232] {strides = array<i32>} : memref<65536xf32, #tpu.memory_space<vmem>>, vector<16xf32>,
      tpu.vector_store %arg13[%swap3A_232], %broadcast_in_dim3A_225 {strides = array<i32>} : memref<65536xf32, #tpu.memory_space<vmem>>, vector<16xf32>,
      %broadcast_in_dim3A_234 = arith.constant 0.000000e+00 : f32
      %broadcast_in_dim3A_235 = vector.broadcast %broadcast_in_dim3A_234 : f32 to vector<16xf32>
      %mul3A_236 = arith.constant 16 : i32
      %mul3A_237 = arith.muli %scan3A_195, %mul3A_236 : i32
      %mul3A_238 = arith.constant 16 : i32
      %mul3A_239 = arith.muli %mul3A_237, %mul3A_238 : i32
      %add3A_240 = arith.constant 64 : i32
      %add3A_241 = arith.addi %mul3A_239, %add3A_240 : i32
      %swap3A_242 = arith.index_cast %add3A_241 : i32 to index
      %swap3A_243 = tpu.vector_load %arg13[%swap3A_242] {strides = array<i32>} : memref<65536xf32, #tpu.memory_space<vmem>>, vector<16xf32>,
      tpu.vector_store %arg13[%swap3A_242], %broadcast_in_dim3A_235 {strides = array<i32>} : memref<65536xf32, #tpu.memory_space<vmem>>, vector<16xf32>,
      %broadcast_in_dim3A_244 = arith.constant 0.000000e+00 : f32
      %broadcast_in_dim3A_245 = vector.broadcast %broadcast_in_dim3A_244 : f32 to vector<16xf32>
      %mul3A_246 = arith.constant 16 : i32
      %mul3A_247 = arith.muli %scan3A_195, %mul3A_246 : i32
      %mul3A_248 = arith.constant 16 : i32
      %mul3A_249 = arith.muli %mul3A_247, %mul3A_248 : i32
      %add3A_250 = arith.constant 80 : i32
      %add3A_251 = arith.addi %mul3A_249, %add3A_250 : i32
      %swap3A_252 = arith.index_cast %add3A_251 : i32 to index
      %swap3A_253 = tpu.vector_load %arg13[%swap3A_252] {strides = array<i32>} : memref<65536xf32, #tpu.memory_space<vmem>>, vector<16xf32>,
      tpu.vector_store %arg13[%swap3A_252], %broadcast_in_dim3A_245 {strides = array<i32>} : memref<65536xf32, #tpu.memory_space<vmem>>, vector<16xf32>,
      %broadcast_in_dim3A_254 = arith.constant 0.000000e+00 : f32
      %broadcast_in_dim3A_255 = vector.broadcast %broadcast_in_dim3A_254 : f32 to vector<16xf32>
      %mul3A_256 = arith.constant 16 : i32
      %mul3A_257 = arith.muli %scan3A_195, %mul3A_256 : i32
      %mul3A_258 = arith.constant 16 : i32
      %mul3A_259 = arith.muli %mul3A_257, %mul3A_258 : i32
      %add3A_260 = arith.constant 96 : i32
      %add3A_261 = arith.addi %mul3A_259, %add3A_260 : i32
      %swap3A_262 = arith.index_cast %add3A_261 : i32 to index
      %swap3A_263 = tpu.vector_load %arg13[%swap3A_262] {strides = array<i32>} : memref<65536xf32, #tpu.memory_space<vmem>>, vector<16xf32>,
      tpu.vector_store %arg13[%swap3A_262], %broadcast_in_dim3A_255 {strides = array<i32>} : memref<65536xf32, #tpu.memory_space<vmem>>, vector<16xf32>,
      %broadcast_in_dim3A_264 = arith.constant 0.000000e+00 : f32
      %broadcast_in_dim3A_265 = vector.broadcast %broadcast_in_dim3A_264 : f32 to vector<16xf32>
      %mul3A_266 = arith.constant 16 : i32
      %mul3A_267 = arith.muli %scan3A_195, %mul3A_266 : i32
      %mul3A_268 = arith.constant 16 : i32
      %mul3A_269 = arith.muli %mul3A_267, %mul3A_268 : i32
      %add3A_270 = arith.constant 112 : i32
      %add3A_271 = arith.addi %mul3A_269, %add3A_270 : i32
      %swap3A_272 = arith.index_cast %add3A_271 : i32 to index
      %swap3A_273 = tpu.vector_load %arg13[%swap3A_272] {strides = array<i32>} : memref<65536xf32, #tpu.memory_space<vmem>>, vector<16xf32>,
      tpu.vector_store %arg13[%swap3A_272], %broadcast_in_dim3A_265 {strides = array<i32>} : memref<65536xf32, #tpu.memory_space<vmem>>, vector<16xf32>,
      %broadcast_in_dim3A_274 = arith.constant 0.000000e+00 : f32
      %broadcast_in_dim3A_275 = vector.broadcast %broadcast_in_dim3A_274 : f32 to vector<16xf32>
      %mul3A_276 = arith.constant 16 : i32
      %mul3A_277 = arith.muli %scan3A_195, %mul3A_276 : i32
      %mul3A_278 = arith.constant 16 : i32
      %mul3A_279 = arith.muli %mul3A_277, %mul3A_278 : i32
      %add3A_280 = arith.constant 128 : i32
      %add3A_281 = arith.addi %mul3A_279, %add3A_280 : i32
      %swap3A_282 = arith.index_cast %add3A_281 : i32 to index
      %swap3A_283 = tpu.vector_load %arg13[%swap3A_282] {strides = array<i32>} : memref<65536xf32, #tpu.memory_space<vmem>>, vector<16xf32>,
      tpu.vector_store %arg13[%swap3A_282], %broadcast_in_dim3A_275 {strides = array<i32>} : memref<65536xf32, #tpu.memory_space<vmem>>, vector<16xf32>,
      %broadcast_in_dim3A_284 = arith.constant 0.000000e+00 : f32
      %broadcast_in_dim3A_285 = vector.broadcast %broadcast_in_dim3A_284 : f32 to vector<16xf32>
      %mul3A_286 = arith.constant 16 : i32
      %mul3A_287 = arith.muli %scan3A_195, %mul3A_286 : i32
      %mul3A_288 = arith.constant 16 : i32
      %mul3A_289 = arith.muli %mul3A_287, %mul3A_288 : i32
      %add3A_290 = arith.constant 144 : i32
      %add3A_291 = arith.addi %mul3A_289, %add3A_290 : i32
      %swap3A_292 = arith.index_cast %add3A_291 : i32 to index
      %swap3A_293 = tpu.vector_load %arg13[%swap3A_292] {strides = array<i32>} : memref<65536xf32, #tpu.memory_space<vmem>>, vector<16xf32>,
      tpu.vector_store %arg13[%swap3A_292], %broadcast_in_dim3A_285 {strides = array<i32>} : memref<65536xf32, #tpu.memory_space<vmem>>, vector<16xf32>,
      %broadcast_in_dim3A_294 = arith.constant 0.000000e+00 : f32
      %broadcast_in_dim3A_295 = vector.broadcast %broadcast_in_dim3A_294 : f32 to vector<16xf32>
      %mul3A_296 = arith.constant 16 : i32
      %mul3A_297 = arith.muli %scan3A_195, %mul3A_296 : i32
      %mul3A_298 = arith.constant 16 : i32
      %mul3A_299 = arith.muli %mul3A_297, %mul3A_298 : i32
      %add3A_300 = arith.constant 160 : i32
      %add3A_301 = arith.addi %mul3A_299, %add3A_300 : i32
      %swap3A_302 = arith.index_cast %add3A_301 : i32 to index
      %swap3A_303 = tpu.vector_load %arg13[%swap3A_302] {strides = array<i32>} : memref<65536xf32, #tpu.memory_space<vmem>>, vector<16xf32>,
      tpu.vector_store %arg13[%swap3A_302], %broadcast_in_dim3A_295 {strides = array<i32>} : memref<65536xf32, #tpu.memory_space<vmem>>, vector<16xf32>,
      %broadcast_in_dim3A_304 = arith.constant 0.000000e+00 : f32
      %broadcast_in_dim3A_305 = vector.broadcast %broadcast_in_dim3A_304 : f32 to vector<16xf32>
      %mul3A_306 = arith.constant 16 : i32
      %mul3A_307 = arith.muli %scan3A_195, %mul3A_306 : i32
      %mul3A_308 = arith.constant 16 : i32
      %mul3A_309 = arith.muli %mul3A_307, %mul3A_308 : i32
      %add3A_310 = arith.constant 176 : i32
      %add3A_311 = arith.addi %mul3A_309, %add3A_310 : i32
      %swap3A_312 = arith.index_cast %add3A_311 : i32 to index
      %swap3A_313 = tpu.vector_load %arg13[%swap3A_312] {strides = array<i32>} : memref<65536xf32, #tpu.memory_space<vmem>>, vector<16xf32>,
      tpu.vector_store %arg13[%swap3A_312], %broadcast_in_dim3A_305 {strides = array<i32>} : memref<65536xf32, #tpu.memory_space<vmem>>, vector<16xf32>,
      %broadcast_in_dim3A_314 = arith.constant 0.000000e+00 : f32
      %broadcast_in_dim3A_315 = vector.broadcast %broadcast_in_dim3A_314 : f32 to vector<16xf32>
      %mul3A_316 = arith.constant 16 : i32
      %mul3A_317 = arith.muli %scan3A_195, %mul3A_316 : i32
      %mul3A_318 = arith.constant 16 : i32
      %mul3A_319 = arith.muli %mul3A_317, %mul3A_318 : i32
      %add3A_320 = arith.constant 192 : i32
      %add3A_321 = arith.addi %mul3A_319, %add3A_320 : i32
      %swap3A_322 = arith.index_cast %add3A_321 : i32 to index
      %swap3A_323 = tpu.vector_load %arg13[%swap3A_322] {strides = array<i32>} : memref<65536xf32, #tpu.memory_space<vmem>>, vector<16xf32>,
      tpu.vector_store %arg13[%swap3A_322], %broadcast_in_dim3A_315 {strides = array<i32>} : memref<65536xf32, #tpu.memory_space<vmem>>, vector<16xf32>,
      %broadcast_in_dim3A_324 = arith.constant 0.000000e+00 : f32
      %broadcast_in_dim3A_325 = vector.broadcast %broadcast_in_dim3A_324 : f32 to vector<16xf32>
      %mul3A_326 = arith.constant 16 : i32
      %mul3A_327 = arith.muli %scan3A_195, %mul3A_326 : i32
      %mul3A_328 = arith.constant 16 : i32
      %mul3A_329 = arith.muli %mul3A_327, %mul3A_328 : i32
      %add3A_330 = arith.constant 208 : i32
      %add3A_331 = arith.addi %mul3A_329, %add3A_330 : i32
      %swap3A_332 = arith.index_cast %add3A_331 : i32 to index
      %swap3A_333 = tpu.vector_load %arg13[%swap3A_332] {strides = array<i32>} : memref<65536xf32, #tpu.memory_space<vmem>>, vector<16xf32>,
      tpu.vector_store %arg13[%swap3A_332], %broadcast_in_dim3A_325 {strides = array<i32>} : memref<65536xf32, #tpu.memory_space<vmem>>, vector<16xf32>,
      %broadcast_in_dim3A_334 = arith.constant 0.000000e+00 : f32
      %broadcast_in_dim3A_335 = vector.broadcast %broadcast_in_dim3A_334 : f32 to vector<16xf32>
      %mul3A_336 = arith.constant 16 : i32
      %mul3A_337 = arith.muli %scan3A_195, %mul3A_336 : i32
      %mul3A_338 = arith.constant 16 : i32
      %mul3A_339 = arith.muli %mul3A_337, %mul3A_338 : i32
      %add3A_340 = arith.constant 224 : i32
      %add3A_341 = arith.addi %mul3A_339, %add3A_340 : i32
      %swap3A_342 = arith.index_cast %add3A_341 : i32 to index
      %swap3A_343 = tpu.vector_load %arg13[%swap3A_342] {strides = array<i32>} : memref<65536xf32, #tpu.memory_space<vmem>>, vector<16xf32>,
      tpu.vector_store %arg13[%swap3A_342], %broadcast_in_dim3A_335 {strides = array<i32>} : memref<65536xf32, #tpu.memory_space<vmem>>, vector<16xf32>,
      %broadcast_in_dim3A_344 = arith.constant 0.000000e+00 : f32
      %broadcast_in_dim3A_345 = vector.broadcast %broadcast_in_dim3A_344 : f32 to vector<16xf32>
      %mul3A_346 = arith.constant 16 : i32
      %mul3A_347 = arith.muli %scan3A_195, %mul3A_346 : i32
      %mul3A_348 = arith.constant 16 : i32
      %mul3A_349 = arith.muli %mul3A_347, %mul3A_348 : i32
      %add3A_350 = arith.constant 240 : i32
      %add3A_351 = arith.addi %mul3A_349, %add3A_350 : i32
      %swap3A_352 = arith.index_cast %add3A_351 : i32 to index
      %swap3A_353 = tpu.vector_load %arg13[%swap3A_352] {strides = array<i32>} : memref<65536xf32, #tpu.memory_space<vmem>>, vector<16xf32>,
      tpu.vector_store %arg13[%swap3A_352], %broadcast_in_dim3A_345 {strides = array<i32>} : memref<65536xf32, #tpu.memory_space<vmem>>, vector<16xf32>,
    }
    %scan3A_29 = arith.constant 256 : i32
    tpu.wait_dma2 semaphore(%arg14 : memref<!tpu.dma_semaphore, #tpu.memory_space<semaphore_mem>>) src(%arg5 : memref<2048xf32, #tpu.memory_space<hbm>>) dst(%arg7 : memref<2048xf32, #tpu.memory_space<vmem>>)
    %dma_wait3A = tpu.memref_slice %arg3[%mul3A_0] : memref<8192xi32, #tpu.memory_space<hbm>> -> memref<4096xi32, #tpu.memory_space<hbm>>
    %dma_wait3A_30 = tpu.memref_slice %arg3[%mul3A_0] : memref<8192xi32, #tpu.memory_space<hbm>> -> memref<4096xi32, #tpu.memory_space<hbm>>
    tpu.wait_dma2 semaphore(%arg15 : memref<!tpu.dma_semaphore, #tpu.memory_space<semaphore_mem>>) src(%dma_wait3A_30 : memref<4096xi32, #tpu.memory_space<hbm>>) dst(%arg8 : memref<4096xi32, #tpu.memory_space<vmem>>)
    %dma_wait3A_31 = tpu.memref_slice %arg4[%mul3A_0] : memref<8192xf32, #tpu.memory_space<hbm>> -> memref<4096xf32, #tpu.memory_space<hbm>>
    %dma_wait3A_32 = tpu.memref_slice %arg4[%mul3A_0] : memref<8192xf32, #tpu.memory_space<hbm>> -> memref<4096xf32, #tpu.memory_space<hbm>>
    tpu.wait_dma2 semaphore(%arg16 : memref<!tpu.dma_semaphore, #tpu.memory_space<semaphore_mem>>) src(%dma_wait3A_32 : memref<4096xf32, #tpu.memory_space<hbm>>) dst(%arg9 : memref<4096xf32, #tpu.memory_space<vmem>>)
    %scan3A_33 = arith.constant 0 : i32
    %scan3A_34 = arith.constant 0 : i32
    %scan3A_35 = arith.constant 256 : i32
    %scan3A_36 = arith.addi %scan3A_34, %scan3A_35 : i32
    %scan3A_37 = arith.constant 1 : i32
    scf.for %scan3A_195 = %scan3A_34 to %scan3A_36 step %scan3A_37  : i32 {
      %mul3A_196 = arith.constant 16 : i32
      %mul3A_197 = arith.muli %scan3A_195, %mul3A_196 : i32
      %get3A = arith.index_cast %mul3A_197 : i32 to index
      %get3A_198 = tpu.vector_load %arg8[%get3A] {strides = array<i32>} : memref<4096xi32, #tpu.memory_space<vmem>>, vector<16xi32>,
      %gather3A = tpu.vector_load_idx %arg7[%get3A_198] : memref<2048xf32, #tpu.memory_space<vmem>>[vector<16xi32>], vector<16xf32>,
      %get3A_199 = arith.index_cast %mul3A_197 : i32 to index
      %get3A_200 = tpu.vector_load %arg9[%get3A_199] {strides = array<i32>} : memref<4096xf32, #tpu.memory_space<vmem>>, vector<16xf32>,
      %sub3A = arith.subf %get3A_200, %gather3A : vector<16xf32>
      %exp3A = math.exp %sub3A : vector<16xf32>
      %swap3A = arith.index_cast %mul3A_197 : i32 to index
      %swap3A_201 = tpu.vector_load %arg10[%swap3A] {strides = array<i32>} : memref<4096xf32, #tpu.memory_space<vmem>>, vector<16xf32>,
      tpu.vector_store %arg10[%swap3A], %exp3A {strides = array<i32>} : memref<4096xf32, #tpu.memory_space<vmem>>, vector<16xf32>,
    }
    %scan3A_38 = arith.constant 256 : i32
    %dma_wait3A_39 = arith.constant 0 : i32
    %dma_wait3A_40 = tpu.memref_slice %arg2[%add3A_8, %mul3A_2, %dma_wait3A_39] : memref<8x512x1024xf32, #tpu.memory_space<hbm>> -> memref<1x32x512xf32, #tpu.memory_space<hbm>>
    %dma_wait3A_41 = tpu.memref_squeeze %dma_wait3A_40 : memref<1x32x512xf32, #tpu.memory_space<hbm>> -> memref<32x512xf32, #tpu.memory_space<hbm>>
    %dma_wait3A_42 = arith.constant 0 : i32
    %dma_wait3A_43 = tpu.memref_slice %arg2[%add3A_8, %mul3A_2, %dma_wait3A_42] : memref<8x512x1024xf32, #tpu.memory_space<hbm>> -> memref<1x32x512xf32, #tpu.memory_space<hbm>>
    %dma_wait3A_44 = tpu.memref_squeeze %dma_wait3A_43 : memref<1x32x512xf32, #tpu.memory_space<hbm>> -> memref<32x512xf32, #tpu.memory_space<hbm>>
    tpu.wait_dma2 semaphore(%arg17 : memref<!tpu.dma_semaphore, #tpu.memory_space<semaphore_mem>>) src(%dma_wait3A_44 : memref<32x512xf32, #tpu.memory_space<hbm>>) dst(%arg11 : memref<32x512xf32, #tpu.memory_space<vmem>>)
    %scan3A_45 = arith.constant 0 : i32
    %scan3A_46 = arith.constant 0 : i32
    %scan3A_47 = arith.constant 32 : i32
    %scan3A_48 = arith.addi %scan3A_46, %scan3A_47 : i32
    %scan3A_49 = arith.constant 1 : i32
    scf.for %scan3A_195 = %scan3A_46 to %scan3A_48 step %scan3A_49  : i32 {
      %mul3A_196 = arith.constant 16 : i32
      %mul3A_197 = arith.muli %scan3A_195, %mul3A_196 : i32
      %add3A_198 = arith.constant 0 : i32
      %add3A_199 = arith.addi %add3A_198, %mul3A_197 : i32
      %get3A = arith.index_cast %add3A_199 : i32 to index
      %get3A_200 = tpu.vector_load %arg8[%get3A] {strides = array<i32>} : memref<4096xi32, #tpu.memory_space<vmem>>, vector<16xi32>,
      %get3A_201 = arith.index_cast %add3A_199 : i32 to index
      %get3A_202 = tpu.vector_load %arg10[%get3A_201] {strides = array<i32>} : memref<4096xf32, #tpu.memory_space<vmem>>, vector<16xf32>,
      %mul3A_203 = arith.constant 16 : i32
      %mul3A_204 = arith.muli %scan3A_195, %mul3A_203 : i32
      %get3A_205 = arith.constant 0 : i32
      %get3A_206 = arith.index_cast %get3A_205 : i32 to index
      %get3A_207 = arith.index_cast %mul3A_204 : i32 to index
      %get3A_208 = tpu.vector_load %arg11[%get3A_206, %get3A_207] {strides = array<i32>} : memref<32x512xf32, #tpu.memory_space<vmem>>, vector<16xf32>,
      %mul3A_209 = arith.mulf %get3A_208, %get3A_202 : vector<16xf32>
      %scatter3A = arith.constant 0 : i32
      %scatter3A_210 = tpu.memref_slice %arg13[%scatter3A] : memref<65536xf32, #tpu.memory_space<vmem>> -> memref<2048xf32, #tpu.memory_space<vmem>>
      tpu.vector_store_idx %scatter3A_210[%get3A_200], %mul3A_209 {add = true} : memref<2048xf32, #tpu.memory_space<vmem>>[vector<16xi32>], vector<16xf32>,
      %mul3A_211 = arith.constant 16 : i32
      %mul3A_212 = arith.muli %scan3A_195, %mul3A_211 : i32
      %get3A_213 = arith.constant 1 : i32
      %get3A_214 = arith.index_cast %get3A_213 : i32 to index
      %get3A_215 = arith.index_cast %mul3A_212 : i32 to index
      %get3A_216 = tpu.vector_load %arg11[%get3A_214, %get3A_215] {strides = array<i32>} : memref<32x512xf32, #tpu.memory_space<vmem>>, vector<16xf32>,
      %mul3A_217 = arith.mulf %get3A_216, %get3A_202 : vector<16xf32>
      %scatter3A_218 = arith.constant 2048 : i32
      %scatter3A_219 = tpu.memref_slice %arg13[%scatter3A_218] : memref<65536xf32, #tpu.memory_space<vmem>> -> memref<2048xf32, #tpu.memory_space<vmem>>
      tpu.vector_store_idx %scatter3A_219[%get3A_200], %mul3A_217 {add = true} : memref<2048xf32, #tpu.memory_space<vmem>>[vector<16xi32>], vector<16xf32>,
      %mul3A_220 = arith.constant 16 : i32
      %mul3A_221 = arith.muli %scan3A_195, %mul3A_220 : i32
      %get3A_222 = arith.constant 2 : i32
      %get3A_223 = arith.index_cast %get3A_222 : i32 to index
      %get3A_224 = arith.index_cast %mul3A_221 : i32 to index
      %get3A_225 = tpu.vector_load %arg11[%get3A_223, %get3A_224] {strides = array<i32>} : memref<32x512xf32, #tpu.memory_space<vmem>>, vector<16xf32>,
      %mul3A_226 = arith.mulf %get3A_225, %get3A_202 : vector<16xf32>
      %scatter3A_227 = arith.constant 4096 : i32
      %scatter3A_228 = tpu.memref_slice %arg13[%scatter3A_227] : memref<65536xf32, #tpu.memory_space<vmem>> -> memref<2048xf32, #tpu.memory_space<vmem>>
      tpu.vector_store_idx %scatter3A_228[%get3A_200], %mul3A_226 {add = true} : memref<2048xf32, #tpu.memory_space<vmem>>[vector<16xi32>], vector<16xf32>,
      %mul3A_229 = arith.constant 16 : i32
      %mul3A_230 = arith.muli %scan3A_195, %mul3A_229 : i32
      %get3A_231 = arith.constant 3 : i32
      %get3A_232 = arith.index_cast %get3A_231 : i32 to index
      %get3A_233 = arith.index_cast %mul3A_230 : i32 to index
      %get3A_234 = tpu.vector_load %arg11[%get3A_232, %get3A_233] {strides = array<i32>} : memref<32x512xf32, #tpu.memory_space<vmem>>, vector<16xf32>,
      %mul3A_235 = arith.mulf %get3A_234, %get3A_202 : vector<16xf32>
      %scatter3A_236 = arith.constant 6144 : i32
      %scatter3A_237 = tpu.memref_slice %arg13[%scatter3A_236] : memref<65536xf32, #tpu.memory_space<vmem>> -> memref<2048xf32, #tpu.memory_space<vmem>>
      tpu.vector_store_idx %scatter3A_237[%get3A_200], %mul3A_235 {add = true} : memref<2048xf32, #tpu.memory_space<vmem>>[vector<16xi32>], vector<16xf32>,
      %mul3A_238 = arith.constant 16 : i32
      %mul3A_239 = arith.muli %scan3A_195, %mul3A_238 : i32
      %get3A_240 = arith.constant 4 : i32
      %get3A_241 = arith.index_cast %get3A_240 : i32 to index
      %get3A_242 = arith.index_cast %mul3A_239 : i32 to index
      %get3A_243 = tpu.vector_load %arg11[%get3A_241, %get3A_242] {strides = array<i32>} : memref<32x512xf32, #tpu.memory_space<vmem>>, vector<16xf32>,
      %mul3A_244 = arith.mulf %get3A_243, %get3A_202 : vector<16xf32>
      %scatter3A_245 = arith.constant 8192 : i32
      %scatter3A_246 = tpu.memref_slice %arg13[%scatter3A_245] : memref<65536xf32, #tpu.memory_space<vmem>> -> memref<2048xf32, #tpu.memory_space<vmem>>
      tpu.vector_store_idx %scatter3A_246[%get3A_200], %mul3A_244 {add = true} : memref<2048xf32, #tpu.memory_space<vmem>>[vector<16xi32>], vector<16xf32>,
      %mul3A_247 = arith.constant 16 : i32
      %mul3A_248 = arith.muli %scan3A_195, %mul3A_247 : i32
      %get3A_249 = arith.constant 5 : i32
      %get3A_250 = arith.index_cast %get3A_249 : i32 to index
      %get3A_251 = arith.index_cast %mul3A_248 : i32 to index
      %get3A_252 = tpu.vector_load %arg11[%get3A_250, %get3A_251] {strides = array<i32>} : memref<32x512xf32, #tpu.memory_space<vmem>>, vector<16xf32>,
      %mul3A_253 = arith.mulf %get3A_252, %get3A_202 : vector<16xf32>
      %scatter3A_254 = arith.constant 10240 : i32
      %scatter3A_255 = tpu.memref_slice %arg13[%scatter3A_254] : memref<65536xf32, #tpu.memory_space<vmem>> -> memref<2048xf32, #tpu.memory_space<vmem>>
      tpu.vector_store_idx %scatter3A_255[%get3A_200], %mul3A_253 {add = true} : memref<2048xf32, #tpu.memory_space<vmem>>[vector<16xi32>], vector<16xf32>,
      %mul3A_256 = arith.constant 16 : i32
      %mul3A_257 = arith.muli %scan3A_195, %mul3A_256 : i32
      %get3A_258 = arith.constant 6 : i32
      %get3A_259 = arith.index_cast %get3A_258 : i32 to index
      %get3A_260 = arith.index_cast %mul3A_257 : i32 to index
      %get3A_261 = tpu.vector_load %arg11[%get3A_259, %get3A_260] {strides = array<i32>} : memref<32x512xf32, #tpu.memory_space<vmem>>, vector<16xf32>,
      %mul3A_262 = arith.mulf %get3A_261, %get3A_202 : vector<16xf32>
      %scatter3A_263 = arith.constant 12288 : i32
      %scatter3A_264 = tpu.memref_slice %arg13[%scatter3A_263] : memref<65536xf32, #tpu.memory_space<vmem>> -> memref<2048xf32, #tpu.memory_space<vmem>>
      tpu.vector_store_idx %scatter3A_264[%get3A_200], %mul3A_262 {add = true} : memref<2048xf32, #tpu.memory_space<vmem>>[vector<16xi32>], vector<16xf32>,
      %mul3A_265 = arith.constant 16 : i32
      %mul3A_266 = arith.muli %scan3A_195, %mul3A_265 : i32
      %get3A_267 = arith.constant 7 : i32
      %get3A_268 = arith.index_cast %get3A_267 : i32 to index
      %get3A_269 = arith.index_cast %mul3A_266 : i32 to index
      %get3A_270 = tpu.vector_load %arg11[%get3A_268, %get3A_269] {strides = array<i32>} : memref<32x512xf32, #tpu.memory_space<vmem>>, vector<16xf32>,
      %mul3A_271 = arith.mulf %get3A_270, %get3A_202 : vector<16xf32>
      %scatter3A_272 = arith.constant 14336 : i32
      %scatter3A_273 = tpu.memref_slice %arg13[%scatter3A_272] : memref<65536xf32, #tpu.memory_space<vmem>> -> memref<2048xf32, #tpu.memory_space<vmem>>
      tpu.vector_store_idx %scatter3A_273[%get3A_200], %mul3A_271 {add = true} : memref<2048xf32, #tpu.memory_space<vmem>>[vector<16xi32>], vector<16xf32>,
      %mul3A_274 = arith.constant 16 : i32
      %mul3A_275 = arith.muli %scan3A_195, %mul3A_274 : i32
      %get3A_276 = arith.constant 8 : i32
      %get3A_277 = arith.index_cast %get3A_276 : i32 to index
      %get3A_278 = arith.index_cast %mul3A_275 : i32 to index
      %get3A_279 = tpu.vector_load %arg11[%get3A_277, %get3A_278] {strides = array<i32>} : memref<32x512xf32, #tpu.memory_space<vmem>>, vector<16xf32>,
      %mul3A_280 = arith.mulf %get3A_279, %get3A_202 : vector<16xf32>
      %scatter3A_281 = arith.constant 16384 : i32
      %scatter3A_282 = tpu.memref_slice %arg13[%scatter3A_281] : memref<65536xf32, #tpu.memory_space<vmem>> -> memref<2048xf32, #tpu.memory_space<vmem>>
      tpu.vector_store_idx %scatter3A_282[%get3A_200], %mul3A_280 {add = true} : memref<2048xf32, #tpu.memory_space<vmem>>[vector<16xi32>], vector<16xf32>,
      %mul3A_283 = arith.constant 16 : i32
      %mul3A_284 = arith.muli %scan3A_195, %mul3A_283 : i32
      %get3A_285 = arith.constant 9 : i32
      %get3A_286 = arith.index_cast %get3A_285 : i32 to index
      %get3A_287 = arith.index_cast %mul3A_284 : i32 to index
      %get3A_288 = tpu.vector_load %arg11[%get3A_286, %get3A_287] {strides = array<i32>} : memref<32x512xf32, #tpu.memory_space<vmem>>, vector<16xf32>,
      %mul3A_289 = arith.mulf %get3A_288, %get3A_202 : vector<16xf32>
      %scatter3A_290 = arith.constant 18432 : i32
      %scatter3A_291 = tpu.memref_slice %arg13[%scatter3A_290] : memref<65536xf32, #tpu.memory_space<vmem>> -> memref<2048xf32, #tpu.memory_space<vmem>>
      tpu.vector_store_idx %scatter3A_291[%get3A_200], %mul3A_289 {add = true} : memref<2048xf32, #tpu.memory_space<vmem>>[vector<16xi32>], vector<16xf32>,
      %mul3A_292 = arith.constant 16 : i32
      %mul3A_293 = arith.muli %scan3A_195, %mul3A_292 : i32
      %get3A_294 = arith.constant 10 : i32
      %get3A_295 = arith.index_cast %get3A_294 : i32 to index
      %get3A_296 = arith.index_cast %mul3A_293 : i32 to index
      %get3A_297 = tpu.vector_load %arg11[%get3A_295, %get3A_296] {strides = array<i32>} : memref<32x512xf32, #tpu.memory_space<vmem>>, vector<16xf32>,
      %mul3A_298 = arith.mulf %get3A_297, %get3A_202 : vector<16xf32>
      %scatter3A_299 = arith.constant 20480 : i32
      %scatter3A_300 = tpu.memref_slice %arg13[%scatter3A_299] : memref<65536xf32, #tpu.memory_space<vmem>> -> memref<2048xf32, #tpu.memory_space<vmem>>
      tpu.vector_store_idx %scatter3A_300[%get3A_200], %mul3A_298 {add = true} : memref<2048xf32, #tpu.memory_space<vmem>>[vector<16xi32>], vector<16xf32>,
      %mul3A_301 = arith.constant 16 : i32
      %mul3A_302 = arith.muli %scan3A_195, %mul3A_301 : i32
      %get3A_303 = arith.constant 11 : i32
      %get3A_304 = arith.index_cast %get3A_303 : i32 to index
      %get3A_305 = arith.index_cast %mul3A_302 : i32 to index
      %get3A_306 = tpu.vector_load %arg11[%get3A_304, %get3A_305] {strides = array<i32>} : memref<32x512xf32, #tpu.memory_space<vmem>>, vector<16xf32>,
      %mul3A_307 = arith.mulf %get3A_306, %get3A_202 : vector<16xf32>
      %scatter3A_308 = arith.constant 22528 : i32
      %scatter3A_309 = tpu.memref_slice %arg13[%scatter3A_308] : memref<65536xf32, #tpu.memory_space<vmem>> -> memref<2048xf32, #tpu.memory_space<vmem>>
      tpu.vector_store_idx %scatter3A_309[%get3A_200], %mul3A_307 {add = true} : memref<2048xf32, #tpu.memory_space<vmem>>[vector<16xi32>], vector<16xf32>,
      %mul3A_310 = arith.constant 16 : i32
      %mul3A_311 = arith.muli %scan3A_195, %mul3A_310 : i32
      %get3A_312 = arith.constant 12 : i32
      %get3A_313 = arith.index_cast %get3A_312 : i32 to index
      %get3A_314 = arith.index_cast %mul3A_311 : i32 to index
      %get3A_315 = tpu.vector_load %arg11[%get3A_313, %get3A_314] {strides = array<i32>} : memref<32x512xf32, #tpu.memory_space<vmem>>, vector<16xf32>,
      %mul3A_316 = arith.mulf %get3A_315, %get3A_202 : vector<16xf32>
      %scatter3A_317 = arith.constant 24576 : i32
      %scatter3A_318 = tpu.memref_slice %arg13[%scatter3A_317] : memref<65536xf32, #tpu.memory_space<vmem>> -> memref<2048xf32, #tpu.memory_space<vmem>>
      tpu.vector_store_idx %scatter3A_318[%get3A_200], %mul3A_316 {add = true} : memref<2048xf32, #tpu.memory_space<vmem>>[vector<16xi32>], vector<16xf32>,
      %mul3A_319 = arith.constant 16 : i32
      %mul3A_320 = arith.muli %scan3A_195, %mul3A_319 : i32
      %get3A_321 = arith.constant 13 : i32
      %get3A_322 = arith.index_cast %get3A_321 : i32 to index
      %get3A_323 = arith.index_cast %mul3A_320 : i32 to index
      %get3A_324 = tpu.vector_load %arg11[%get3A_322, %get3A_323] {strides = array<i32>} : memref<32x512xf32, #tpu.memory_space<vmem>>, vector<16xf32>,
      %mul3A_325 = arith.mulf %get3A_324, %get3A_202 : vector<16xf32>
      %scatter3A_326 = arith.constant 26624 : i32
      %scatter3A_327 = tpu.memref_slice %arg13[%scatter3A_326] : memref<65536xf32, #tpu.memory_space<vmem>> -> memref<2048xf32, #tpu.memory_space<vmem>>
      tpu.vector_store_idx %scatter3A_327[%get3A_200], %mul3A_325 {add = true} : memref<2048xf32, #tpu.memory_space<vmem>>[vector<16xi32>], vector<16xf32>,
      %mul3A_328 = arith.constant 16 : i32
      %mul3A_329 = arith.muli %scan3A_195, %mul3A_328 : i32
      %get3A_330 = arith.constant 14 : i32
      %get3A_331 = arith.index_cast %get3A_330 : i32 to index
      %get3A_332 = arith.index_cast %mul3A_329 : i32 to index
      %get3A_333 = tpu.vector_load %arg11[%get3A_331, %get3A_332] {strides = array<i32>} : memref<32x512xf32, #tpu.memory_space<vmem>>, vector<16xf32>,
      %mul3A_334 = arith.mulf %get3A_333, %get3A_202 : vector<16xf32>
      %scatter3A_335 = arith.constant 28672 : i32
      %scatter3A_336 = tpu.memref_slice %arg13[%scatter3A_335] : memref<65536xf32, #tpu.memory_space<vmem>> -> memref<2048xf32, #tpu.memory_space<vmem>>
      tpu.vector_store_idx %scatter3A_336[%get3A_200], %mul3A_334 {add = true} : memref<2048xf32, #tpu.memory_space<vmem>>[vector<16xi32>], vector<16xf32>,
      %mul3A_337 = arith.constant 16 : i32
      %mul3A_338 = arith.muli %scan3A_195, %mul3A_337 : i32
      %get3A_339 = arith.constant 15 : i32
      %get3A_340 = arith.index_cast %get3A_339 : i32 to index
      %get3A_341 = arith.index_cast %mul3A_338 : i32 to index
      %get3A_342 = tpu.vector_load %arg11[%get3A_340, %get3A_341] {strides = array<i32>} : memref<32x512xf32, #tpu.memory_space<vmem>>, vector<16xf32>,
      %mul3A_343 = arith.mulf %get3A_342, %get3A_202 : vector<16xf32>
      %scatter3A_344 = arith.constant 30720 : i32
      %scatter3A_345 = tpu.memref_slice %arg13[%scatter3A_344] : memref<65536xf32, #tpu.memory_space<vmem>> -> memref<2048xf32, #tpu.memory_space<vmem>>
      tpu.vector_store_idx %scatter3A_345[%get3A_200], %mul3A_343 {add = true} : memref<2048xf32, #tpu.memory_space<vmem>>[vector<16xi32>], vector<16xf32>,
      %mul3A_346 = arith.constant 16 : i32
      %mul3A_347 = arith.muli %scan3A_195, %mul3A_346 : i32
      %get3A_348 = arith.constant 16 : i32
      %get3A_349 = arith.index_cast %get3A_348 : i32 to index
      %get3A_350 = arith.index_cast %mul3A_347 : i32 to index
      %get3A_351 = tpu.vector_load %arg11[%get3A_349, %get3A_350] {strides = array<i32>} : memref<32x512xf32, #tpu.memory_space<vmem>>, vector<16xf32>,
      %mul3A_352 = arith.mulf %get3A_351, %get3A_202 : vector<16xf32>
      %scatter3A_353 = arith.constant 32768 : i32
      %scatter3A_354 = tpu.memref_slice %arg13[%scatter3A_353] : memref<65536xf32, #tpu.memory_space<vmem>> -> memref<2048xf32, #tpu.memory_space<vmem>>
      tpu.vector_store_idx %scatter3A_354[%get3A_200], %mul3A_352 {add = true} : memref<2048xf32, #tpu.memory_space<vmem>>[vector<16xi32>], vector<16xf32>,
      %mul3A_355 = arith.constant 16 : i32
      %mul3A_356 = arith.muli %scan3A_195, %mul3A_355 : i32
      %get3A_357 = arith.constant 17 : i32
      %get3A_358 = arith.index_cast %get3A_357 : i32 to index
      %get3A_359 = arith.index_cast %mul3A_356 : i32 to index
      %get3A_360 = tpu.vector_load %arg11[%get3A_358, %get3A_359] {strides = array<i32>} : memref<32x512xf32, #tpu.memory_space<vmem>>, vector<16xf32>,
      %mul3A_361 = arith.mulf %get3A_360, %get3A_202 : vector<16xf32>
      %scatter3A_362 = arith.constant 34816 : i32
      %scatter3A_363 = tpu.memref_slice %arg13[%scatter3A_362] : memref<65536xf32, #tpu.memory_space<vmem>> -> memref<2048xf32, #tpu.memory_space<vmem>>
      tpu.vector_store_idx %scatter3A_363[%get3A_200], %mul3A_361 {add = true} : memref<2048xf32, #tpu.memory_space<vmem>>[vector<16xi32>], vector<16xf32>,
      %mul3A_364 = arith.constant 16 : i32
      %mul3A_365 = arith.muli %scan3A_195, %mul3A_364 : i32
      %get3A_366 = arith.constant 18 : i32
      %get3A_367 = arith.index_cast %get3A_366 : i32 to index
      %get3A_368 = arith.index_cast %mul3A_365 : i32 to index
      %get3A_369 = tpu.vector_load %arg11[%get3A_367, %get3A_368] {strides = array<i32>} : memref<32x512xf32, #tpu.memory_space<vmem>>, vector<16xf32>,
      %mul3A_370 = arith.mulf %get3A_369, %get3A_202 : vector<16xf32>
      %scatter3A_371 = arith.constant 36864 : i32
      %scatter3A_372 = tpu.memref_slice %arg13[%scatter3A_371] : memref<65536xf32, #tpu.memory_space<vmem>> -> memref<2048xf32, #tpu.memory_space<vmem>>
      tpu.vector_store_idx %scatter3A_372[%get3A_200], %mul3A_370 {add = true} : memref<2048xf32, #tpu.memory_space<vmem>>[vector<16xi32>], vector<16xf32>,
      %mul3A_373 = arith.constant 16 : i32
      %mul3A_374 = arith.muli %scan3A_195, %mul3A_373 : i32
      %get3A_375 = arith.constant 19 : i32
      %get3A_376 = arith.index_cast %get3A_375 : i32 to index
      %get3A_377 = arith.index_cast %mul3A_374 : i32 to index
      %get3A_378 = tpu.vector_load %arg11[%get3A_376, %get3A_377] {strides = array<i32>} : memref<32x512xf32, #tpu.memory_space<vmem>>, vector<16xf32>,
      %mul3A_379 = arith.mulf %get3A_378, %get3A_202 : vector<16xf32>
      %scatter3A_380 = arith.constant 38912 : i32
      %scatter3A_381 = tpu.memref_slice %arg13[%scatter3A_380] : memref<65536xf32, #tpu.memory_space<vmem>> -> memref<2048xf32, #tpu.memory_space<vmem>>
      tpu.vector_store_idx %scatter3A_381[%get3A_200], %mul3A_379 {add = true} : memref<2048xf32, #tpu.memory_space<vmem>>[vector<16xi32>], vector<16xf32>,
      %mul3A_382 = arith.constant 16 : i32
      %mul3A_383 = arith.muli %scan3A_195, %mul3A_382 : i32
      %get3A_384 = arith.constant 20 : i32
      %get3A_385 = arith.index_cast %get3A_384 : i32 to index
      %get3A_386 = arith.index_cast %mul3A_383 : i32 to index
      %get3A_387 = tpu.vector_load %arg11[%get3A_385, %get3A_386] {strides = array<i32>} : memref<32x512xf32, #tpu.memory_space<vmem>>, vector<16xf32>,
      %mul3A_388 = arith.mulf %get3A_387, %get3A_202 : vector<16xf32>
      %scatter3A_389 = arith.constant 40960 : i32
      %scatter3A_390 = tpu.memref_slice %arg13[%scatter3A_389] : memref<65536xf32, #tpu.memory_space<vmem>> -> memref<2048xf32, #tpu.memory_space<vmem>>
      tpu.vector_store_idx %scatter3A_390[%get3A_200], %mul3A_388 {add = true} : memref<2048xf32, #tpu.memory_space<vmem>>[vector<16xi32>], vector<16xf32>,
      %mul3A_391 = arith.constant 16 : i32
      %mul3A_392 = arith.muli %scan3A_195, %mul3A_391 : i32
      %get3A_393 = arith.constant 21 : i32
      %get3A_394 = arith.index_cast %get3A_393 : i32 to index
      %get3A_395 = arith.index_cast %mul3A_392 : i32 to index
      %get3A_396 = tpu.vector_load %arg11[%get3A_394, %get3A_395] {strides = array<i32>} : memref<32x512xf32, #tpu.memory_space<vmem>>, vector<16xf32>,
      %mul3A_397 = arith.mulf %get3A_396, %get3A_202 : vector<16xf32>
      %scatter3A_398 = arith.constant 43008 : i32
      %scatter3A_399 = tpu.memref_slice %arg13[%scatter3A_398] : memref<65536xf32, #tpu.memory_space<vmem>> -> memref<2048xf32, #tpu.memory_space<vmem>>
      tpu.vector_store_idx %scatter3A_399[%get3A_200], %mul3A_397 {add = true} : memref<2048xf32, #tpu.memory_space<vmem>>[vector<16xi32>], vector<16xf32>,
      %mul3A_400 = arith.constant 16 : i32
      %mul3A_401 = arith.muli %scan3A_195, %mul3A_400 : i32
      %get3A_402 = arith.constant 22 : i32
      %get3A_403 = arith.index_cast %get3A_402 : i32 to index
      %get3A_404 = arith.index_cast %mul3A_401 : i32 to index
      %get3A_405 = tpu.vector_load %arg11[%get3A_403, %get3A_404] {strides = array<i32>} : memref<32x512xf32, #tpu.memory_space<vmem>>, vector<16xf32>,
      %mul3A_406 = arith.mulf %get3A_405, %get3A_202 : vector<16xf32>
      %scatter3A_407 = arith.constant 45056 : i32
      %scatter3A_408 = tpu.memref_slice %arg13[%scatter3A_407] : memref<65536xf32, #tpu.memory_space<vmem>> -> memref<2048xf32, #tpu.memory_space<vmem>>
      tpu.vector_store_idx %scatter3A_408[%get3A_200], %mul3A_406 {add = true} : memref<2048xf32, #tpu.memory_space<vmem>>[vector<16xi32>], vector<16xf32>,
      %mul3A_409 = arith.constant 16 : i32
      %mul3A_410 = arith.muli %scan3A_195, %mul3A_409 : i32
      %get3A_411 = arith.constant 23 : i32
      %get3A_412 = arith.index_cast %get3A_411 : i32 to index
      %get3A_413 = arith.index_cast %mul3A_410 : i32 to index
      %get3A_414 = tpu.vector_load %arg11[%get3A_412, %get3A_413] {strides = array<i32>} : memref<32x512xf32, #tpu.memory_space<vmem>>, vector<16xf32>,
      %mul3A_415 = arith.mulf %get3A_414, %get3A_202 : vector<16xf32>
      %scatter3A_416 = arith.constant 47104 : i32
      %scatter3A_417 = tpu.memref_slice %arg13[%scatter3A_416] : memref<65536xf32, #tpu.memory_space<vmem>> -> memref<2048xf32, #tpu.memory_space<vmem>>
      tpu.vector_store_idx %scatter3A_417[%get3A_200], %mul3A_415 {add = true} : memref<2048xf32, #tpu.memory_space<vmem>>[vector<16xi32>], vector<16xf32>,
      %mul3A_418 = arith.constant 16 : i32
      %mul3A_419 = arith.muli %scan3A_195, %mul3A_418 : i32
      %get3A_420 = arith.constant 24 : i32
      %get3A_421 = arith.index_cast %get3A_420 : i32 to index
      %get3A_422 = arith.index_cast %mul3A_419 : i32 to index
      %get3A_423 = tpu.vector_load %arg11[%get3A_421, %get3A_422] {strides = array<i32>} : memref<32x512xf32, #tpu.memory_space<vmem>>, vector<16xf32>,
      %mul3A_424 = arith.mulf %get3A_423, %get3A_202 : vector<16xf32>
      %scatter3A_425 = arith.constant 49152 : i32
      %scatter3A_426 = tpu.memref_slice %arg13[%scatter3A_425] : memref<65536xf32, #tpu.memory_space<vmem>> -> memref<2048xf32, #tpu.memory_space<vmem>>
      tpu.vector_store_idx %scatter3A_426[%get3A_200], %mul3A_424 {add = true} : memref<2048xf32, #tpu.memory_space<vmem>>[vector<16xi32>], vector<16xf32>,
      %mul3A_427 = arith.constant 16 : i32
      %mul3A_428 = arith.muli %scan3A_195, %mul3A_427 : i32
      %get3A_429 = arith.constant 25 : i32
      %get3A_430 = arith.index_cast %get3A_429 : i32 to index
      %get3A_431 = arith.index_cast %mul3A_428 : i32 to index
      %get3A_432 = tpu.vector_load %arg11[%get3A_430, %get3A_431] {strides = array<i32>} : memref<32x512xf32, #tpu.memory_space<vmem>>, vector<16xf32>,
      %mul3A_433 = arith.mulf %get3A_432, %get3A_202 : vector<16xf32>
      %scatter3A_434 = arith.constant 51200 : i32
      %scatter3A_435 = tpu.memref_slice %arg13[%scatter3A_434] : memref<65536xf32, #tpu.memory_space<vmem>> -> memref<2048xf32, #tpu.memory_space<vmem>>
      tpu.vector_store_idx %scatter3A_435[%get3A_200], %mul3A_433 {add = true} : memref<2048xf32, #tpu.memory_space<vmem>>[vector<16xi32>], vector<16xf32>,
      %mul3A_436 = arith.constant 16 : i32
      %mul3A_437 = arith.muli %scan3A_195, %mul3A_436 : i32
      %get3A_438 = arith.constant 26 : i32
      %get3A_439 = arith.index_cast %get3A_438 : i32 to index
      %get3A_440 = arith.index_cast %mul3A_437 : i32 to index
      %get3A_441 = tpu.vector_load %arg11[%get3A_439, %get3A_440] {strides = array<i32>} : memref<32x512xf32, #tpu.memory_space<vmem>>, vector<16xf32>,
      %mul3A_442 = arith.mulf %get3A_441, %get3A_202 : vector<16xf32>
      %scatter3A_443 = arith.constant 53248 : i32
      %scatter3A_444 = tpu.memref_slice %arg13[%scatter3A_443] : memref<65536xf32, #tpu.memory_space<vmem>> -> memref<2048xf32, #tpu.memory_space<vmem>>
      tpu.vector_store_idx %scatter3A_444[%get3A_200], %mul3A_442 {add = true} : memref<2048xf32, #tpu.memory_space<vmem>>[vector<16xi32>], vector<16xf32>,
      %mul3A_445 = arith.constant 16 : i32
      %mul3A_446 = arith.muli %scan3A_195, %mul3A_445 : i32
      %get3A_447 = arith.constant 27 : i32
      %get3A_448 = arith.index_cast %get3A_447 : i32 to index
      %get3A_449 = arith.index_cast %mul3A_446 : i32 to index
      %get3A_450 = tpu.vector_load %arg11[%get3A_448, %get3A_449] {strides = array<i32>} : memref<32x512xf32, #tpu.memory_space<vmem>>, vector<16xf32>,
      %mul3A_451 = arith.mulf %get3A_450, %get3A_202 : vector<16xf32>
      %scatter3A_452 = arith.constant 55296 : i32
      %scatter3A_453 = tpu.memref_slice %arg13[%scatter3A_452] : memref<65536xf32, #tpu.memory_space<vmem>> -> memref<2048xf32, #tpu.memory_space<vmem>>
      tpu.vector_store_idx %scatter3A_453[%get3A_200], %mul3A_451 {add = true} : memref<2048xf32, #tpu.memory_space<vmem>>[vector<16xi32>], vector<16xf32>,
      %mul3A_454 = arith.constant 16 : i32
      %mul3A_455 = arith.muli %scan3A_195, %mul3A_454 : i32
      %get3A_456 = arith.constant 28 : i32
      %get3A_457 = arith.index_cast %get3A_456 : i32 to index
      %get3A_458 = arith.index_cast %mul3A_455 : i32 to index
      %get3A_459 = tpu.vector_load %arg11[%get3A_457, %get3A_458] {strides = array<i32>} : memref<32x512xf32, #tpu.memory_space<vmem>>, vector<16xf32>,
      %mul3A_460 = arith.mulf %get3A_459, %get3A_202 : vector<16xf32>
      %scatter3A_461 = arith.constant 57344 : i32
      %scatter3A_462 = tpu.memref_slice %arg13[%scatter3A_461] : memref<65536xf32, #tpu.memory_space<vmem>> -> memref<2048xf32, #tpu.memory_space<vmem>>
      tpu.vector_store_idx %scatter3A_462[%get3A_200], %mul3A_460 {add = true} : memref<2048xf32, #tpu.memory_space<vmem>>[vector<16xi32>], vector<16xf32>,
      %mul3A_463 = arith.constant 16 : i32
      %mul3A_464 = arith.muli %scan3A_195, %mul3A_463 : i32
      %get3A_465 = arith.constant 29 : i32
      %get3A_466 = arith.index_cast %get3A_465 : i32 to index
      %get3A_467 = arith.index_cast %mul3A_464 : i32 to index
      %get3A_468 = tpu.vector_load %arg11[%get3A_466, %get3A_467] {strides = array<i32>} : memref<32x512xf32, #tpu.memory_space<vmem>>, vector<16xf32>,
      %mul3A_469 = arith.mulf %get3A_468, %get3A_202 : vector<16xf32>
      %scatter3A_470 = arith.constant 59392 : i32
      %scatter3A_471 = tpu.memref_slice %arg13[%scatter3A_470] : memref<65536xf32, #tpu.memory_space<vmem>> -> memref<2048xf32, #tpu.memory_space<vmem>>
      tpu.vector_store_idx %scatter3A_471[%get3A_200], %mul3A_469 {add = true} : memref<2048xf32, #tpu.memory_space<vmem>>[vector<16xi32>], vector<16xf32>,
      %mul3A_472 = arith.constant 16 : i32
      %mul3A_473 = arith.muli %scan3A_195, %mul3A_472 : i32
      %get3A_474 = arith.constant 30 : i32
      %get3A_475 = arith.index_cast %get3A_474 : i32 to index
      %get3A_476 = arith.index_cast %mul3A_473 : i32 to index
      %get3A_477 = tpu.vector_load %arg11[%get3A_475, %get3A_476] {strides = array<i32>} : memref<32x512xf32, #tpu.memory_space<vmem>>, vector<16xf32>,
      %mul3A_478 = arith.mulf %get3A_477, %get3A_202 : vector<16xf32>
      %scatter3A_479 = arith.constant 61440 : i32
      %scatter3A_480 = tpu.memref_slice %arg13[%scatter3A_479] : memref<65536xf32, #tpu.memory_space<vmem>> -> memref<2048xf32, #tpu.memory_space<vmem>>
      tpu.vector_store_idx %scatter3A_480[%get3A_200], %mul3A_478 {add = true} : memref<2048xf32, #tpu.memory_space<vmem>>[vector<16xi32>], vector<16xf32>,
      %mul3A_481 = arith.constant 16 : i32
      %mul3A_482 = arith.muli %scan3A_195, %mul3A_481 : i32
      %get3A_483 = arith.constant 31 : i32
      %get3A_484 = arith.index_cast %get3A_483 : i32 to index
      %get3A_485 = arith.index_cast %mul3A_482 : i32 to index
      %get3A_486 = tpu.vector_load %arg11[%get3A_484, %get3A_485] {strides = array<i32>} : memref<32x512xf32, #tpu.memory_space<vmem>>, vector<16xf32>,
      %mul3A_487 = arith.mulf %get3A_486, %get3A_202 : vector<16xf32>
      %scatter3A_488 = arith.constant 63488 : i32
      %scatter3A_489 = tpu.memref_slice %arg13[%scatter3A_488] : memref<65536xf32, #tpu.memory_space<vmem>> -> memref<2048xf32, #tpu.memory_space<vmem>>
      tpu.vector_store_idx %scatter3A_489[%get3A_200], %mul3A_487 {add = true} : memref<2048xf32, #tpu.memory_space<vmem>>[vector<16xi32>], vector<16xf32>,
    }
    %scan3A_50 = arith.constant 32 : i32
    %mul3A_51 = arith.constant 4 : i32
    %mul3A_52 = arith.muli %arg0, %mul3A_51 : i32
    %add3A_53 = arith.constant 1 : i32
    %add3A_54 = arith.addi %mul3A_52, %add3A_53 : i32
    %dma_start3A_55 = arith.constant 0 : i32
    %dma_start3A_56 = tpu.memref_slice %arg2[%add3A_54, %mul3A_2, %dma_start3A_55] : memref<8x512x1024xf32, #tpu.memory_space<hbm>> -> memref<1x32x512xf32, #tpu.memory_space<hbm>>
    %dma_start3A_57 = tpu.memref_squeeze %dma_start3A_56 : memref<1x32x512xf32, #tpu.memory_space<hbm>> -> memref<32x512xf32, #tpu.memory_space<hbm>>
    %dma_start3A_58 = arith.constant 0 : i32
    %dma_start3A_59 = tpu.memref_slice %arg2[%add3A_54, %mul3A_2, %dma_start3A_58] : memref<8x512x1024xf32, #tpu.memory_space<hbm>> -> memref<1x32x512xf32, #tpu.memory_space<hbm>>
    %dma_start3A_60 = tpu.memref_squeeze %dma_start3A_59 : memref<1x32x512xf32, #tpu.memory_space<hbm>> -> memref<32x512xf32, #tpu.memory_space<hbm>>
    tpu.enqueue_dma source(%dma_start3A_60 : memref<32x512xf32, #tpu.memory_space<hbm>>) target(%arg11 : memref<32x512xf32, #tpu.memory_space<vmem>>) target_semaphore(%arg17 : memref<!tpu.dma_semaphore, #tpu.memory_space<semaphore_mem>>)
    %dma_wait3A_61 = arith.constant 512 : i32
    %dma_wait3A_62 = tpu.memref_slice %arg2[%add3A_18, %mul3A_2, %dma_wait3A_61] : memref<8x512x1024xf32, #tpu.memory_space<hbm>> -> memref<1x32x512xf32, #tpu.memory_space<hbm>>
    %dma_wait3A_63 = tpu.memref_squeeze %dma_wait3A_62 : memref<1x32x512xf32, #tpu.memory_space<hbm>> -> memref<32x512xf32, #tpu.memory_space<hbm>>
    %dma_wait3A_64 = arith.constant 512 : i32
    %dma_wait3A_65 = tpu.memref_slice %arg2[%add3A_18, %mul3A_2, %dma_wait3A_64] : memref<8x512x1024xf32, #tpu.memory_space<hbm>> -> memref<1x32x512xf32, #tpu.memory_space<hbm>>
    %dma_wait3A_66 = tpu.memref_squeeze %dma_wait3A_65 : memref<1x32x512xf32, #tpu.memory_space<hbm>> -> memref<32x512xf32, #tpu.memory_space<hbm>>
    tpu.wait_dma2 semaphore(%arg18 : memref<!tpu.dma_semaphore, #tpu.memory_space<semaphore_mem>>) src(%dma_wait3A_66 : memref<32x512xf32, #tpu.memory_space<hbm>>) dst(%arg12 : memref<32x512xf32, #tpu.memory_space<vmem>>)
    %scan3A_67 = arith.constant 0 : i32
    %scan3A_68 = arith.constant 0 : i32
    %scan3A_69 = arith.constant 32 : i32
    %scan3A_70 = arith.addi %scan3A_68, %scan3A_69 : i32
    %scan3A_71 = arith.constant 1 : i32
    scf.for %scan3A_195 = %scan3A_68 to %scan3A_70 step %scan3A_71  : i32 {
      %mul3A_196 = arith.constant 16 : i32
      %mul3A_197 = arith.muli %scan3A_195, %mul3A_196 : i32
      %add3A_198 = arith.constant 512 : i32
      %add3A_199 = arith.addi %add3A_198, %mul3A_197 : i32
      %get3A = arith.index_cast %add3A_199 : i32 to index
      %get3A_200 = tpu.vector_load %arg8[%get3A] {strides = array<i32>} : memref<4096xi32, #tpu.memory_space<vmem>>, vector<16xi32>,
      %get3A_201 = arith.index_cast %add3A_199 : i32 to index
      %get3A_202 = tpu.vector_load %arg10[%get3A_201] {strides = array<i32>} : memref<4096xf32, #tpu.memory_space<vmem>>, vector<16xf32>,
      %mul3A_203 = arith.constant 16 : i32
      %mul3A_204 = arith.muli %scan3A_195, %mul3A_203 : i32
      %get3A_205 = arith.constant 0 : i32
      %get3A_206 = arith.index_cast %get3A_205 : i32 to index
      %get3A_207 = arith.index_cast %mul3A_204 : i32 to index
      %get3A_208 = tpu.vector_load %arg12[%get3A_206, %get3A_207] {strides = array<i32>} : memref<32x512xf32, #tpu.memory_space<vmem>>, vector<16xf32>,
      %mul3A_209 = arith.mulf %get3A_208, %get3A_202 : vector<16xf32>
      %scatter3A = arith.constant 0 : i32
      %scatter3A_210 = tpu.memref_slice %arg13[%scatter3A] : memref<65536xf32, #tpu.memory_space<vmem>> -> memref<2048xf32, #tpu.memory_space<vmem>>
      tpu.vector_store_idx %scatter3A_210[%get3A_200], %mul3A_209 {add = true} : memref<2048xf32, #tpu.memory_space<vmem>>[vector<16xi32>], vector<16xf32>,
      %mul3A_211 = arith.constant 16 : i32
      %mul3A_212 = arith.muli %scan3A_195, %mul3A_211 : i32
      %get3A_213 = arith.constant 1 : i32
      %get3A_214 = arith.index_cast %get3A_213 : i32 to index
      %get3A_215 = arith.index_cast %mul3A_212 : i32 to index
      %get3A_216 = tpu.vector_load %arg12[%get3A_214, %get3A_215] {strides = array<i32>} : memref<32x512xf32, #tpu.memory_space<vmem>>, vector<16xf32>,
      %mul3A_217 = arith.mulf %get3A_216, %get3A_202 : vector<16xf32>
      %scatter3A_218 = arith.constant 2048 : i32
      %scatter3A_219 = tpu.memref_slice %arg13[%scatter3A_218] : memref<65536xf32, #tpu.memory_space<vmem>> -> memref<2048xf32, #tpu.memory_space<vmem>>
      tpu.vector_store_idx %scatter3A_219[%get3A_200], %mul3A_217 {add = true} : memref<2048xf32, #tpu.memory_space<vmem>>[vector<16xi32>], vector<16xf32>,
      %mul3A_220 = arith.constant 16 : i32
      %mul3A_221 = arith.muli %scan3A_195, %mul3A_220 : i32
      %get3A_222 = arith.constant 2 : i32
      %get3A_223 = arith.index_cast %get3A_222 : i32 to index
      %get3A_224 = arith.index_cast %mul3A_221 : i32 to index
      %get3A_225 = tpu.vector_load %arg12[%get3A_223, %get3A_224] {strides = array<i32>} : memref<32x512xf32, #tpu.memory_space<vmem>>, vector<16xf32>,
      %mul3A_226 = arith.mulf %get3A_225, %get3A_202 : vector<16xf32>
      %scatter3A_227 = arith.constant 4096 : i32
      %scatter3A_228 = tpu.memref_slice %arg13[%scatter3A_227] : memref<65536xf32, #tpu.memory_space<vmem>> -> memref<2048xf32, #tpu.memory_space<vmem>>
      tpu.vector_store_idx %scatter3A_228[%get3A_200], %mul3A_226 {add = true} : memref<2048xf32, #tpu.memory_space<vmem>>[vector<16xi32>], vector<16xf32>,
      %mul3A_229 = arith.constant 16 : i32
      %mul3A_230 = arith.muli %scan3A_195, %mul3A_229 : i32
      %get3A_231 = arith.constant 3 : i32
      %get3A_232 = arith.index_cast %get3A_231 : i32 to index
      %get3A_233 = arith.index_cast %mul3A_230 : i32 to index
      %get3A_234 = tpu.vector_load %arg12[%get3A_232, %get3A_233] {strides = array<i32>} : memref<32x512xf32, #tpu.memory_space<vmem>>, vector<16xf32>,
      %mul3A_235 = arith.mulf %get3A_234, %get3A_202 : vector<16xf32>
      %scatter3A_236 = arith.constant 6144 : i32
      %scatter3A_237 = tpu.memref_slice %arg13[%scatter3A_236] : memref<65536xf32, #tpu.memory_space<vmem>> -> memref<2048xf32, #tpu.memory_space<vmem>>
      tpu.vector_store_idx %scatter3A_237[%get3A_200], %mul3A_235 {add = true} : memref<2048xf32, #tpu.memory_space<vmem>>[vector<16xi32>], vector<16xf32>,
      %mul3A_238 = arith.constant 16 : i32
      %mul3A_239 = arith.muli %scan3A_195, %mul3A_238 : i32
      %get3A_240 = arith.constant 4 : i32
      %get3A_241 = arith.index_cast %get3A_240 : i32 to index
      %get3A_242 = arith.index_cast %mul3A_239 : i32 to index
      %get3A_243 = tpu.vector_load %arg12[%get3A_241, %get3A_242] {strides = array<i32>} : memref<32x512xf32, #tpu.memory_space<vmem>>, vector<16xf32>,
      %mul3A_244 = arith.mulf %get3A_243, %get3A_202 : vector<16xf32>
      %scatter3A_245 = arith.constant 8192 : i32
      %scatter3A_246 = tpu.memref_slice %arg13[%scatter3A_245] : memref<65536xf32, #tpu.memory_space<vmem>> -> memref<2048xf32, #tpu.memory_space<vmem>>
      tpu.vector_store_idx %scatter3A_246[%get3A_200], %mul3A_244 {add = true} : memref<2048xf32, #tpu.memory_space<vmem>>[vector<16xi32>], vector<16xf32>,
      %mul3A_247 = arith.constant 16 : i32
      %mul3A_248 = arith.muli %scan3A_195, %mul3A_247 : i32
      %get3A_249 = arith.constant 5 : i32
      %get3A_250 = arith.index_cast %get3A_249 : i32 to index
      %get3A_251 = arith.index_cast %mul3A_248 : i32 to index
      %get3A_252 = tpu.vector_load %arg12[%get3A_250, %get3A_251] {strides = array<i32>} : memref<32x512xf32, #tpu.memory_space<vmem>>, vector<16xf32>,
      %mul3A_253 = arith.mulf %get3A_252, %get3A_202 : vector<16xf32>
      %scatter3A_254 = arith.constant 10240 : i32
      %scatter3A_255 = tpu.memref_slice %arg13[%scatter3A_254] : memref<65536xf32, #tpu.memory_space<vmem>> -> memref<2048xf32, #tpu.memory_space<vmem>>
      tpu.vector_store_idx %scatter3A_255[%get3A_200], %mul3A_253 {add = true} : memref<2048xf32, #tpu.memory_space<vmem>>[vector<16xi32>], vector<16xf32>,
      %mul3A_256 = arith.constant 16 : i32
      %mul3A_257 = arith.muli %scan3A_195, %mul3A_256 : i32
      %get3A_258 = arith.constant 6 : i32
      %get3A_259 = arith.index_cast %get3A_258 : i32 to index
      %get3A_260 = arith.index_cast %mul3A_257 : i32 to index
      %get3A_261 = tpu.vector_load %arg12[%get3A_259, %get3A_260] {strides = array<i32>} : memref<32x512xf32, #tpu.memory_space<vmem>>, vector<16xf32>,
      %mul3A_262 = arith.mulf %get3A_261, %get3A_202 : vector<16xf32>
      %scatter3A_263 = arith.constant 12288 : i32
      %scatter3A_264 = tpu.memref_slice %arg13[%scatter3A_263] : memref<65536xf32, #tpu.memory_space<vmem>> -> memref<2048xf32, #tpu.memory_space<vmem>>
      tpu.vector_store_idx %scatter3A_264[%get3A_200], %mul3A_262 {add = true} : memref<2048xf32, #tpu.memory_space<vmem>>[vector<16xi32>], vector<16xf32>,
      %mul3A_265 = arith.constant 16 : i32
      %mul3A_266 = arith.muli %scan3A_195, %mul3A_265 : i32
      %get3A_267 = arith.constant 7 : i32
      %get3A_268 = arith.index_cast %get3A_267 : i32 to index
      %get3A_269 = arith.index_cast %mul3A_266 : i32 to index
      %get3A_270 = tpu.vector_load %arg12[%get3A_268, %get3A_269] {strides = array<i32>} : memref<32x512xf32, #tpu.memory_space<vmem>>, vector<16xf32>,
      %mul3A_271 = arith.mulf %get3A_270, %get3A_202 : vector<16xf32>
      %scatter3A_272 = arith.constant 14336 : i32
      %scatter3A_273 = tpu.memref_slice %arg13[%scatter3A_272] : memref<65536xf32, #tpu.memory_space<vmem>> -> memref<2048xf32, #tpu.memory_space<vmem>>
      tpu.vector_store_idx %scatter3A_273[%get3A_200], %mul3A_271 {add = true} : memref<2048xf32, #tpu.memory_space<vmem>>[vector<16xi32>], vector<16xf32>,
      %mul3A_274 = arith.constant 16 : i32
      %mul3A_275 = arith.muli %scan3A_195, %mul3A_274 : i32
      %get3A_276 = arith.constant 8 : i32
      %get3A_277 = arith.index_cast %get3A_276 : i32 to index
      %get3A_278 = arith.index_cast %mul3A_275 : i32 to index
      %get3A_279 = tpu.vector_load %arg12[%get3A_277, %get3A_278] {strides = array<i32>} : memref<32x512xf32, #tpu.memory_space<vmem>>, vector<16xf32>,
      %mul3A_280 = arith.mulf %get3A_279, %get3A_202 : vector<16xf32>
      %scatter3A_281 = arith.constant 16384 : i32
      %scatter3A_282 = tpu.memref_slice %arg13[%scatter3A_281] : memref<65536xf32, #tpu.memory_space<vmem>> -> memref<2048xf32, #tpu.memory_space<vmem>>
      tpu.vector_store_idx %scatter3A_282[%get3A_200], %mul3A_280 {add = true} : memref<2048xf32, #tpu.memory_space<vmem>>[vector<16xi32>], vector<16xf32>,
      %mul3A_283 = arith.constant 16 : i32
      %mul3A_284 = arith.muli %scan3A_195, %mul3A_283 : i32
      %get3A_285 = arith.constant 9 : i32
      %get3A_286 = arith.index_cast %get3A_285 : i32 to index
      %get3A_287 = arith.index_cast %mul3A_284 : i32 to index
      %get3A_288 = tpu.vector_load %arg12[%get3A_286, %get3A_287] {strides = array<i32>} : memref<32x512xf32, #tpu.memory_space<vmem>>, vector<16xf32>,
      %mul3A_289 = arith.mulf %get3A_288, %get3A_202 : vector<16xf32>
      %scatter3A_290 = arith.constant 18432 : i32
      %scatter3A_291 = tpu.memref_slice %arg13[%scatter3A_290] : memref<65536xf32, #tpu.memory_space<vmem>> -> memref<2048xf32, #tpu.memory_space<vmem>>
      tpu.vector_store_idx %scatter3A_291[%get3A_200], %mul3A_289 {add = true} : memref<2048xf32, #tpu.memory_space<vmem>>[vector<16xi32>], vector<16xf32>,
      %mul3A_292 = arith.constant 16 : i32
      %mul3A_293 = arith.muli %scan3A_195, %mul3A_292 : i32
      %get3A_294 = arith.constant 10 : i32
      %get3A_295 = arith.index_cast %get3A_294 : i32 to index
      %get3A_296 = arith.index_cast %mul3A_293 : i32 to index
      %get3A_297 = tpu.vector_load %arg12[%get3A_295, %get3A_296] {strides = array<i32>} : memref<32x512xf32, #tpu.memory_space<vmem>>, vector<16xf32>,
      %mul3A_298 = arith.mulf %get3A_297, %get3A_202 : vector<16xf32>
      %scatter3A_299 = arith.constant 20480 : i32
      %scatter3A_300 = tpu.memref_slice %arg13[%scatter3A_299] : memref<65536xf32, #tpu.memory_space<vmem>> -> memref<2048xf32, #tpu.memory_space<vmem>>
      tpu.vector_store_idx %scatter3A_300[%get3A_200], %mul3A_298 {add = true} : memref<2048xf32, #tpu.memory_space<vmem>>[vector<16xi32>], vector<16xf32>,
      %mul3A_301 = arith.constant 16 : i32
      %mul3A_302 = arith.muli %scan3A_195, %mul3A_301 : i32
      %get3A_303 = arith.constant 11 : i32
      %get3A_304 = arith.index_cast %get3A_303 : i32 to index
      %get3A_305 = arith.index_cast %mul3A_302 : i32 to index
      %get3A_306 = tpu.vector_load %arg12[%get3A_304, %get3A_305] {strides = array<i32>} : memref<32x512xf32, #tpu.memory_space<vmem>>, vector<16xf32>,
      %mul3A_307 = arith.mulf %get3A_306, %get3A_202 : vector<16xf32>
      %scatter3A_308 = arith.constant 22528 : i32
      %scatter3A_309 = tpu.memref_slice %arg13[%scatter3A_308] : memref<65536xf32, #tpu.memory_space<vmem>> -> memref<2048xf32, #tpu.memory_space<vmem>>
      tpu.vector_store_idx %scatter3A_309[%get3A_200], %mul3A_307 {add = true} : memref<2048xf32, #tpu.memory_space<vmem>>[vector<16xi32>], vector<16xf32>,
      %mul3A_310 = arith.constant 16 : i32
      %mul3A_311 = arith.muli %scan3A_195, %mul3A_310 : i32
      %get3A_312 = arith.constant 12 : i32
      %get3A_313 = arith.index_cast %get3A_312 : i32 to index
      %get3A_314 = arith.index_cast %mul3A_311 : i32 to index
      %get3A_315 = tpu.vector_load %arg12[%get3A_313, %get3A_314] {strides = array<i32>} : memref<32x512xf32, #tpu.memory_space<vmem>>, vector<16xf32>,
      %mul3A_316 = arith.mulf %get3A_315, %get3A_202 : vector<16xf32>
      %scatter3A_317 = arith.constant 24576 : i32
      %scatter3A_318 = tpu.memref_slice %arg13[%scatter3A_317] : memref<65536xf32, #tpu.memory_space<vmem>> -> memref<2048xf32, #tpu.memory_space<vmem>>
      tpu.vector_store_idx %scatter3A_318[%get3A_200], %mul3A_316 {add = true} : memref<2048xf32, #tpu.memory_space<vmem>>[vector<16xi32>], vector<16xf32>,
      %mul3A_319 = arith.constant 16 : i32
      %mul3A_320 = arith.muli %scan3A_195, %mul3A_319 : i32
      %get3A_321 = arith.constant 13 : i32
      %get3A_322 = arith.index_cast %get3A_321 : i32 to index
      %get3A_323 = arith.index_cast %mul3A_320 : i32 to index
      %get3A_324 = tpu.vector_load %arg12[%get3A_322, %get3A_323] {strides = array<i32>} : memref<32x512xf32, #tpu.memory_space<vmem>>, vector<16xf32>,
      %mul3A_325 = arith.mulf %get3A_324, %get3A_202 : vector<16xf32>
      %scatter3A_326 = arith.constant 26624 : i32
      %scatter3A_327 = tpu.memref_slice %arg13[%scatter3A_326] : memref<65536xf32, #tpu.memory_space<vmem>> -> memref<2048xf32, #tpu.memory_space<vmem>>
      tpu.vector_store_idx %scatter3A_327[%get3A_200], %mul3A_325 {add = true} : memref<2048xf32, #tpu.memory_space<vmem>>[vector<16xi32>], vector<16xf32>,
      %mul3A_328 = arith.constant 16 : i32
      %mul3A_329 = arith.muli %scan3A_195, %mul3A_328 : i32
      %get3A_330 = arith.constant 14 : i32
      %get3A_331 = arith.index_cast %get3A_330 : i32 to index
      %get3A_332 = arith.index_cast %mul3A_329 : i32 to index
      %get3A_333 = tpu.vector_load %arg12[%get3A_331, %get3A_332] {strides = array<i32>} : memref<32x512xf32, #tpu.memory_space<vmem>>, vector<16xf32>,
      %mul3A_334 = arith.mulf %get3A_333, %get3A_202 : vector<16xf32>
      %scatter3A_335 = arith.constant 28672 : i32
      %scatter3A_336 = tpu.memref_slice %arg13[%scatter3A_335] : memref<65536xf32, #tpu.memory_space<vmem>> -> memref<2048xf32, #tpu.memory_space<vmem>>
      tpu.vector_store_idx %scatter3A_336[%get3A_200], %mul3A_334 {add = true} : memref<2048xf32, #tpu.memory_space<vmem>>[vector<16xi32>], vector<16xf32>,
      %mul3A_337 = arith.constant 16 : i32
      %mul3A_338 = arith.muli %scan3A_195, %mul3A_337 : i32
      %get3A_339 = arith.constant 15 : i32
      %get3A_340 = arith.index_cast %get3A_339 : i32 to index
      %get3A_341 = arith.index_cast %mul3A_338 : i32 to index
      %get3A_342 = tpu.vector_load %arg12[%get3A_340, %get3A_341] {strides = array<i32>} : memref<32x512xf32, #tpu.memory_space<vmem>>, vector<16xf32>,
      %mul3A_343 = arith.mulf %get3A_342, %get3A_202 : vector<16xf32>
      %scatter3A_344 = arith.constant 30720 : i32
      %scatter3A_345 = tpu.memref_slice %arg13[%scatter3A_344] : memref<65536xf32, #tpu.memory_space<vmem>> -> memref<2048xf32, #tpu.memory_space<vmem>>
      tpu.vector_store_idx %scatter3A_345[%get3A_200], %mul3A_343 {add = true} : memref<2048xf32, #tpu.memory_space<vmem>>[vector<16xi32>], vector<16xf32>,
      %mul3A_346 = arith.constant 16 : i32
      %mul3A_347 = arith.muli %scan3A_195, %mul3A_346 : i32
      %get3A_348 = arith.constant 16 : i32
      %get3A_349 = arith.index_cast %get3A_348 : i32 to index
      %get3A_350 = arith.index_cast %mul3A_347 : i32 to index
      %get3A_351 = tpu.vector_load %arg12[%get3A_349, %get3A_350] {strides = array<i32>} : memref<32x512xf32, #tpu.memory_space<vmem>>, vector<16xf32>,
      %mul3A_352 = arith.mulf %get3A_351, %get3A_202 : vector<16xf32>
      %scatter3A_353 = arith.constant 32768 : i32
      %scatter3A_354 = tpu.memref_slice %arg13[%scatter3A_353] : memref<65536xf32, #tpu.memory_space<vmem>> -> memref<2048xf32, #tpu.memory_space<vmem>>
      tpu.vector_store_idx %scatter3A_354[%get3A_200], %mul3A_352 {add = true} : memref<2048xf32, #tpu.memory_space<vmem>>[vector<16xi32>], vector<16xf32>,
      %mul3A_355 = arith.constant 16 : i32
      %mul3A_356 = arith.muli %scan3A_195, %mul3A_355 : i32
      %get3A_357 = arith.constant 17 : i32
      %get3A_358 = arith.index_cast %get3A_357 : i32 to index
      %get3A_359 = arith.index_cast %mul3A_356 : i32 to index
      %get3A_360 = tpu.vector_load %arg12[%get3A_358, %get3A_359] {strides = array<i32>} : memref<32x512xf32, #tpu.memory_space<vmem>>, vector<16xf32>,
      %mul3A_361 = arith.mulf %get3A_360, %get3A_202 : vector<16xf32>
      %scatter3A_362 = arith.constant 34816 : i32
      %scatter3A_363 = tpu.memref_slice %arg13[%scatter3A_362] : memref<65536xf32, #tpu.memory_space<vmem>> -> memref<2048xf32, #tpu.memory_space<vmem>>
      tpu.vector_store_idx %scatter3A_363[%get3A_200], %mul3A_361 {add = true} : memref<2048xf32, #tpu.memory_space<vmem>>[vector<16xi32>], vector<16xf32>,
      %mul3A_364 = arith.constant 16 : i32
      %mul3A_365 = arith.muli %scan3A_195, %mul3A_364 : i32
      %get3A_366 = arith.constant 18 : i32
      %get3A_367 = arith.index_cast %get3A_366 : i32 to index
      %get3A_368 = arith.index_cast %mul3A_365 : i32 to index
      %get3A_369 = tpu.vector_load %arg12[%get3A_367, %get3A_368] {strides = array<i32>} : memref<32x512xf32, #tpu.memory_space<vmem>>, vector<16xf32>,
      %mul3A_370 = arith.mulf %get3A_369, %get3A_202 : vector<16xf32>
      %scatter3A_371 = arith.constant 36864 : i32
      %scatter3A_372 = tpu.memref_slice %arg13[%scatter3A_371] : memref<65536xf32, #tpu.memory_space<vmem>> -> memref<2048xf32, #tpu.memory_space<vmem>>
      tpu.vector_store_idx %scatter3A_372[%get3A_200], %mul3A_370 {add = true} : memref<2048xf32, #tpu.memory_space<vmem>>[vector<16xi32>], vector<16xf32>,
      %mul3A_373 = arith.constant 16 : i32
      %mul3A_374 = arith.muli %scan3A_195, %mul3A_373 : i32
      %get3A_375 = arith.constant 19 : i32
      %get3A_376 = arith.index_cast %get3A_375 : i32 to index
      %get3A_377 = arith.index_cast %mul3A_374 : i32 to index
      %get3A_378 = tpu.vector_load %arg12[%get3A_376, %get3A_377] {strides = array<i32>} : memref<32x512xf32, #tpu.memory_space<vmem>>, vector<16xf32>,
      %mul3A_379 = arith.mulf %get3A_378, %get3A_202 : vector<16xf32>
      %scatter3A_380 = arith.constant 38912 : i32
      %scatter3A_381 = tpu.memref_slice %arg13[%scatter3A_380] : memref<65536xf32, #tpu.memory_space<vmem>> -> memref<2048xf32, #tpu.memory_space<vmem>>
      tpu.vector_store_idx %scatter3A_381[%get3A_200], %mul3A_379 {add = true} : memref<2048xf32, #tpu.memory_space<vmem>>[vector<16xi32>], vector<16xf32>,
      %mul3A_382 = arith.constant 16 : i32
      %mul3A_383 = arith.muli %scan3A_195, %mul3A_382 : i32
      %get3A_384 = arith.constant 20 : i32
      %get3A_385 = arith.index_cast %get3A_384 : i32 to index
      %get3A_386 = arith.index_cast %mul3A_383 : i32 to index
      %get3A_387 = tpu.vector_load %arg12[%get3A_385, %get3A_386] {strides = array<i32>} : memref<32x512xf32, #tpu.memory_space<vmem>>, vector<16xf32>,
      %mul3A_388 = arith.mulf %get3A_387, %get3A_202 : vector<16xf32>
      %scatter3A_389 = arith.constant 40960 : i32
      %scatter3A_390 = tpu.memref_slice %arg13[%scatter3A_389] : memref<65536xf32, #tpu.memory_space<vmem>> -> memref<2048xf32, #tpu.memory_space<vmem>>
      tpu.vector_store_idx %scatter3A_390[%get3A_200], %mul3A_388 {add = true} : memref<2048xf32, #tpu.memory_space<vmem>>[vector<16xi32>], vector<16xf32>,
      %mul3A_391 = arith.constant 16 : i32
      %mul3A_392 = arith.muli %scan3A_195, %mul3A_391 : i32
      %get3A_393 = arith.constant 21 : i32
      %get3A_394 = arith.index_cast %get3A_393 : i32 to index
      %get3A_395 = arith.index_cast %mul3A_392 : i32 to index
      %get3A_396 = tpu.vector_load %arg12[%get3A_394, %get3A_395] {strides = array<i32>} : memref<32x512xf32, #tpu.memory_space<vmem>>, vector<16xf32>,
      %mul3A_397 = arith.mulf %get3A_396, %get3A_202 : vector<16xf32>
      %scatter3A_398 = arith.constant 43008 : i32
      %scatter3A_399 = tpu.memref_slice %arg13[%scatter3A_398] : memref<65536xf32, #tpu.memory_space<vmem>> -> memref<2048xf32, #tpu.memory_space<vmem>>
      tpu.vector_store_idx %scatter3A_399[%get3A_200], %mul3A_397 {add = true} : memref<2048xf32, #tpu.memory_space<vmem>>[vector<16xi32>], vector<16xf32>,
      %mul3A_400 = arith.constant 16 : i32
      %mul3A_401 = arith.muli %scan3A_195, %mul3A_400 : i32
      %get3A_402 = arith.constant 22 : i32
      %get3A_403 = arith.index_cast %get3A_402 : i32 to index
      %get3A_404 = arith.index_cast %mul3A_401 : i32 to index
      %get3A_405 = tpu.vector_load %arg12[%get3A_403, %get3A_404] {strides = array<i32>} : memref<32x512xf32, #tpu.memory_space<vmem>>, vector<16xf32>,
      %mul3A_406 = arith.mulf %get3A_405, %get3A_202 : vector<16xf32>
      %scatter3A_407 = arith.constant 45056 : i32
      %scatter3A_408 = tpu.memref_slice %arg13[%scatter3A_407] : memref<65536xf32, #tpu.memory_space<vmem>> -> memref<2048xf32, #tpu.memory_space<vmem>>
      tpu.vector_store_idx %scatter3A_408[%get3A_200], %mul3A_406 {add = true} : memref<2048xf32, #tpu.memory_space<vmem>>[vector<16xi32>], vector<16xf32>,
      %mul3A_409 = arith.constant 16 : i32
      %mul3A_410 = arith.muli %scan3A_195, %mul3A_409 : i32
      %get3A_411 = arith.constant 23 : i32
      %get3A_412 = arith.index_cast %get3A_411 : i32 to index
      %get3A_413 = arith.index_cast %mul3A_410 : i32 to index
      %get3A_414 = tpu.vector_load %arg12[%get3A_412, %get3A_413] {strides = array<i32>} : memref<32x512xf32, #tpu.memory_space<vmem>>, vector<16xf32>,
      %mul3A_415 = arith.mulf %get3A_414, %get3A_202 : vector<16xf32>
      %scatter3A_416 = arith.constant 47104 : i32
      %scatter3A_417 = tpu.memref_slice %arg13[%scatter3A_416] : memref<65536xf32, #tpu.memory_space<vmem>> -> memref<2048xf32, #tpu.memory_space<vmem>>
      tpu.vector_store_idx %scatter3A_417[%get3A_200], %mul3A_415 {add = true} : memref<2048xf32, #tpu.memory_space<vmem>>[vector<16xi32>], vector<16xf32>,
      %mul3A_418 = arith.constant 16 : i32
      %mul3A_419 = arith.muli %scan3A_195, %mul3A_418 : i32
      %get3A_420 = arith.constant 24 : i32
      %get3A_421 = arith.index_cast %get3A_420 : i32 to index
      %get3A_422 = arith.index_cast %mul3A_419 : i32 to index
      %get3A_423 = tpu.vector_load %arg12[%get3A_421, %get3A_422] {strides = array<i32>} : memref<32x512xf32, #tpu.memory_space<vmem>>, vector<16xf32>,
      %mul3A_424 = arith.mulf %get3A_423, %get3A_202 : vector<16xf32>
      %scatter3A_425 = arith.constant 49152 : i32
      %scatter3A_426 = tpu.memref_slice %arg13[%scatter3A_425] : memref<65536xf32, #tpu.memory_space<vmem>> -> memref<2048xf32, #tpu.memory_space<vmem>>
      tpu.vector_store_idx %scatter3A_426[%get3A_200], %mul3A_424 {add = true} : memref<2048xf32, #tpu.memory_space<vmem>>[vector<16xi32>], vector<16xf32>,
      %mul3A_427 = arith.constant 16 : i32
      %mul3A_428 = arith.muli %scan3A_195, %mul3A_427 : i32
      %get3A_429 = arith.constant 25 : i32
      %get3A_430 = arith.index_cast %get3A_429 : i32 to index
      %get3A_431 = arith.index_cast %mul3A_428 : i32 to index
      %get3A_432 = tpu.vector_load %arg12[%get3A_430, %get3A_431] {strides = array<i32>} : memref<32x512xf32, #tpu.memory_space<vmem>>, vector<16xf32>,
      %mul3A_433 = arith.mulf %get3A_432, %get3A_202 : vector<16xf32>
      %scatter3A_434 = arith.constant 51200 : i32
      %scatter3A_435 = tpu.memref_slice %arg13[%scatter3A_434] : memref<65536xf32, #tpu.memory_space<vmem>> -> memref<2048xf32, #tpu.memory_space<vmem>>
      tpu.vector_store_idx %scatter3A_435[%get3A_200], %mul3A_433 {add = true} : memref<2048xf32, #tpu.memory_space<vmem>>[vector<16xi32>], vector<16xf32>,
      %mul3A_436 = arith.constant 16 : i32
      %mul3A_437 = arith.muli %scan3A_195, %mul3A_436 : i32
      %get3A_438 = arith.constant 26 : i32
      %get3A_439 = arith.index_cast %get3A_438 : i32 to index
      %get3A_440 = arith.index_cast %mul3A_437 : i32 to index
      %get3A_441 = tpu.vector_load %arg12[%get3A_439, %get3A_440] {strides = array<i32>} : memref<32x512xf32, #tpu.memory_space<vmem>>, vector<16xf32>,
      %mul3A_442 = arith.mulf %get3A_441, %get3A_202 : vector<16xf32>
      %scatter3A_443 = arith.constant 53248 : i32
      %scatter3A_444 = tpu.memref_slice %arg13[%scatter3A_443] : memref<65536xf32, #tpu.memory_space<vmem>> -> memref<2048xf32, #tpu.memory_space<vmem>>
      tpu.vector_store_idx %scatter3A_444[%get3A_200], %mul3A_442 {add = true} : memref<2048xf32, #tpu.memory_space<vmem>>[vector<16xi32>], vector<16xf32>,
      %mul3A_445 = arith.constant 16 : i32
      %mul3A_446 = arith.muli %scan3A_195, %mul3A_445 : i32
      %get3A_447 = arith.constant 27 : i32
      %get3A_448 = arith.index_cast %get3A_447 : i32 to index
      %get3A_449 = arith.index_cast %mul3A_446 : i32 to index
      %get3A_450 = tpu.vector_load %arg12[%get3A_448, %get3A_449] {strides = array<i32>} : memref<32x512xf32, #tpu.memory_space<vmem>>, vector<16xf32>,
      %mul3A_451 = arith.mulf %get3A_450, %get3A_202 : vector<16xf32>
      %scatter3A_452 = arith.constant 55296 : i32
      %scatter3A_453 = tpu.memref_slice %arg13[%scatter3A_452] : memref<65536xf32, #tpu.memory_space<vmem>> -> memref<2048xf32, #tpu.memory_space<vmem>>
      tpu.vector_store_idx %scatter3A_453[%get3A_200], %mul3A_451 {add = true} : memref<2048xf32, #tpu.memory_space<vmem>>[vector<16xi32>], vector<16xf32>,
      %mul3A_454 = arith.constant 16 : i32
      %mul3A_455 = arith.muli %scan3A_195, %mul3A_454 : i32
      %get3A_456 = arith.constant 28 : i32
      %get3A_457 = arith.index_cast %get3A_456 : i32 to index
      %get3A_458 = arith.index_cast %mul3A_455 : i32 to index
      %get3A_459 = tpu.vector_load %arg12[%get3A_457, %get3A_458] {strides = array<i32>} : memref<32x512xf32, #tpu.memory_space<vmem>>, vector<16xf32>,
      %mul3A_460 = arith.mulf %get3A_459, %get3A_202 : vector<16xf32>
      %scatter3A_461 = arith.constant 57344 : i32
      %scatter3A_462 = tpu.memref_slice %arg13[%scatter3A_461] : memref<65536xf32, #tpu.memory_space<vmem>> -> memref<2048xf32, #tpu.memory_space<vmem>>
      tpu.vector_store_idx %scatter3A_462[%get3A_200], %mul3A_460 {add = true} : memref<2048xf32, #tpu.memory_space<vmem>>[vector<16xi32>], vector<16xf32>,
      %mul3A_463 = arith.constant 16 : i32
      %mul3A_464 = arith.muli %scan3A_195, %mul3A_463 : i32
      %get3A_465 = arith.constant 29 : i32
      %get3A_466 = arith.index_cast %get3A_465 : i32 to index
      %get3A_467 = arith.index_cast %mul3A_464 : i32 to index
      %get3A_468 = tpu.vector_load %arg12[%get3A_466, %get3A_467] {strides = array<i32>} : memref<32x512xf32, #tpu.memory_space<vmem>>, vector<16xf32>,
      %mul3A_469 = arith.mulf %get3A_468, %get3A_202 : vector<16xf32>
      %scatter3A_470 = arith.constant 59392 : i32
      %scatter3A_471 = tpu.memref_slice %arg13[%scatter3A_470] : memref<65536xf32, #tpu.memory_space<vmem>> -> memref<2048xf32, #tpu.memory_space<vmem>>
      tpu.vector_store_idx %scatter3A_471[%get3A_200], %mul3A_469 {add = true} : memref<2048xf32, #tpu.memory_space<vmem>>[vector<16xi32>], vector<16xf32>,
      %mul3A_472 = arith.constant 16 : i32
      %mul3A_473 = arith.muli %scan3A_195, %mul3A_472 : i32
      %get3A_474 = arith.constant 30 : i32
      %get3A_475 = arith.index_cast %get3A_474 : i32 to index
      %get3A_476 = arith.index_cast %mul3A_473 : i32 to index
      %get3A_477 = tpu.vector_load %arg12[%get3A_475, %get3A_476] {strides = array<i32>} : memref<32x512xf32, #tpu.memory_space<vmem>>, vector<16xf32>,
      %mul3A_478 = arith.mulf %get3A_477, %get3A_202 : vector<16xf32>
      %scatter3A_479 = arith.constant 61440 : i32
      %scatter3A_480 = tpu.memref_slice %arg13[%scatter3A_479] : memref<65536xf32, #tpu.memory_space<vmem>> -> memref<2048xf32, #tpu.memory_space<vmem>>
      tpu.vector_store_idx %scatter3A_480[%get3A_200], %mul3A_478 {add = true} : memref<2048xf32, #tpu.memory_space<vmem>>[vector<16xi32>], vector<16xf32>,
      %mul3A_481 = arith.constant 16 : i32
      %mul3A_482 = arith.muli %scan3A_195, %mul3A_481 : i32
      %get3A_483 = arith.constant 31 : i32
      %get3A_484 = arith.index_cast %get3A_483 : i32 to index
      %get3A_485 = arith.index_cast %mul3A_482 : i32 to index
      %get3A_486 = tpu.vector_load %arg12[%get3A_484, %get3A_485] {strides = array<i32>} : memref<32x512xf32, #tpu.memory_space<vmem>>, vector<16xf32>,
      %mul3A_487 = arith.mulf %get3A_486, %get3A_202 : vector<16xf32>
      %scatter3A_488 = arith.constant 63488 : i32
      %scatter3A_489 = tpu.memref_slice %arg13[%scatter3A_488] : memref<65536xf32, #tpu.memory_space<vmem>> -> memref<2048xf32, #tpu.memory_space<vmem>>
      tpu.vector_store_idx %scatter3A_489[%get3A_200], %mul3A_487 {add = true} : memref<2048xf32, #tpu.memory_space<vmem>>[vector<16xi32>], vector<16xf32>,
    }
    %scan3A_72 = arith.constant 32 : i32
    %mul3A_73 = arith.constant 4 : i32
    %mul3A_74 = arith.muli %arg0, %mul3A_73 : i32
    %add3A_75 = arith.constant 1 : i32
    %add3A_76 = arith.addi %mul3A_74, %add3A_75 : i32
    %dma_start3A_77 = arith.constant 512 : i32
    %dma_start3A_78 = tpu.memref_slice %arg2[%add3A_76, %mul3A_2, %dma_start3A_77] : memref<8x512x1024xf32, #tpu.memory_space<hbm>> -> memref<1x32x512xf32, #tpu.memory_space<hbm>>
    %dma_start3A_79 = tpu.memref_squeeze %dma_start3A_78 : memref<1x32x512xf32, #tpu.memory_space<hbm>> -> memref<32x512xf32, #tpu.memory_space<hbm>>
    %dma_start3A_80 = arith.constant 512 : i32
    %dma_start3A_81 = tpu.memref_slice %arg2[%add3A_76, %mul3A_2, %dma_start3A_80] : memref<8x512x1024xf32, #tpu.memory_space<hbm>> -> memref<1x32x512xf32, #tpu.memory_space<hbm>>
    %dma_start3A_82 = tpu.memref_squeeze %dma_start3A_81 : memref<1x32x512xf32, #tpu.memory_space<hbm>> -> memref<32x512xf32, #tpu.memory_space<hbm>>
    tpu.enqueue_dma source(%dma_start3A_82 : memref<32x512xf32, #tpu.memory_space<hbm>>) target(%arg12 : memref<32x512xf32, #tpu.memory_space<vmem>>) target_semaphore(%arg18 : memref<!tpu.dma_semaphore, #tpu.memory_space<semaphore_mem>>)
    %dma_wait3A_83 = arith.constant 0 : i32
    %dma_wait3A_84 = tpu.memref_slice %arg2[%add3A_54, %mul3A_2, %dma_wait3A_83] : memref<8x512x1024xf32, #tpu.memory_space<hbm>> -> memref<1x32x512xf32, #tpu.memory_space<hbm>>
    %dma_wait3A_85 = tpu.memref_squeeze %dma_wait3A_84 : memref<1x32x512xf32, #tpu.memory_space<hbm>> -> memref<32x512xf32, #tpu.memory_space<hbm>>
    %dma_wait3A_86 = arith.constant 0 : i32
    %dma_wait3A_87 = tpu.memref_slice %arg2[%add3A_54, %mul3A_2, %dma_wait3A_86] : memref<8x512x1024xf32, #tpu.memory_space<hbm>> -> memref<1x32x512xf32, #tpu.memory_space<hbm>>
    %dma_wait3A_88 = tpu.memref_squeeze %dma_wait3A_87 : memref<1x32x512xf32, #tpu.memory_space<hbm>> -> memref<32x512xf32, #tpu.memory_space<hbm>>
    tpu.wait_dma2 semaphore(%arg17 : memref<!tpu.dma_semaphore, #tpu.memory_space<semaphore_mem>>) src(%dma_wait3A_88 : memref<32x512xf32, #tpu.memory_space<hbm>>) dst(%arg11 : memref<32x512xf32, #tpu.memory_space<vmem>>)
    %scan3A_89 = arith.constant 0 : i32
    %scan3A_90 = arith.constant 0 : i32
    %scan3A_91 = arith.constant 32 : i32
    %scan3A_92 = arith.addi %scan3A_90, %scan3A_91 : i32
    %scan3A_93 = arith.constant 1 : i32
    scf.for %scan3A_195 = %scan3A_90 to %scan3A_92 step %scan3A_93  : i32 {
      %mul3A_196 = arith.constant 16 : i32
      %mul3A_197 = arith.muli %scan3A_195, %mul3A_196 : i32
      %add3A_198 = arith.constant 1024 : i32
      %add3A_199 = arith.addi %add3A_198, %mul3A_197 : i32
      %get3A = arith.index_cast %add3A_199 : i32 to index
      %get3A_200 = tpu.vector_load %arg8[%get3A] {strides = array<i32>} : memref<4096xi32, #tpu.memory_space<vmem>>, vector<16xi32>,
      %get3A_201 = arith.index_cast %add3A_199 : i32 to index
      %get3A_202 = tpu.vector_load %arg10[%get3A_201] {strides = array<i32>} : memref<4096xf32, #tpu.memory_space<vmem>>, vector<16xf32>,
      %mul3A_203 = arith.constant 16 : i32
      %mul3A_204 = arith.muli %scan3A_195, %mul3A_203 : i32
      %get3A_205 = arith.constant 0 : i32
      %get3A_206 = arith.index_cast %get3A_205 : i32 to index
      %get3A_207 = arith.index_cast %mul3A_204 : i32 to index
      %get3A_208 = tpu.vector_load %arg11[%get3A_206, %get3A_207] {strides = array<i32>} : memref<32x512xf32, #tpu.memory_space<vmem>>, vector<16xf32>,
      %mul3A_209 = arith.mulf %get3A_208, %get3A_202 : vector<16xf32>
      %scatter3A = arith.constant 0 : i32
      %scatter3A_210 = tpu.memref_slice %arg13[%scatter3A] : memref<65536xf32, #tpu.memory_space<vmem>> -> memref<2048xf32, #tpu.memory_space<vmem>>
      tpu.vector_store_idx %scatter3A_210[%get3A_200], %mul3A_209 {add = true} : memref<2048xf32, #tpu.memory_space<vmem>>[vector<16xi32>], vector<16xf32>,
      %mul3A_211 = arith.constant 16 : i32
      %mul3A_212 = arith.muli %scan3A_195, %mul3A_211 : i32
      %get3A_213 = arith.constant 1 : i32
      %get3A_214 = arith.index_cast %get3A_213 : i32 to index
      %get3A_215 = arith.index_cast %mul3A_212 : i32 to index
      %get3A_216 = tpu.vector_load %arg11[%get3A_214, %get3A_215] {strides = array<i32>} : memref<32x512xf32, #tpu.memory_space<vmem>>, vector<16xf32>,
      %mul3A_217 = arith.mulf %get3A_216, %get3A_202 : vector<16xf32>
      %scatter3A_218 = arith.constant 2048 : i32
      %scatter3A_219 = tpu.memref_slice %arg13[%scatter3A_218] : memref<65536xf32, #tpu.memory_space<vmem>> -> memref<2048xf32, #tpu.memory_space<vmem>>
      tpu.vector_store_idx %scatter3A_219[%get3A_200], %mul3A_217 {add = true} : memref<2048xf32, #tpu.memory_space<vmem>>[vector<16xi32>], vector<16xf32>,
      %mul3A_220 = arith.constant 16 : i32
      %mul3A_221 = arith.muli %scan3A_195, %mul3A_220 : i32
      %get3A_222 = arith.constant 2 : i32
      %get3A_223 = arith.index_cast %get3A_222 : i32 to index
      %get3A_224 = arith.index_cast %mul3A_221 : i32 to index
      %get3A_225 = tpu.vector_load %arg11[%get3A_223, %get3A_224] {strides = array<i32>} : memref<32x512xf32, #tpu.memory_space<vmem>>, vector<16xf32>,
      %mul3A_226 = arith.mulf %get3A_225, %get3A_202 : vector<16xf32>
      %scatter3A_227 = arith.constant 4096 : i32
      %scatter3A_228 = tpu.memref_slice %arg13[%scatter3A_227] : memref<65536xf32, #tpu.memory_space<vmem>> -> memref<2048xf32, #tpu.memory_space<vmem>>
      tpu.vector_store_idx %scatter3A_228[%get3A_200], %mul3A_226 {add = true} : memref<2048xf32, #tpu.memory_space<vmem>>[vector<16xi32>], vector<16xf32>,
      %mul3A_229 = arith.constant 16 : i32
      %mul3A_230 = arith.muli %scan3A_195, %mul3A_229 : i32
      %get3A_231 = arith.constant 3 : i32
      %get3A_232 = arith.index_cast %get3A_231 : i32 to index
      %get3A_233 = arith.index_cast %mul3A_230 : i32 to index
      %get3A_234 = tpu.vector_load %arg11[%get3A_232, %get3A_233] {strides = array<i32>} : memref<32x512xf32, #tpu.memory_space<vmem>>, vector<16xf32>,
      %mul3A_235 = arith.mulf %get3A_234, %get3A_202 : vector<16xf32>
      %scatter3A_236 = arith.constant 6144 : i32
      %scatter3A_237 = tpu.memref_slice %arg13[%scatter3A_236] : memref<65536xf32, #tpu.memory_space<vmem>> -> memref<2048xf32, #tpu.memory_space<vmem>>
      tpu.vector_store_idx %scatter3A_237[%get3A_200], %mul3A_235 {add = true} : memref<2048xf32, #tpu.memory_space<vmem>>[vector<16xi32>], vector<16xf32>,
      %mul3A_238 = arith.constant 16 : i32
      %mul3A_239 = arith.muli %scan3A_195, %mul3A_238 : i32
      %get3A_240 = arith.constant 4 : i32
      %get3A_241 = arith.index_cast %get3A_240 : i32 to index
      %get3A_242 = arith.index_cast %mul3A_239 : i32 to index
      %get3A_243 = tpu.vector_load %arg11[%get3A_241, %get3A_242] {strides = array<i32>} : memref<32x512xf32, #tpu.memory_space<vmem>>, vector<16xf32>,
      %mul3A_244 = arith.mulf %get3A_243, %get3A_202 : vector<16xf32>
      %scatter3A_245 = arith.constant 8192 : i32
      %scatter3A_246 = tpu.memref_slice %arg13[%scatter3A_245] : memref<65536xf32, #tpu.memory_space<vmem>> -> memref<2048xf32, #tpu.memory_space<vmem>>
      tpu.vector_store_idx %scatter3A_246[%get3A_200], %mul3A_244 {add = true} : memref<2048xf32, #tpu.memory_space<vmem>>[vector<16xi32>], vector<16xf32>,
      %mul3A_247 = arith.constant 16 : i32
      %mul3A_248 = arith.muli %scan3A_195, %mul3A_247 : i32
      %get3A_249 = arith.constant 5 : i32
      %get3A_250 = arith.index_cast %get3A_249 : i32 to index
      %get3A_251 = arith.index_cast %mul3A_248 : i32 to index
      %get3A_252 = tpu.vector_load %arg11[%get3A_250, %get3A_251] {strides = array<i32>} : memref<32x512xf32, #tpu.memory_space<vmem>>, vector<16xf32>,
      %mul3A_253 = arith.mulf %get3A_252, %get3A_202 : vector<16xf32>
      %scatter3A_254 = arith.constant 10240 : i32
      %scatter3A_255 = tpu.memref_slice %arg13[%scatter3A_254] : memref<65536xf32, #tpu.memory_space<vmem>> -> memref<2048xf32, #tpu.memory_space<vmem>>
      tpu.vector_store_idx %scatter3A_255[%get3A_200], %mul3A_253 {add = true} : memref<2048xf32, #tpu.memory_space<vmem>>[vector<16xi32>], vector<16xf32>,
      %mul3A_256 = arith.constant 16 : i32
      %mul3A_257 = arith.muli %scan3A_195, %mul3A_256 : i32
      %get3A_258 = arith.constant 6 : i32
      %get3A_259 = arith.index_cast %get3A_258 : i32 to index
      %get3A_260 = arith.index_cast %mul3A_257 : i32 to index
      %get3A_261 = tpu.vector_load %arg11[%get3A_259, %get3A_260] {strides = array<i32>} : memref<32x512xf32, #tpu.memory_space<vmem>>, vector<16xf32>,
      %mul3A_262 = arith.mulf %get3A_261, %get3A_202 : vector<16xf32>
      %scatter3A_263 = arith.constant 12288 : i32
      %scatter3A_264 = tpu.memref_slice %arg13[%scatter3A_263] : memref<65536xf32, #tpu.memory_space<vmem>> -> memref<2048xf32, #tpu.memory_space<vmem>>
      tpu.vector_store_idx %scatter3A_264[%get3A_200], %mul3A_262 {add = true} : memref<2048xf32, #tpu.memory_space<vmem>>[vector<16xi32>], vector<16xf32>,
      %mul3A_265 = arith.constant 16 : i32
      %mul3A_266 = arith.muli %scan3A_195, %mul3A_265 : i32
      %get3A_267 = arith.constant 7 : i32
      %get3A_268 = arith.index_cast %get3A_267 : i32 to index
      %get3A_269 = arith.index_cast %mul3A_266 : i32 to index
      %get3A_270 = tpu.vector_load %arg11[%get3A_268, %get3A_269] {strides = array<i32>} : memref<32x512xf32, #tpu.memory_space<vmem>>, vector<16xf32>,
      %mul3A_271 = arith.mulf %get3A_270, %get3A_202 : vector<16xf32>
      %scatter3A_272 = arith.constant 14336 : i32
      %scatter3A_273 = tpu.memref_slice %arg13[%scatter3A_272] : memref<65536xf32, #tpu.memory_space<vmem>> -> memref<2048xf32, #tpu.memory_space<vmem>>
      tpu.vector_store_idx %scatter3A_273[%get3A_200], %mul3A_271 {add = true} : memref<2048xf32, #tpu.memory_space<vmem>>[vector<16xi32>], vector<16xf32>,
      %mul3A_274 = arith.constant 16 : i32
      %mul3A_275 = arith.muli %scan3A_195, %mul3A_274 : i32
      %get3A_276 = arith.constant 8 : i32
      %get3A_277 = arith.index_cast %get3A_276 : i32 to index
      %get3A_278 = arith.index_cast %mul3A_275 : i32 to index
      %get3A_279 = tpu.vector_load %arg11[%get3A_277, %get3A_278] {strides = array<i32>} : memref<32x512xf32, #tpu.memory_space<vmem>>, vector<16xf32>,
      %mul3A_280 = arith.mulf %get3A_279, %get3A_202 : vector<16xf32>
      %scatter3A_281 = arith.constant 16384 : i32
      %scatter3A_282 = tpu.memref_slice %arg13[%scatter3A_281] : memref<65536xf32, #tpu.memory_space<vmem>> -> memref<2048xf32, #tpu.memory_space<vmem>>
      tpu.vector_store_idx %scatter3A_282[%get3A_200], %mul3A_280 {add = true} : memref<2048xf32, #tpu.memory_space<vmem>>[vector<16xi32>], vector<16xf32>,
      %mul3A_283 = arith.constant 16 : i32
      %mul3A_284 = arith.muli %scan3A_195, %mul3A_283 : i32
      %get3A_285 = arith.constant 9 : i32
      %get3A_286 = arith.index_cast %get3A_285 : i32 to index
      %get3A_287 = arith.index_cast %mul3A_284 : i32 to index
      %get3A_288 = tpu.vector_load %arg11[%get3A_286, %get3A_287] {strides = array<i32>} : memref<32x512xf32, #tpu.memory_space<vmem>>, vector<16xf32>,
      %mul3A_289 = arith.mulf %get3A_288, %get3A_202 : vector<16xf32>
      %scatter3A_290 = arith.constant 18432 : i32
      %scatter3A_291 = tpu.memref_slice %arg13[%scatter3A_290] : memref<65536xf32, #tpu.memory_space<vmem>> -> memref<2048xf32, #tpu.memory_space<vmem>>
      tpu.vector_store_idx %scatter3A_291[%get3A_200], %mul3A_289 {add = true} : memref<2048xf32, #tpu.memory_space<vmem>>[vector<16xi32>], vector<16xf32>,
      %mul3A_292 = arith.constant 16 : i32
      %mul3A_293 = arith.muli %scan3A_195, %mul3A_292 : i32
      %get3A_294 = arith.constant 10 : i32
      %get3A_295 = arith.index_cast %get3A_294 : i32 to index
      %get3A_296 = arith.index_cast %mul3A_293 : i32 to index
      %get3A_297 = tpu.vector_load %arg11[%get3A_295, %get3A_296] {strides = array<i32>} : memref<32x512xf32, #tpu.memory_space<vmem>>, vector<16xf32>,
      %mul3A_298 = arith.mulf %get3A_297, %get3A_202 : vector<16xf32>
      %scatter3A_299 = arith.constant 20480 : i32
      %scatter3A_300 = tpu.memref_slice %arg13[%scatter3A_299] : memref<65536xf32, #tpu.memory_space<vmem>> -> memref<2048xf32, #tpu.memory_space<vmem>>
      tpu.vector_store_idx %scatter3A_300[%get3A_200], %mul3A_298 {add = true} : memref<2048xf32, #tpu.memory_space<vmem>>[vector<16xi32>], vector<16xf32>,
      %mul3A_301 = arith.constant 16 : i32
      %mul3A_302 = arith.muli %scan3A_195, %mul3A_301 : i32
      %get3A_303 = arith.constant 11 : i32
      %get3A_304 = arith.index_cast %get3A_303 : i32 to index
      %get3A_305 = arith.index_cast %mul3A_302 : i32 to index
      %get3A_306 = tpu.vector_load %arg11[%get3A_304, %get3A_305] {strides = array<i32>} : memref<32x512xf32, #tpu.memory_space<vmem>>, vector<16xf32>,
      %mul3A_307 = arith.mulf %get3A_306, %get3A_202 : vector<16xf32>
      %scatter3A_308 = arith.constant 22528 : i32
      %scatter3A_309 = tpu.memref_slice %arg13[%scatter3A_308] : memref<65536xf32, #tpu.memory_space<vmem>> -> memref<2048xf32, #tpu.memory_space<vmem>>
      tpu.vector_store_idx %scatter3A_309[%get3A_200], %mul3A_307 {add = true} : memref<2048xf32, #tpu.memory_space<vmem>>[vector<16xi32>], vector<16xf32>,
      %mul3A_310 = arith.constant 16 : i32
      %mul3A_311 = arith.muli %scan3A_195, %mul3A_310 : i32
      %get3A_312 = arith.constant 12 : i32
      %get3A_313 = arith.index_cast %get3A_312 : i32 to index
      %get3A_314 = arith.index_cast %mul3A_311 : i32 to index
      %get3A_315 = tpu.vector_load %arg11[%get3A_313, %get3A_314] {strides = array<i32>} : memref<32x512xf32, #tpu.memory_space<vmem>>, vector<16xf32>,
      %mul3A_316 = arith.mulf %get3A_315, %get3A_202 : vector<16xf32>
      %scatter3A_317 = arith.constant 24576 : i32
      %scatter3A_318 = tpu.memref_slice %arg13[%scatter3A_317] : memref<65536xf32, #tpu.memory_space<vmem>> -> memref<2048xf32, #tpu.memory_space<vmem>>
      tpu.vector_store_idx %scatter3A_318[%get3A_200], %mul3A_316 {add = true} : memref<2048xf32, #tpu.memory_space<vmem>>[vector<16xi32>], vector<16xf32>,
      %mul3A_319 = arith.constant 16 : i32
      %mul3A_320 = arith.muli %scan3A_195, %mul3A_319 : i32
      %get3A_321 = arith.constant 13 : i32
      %get3A_322 = arith.index_cast %get3A_321 : i32 to index
      %get3A_323 = arith.index_cast %mul3A_320 : i32 to index
      %get3A_324 = tpu.vector_load %arg11[%get3A_322, %get3A_323] {strides = array<i32>} : memref<32x512xf32, #tpu.memory_space<vmem>>, vector<16xf32>,
      %mul3A_325 = arith.mulf %get3A_324, %get3A_202 : vector<16xf32>
      %scatter3A_326 = arith.constant 26624 : i32
      %scatter3A_327 = tpu.memref_slice %arg13[%scatter3A_326] : memref<65536xf32, #tpu.memory_space<vmem>> -> memref<2048xf32, #tpu.memory_space<vmem>>
      tpu.vector_store_idx %scatter3A_327[%get3A_200], %mul3A_325 {add = true} : memref<2048xf32, #tpu.memory_space<vmem>>[vector<16xi32>], vector<16xf32>,
      %mul3A_328 = arith.constant 16 : i32
      %mul3A_329 = arith.muli %scan3A_195, %mul3A_328 : i32
      %get3A_330 = arith.constant 14 : i32
      %get3A_331 = arith.index_cast %get3A_330 : i32 to index
      %get3A_332 = arith.index_cast %mul3A_329 : i32 to index
      %get3A_333 = tpu.vector_load %arg11[%get3A_331, %get3A_332] {strides = array<i32>} : memref<32x512xf32, #tpu.memory_space<vmem>>, vector<16xf32>,
      %mul3A_334 = arith.mulf %get3A_333, %get3A_202 : vector<16xf32>
      %scatter3A_335 = arith.constant 28672 : i32
      %scatter3A_336 = tpu.memref_slice %arg13[%scatter3A_335] : memref<65536xf32, #tpu.memory_space<vmem>> -> memref<2048xf32, #tpu.memory_space<vmem>>
      tpu.vector_store_idx %scatter3A_336[%get3A_200], %mul3A_334 {add = true} : memref<2048xf32, #tpu.memory_space<vmem>>[vector<16xi32>], vector<16xf32>,
      %mul3A_337 = arith.constant 16 : i32
      %mul3A_338 = arith.muli %scan3A_195, %mul3A_337 : i32
      %get3A_339 = arith.constant 15 : i32
      %get3A_340 = arith.index_cast %get3A_339 : i32 to index
      %get3A_341 = arith.index_cast %mul3A_338 : i32 to index
      %get3A_342 = tpu.vector_load %arg11[%get3A_340, %get3A_341] {strides = array<i32>} : memref<32x512xf32, #tpu.memory_space<vmem>>, vector<16xf32>,
      %mul3A_343 = arith.mulf %get3A_342, %get3A_202 : vector<16xf32>
      %scatter3A_344 = arith.constant 30720 : i32
      %scatter3A_345 = tpu.memref_slice %arg13[%scatter3A_344] : memref<65536xf32, #tpu.memory_space<vmem>> -> memref<2048xf32, #tpu.memory_space<vmem>>
      tpu.vector_store_idx %scatter3A_345[%get3A_200], %mul3A_343 {add = true} : memref<2048xf32, #tpu.memory_space<vmem>>[vector<16xi32>], vector<16xf32>,
      %mul3A_346 = arith.constant 16 : i32
      %mul3A_347 = arith.muli %scan3A_195, %mul3A_346 : i32
      %get3A_348 = arith.constant 16 : i32
      %get3A_349 = arith.index_cast %get3A_348 : i32 to index
      %get3A_350 = arith.index_cast %mul3A_347 : i32 to index
      %get3A_351 = tpu.vector_load %arg11[%get3A_349, %get3A_350] {strides = array<i32>} : memref<32x512xf32, #tpu.memory_space<vmem>>, vector<16xf32>,
      %mul3A_352 = arith.mulf %get3A_351, %get3A_202 : vector<16xf32>
      %scatter3A_353 = arith.constant 32768 : i32
      %scatter3A_354 = tpu.memref_slice %arg13[%scatter3A_353] : memref<65536xf32, #tpu.memory_space<vmem>> -> memref<2048xf32, #tpu.memory_space<vmem>>
      tpu.vector_store_idx %scatter3A_354[%get3A_200], %mul3A_352 {add = true} : memref<2048xf32, #tpu.memory_space<vmem>>[vector<16xi32>], vector<16xf32>,
      %mul3A_355 = arith.constant 16 : i32
      %mul3A_356 = arith.muli %scan3A_195, %mul3A_355 : i32
      %get3A_357 = arith.constant 17 : i32
      %get3A_358 = arith.index_cast %get3A_357 : i32 to index
      %get3A_359 = arith.index_cast %mul3A_356 : i32 to index
      %get3A_360 = tpu.vector_load %arg11[%get3A_358, %get3A_359] {strides = array<i32>} : memref<32x512xf32, #tpu.memory_space<vmem>>, vector<16xf32>,
      %mul3A_361 = arith.mulf %get3A_360, %get3A_202 : vector<16xf32>
      %scatter3A_362 = arith.constant 34816 : i32
      %scatter3A_363 = tpu.memref_slice %arg13[%scatter3A_362] : memref<65536xf32, #tpu.memory_space<vmem>> -> memref<2048xf32, #tpu.memory_space<vmem>>
      tpu.vector_store_idx %scatter3A_363[%get3A_200], %mul3A_361 {add = true} : memref<2048xf32, #tpu.memory_space<vmem>>[vector<16xi32>], vector<16xf32>,
      %mul3A_364 = arith.constant 16 : i32
      %mul3A_365 = arith.muli %scan3A_195, %mul3A_364 : i32
      %get3A_366 = arith.constant 18 : i32
      %get3A_367 = arith.index_cast %get3A_366 : i32 to index
      %get3A_368 = arith.index_cast %mul3A_365 : i32 to index
      %get3A_369 = tpu.vector_load %arg11[%get3A_367, %get3A_368] {strides = array<i32>} : memref<32x512xf32, #tpu.memory_space<vmem>>, vector<16xf32>,
      %mul3A_370 = arith.mulf %get3A_369, %get3A_202 : vector<16xf32>
      %scatter3A_371 = arith.constant 36864 : i32
      %scatter3A_372 = tpu.memref_slice %arg13[%scatter3A_371] : memref<65536xf32, #tpu.memory_space<vmem>> -> memref<2048xf32, #tpu.memory_space<vmem>>
      tpu.vector_store_idx %scatter3A_372[%get3A_200], %mul3A_370 {add = true} : memref<2048xf32, #tpu.memory_space<vmem>>[vector<16xi32>], vector<16xf32>,
      %mul3A_373 = arith.constant 16 : i32
      %mul3A_374 = arith.muli %scan3A_195, %mul3A_373 : i32
      %get3A_375 = arith.constant 19 : i32
      %get3A_376 = arith.index_cast %get3A_375 : i32 to index
      %get3A_377 = arith.index_cast %mul3A_374 : i32 to index
      %get3A_378 = tpu.vector_load %arg11[%get3A_376, %get3A_377] {strides = array<i32>} : memref<32x512xf32, #tpu.memory_space<vmem>>, vector<16xf32>,
      %mul3A_379 = arith.mulf %get3A_378, %get3A_202 : vector<16xf32>
      %scatter3A_380 = arith.constant 38912 : i32
      %scatter3A_381 = tpu.memref_slice %arg13[%scatter3A_380] : memref<65536xf32, #tpu.memory_space<vmem>> -> memref<2048xf32, #tpu.memory_space<vmem>>
      tpu.vector_store_idx %scatter3A_381[%get3A_200], %mul3A_379 {add = true} : memref<2048xf32, #tpu.memory_space<vmem>>[vector<16xi32>], vector<16xf32>,
      %mul3A_382 = arith.constant 16 : i32
      %mul3A_383 = arith.muli %scan3A_195, %mul3A_382 : i32
      %get3A_384 = arith.constant 20 : i32
      %get3A_385 = arith.index_cast %get3A_384 : i32 to index
      %get3A_386 = arith.index_cast %mul3A_383 : i32 to index
      %get3A_387 = tpu.vector_load %arg11[%get3A_385, %get3A_386] {strides = array<i32>} : memref<32x512xf32, #tpu.memory_space<vmem>>, vector<16xf32>,
      %mul3A_388 = arith.mulf %get3A_387, %get3A_202 : vector<16xf32>
      %scatter3A_389 = arith.constant 40960 : i32
      %scatter3A_390 = tpu.memref_slice %arg13[%scatter3A_389] : memref<65536xf32, #tpu.memory_space<vmem>> -> memref<2048xf32, #tpu.memory_space<vmem>>
      tpu.vector_store_idx %scatter3A_390[%get3A_200], %mul3A_388 {add = true} : memref<2048xf32, #tpu.memory_space<vmem>>[vector<16xi32>], vector<16xf32>,
      %mul3A_391 = arith.constant 16 : i32
      %mul3A_392 = arith.muli %scan3A_195, %mul3A_391 : i32
      %get3A_393 = arith.constant 21 : i32
      %get3A_394 = arith.index_cast %get3A_393 : i32 to index
      %get3A_395 = arith.index_cast %mul3A_392 : i32 to index
      %get3A_396 = tpu.vector_load %arg11[%get3A_394, %get3A_395] {strides = array<i32>} : memref<32x512xf32, #tpu.memory_space<vmem>>, vector<16xf32>,
      %mul3A_397 = arith.mulf %get3A_396, %get3A_202 : vector<16xf32>
      %scatter3A_398 = arith.constant 43008 : i32
      %scatter3A_399 = tpu.memref_slice %arg13[%scatter3A_398] : memref<65536xf32, #tpu.memory_space<vmem>> -> memref<2048xf32, #tpu.memory_space<vmem>>
      tpu.vector_store_idx %scatter3A_399[%get3A_200], %mul3A_397 {add = true} : memref<2048xf32, #tpu.memory_space<vmem>>[vector<16xi32>], vector<16xf32>,
      %mul3A_400 = arith.constant 16 : i32
      %mul3A_401 = arith.muli %scan3A_195, %mul3A_400 : i32
      %get3A_402 = arith.constant 22 : i32
      %get3A_403 = arith.index_cast %get3A_402 : i32 to index
      %get3A_404 = arith.index_cast %mul3A_401 : i32 to index
      %get3A_405 = tpu.vector_load %arg11[%get3A_403, %get3A_404] {strides = array<i32>} : memref<32x512xf32, #tpu.memory_space<vmem>>, vector<16xf32>,
      %mul3A_406 = arith.mulf %get3A_405, %get3A_202 : vector<16xf32>
      %scatter3A_407 = arith.constant 45056 : i32
      %scatter3A_408 = tpu.memref_slice %arg13[%scatter3A_407] : memref<65536xf32, #tpu.memory_space<vmem>> -> memref<2048xf32, #tpu.memory_space<vmem>>
      tpu.vector_store_idx %scatter3A_408[%get3A_200], %mul3A_406 {add = true} : memref<2048xf32, #tpu.memory_space<vmem>>[vector<16xi32>], vector<16xf32>,
      %mul3A_409 = arith.constant 16 : i32
      %mul3A_410 = arith.muli %scan3A_195, %mul3A_409 : i32
      %get3A_411 = arith.constant 23 : i32
      %get3A_412 = arith.index_cast %get3A_411 : i32 to index
      %get3A_413 = arith.index_cast %mul3A_410 : i32 to index
      %get3A_414 = tpu.vector_load %arg11[%get3A_412, %get3A_413] {strides = array<i32>} : memref<32x512xf32, #tpu.memory_space<vmem>>, vector<16xf32>,
      %mul3A_415 = arith.mulf %get3A_414, %get3A_202 : vector<16xf32>
      %scatter3A_416 = arith.constant 47104 : i32
      %scatter3A_417 = tpu.memref_slice %arg13[%scatter3A_416] : memref<65536xf32, #tpu.memory_space<vmem>> -> memref<2048xf32, #tpu.memory_space<vmem>>
      tpu.vector_store_idx %scatter3A_417[%get3A_200], %mul3A_415 {add = true} : memref<2048xf32, #tpu.memory_space<vmem>>[vector<16xi32>], vector<16xf32>,
      %mul3A_418 = arith.constant 16 : i32
      %mul3A_419 = arith.muli %scan3A_195, %mul3A_418 : i32
      %get3A_420 = arith.constant 24 : i32
      %get3A_421 = arith.index_cast %get3A_420 : i32 to index
      %get3A_422 = arith.index_cast %mul3A_419 : i32 to index
      %get3A_423 = tpu.vector_load %arg11[%get3A_421, %get3A_422] {strides = array<i32>} : memref<32x512xf32, #tpu.memory_space<vmem>>, vector<16xf32>,
      %mul3A_424 = arith.mulf %get3A_423, %get3A_202 : vector<16xf32>
      %scatter3A_425 = arith.constant 49152 : i32
      %scatter3A_426 = tpu.memref_slice %arg13[%scatter3A_425] : memref<65536xf32, #tpu.memory_space<vmem>> -> memref<2048xf32, #tpu.memory_space<vmem>>
      tpu.vector_store_idx %scatter3A_426[%get3A_200], %mul3A_424 {add = true} : memref<2048xf32, #tpu.memory_space<vmem>>[vector<16xi32>], vector<16xf32>,
      %mul3A_427 = arith.constant 16 : i32
      %mul3A_428 = arith.muli %scan3A_195, %mul3A_427 : i32
      %get3A_429 = arith.constant 25 : i32
      %get3A_430 = arith.index_cast %get3A_429 : i32 to index
      %get3A_431 = arith.index_cast %mul3A_428 : i32 to index
      %get3A_432 = tpu.vector_load %arg11[%get3A_430, %get3A_431] {strides = array<i32>} : memref<32x512xf32, #tpu.memory_space<vmem>>, vector<16xf32>,
      %mul3A_433 = arith.mulf %get3A_432, %get3A_202 : vector<16xf32>
      %scatter3A_434 = arith.constant 51200 : i32
      %scatter3A_435 = tpu.memref_slice %arg13[%scatter3A_434] : memref<65536xf32, #tpu.memory_space<vmem>> -> memref<2048xf32, #tpu.memory_space<vmem>>
      tpu.vector_store_idx %scatter3A_435[%get3A_200], %mul3A_433 {add = true} : memref<2048xf32, #tpu.memory_space<vmem>>[vector<16xi32>], vector<16xf32>,
      %mul3A_436 = arith.constant 16 : i32
      %mul3A_437 = arith.muli %scan3A_195, %mul3A_436 : i32
      %get3A_438 = arith.constant 26 : i32
      %get3A_439 = arith.index_cast %get3A_438 : i32 to index
      %get3A_440 = arith.index_cast %mul3A_437 : i32 to index
      %get3A_441 = tpu.vector_load %arg11[%get3A_439, %get3A_440] {strides = array<i32>} : memref<32x512xf32, #tpu.memory_space<vmem>>, vector<16xf32>,
      %mul3A_442 = arith.mulf %get3A_441, %get3A_202 : vector<16xf32>
      %scatter3A_443 = arith.constant 53248 : i32
      %scatter3A_444 = tpu.memref_slice %arg13[%scatter3A_443] : memref<65536xf32, #tpu.memory_space<vmem>> -> memref<2048xf32, #tpu.memory_space<vmem>>
      tpu.vector_store_idx %scatter3A_444[%get3A_200], %mul3A_442 {add = true} : memref<2048xf32, #tpu.memory_space<vmem>>[vector<16xi32>], vector<16xf32>,
      %mul3A_445 = arith.constant 16 : i32
      %mul3A_446 = arith.muli %scan3A_195, %mul3A_445 : i32
      %get3A_447 = arith.constant 27 : i32
      %get3A_448 = arith.index_cast %get3A_447 : i32 to index
      %get3A_449 = arith.index_cast %mul3A_446 : i32 to index
      %get3A_450 = tpu.vector_load %arg11[%get3A_448, %get3A_449] {strides = array<i32>} : memref<32x512xf32, #tpu.memory_space<vmem>>, vector<16xf32>,
      %mul3A_451 = arith.mulf %get3A_450, %get3A_202 : vector<16xf32>
      %scatter3A_452 = arith.constant 55296 : i32
      %scatter3A_453 = tpu.memref_slice %arg13[%scatter3A_452] : memref<65536xf32, #tpu.memory_space<vmem>> -> memref<2048xf32, #tpu.memory_space<vmem>>
      tpu.vector_store_idx %scatter3A_453[%get3A_200], %mul3A_451 {add = true} : memref<2048xf32, #tpu.memory_space<vmem>>[vector<16xi32>], vector<16xf32>,
      %mul3A_454 = arith.constant 16 : i32
      %mul3A_455 = arith.muli %scan3A_195, %mul3A_454 : i32
      %get3A_456 = arith.constant 28 : i32
      %get3A_457 = arith.index_cast %get3A_456 : i32 to index
      %get3A_458 = arith.index_cast %mul3A_455 : i32 to index
      %get3A_459 = tpu.vector_load %arg11[%get3A_457, %get3A_458] {strides = array<i32>} : memref<32x512xf32, #tpu.memory_space<vmem>>, vector<16xf32>,
      %mul3A_460 = arith.mulf %get3A_459, %get3A_202 : vector<16xf32>
      %scatter3A_461 = arith.constant 57344 : i32
      %scatter3A_462 = tpu.memref_slice %arg13[%scatter3A_461] : memref<65536xf32, #tpu.memory_space<vmem>> -> memref<2048xf32, #tpu.memory_space<vmem>>
      tpu.vector_store_idx %scatter3A_462[%get3A_200], %mul3A_460 {add = true} : memref<2048xf32, #tpu.memory_space<vmem>>[vector<16xi32>], vector<16xf32>,
      %mul3A_463 = arith.constant 16 : i32
      %mul3A_464 = arith.muli %scan3A_195, %mul3A_463 : i32
      %get3A_465 = arith.constant 29 : i32
      %get3A_466 = arith.index_cast %get3A_465 : i32 to index
      %get3A_467 = arith.index_cast %mul3A_464 : i32 to index
      %get3A_468 = tpu.vector_load %arg11[%get3A_466, %get3A_467] {strides = array<i32>} : memref<32x512xf32, #tpu.memory_space<vmem>>, vector<16xf32>,
      %mul3A_469 = arith.mulf %get3A_468, %get3A_202 : vector<16xf32>
      %scatter3A_470 = arith.constant 59392 : i32
      %scatter3A_471 = tpu.memref_slice %arg13[%scatter3A_470] : memref<65536xf32, #tpu.memory_space<vmem>> -> memref<2048xf32, #tpu.memory_space<vmem>>
      tpu.vector_store_idx %scatter3A_471[%get3A_200], %mul3A_469 {add = true} : memref<2048xf32, #tpu.memory_space<vmem>>[vector<16xi32>], vector<16xf32>,
      %mul3A_472 = arith.constant 16 : i32
      %mul3A_473 = arith.muli %scan3A_195, %mul3A_472 : i32
      %get3A_474 = arith.constant 30 : i32
      %get3A_475 = arith.index_cast %get3A_474 : i32 to index
      %get3A_476 = arith.index_cast %mul3A_473 : i32 to index
      %get3A_477 = tpu.vector_load %arg11[%get3A_475, %get3A_476] {strides = array<i32>} : memref<32x512xf32, #tpu.memory_space<vmem>>, vector<16xf32>,
      %mul3A_478 = arith.mulf %get3A_477, %get3A_202 : vector<16xf32>
      %scatter3A_479 = arith.constant 61440 : i32
      %scatter3A_480 = tpu.memref_slice %arg13[%scatter3A_479] : memref<65536xf32, #tpu.memory_space<vmem>> -> memref<2048xf32, #tpu.memory_space<vmem>>
      tpu.vector_store_idx %scatter3A_480[%get3A_200], %mul3A_478 {add = true} : memref<2048xf32, #tpu.memory_space<vmem>>[vector<16xi32>], vector<16xf32>,
      %mul3A_481 = arith.constant 16 : i32
      %mul3A_482 = arith.muli %scan3A_195, %mul3A_481 : i32
      %get3A_483 = arith.constant 31 : i32
      %get3A_484 = arith.index_cast %get3A_483 : i32 to index
      %get3A_485 = arith.index_cast %mul3A_482 : i32 to index
      %get3A_486 = tpu.vector_load %arg11[%get3A_484, %get3A_485] {strides = array<i32>} : memref<32x512xf32, #tpu.memory_space<vmem>>, vector<16xf32>,
      %mul3A_487 = arith.mulf %get3A_486, %get3A_202 : vector<16xf32>
      %scatter3A_488 = arith.constant 63488 : i32
      %scatter3A_489 = tpu.memref_slice %arg13[%scatter3A_488] : memref<65536xf32, #tpu.memory_space<vmem>> -> memref<2048xf32, #tpu.memory_space<vmem>>
      tpu.vector_store_idx %scatter3A_489[%get3A_200], %mul3A_487 {add = true} : memref<2048xf32, #tpu.memory_space<vmem>>[vector<16xi32>], vector<16xf32>,
    }
    %scan3A_94 = arith.constant 32 : i32
    %mul3A_95 = arith.constant 4 : i32
    %mul3A_96 = arith.muli %arg0, %mul3A_95 : i32
    %add3A_97 = arith.constant 2 : i32
    %add3A_98 = arith.addi %mul3A_96, %add3A_97 : i32
    %dma_start3A_99 = arith.constant 0 : i32
    %dma_start3A_100 = tpu.memref_slice %arg2[%add3A_98, %mul3A_2, %dma_start3A_99] : memref<8x512x1024xf32, #tpu.memory_space<hbm>> -> memref<1x32x512xf32, #tpu.memory_space<hbm>>
    %dma_start3A_101 = tpu.memref_squeeze %dma_start3A_100 : memref<1x32x512xf32, #tpu.memory_space<hbm>> -> memref<32x512xf32, #tpu.memory_space<hbm>>
    %dma_start3A_102 = arith.constant 0 : i32
    %dma_start3A_103 = tpu.memref_slice %arg2[%add3A_98, %mul3A_2, %dma_start3A_102] : memref<8x512x1024xf32, #tpu.memory_space<hbm>> -> memref<1x32x512xf32, #tpu.memory_space<hbm>>
    %dma_start3A_104 = tpu.memref_squeeze %dma_start3A_103 : memref<1x32x512xf32, #tpu.memory_space<hbm>> -> memref<32x512xf32, #tpu.memory_space<hbm>>
    tpu.enqueue_dma source(%dma_start3A_104 : memref<32x512xf32, #tpu.memory_space<hbm>>) target(%arg11 : memref<32x512xf32, #tpu.memory_space<vmem>>) target_semaphore(%arg17 : memref<!tpu.dma_semaphore, #tpu.memory_space<semaphore_mem>>)
    %dma_wait3A_105 = arith.constant 512 : i32
    %dma_wait3A_106 = tpu.memref_slice %arg2[%add3A_76, %mul3A_2, %dma_wait3A_105] : memref<8x512x1024xf32, #tpu.memory_space<hbm>> -> memref<1x32x512xf32, #tpu.memory_space<hbm>>
    %dma_wait3A_107 = tpu.memref_squeeze %dma_wait3A_106 : memref<1x32x512xf32, #tpu.memory_space<hbm>> -> memref<32x512xf32, #tpu.memory_space<hbm>>
    %dma_wait3A_108 = arith.constant 512 : i32
    %dma_wait3A_109 = tpu.memref_slice %arg2[%add3A_76, %mul3A_2, %dma_wait3A_108] : memref<8x512x1024xf32, #tpu.memory_space<hbm>> -> memref<1x32x512xf32, #tpu.memory_space<hbm>>
    %dma_wait3A_110 = tpu.memref_squeeze %dma_wait3A_109 : memref<1x32x512xf32, #tpu.memory_space<hbm>> -> memref<32x512xf32, #tpu.memory_space<hbm>>
    tpu.wait_dma2 semaphore(%arg18 : memref<!tpu.dma_semaphore, #tpu.memory_space<semaphore_mem>>) src(%dma_wait3A_110 : memref<32x512xf32, #tpu.memory_space<hbm>>) dst(%arg12 : memref<32x512xf32, #tpu.memory_space<vmem>>)
    %scan3A_111 = arith.constant 0 : i32
    %scan3A_112 = arith.constant 0 : i32
    %scan3A_113 = arith.constant 32 : i32
    %scan3A_114 = arith.addi %scan3A_112, %scan3A_113 : i32
    %scan3A_115 = arith.constant 1 : i32
    scf.for %scan3A_195 = %scan3A_112 to %scan3A_114 step %scan3A_115  : i32 {
      %mul3A_196 = arith.constant 16 : i32
      %mul3A_197 = arith.muli %scan3A_195, %mul3A_196 : i32
      %add3A_198 = arith.constant 1536 : i32
      %add3A_199 = arith.addi %add3A_198, %mul3A_197 : i32
      %get3A = arith.index_cast %add3A_199 : i32 to index
      %get3A_200 = tpu.vector_load %arg8[%get3A] {strides = array<i32>} : memref<4096xi32, #tpu.memory_space<vmem>>, vector<16xi32>,
      %get3A_201 = arith.index_cast %add3A_199 : i32 to index
      %get3A_202 = tpu.vector_load %arg10[%get3A_201] {strides = array<i32>} : memref<4096xf32, #tpu.memory_space<vmem>>, vector<16xf32>,
      %mul3A_203 = arith.constant 16 : i32
      %mul3A_204 = arith.muli %scan3A_195, %mul3A_203 : i32
      %get3A_205 = arith.constant 0 : i32
      %get3A_206 = arith.index_cast %get3A_205 : i32 to index
      %get3A_207 = arith.index_cast %mul3A_204 : i32 to index
      %get3A_208 = tpu.vector_load %arg12[%get3A_206, %get3A_207] {strides = array<i32>} : memref<32x512xf32, #tpu.memory_space<vmem>>, vector<16xf32>,
      %mul3A_209 = arith.mulf %get3A_208, %get3A_202 : vector<16xf32>
      %scatter3A = arith.constant 0 : i32
      %scatter3A_210 = tpu.memref_slice %arg13[%scatter3A] : memref<65536xf32, #tpu.memory_space<vmem>> -> memref<2048xf32, #tpu.memory_space<vmem>>
      tpu.vector_store_idx %scatter3A_210[%get3A_200], %mul3A_209 {add = true} : memref<2048xf32, #tpu.memory_space<vmem>>[vector<16xi32>], vector<16xf32>,
      %mul3A_211 = arith.constant 16 : i32
      %mul3A_212 = arith.muli %scan3A_195, %mul3A_211 : i32
      %get3A_213 = arith.constant 1 : i32
      %get3A_214 = arith.index_cast %get3A_213 : i32 to index
      %get3A_215 = arith.index_cast %mul3A_212 : i32 to index
      %get3A_216 = tpu.vector_load %arg12[%get3A_214, %get3A_215] {strides = array<i32>} : memref<32x512xf32, #tpu.memory_space<vmem>>, vector<16xf32>,
      %mul3A_217 = arith.mulf %get3A_216, %get3A_202 : vector<16xf32>
      %scatter3A_218 = arith.constant 2048 : i32
      %scatter3A_219 = tpu.memref_slice %arg13[%scatter3A_218] : memref<65536xf32, #tpu.memory_space<vmem>> -> memref<2048xf32, #tpu.memory_space<vmem>>
      tpu.vector_store_idx %scatter3A_219[%get3A_200], %mul3A_217 {add = true} : memref<2048xf32, #tpu.memory_space<vmem>>[vector<16xi32>], vector<16xf32>,
      %mul3A_220 = arith.constant 16 : i32
      %mul3A_221 = arith.muli %scan3A_195, %mul3A_220 : i32
      %get3A_222 = arith.constant 2 : i32
      %get3A_223 = arith.index_cast %get3A_222 : i32 to index
      %get3A_224 = arith.index_cast %mul3A_221 : i32 to index
      %get3A_225 = tpu.vector_load %arg12[%get3A_223, %get3A_224] {strides = array<i32>} : memref<32x512xf32, #tpu.memory_space<vmem>>, vector<16xf32>,
      %mul3A_226 = arith.mulf %get3A_225, %get3A_202 : vector<16xf32>
      %scatter3A_227 = arith.constant 4096 : i32
      %scatter3A_228 = tpu.memref_slice %arg13[%scatter3A_227] : memref<65536xf32, #tpu.memory_space<vmem>> -> memref<2048xf32, #tpu.memory_space<vmem>>
      tpu.vector_store_idx %scatter3A_228[%get3A_200], %mul3A_226 {add = true} : memref<2048xf32, #tpu.memory_space<vmem>>[vector<16xi32>], vector<16xf32>,
      %mul3A_229 = arith.constant 16 : i32
      %mul3A_230 = arith.muli %scan3A_195, %mul3A_229 : i32
      %get3A_231 = arith.constant 3 : i32
      %get3A_232 = arith.index_cast %get3A_231 : i32 to index
      %get3A_233 = arith.index_cast %mul3A_230 : i32 to index
      %get3A_234 = tpu.vector_load %arg12[%get3A_232, %get3A_233] {strides = array<i32>} : memref<32x512xf32, #tpu.memory_space<vmem>>, vector<16xf32>,
      %mul3A_235 = arith.mulf %get3A_234, %get3A_202 : vector<16xf32>
      %scatter3A_236 = arith.constant 6144 : i32
      %scatter3A_237 = tpu.memref_slice %arg13[%scatter3A_236] : memref<65536xf32, #tpu.memory_space<vmem>> -> memref<2048xf32, #tpu.memory_space<vmem>>
      tpu.vector_store_idx %scatter3A_237[%get3A_200], %mul3A_235 {add = true} : memref<2048xf32, #tpu.memory_space<vmem>>[vector<16xi32>], vector<16xf32>,
      %mul3A_238 = arith.constant 16 : i32
      %mul3A_239 = arith.muli %scan3A_195, %mul3A_238 : i32
      %get3A_240 = arith.constant 4 : i32
      %get3A_241 = arith.index_cast %get3A_240 : i32 to index
      %get3A_242 = arith.index_cast %mul3A_239 : i32 to index
      %get3A_243 = tpu.vector_load %arg12[%get3A_241, %get3A_242] {strides = array<i32>} : memref<32x512xf32, #tpu.memory_space<vmem>>, vector<16xf32>,
      %mul3A_244 = arith.mulf %get3A_243, %get3A_202 : vector<16xf32>
      %scatter3A_245 = arith.constant 8192 : i32
      %scatter3A_246 = tpu.memref_slice %arg13[%scatter3A_245] : memref<65536xf32, #tpu.memory_space<vmem>> -> memref<2048xf32, #tpu.memory_space<vmem>>
      tpu.vector_store_idx %scatter3A_246[%get3A_200], %mul3A_244 {add = true} : memref<2048xf32, #tpu.memory_space<vmem>>[vector<16xi32>], vector<16xf32>,
      %mul3A_247 = arith.constant 16 : i32
      %mul3A_248 = arith.muli %scan3A_195, %mul3A_247 : i32
      %get3A_249 = arith.constant 5 : i32
      %get3A_250 = arith.index_cast %get3A_249 : i32 to index
      %get3A_251 = arith.index_cast %mul3A_248 : i32 to index
      %get3A_252 = tpu.vector_load %arg12[%get3A_250, %get3A_251] {strides = array<i32>} : memref<32x512xf32, #tpu.memory_space<vmem>>, vector<16xf32>,
      %mul3A_253 = arith.mulf %get3A_252, %get3A_202 : vector<16xf32>
      %scatter3A_254 = arith.constant 10240 : i32
      %scatter3A_255 = tpu.memref_slice %arg13[%scatter3A_254] : memref<65536xf32, #tpu.memory_space<vmem>> -> memref<2048xf32, #tpu.memory_space<vmem>>
      tpu.vector_store_idx %scatter3A_255[%get3A_200], %mul3A_253 {add = true} : memref<2048xf32, #tpu.memory_space<vmem>>[vector<16xi32>], vector<16xf32>,
      %mul3A_256 = arith.constant 16 : i32
      %mul3A_257 = arith.muli %scan3A_195, %mul3A_256 : i32
      %get3A_258 = arith.constant 6 : i32
      %get3A_259 = arith.index_cast %get3A_258 : i32 to index
      %get3A_260 = arith.index_cast %mul3A_257 : i32 to index
      %get3A_261 = tpu.vector_load %arg12[%get3A_259, %get3A_260] {strides = array<i32>} : memref<32x512xf32, #tpu.memory_space<vmem>>, vector<16xf32>,
      %mul3A_262 = arith.mulf %get3A_261, %get3A_202 : vector<16xf32>
      %scatter3A_263 = arith.constant 12288 : i32
      %scatter3A_264 = tpu.memref_slice %arg13[%scatter3A_263] : memref<65536xf32, #tpu.memory_space<vmem>> -> memref<2048xf32, #tpu.memory_space<vmem>>
      tpu.vector_store_idx %scatter3A_264[%get3A_200], %mul3A_262 {add = true} : memref<2048xf32, #tpu.memory_space<vmem>>[vector<16xi32>], vector<16xf32>,
      %mul3A_265 = arith.constant 16 : i32
      %mul3A_266 = arith.muli %scan3A_195, %mul3A_265 : i32
      %get3A_267 = arith.constant 7 : i32
      %get3A_268 = arith.index_cast %get3A_267 : i32 to index
      %get3A_269 = arith.index_cast %mul3A_266 : i32 to index
      %get3A_270 = tpu.vector_load %arg12[%get3A_268, %get3A_269] {strides = array<i32>} : memref<32x512xf32, #tpu.memory_space<vmem>>, vector<16xf32>,
      %mul3A_271 = arith.mulf %get3A_270, %get3A_202 : vector<16xf32>
      %scatter3A_272 = arith.constant 14336 : i32
      %scatter3A_273 = tpu.memref_slice %arg13[%scatter3A_272] : memref<65536xf32, #tpu.memory_space<vmem>> -> memref<2048xf32, #tpu.memory_space<vmem>>
      tpu.vector_store_idx %scatter3A_273[%get3A_200], %mul3A_271 {add = true} : memref<2048xf32, #tpu.memory_space<vmem>>[vector<16xi32>], vector<16xf32>,
      %mul3A_274 = arith.constant 16 : i32
      %mul3A_275 = arith.muli %scan3A_195, %mul3A_274 : i32
      %get3A_276 = arith.constant 8 : i32
      %get3A_277 = arith.index_cast %get3A_276 : i32 to index
      %get3A_278 = arith.index_cast %mul3A_275 : i32 to index
      %get3A_279 = tpu.vector_load %arg12[%get3A_277, %get3A_278] {strides = array<i32>} : memref<32x512xf32, #tpu.memory_space<vmem>>, vector<16xf32>,
      %mul3A_280 = arith.mulf %get3A_279, %get3A_202 : vector<16xf32>
      %scatter3A_281 = arith.constant 16384 : i32
      %scatter3A_282 = tpu.memref_slice %arg13[%scatter3A_281] : memref<65536xf32, #tpu.memory_space<vmem>> -> memref<2048xf32, #tpu.memory_space<vmem>>
      tpu.vector_store_idx %scatter3A_282[%get3A_200], %mul3A_280 {add = true} : memref<2048xf32, #tpu.memory_space<vmem>>[vector<16xi32>], vector<16xf32>,
      %mul3A_283 = arith.constant 16 : i32
      %mul3A_284 = arith.muli %scan3A_195, %mul3A_283 : i32
      %get3A_285 = arith.constant 9 : i32
      %get3A_286 = arith.index_cast %get3A_285 : i32 to index
      %get3A_287 = arith.index_cast %mul3A_284 : i32 to index
      %get3A_288 = tpu.vector_load %arg12[%get3A_286, %get3A_287] {strides = array<i32>} : memref<32x512xf32, #tpu.memory_space<vmem>>, vector<16xf32>,
      %mul3A_289 = arith.mulf %get3A_288, %get3A_202 : vector<16xf32>
      %scatter3A_290 = arith.constant 18432 : i32
      %scatter3A_291 = tpu.memref_slice %arg13[%scatter3A_290] : memref<65536xf32, #tpu.memory_space<vmem>> -> memref<2048xf32, #tpu.memory_space<vmem>>
      tpu.vector_store_idx %scatter3A_291[%get3A_200], %mul3A_289 {add = true} : memref<2048xf32, #tpu.memory_space<vmem>>[vector<16xi32>], vector<16xf32>,
      %mul3A_292 = arith.constant 16 : i32
      %mul3A_293 = arith.muli %scan3A_195, %mul3A_292 : i32
      %get3A_294 = arith.constant 10 : i32
      %get3A_295 = arith.index_cast %get3A_294 : i32 to index
      %get3A_296 = arith.index_cast %mul3A_293 : i32 to index
      %get3A_297 = tpu.vector_load %arg12[%get3A_295, %get3A_296] {strides = array<i32>} : memref<32x512xf32, #tpu.memory_space<vmem>>, vector<16xf32>,
      %mul3A_298 = arith.mulf %get3A_297, %get3A_202 : vector<16xf32>
      %scatter3A_299 = arith.constant 20480 : i32
      %scatter3A_300 = tpu.memref_slice %arg13[%scatter3A_299] : memref<65536xf32, #tpu.memory_space<vmem>> -> memref<2048xf32, #tpu.memory_space<vmem>>
      tpu.vector_store_idx %scatter3A_300[%get3A_200], %mul3A_298 {add = true} : memref<2048xf32, #tpu.memory_space<vmem>>[vector<16xi32>], vector<16xf32>,
      %mul3A_301 = arith.constant 16 : i32
      %mul3A_302 = arith.muli %scan3A_195, %mul3A_301 : i32
      %get3A_303 = arith.constant 11 : i32
      %get3A_304 = arith.index_cast %get3A_303 : i32 to index
      %get3A_305 = arith.index_cast %mul3A_302 : i32 to index
      %get3A_306 = tpu.vector_load %arg12[%get3A_304, %get3A_305] {strides = array<i32>} : memref<32x512xf32, #tpu.memory_space<vmem>>, vector<16xf32>,
      %mul3A_307 = arith.mulf %get3A_306, %get3A_202 : vector<16xf32>
      %scatter3A_308 = arith.constant 22528 : i32
      %scatter3A_309 = tpu.memref_slice %arg13[%scatter3A_308] : memref<65536xf32, #tpu.memory_space<vmem>> -> memref<2048xf32, #tpu.memory_space<vmem>>
      tpu.vector_store_idx %scatter3A_309[%get3A_200], %mul3A_307 {add = true} : memref<2048xf32, #tpu.memory_space<vmem>>[vector<16xi32>], vector<16xf32>,
      %mul3A_310 = arith.constant 16 : i32
      %mul3A_311 = arith.muli %scan3A_195, %mul3A_310 : i32
      %get3A_312 = arith.constant 12 : i32
      %get3A_313 = arith.index_cast %get3A_312 : i32 to index
      %get3A_314 = arith.index_cast %mul3A_311 : i32 to index
      %get3A_315 = tpu.vector_load %arg12[%get3A_313, %get3A_314] {strides = array<i32>} : memref<32x512xf32, #tpu.memory_space<vmem>>, vector<16xf32>,
      %mul3A_316 = arith.mulf %get3A_315, %get3A_202 : vector<16xf32>
      %scatter3A_317 = arith.constant 24576 : i32
      %scatter3A_318 = tpu.memref_slice %arg13[%scatter3A_317] : memref<65536xf32, #tpu.memory_space<vmem>> -> memref<2048xf32, #tpu.memory_space<vmem>>
      tpu.vector_store_idx %scatter3A_318[%get3A_200], %mul3A_316 {add = true} : memref<2048xf32, #tpu.memory_space<vmem>>[vector<16xi32>], vector<16xf32>,
      %mul3A_319 = arith.constant 16 : i32
      %mul3A_320 = arith.muli %scan3A_195, %mul3A_319 : i32
      %get3A_321 = arith.constant 13 : i32
      %get3A_322 = arith.index_cast %get3A_321 : i32 to index
      %get3A_323 = arith.index_cast %mul3A_320 : i32 to index
      %get3A_324 = tpu.vector_load %arg12[%get3A_322, %get3A_323] {strides = array<i32>} : memref<32x512xf32, #tpu.memory_space<vmem>>, vector<16xf32>,
      %mul3A_325 = arith.mulf %get3A_324, %get3A_202 : vector<16xf32>
      %scatter3A_326 = arith.constant 26624 : i32
      %scatter3A_327 = tpu.memref_slice %arg13[%scatter3A_326] : memref<65536xf32, #tpu.memory_space<vmem>> -> memref<2048xf32, #tpu.memory_space<vmem>>
      tpu.vector_store_idx %scatter3A_327[%get3A_200], %mul3A_325 {add = true} : memref<2048xf32, #tpu.memory_space<vmem>>[vector<16xi32>], vector<16xf32>,
      %mul3A_328 = arith.constant 16 : i32
      %mul3A_329 = arith.muli %scan3A_195, %mul3A_328 : i32
      %get3A_330 = arith.constant 14 : i32
      %get3A_331 = arith.index_cast %get3A_330 : i32 to index
      %get3A_332 = arith.index_cast %mul3A_329 : i32 to index
      %get3A_333 = tpu.vector_load %arg12[%get3A_331, %get3A_332] {strides = array<i32>} : memref<32x512xf32, #tpu.memory_space<vmem>>, vector<16xf32>,
      %mul3A_334 = arith.mulf %get3A_333, %get3A_202 : vector<16xf32>
      %scatter3A_335 = arith.constant 28672 : i32
      %scatter3A_336 = tpu.memref_slice %arg13[%scatter3A_335] : memref<65536xf32, #tpu.memory_space<vmem>> -> memref<2048xf32, #tpu.memory_space<vmem>>
      tpu.vector_store_idx %scatter3A_336[%get3A_200], %mul3A_334 {add = true} : memref<2048xf32, #tpu.memory_space<vmem>>[vector<16xi32>], vector<16xf32>,
      %mul3A_337 = arith.constant 16 : i32
      %mul3A_338 = arith.muli %scan3A_195, %mul3A_337 : i32
      %get3A_339 = arith.constant 15 : i32
      %get3A_340 = arith.index_cast %get3A_339 : i32 to index
      %get3A_341 = arith.index_cast %mul3A_338 : i32 to index
      %get3A_342 = tpu.vector_load %arg12[%get3A_340, %get3A_341] {strides = array<i32>} : memref<32x512xf32, #tpu.memory_space<vmem>>, vector<16xf32>,
      %mul3A_343 = arith.mulf %get3A_342, %get3A_202 : vector<16xf32>
      %scatter3A_344 = arith.constant 30720 : i32
      %scatter3A_345 = tpu.memref_slice %arg13[%scatter3A_344] : memref<65536xf32, #tpu.memory_space<vmem>> -> memref<2048xf32, #tpu.memory_space<vmem>>
      tpu.vector_store_idx %scatter3A_345[%get3A_200], %mul3A_343 {add = true} : memref<2048xf32, #tpu.memory_space<vmem>>[vector<16xi32>], vector<16xf32>,
      %mul3A_346 = arith.constant 16 : i32
      %mul3A_347 = arith.muli %scan3A_195, %mul3A_346 : i32
      %get3A_348 = arith.constant 16 : i32
      %get3A_349 = arith.index_cast %get3A_348 : i32 to index
      %get3A_350 = arith.index_cast %mul3A_347 : i32 to index
      %get3A_351 = tpu.vector_load %arg12[%get3A_349, %get3A_350] {strides = array<i32>} : memref<32x512xf32, #tpu.memory_space<vmem>>, vector<16xf32>,
      %mul3A_352 = arith.mulf %get3A_351, %get3A_202 : vector<16xf32>
      %scatter3A_353 = arith.constant 32768 : i32
      %scatter3A_354 = tpu.memref_slice %arg13[%scatter3A_353] : memref<65536xf32, #tpu.memory_space<vmem>> -> memref<2048xf32, #tpu.memory_space<vmem>>
      tpu.vector_store_idx %scatter3A_354[%get3A_200], %mul3A_352 {add = true} : memref<2048xf32, #tpu.memory_space<vmem>>[vector<16xi32>], vector<16xf32>,
      %mul3A_355 = arith.constant 16 : i32
      %mul3A_356 = arith.muli %scan3A_195, %mul3A_355 : i32
      %get3A_357 = arith.constant 17 : i32
      %get3A_358 = arith.index_cast %get3A_357 : i32 to index
      %get3A_359 = arith.index_cast %mul3A_356 : i32 to index
      %get3A_360 = tpu.vector_load %arg12[%get3A_358, %get3A_359] {strides = array<i32>} : memref<32x512xf32, #tpu.memory_space<vmem>>, vector<16xf32>,
      %mul3A_361 = arith.mulf %get3A_360, %get3A_202 : vector<16xf32>
      %scatter3A_362 = arith.constant 34816 : i32
      %scatter3A_363 = tpu.memref_slice %arg13[%scatter3A_362] : memref<65536xf32, #tpu.memory_space<vmem>> -> memref<2048xf32, #tpu.memory_space<vmem>>
      tpu.vector_store_idx %scatter3A_363[%get3A_200], %mul3A_361 {add = true} : memref<2048xf32, #tpu.memory_space<vmem>>[vector<16xi32>], vector<16xf32>,
      %mul3A_364 = arith.constant 16 : i32
      %mul3A_365 = arith.muli %scan3A_195, %mul3A_364 : i32
      %get3A_366 = arith.constant 18 : i32
      %get3A_367 = arith.index_cast %get3A_366 : i32 to index
      %get3A_368 = arith.index_cast %mul3A_365 : i32 to index
      %get3A_369 = tpu.vector_load %arg12[%get3A_367, %get3A_368] {strides = array<i32>} : memref<32x512xf32, #tpu.memory_space<vmem>>, vector<16xf32>,
      %mul3A_370 = arith.mulf %get3A_369, %get3A_202 : vector<16xf32>
      %scatter3A_371 = arith.constant 36864 : i32
      %scatter3A_372 = tpu.memref_slice %arg13[%scatter3A_371] : memref<65536xf32, #tpu.memory_space<vmem>> -> memref<2048xf32, #tpu.memory_space<vmem>>
      tpu.vector_store_idx %scatter3A_372[%get3A_200], %mul3A_370 {add = true} : memref<2048xf32, #tpu.memory_space<vmem>>[vector<16xi32>], vector<16xf32>,
      %mul3A_373 = arith.constant 16 : i32
      %mul3A_374 = arith.muli %scan3A_195, %mul3A_373 : i32
      %get3A_375 = arith.constant 19 : i32
      %get3A_376 = arith.index_cast %get3A_375 : i32 to index
      %get3A_377 = arith.index_cast %mul3A_374 : i32 to index
      %get3A_378 = tpu.vector_load %arg12[%get3A_376, %get3A_377] {strides = array<i32>} : memref<32x512xf32, #tpu.memory_space<vmem>>, vector<16xf32>,
      %mul3A_379 = arith.mulf %get3A_378, %get3A_202 : vector<16xf32>
      %scatter3A_380 = arith.constant 38912 : i32
      %scatter3A_381 = tpu.memref_slice %arg13[%scatter3A_380] : memref<65536xf32, #tpu.memory_space<vmem>> -> memref<2048xf32, #tpu.memory_space<vmem>>
      tpu.vector_store_idx %scatter3A_381[%get3A_200], %mul3A_379 {add = true} : memref<2048xf32, #tpu.memory_space<vmem>>[vector<16xi32>], vector<16xf32>,
      %mul3A_382 = arith.constant 16 : i32
      %mul3A_383 = arith.muli %scan3A_195, %mul3A_382 : i32
      %get3A_384 = arith.constant 20 : i32
      %get3A_385 = arith.index_cast %get3A_384 : i32 to index
      %get3A_386 = arith.index_cast %mul3A_383 : i32 to index
      %get3A_387 = tpu.vector_load %arg12[%get3A_385, %get3A_386] {strides = array<i32>} : memref<32x512xf32, #tpu.memory_space<vmem>>, vector<16xf32>,
      %mul3A_388 = arith.mulf %get3A_387, %get3A_202 : vector<16xf32>
      %scatter3A_389 = arith.constant 40960 : i32
      %scatter3A_390 = tpu.memref_slice %arg13[%scatter3A_389] : memref<65536xf32, #tpu.memory_space<vmem>> -> memref<2048xf32, #tpu.memory_space<vmem>>
      tpu.vector_store_idx %scatter3A_390[%get3A_200], %mul3A_388 {add = true} : memref<2048xf32, #tpu.memory_space<vmem>>[vector<16xi32>], vector<16xf32>,
      %mul3A_391 = arith.constant 16 : i32
      %mul3A_392 = arith.muli %scan3A_195, %mul3A_391 : i32
      %get3A_393 = arith.constant 21 : i32
      %get3A_394 = arith.index_cast %get3A_393 : i32 to index
      %get3A_395 = arith.index_cast %mul3A_392 : i32 to index
      %get3A_396 = tpu.vector_load %arg12[%get3A_394, %get3A_395] {strides = array<i32>} : memref<32x512xf32, #tpu.memory_space<vmem>>, vector<16xf32>,
      %mul3A_397 = arith.mulf %get3A_396, %get3A_202 : vector<16xf32>
      %scatter3A_398 = arith.constant 43008 : i32
      %scatter3A_399 = tpu.memref_slice %arg13[%scatter3A_398] : memref<65536xf32, #tpu.memory_space<vmem>> -> memref<2048xf32, #tpu.memory_space<vmem>>
      tpu.vector_store_idx %scatter3A_399[%get3A_200], %mul3A_397 {add = true} : memref<2048xf32, #tpu.memory_space<vmem>>[vector<16xi32>], vector<16xf32>,
      %mul3A_400 = arith.constant 16 : i32
      %mul3A_401 = arith.muli %scan3A_195, %mul3A_400 : i32
      %get3A_402 = arith.constant 22 : i32
      %get3A_403 = arith.index_cast %get3A_402 : i32 to index
      %get3A_404 = arith.index_cast %mul3A_401 : i32 to index
      %get3A_405 = tpu.vector_load %arg12[%get3A_403, %get3A_404] {strides = array<i32>} : memref<32x512xf32, #tpu.memory_space<vmem>>, vector<16xf32>,
      %mul3A_406 = arith.mulf %get3A_405, %get3A_202 : vector<16xf32>
      %scatter3A_407 = arith.constant 45056 : i32
      %scatter3A_408 = tpu.memref_slice %arg13[%scatter3A_407] : memref<65536xf32, #tpu.memory_space<vmem>> -> memref<2048xf32, #tpu.memory_space<vmem>>
      tpu.vector_store_idx %scatter3A_408[%get3A_200], %mul3A_406 {add = true} : memref<2048xf32, #tpu.memory_space<vmem>>[vector<16xi32>], vector<16xf32>,
      %mul3A_409 = arith.constant 16 : i32
      %mul3A_410 = arith.muli %scan3A_195, %mul3A_409 : i32
      %get3A_411 = arith.constant 23 : i32
      %get3A_412 = arith.index_cast %get3A_411 : i32 to index
      %get3A_413 = arith.index_cast %mul3A_410 : i32 to index
      %get3A_414 = tpu.vector_load %arg12[%get3A_412, %get3A_413] {strides = array<i32>} : memref<32x512xf32, #tpu.memory_space<vmem>>, vector<16xf32>,
      %mul3A_415 = arith.mulf %get3A_414, %get3A_202 : vector<16xf32>
      %scatter3A_416 = arith.constant 47104 : i32
      %scatter3A_417 = tpu.memref_slice %arg13[%scatter3A_416] : memref<65536xf32, #tpu.memory_space<vmem>> -> memref<2048xf32, #tpu.memory_space<vmem>>
      tpu.vector_store_idx %scatter3A_417[%get3A_200], %mul3A_415 {add = true} : memref<2048xf32, #tpu.memory_space<vmem>>[vector<16xi32>], vector<16xf32>,
      %mul3A_418 = arith.constant 16 : i32
      %mul3A_419 = arith.muli %scan3A_195, %mul3A_418 : i32
      %get3A_420 = arith.constant 24 : i32
      %get3A_421 = arith.index_cast %get3A_420 : i32 to index
      %get3A_422 = arith.index_cast %mul3A_419 : i32 to index
      %get3A_423 = tpu.vector_load %arg12[%get3A_421, %get3A_422] {strides = array<i32>} : memref<32x512xf32, #tpu.memory_space<vmem>>, vector<16xf32>,
      %mul3A_424 = arith.mulf %get3A_423, %get3A_202 : vector<16xf32>
      %scatter3A_425 = arith.constant 49152 : i32
      %scatter3A_426 = tpu.memref_slice %arg13[%scatter3A_425] : memref<65536xf32, #tpu.memory_space<vmem>> -> memref<2048xf32, #tpu.memory_space<vmem>>
      tpu.vector_store_idx %scatter3A_426[%get3A_200], %mul3A_424 {add = true} : memref<2048xf32, #tpu.memory_space<vmem>>[vector<16xi32>], vector<16xf32>,
      %mul3A_427 = arith.constant 16 : i32
      %mul3A_428 = arith.muli %scan3A_195, %mul3A_427 : i32
      %get3A_429 = arith.constant 25 : i32
      %get3A_430 = arith.index_cast %get3A_429 : i32 to index
      %get3A_431 = arith.index_cast %mul3A_428 : i32 to index
      %get3A_432 = tpu.vector_load %arg12[%get3A_430, %get3A_431] {strides = array<i32>} : memref<32x512xf32, #tpu.memory_space<vmem>>, vector<16xf32>,
      %mul3A_433 = arith.mulf %get3A_432, %get3A_202 : vector<16xf32>
      %scatter3A_434 = arith.constant 51200 : i32
      %scatter3A_435 = tpu.memref_slice %arg13[%scatter3A_434] : memref<65536xf32, #tpu.memory_space<vmem>> -> memref<2048xf32, #tpu.memory_space<vmem>>
      tpu.vector_store_idx %scatter3A_435[%get3A_200], %mul3A_433 {add = true} : memref<2048xf32, #tpu.memory_space<vmem>>[vector<16xi32>], vector<16xf32>,
      %mul3A_436 = arith.constant 16 : i32
      %mul3A_437 = arith.muli %scan3A_195, %mul3A_436 : i32
      %get3A_438 = arith.constant 26 : i32
      %get3A_439 = arith.index_cast %get3A_438 : i32 to index
      %get3A_440 = arith.index_cast %mul3A_437 : i32 to index
      %get3A_441 = tpu.vector_load %arg12[%get3A_439, %get3A_440] {strides = array<i32>} : memref<32x512xf32, #tpu.memory_space<vmem>>, vector<16xf32>,
      %mul3A_442 = arith.mulf %get3A_441, %get3A_202 : vector<16xf32>
      %scatter3A_443 = arith.constant 53248 : i32
      %scatter3A_444 = tpu.memref_slice %arg13[%scatter3A_443] : memref<65536xf32, #tpu.memory_space<vmem>> -> memref<2048xf32, #tpu.memory_space<vmem>>
      tpu.vector_store_idx %scatter3A_444[%get3A_200], %mul3A_442 {add = true} : memref<2048xf32, #tpu.memory_space<vmem>>[vector<16xi32>], vector<16xf32>,
      %mul3A_445 = arith.constant 16 : i32
      %mul3A_446 = arith.muli %scan3A_195, %mul3A_445 : i32
      %get3A_447 = arith.constant 27 : i32
      %get3A_448 = arith.index_cast %get3A_447 : i32 to index
      %get3A_449 = arith.index_cast %mul3A_446 : i32 to index
      %get3A_450 = tpu.vector_load %arg12[%get3A_448, %get3A_449] {strides = array<i32>} : memref<32x512xf32, #tpu.memory_space<vmem>>, vector<16xf32>,
      %mul3A_451 = arith.mulf %get3A_450, %get3A_202 : vector<16xf32>
      %scatter3A_452 = arith.constant 55296 : i32
      %scatter3A_453 = tpu.memref_slice %arg13[%scatter3A_452] : memref<65536xf32, #tpu.memory_space<vmem>> -> memref<2048xf32, #tpu.memory_space<vmem>>
      tpu.vector_store_idx %scatter3A_453[%get3A_200], %mul3A_451 {add = true} : memref<2048xf32, #tpu.memory_space<vmem>>[vector<16xi32>], vector<16xf32>,
      %mul3A_454 = arith.constant 16 : i32
      %mul3A_455 = arith.muli %scan3A_195, %mul3A_454 : i32
      %get3A_456 = arith.constant 28 : i32
      %get3A_457 = arith.index_cast %get3A_456 : i32 to index
      %get3A_458 = arith.index_cast %mul3A_455 : i32 to index
      %get3A_459 = tpu.vector_load %arg12[%get3A_457, %get3A_458] {strides = array<i32>} : memref<32x512xf32, #tpu.memory_space<vmem>>, vector<16xf32>,
      %mul3A_460 = arith.mulf %get3A_459, %get3A_202 : vector<16xf32>
      %scatter3A_461 = arith.constant 57344 : i32
      %scatter3A_462 = tpu.memref_slice %arg13[%scatter3A_461] : memref<65536xf32, #tpu.memory_space<vmem>> -> memref<2048xf32, #tpu.memory_space<vmem>>
      tpu.vector_store_idx %scatter3A_462[%get3A_200], %mul3A_460 {add = true} : memref<2048xf32, #tpu.memory_space<vmem>>[vector<16xi32>], vector<16xf32>,
      %mul3A_463 = arith.constant 16 : i32
      %mul3A_464 = arith.muli %scan3A_195, %mul3A_463 : i32
      %get3A_465 = arith.constant 29 : i32
      %get3A_466 = arith.index_cast %get3A_465 : i32 to index
      %get3A_467 = arith.index_cast %mul3A_464 : i32 to index
      %get3A_468 = tpu.vector_load %arg12[%get3A_466, %get3A_467] {strides = array<i32>} : memref<32x512xf32, #tpu.memory_space<vmem>>, vector<16xf32>,
      %mul3A_469 = arith.mulf %get3A_468, %get3A_202 : vector<16xf32>
      %scatter3A_470 = arith.constant 59392 : i32
      %scatter3A_471 = tpu.memref_slice %arg13[%scatter3A_470] : memref<65536xf32, #tpu.memory_space<vmem>> -> memref<2048xf32, #tpu.memory_space<vmem>>
      tpu.vector_store_idx %scatter3A_471[%get3A_200], %mul3A_469 {add = true} : memref<2048xf32, #tpu.memory_space<vmem>>[vector<16xi32>], vector<16xf32>,
      %mul3A_472 = arith.constant 16 : i32
      %mul3A_473 = arith.muli %scan3A_195, %mul3A_472 : i32
      %get3A_474 = arith.constant 30 : i32
      %get3A_475 = arith.index_cast %get3A_474 : i32 to index
      %get3A_476 = arith.index_cast %mul3A_473 : i32 to index
      %get3A_477 = tpu.vector_load %arg12[%get3A_475, %get3A_476] {strides = array<i32>} : memref<32x512xf32, #tpu.memory_space<vmem>>, vector<16xf32>,
      %mul3A_478 = arith.mulf %get3A_477, %get3A_202 : vector<16xf32>
      %scatter3A_479 = arith.constant 61440 : i32
      %scatter3A_480 = tpu.memref_slice %arg13[%scatter3A_479] : memref<65536xf32, #tpu.memory_space<vmem>> -> memref<2048xf32, #tpu.memory_space<vmem>>
      tpu.vector_store_idx %scatter3A_480[%get3A_200], %mul3A_478 {add = true} : memref<2048xf32, #tpu.memory_space<vmem>>[vector<16xi32>], vector<16xf32>,
      %mul3A_481 = arith.constant 16 : i32
      %mul3A_482 = arith.muli %scan3A_195, %mul3A_481 : i32
      %get3A_483 = arith.constant 31 : i32
      %get3A_484 = arith.index_cast %get3A_483 : i32 to index
      %get3A_485 = arith.index_cast %mul3A_482 : i32 to index
      %get3A_486 = tpu.vector_load %arg12[%get3A_484, %get3A_485] {strides = array<i32>} : memref<32x512xf32, #tpu.memory_space<vmem>>, vector<16xf32>,
      %mul3A_487 = arith.mulf %get3A_486, %get3A_202 : vector<16xf32>
      %scatter3A_488 = arith.constant 63488 : i32
      %scatter3A_489 = tpu.memref_slice %arg13[%scatter3A_488] : memref<65536xf32, #tpu.memory_space<vmem>> -> memref<2048xf32, #tpu.memory_space<vmem>>
      tpu.vector_store_idx %scatter3A_489[%get3A_200], %mul3A_487 {add = true} : memref<2048xf32, #tpu.memory_space<vmem>>[vector<16xi32>], vector<16xf32>,
    }
    %scan3A_116 = arith.constant 32 : i32
    %mul3A_117 = arith.constant 4 : i32
    %mul3A_118 = arith.muli %arg0, %mul3A_117 : i32
    %add3A_119 = arith.constant 2 : i32
    %add3A_120 = arith.addi %mul3A_118, %add3A_119 : i32
    %dma_start3A_121 = arith.constant 512 : i32
    %dma_start3A_122 = tpu.memref_slice %arg2[%add3A_120, %mul3A_2, %dma_start3A_121] : memref<8x512x1024xf32, #tpu.memory_space<hbm>> -> memref<1x32x512xf32, #tpu.memory_space<hbm>>
    %dma_start3A_123 = tpu.memref_squeeze %dma_start3A_122 : memref<1x32x512xf32, #tpu.memory_space<hbm>> -> memref<32x512xf32, #tpu.memory_space<hbm>>
    %dma_start3A_124 = arith.constant 512 : i32
    %dma_start3A_125 = tpu.memref_slice %arg2[%add3A_120, %mul3A_2, %dma_start3A_124] : memref<8x512x1024xf32, #tpu.memory_space<hbm>> -> memref<1x32x512xf32, #tpu.memory_space<hbm>>
    %dma_start3A_126 = tpu.memref_squeeze %dma_start3A_125 : memref<1x32x512xf32, #tpu.memory_space<hbm>> -> memref<32x512xf32, #tpu.memory_space<hbm>>
    tpu.enqueue_dma source(%dma_start3A_126 : memref<32x512xf32, #tpu.memory_space<hbm>>) target(%arg12 : memref<32x512xf32, #tpu.memory_space<vmem>>) target_semaphore(%arg18 : memref<!tpu.dma_semaphore, #tpu.memory_space<semaphore_mem>>)
    %dma_wait3A_127 = arith.constant 0 : i32
    %dma_wait3A_128 = tpu.memref_slice %arg2[%add3A_98, %mul3A_2, %dma_wait3A_127] : memref<8x512x1024xf32, #tpu.memory_space<hbm>> -> memref<1x32x512xf32, #tpu.memory_space<hbm>>
    %dma_wait3A_129 = tpu.memref_squeeze %dma_wait3A_128 : memref<1x32x512xf32, #tpu.memory_space<hbm>> -> memref<32x512xf32, #tpu.memory_space<hbm>>
    %dma_wait3A_130 = arith.constant 0 : i32
    %dma_wait3A_131 = tpu.memref_slice %arg2[%add3A_98, %mul3A_2, %dma_wait3A_130] : memref<8x512x1024xf32, #tpu.memory_space<hbm>> -> memref<1x32x512xf32, #tpu.memory_space<hbm>>
    %dma_wait3A_132 = tpu.memref_squeeze %dma_wait3A_131 : memref<1x32x512xf32, #tpu.memory_space<hbm>> -> memref<32x512xf32, #tpu.memory_space<hbm>>
    tpu.wait_dma2 semaphore(%arg17 : memref<!tpu.dma_semaphore, #tpu.memory_space<semaphore_mem>>) src(%dma_wait3A_132 : memref<32x512xf32, #tpu.memory_space<hbm>>) dst(%arg11 : memref<32x512xf32, #tpu.memory_space<vmem>>)
    %scan3A_133 = arith.constant 0 : i32
    %scan3A_134 = arith.constant 0 : i32
    %scan3A_135 = arith.constant 32 : i32
    %scan3A_136 = arith.addi %scan3A_134, %scan3A_135 : i32
    %scan3A_137 = arith.constant 1 : i32
    scf.for %scan3A_195 = %scan3A_134 to %scan3A_136 step %scan3A_137  : i32 {
      %mul3A_196 = arith.constant 16 : i32
      %mul3A_197 = arith.muli %scan3A_195, %mul3A_196 : i32
      %add3A_198 = arith.constant 2048 : i32
      %add3A_199 = arith.addi %add3A_198, %mul3A_197 : i32
      %get3A = arith.index_cast %add3A_199 : i32 to index
      %get3A_200 = tpu.vector_load %arg8[%get3A] {strides = array<i32>} : memref<4096xi32, #tpu.memory_space<vmem>>, vector<16xi32>,
      %get3A_201 = arith.index_cast %add3A_199 : i32 to index
      %get3A_202 = tpu.vector_load %arg10[%get3A_201] {strides = array<i32>} : memref<4096xf32, #tpu.memory_space<vmem>>, vector<16xf32>,
      %mul3A_203 = arith.constant 16 : i32
      %mul3A_204 = arith.muli %scan3A_195, %mul3A_203 : i32
      %get3A_205 = arith.constant 0 : i32
      %get3A_206 = arith.index_cast %get3A_205 : i32 to index
      %get3A_207 = arith.index_cast %mul3A_204 : i32 to index
      %get3A_208 = tpu.vector_load %arg11[%get3A_206, %get3A_207] {strides = array<i32>} : memref<32x512xf32, #tpu.memory_space<vmem>>, vector<16xf32>,
      %mul3A_209 = arith.mulf %get3A_208, %get3A_202 : vector<16xf32>
      %scatter3A = arith.constant 0 : i32
      %scatter3A_210 = tpu.memref_slice %arg13[%scatter3A] : memref<65536xf32, #tpu.memory_space<vmem>> -> memref<2048xf32, #tpu.memory_space<vmem>>
      tpu.vector_store_idx %scatter3A_210[%get3A_200], %mul3A_209 {add = true} : memref<2048xf32, #tpu.memory_space<vmem>>[vector<16xi32>], vector<16xf32>,
      %mul3A_211 = arith.constant 16 : i32
      %mul3A_212 = arith.muli %scan3A_195, %mul3A_211 : i32
      %get3A_213 = arith.constant 1 : i32
      %get3A_214 = arith.index_cast %get3A_213 : i32 to index
      %get3A_215 = arith.index_cast %mul3A_212 : i32 to index
      %get3A_216 = tpu.vector_load %arg11[%get3A_214, %get3A_215] {strides = array<i32>} : memref<32x512xf32, #tpu.memory_space<vmem>>, vector<16xf32>,
      %mul3A_217 = arith.mulf %get3A_216, %get3A_202 : vector<16xf32>
      %scatter3A_218 = arith.constant 2048 : i32
      %scatter3A_219 = tpu.memref_slice %arg13[%scatter3A_218] : memref<65536xf32, #tpu.memory_space<vmem>> -> memref<2048xf32, #tpu.memory_space<vmem>>
      tpu.vector_store_idx %scatter3A_219[%get3A_200], %mul3A_217 {add = true} : memref<2048xf32, #tpu.memory_space<vmem>>[vector<16xi32>], vector<16xf32>,
      %mul3A_220 = arith.constant 16 : i32
      %mul3A_221 = arith.muli %scan3A_195, %mul3A_220 : i32
      %get3A_222 = arith.constant 2 : i32
      %get3A_223 = arith.index_cast %get3A_222 : i32 to index
      %get3A_224 = arith.index_cast %mul3A_221 : i32 to index
      %get3A_225 = tpu.vector_load %arg11[%get3A_223, %get3A_224] {strides = array<i32>} : memref<32x512xf32, #tpu.memory_space<vmem>>, vector<16xf32>,
      %mul3A_226 = arith.mulf %get3A_225, %get3A_202 : vector<16xf32>
      %scatter3A_227 = arith.constant 4096 : i32
      %scatter3A_228 = tpu.memref_slice %arg13[%scatter3A_227] : memref<65536xf32, #tpu.memory_space<vmem>> -> memref<2048xf32, #tpu.memory_space<vmem>>
      tpu.vector_store_idx %scatter3A_228[%get3A_200], %mul3A_226 {add = true} : memref<2048xf32, #tpu.memory_space<vmem>>[vector<16xi32>], vector<16xf32>,
      %mul3A_229 = arith.constant 16 : i32
      %mul3A_230 = arith.muli %scan3A_195, %mul3A_229 : i32
      %get3A_231 = arith.constant 3 : i32
      %get3A_232 = arith.index_cast %get3A_231 : i32 to index
      %get3A_233 = arith.index_cast %mul3A_230 : i32 to index
      %get3A_234 = tpu.vector_load %arg11[%get3A_232, %get3A_233] {strides = array<i32>} : memref<32x512xf32, #tpu.memory_space<vmem>>, vector<16xf32>,
      %mul3A_235 = arith.mulf %get3A_234, %get3A_202 : vector<16xf32>
      %scatter3A_236 = arith.constant 6144 : i32
      %scatter3A_237 = tpu.memref_slice %arg13[%scatter3A_236] : memref<65536xf32, #tpu.memory_space<vmem>> -> memref<2048xf32, #tpu.memory_space<vmem>>
      tpu.vector_store_idx %scatter3A_237[%get3A_200], %mul3A_235 {add = true} : memref<2048xf32, #tpu.memory_space<vmem>>[vector<16xi32>], vector<16xf32>,
      %mul3A_238 = arith.constant 16 : i32
      %mul3A_239 = arith.muli %scan3A_195, %mul3A_238 : i32
      %get3A_240 = arith.constant 4 : i32
      %get3A_241 = arith.index_cast %get3A_240 : i32 to index
      %get3A_242 = arith.index_cast %mul3A_239 : i32 to index
      %get3A_243 = tpu.vector_load %arg11[%get3A_241, %get3A_242] {strides = array<i32>} : memref<32x512xf32, #tpu.memory_space<vmem>>, vector<16xf32>,
      %mul3A_244 = arith.mulf %get3A_243, %get3A_202 : vector<16xf32>
      %scatter3A_245 = arith.constant 8192 : i32
      %scatter3A_246 = tpu.memref_slice %arg13[%scatter3A_245] : memref<65536xf32, #tpu.memory_space<vmem>> -> memref<2048xf32, #tpu.memory_space<vmem>>
      tpu.vector_store_idx %scatter3A_246[%get3A_200], %mul3A_244 {add = true} : memref<2048xf32, #tpu.memory_space<vmem>>[vector<16xi32>], vector<16xf32>,
      %mul3A_247 = arith.constant 16 : i32
      %mul3A_248 = arith.muli %scan3A_195, %mul3A_247 : i32
      %get3A_249 = arith.constant 5 : i32
      %get3A_250 = arith.index_cast %get3A_249 : i32 to index
      %get3A_251 = arith.index_cast %mul3A_248 : i32 to index
      %get3A_252 = tpu.vector_load %arg11[%get3A_250, %get3A_251] {strides = array<i32>} : memref<32x512xf32, #tpu.memory_space<vmem>>, vector<16xf32>,
      %mul3A_253 = arith.mulf %get3A_252, %get3A_202 : vector<16xf32>
      %scatter3A_254 = arith.constant 10240 : i32
      %scatter3A_255 = tpu.memref_slice %arg13[%scatter3A_254] : memref<65536xf32, #tpu.memory_space<vmem>> -> memref<2048xf32, #tpu.memory_space<vmem>>
      tpu.vector_store_idx %scatter3A_255[%get3A_200], %mul3A_253 {add = true} : memref<2048xf32, #tpu.memory_space<vmem>>[vector<16xi32>], vector<16xf32>,
      %mul3A_256 = arith.constant 16 : i32
      %mul3A_257 = arith.muli %scan3A_195, %mul3A_256 : i32
      %get3A_258 = arith.constant 6 : i32
      %get3A_259 = arith.index_cast %get3A_258 : i32 to index
      %get3A_260 = arith.index_cast %mul3A_257 : i32 to index
      %get3A_261 = tpu.vector_load %arg11[%get3A_259, %get3A_260] {strides = array<i32>} : memref<32x512xf32, #tpu.memory_space<vmem>>, vector<16xf32>,
      %mul3A_262 = arith.mulf %get3A_261, %get3A_202 : vector<16xf32>
      %scatter3A_263 = arith.constant 12288 : i32
      %scatter3A_264 = tpu.memref_slice %arg13[%scatter3A_263] : memref<65536xf32, #tpu.memory_space<vmem>> -> memref<2048xf32, #tpu.memory_space<vmem>>
      tpu.vector_store_idx %scatter3A_264[%get3A_200], %mul3A_262 {add = true} : memref<2048xf32, #tpu.memory_space<vmem>>[vector<16xi32>], vector<16xf32>,
      %mul3A_265 = arith.constant 16 : i32
      %mul3A_266 = arith.muli %scan3A_195, %mul3A_265 : i32
      %get3A_267 = arith.constant 7 : i32
      %get3A_268 = arith.index_cast %get3A_267 : i32 to index
      %get3A_269 = arith.index_cast %mul3A_266 : i32 to index
      %get3A_270 = tpu.vector_load %arg11[%get3A_268, %get3A_269] {strides = array<i32>} : memref<32x512xf32, #tpu.memory_space<vmem>>, vector<16xf32>,
      %mul3A_271 = arith.mulf %get3A_270, %get3A_202 : vector<16xf32>
      %scatter3A_272 = arith.constant 14336 : i32
      %scatter3A_273 = tpu.memref_slice %arg13[%scatter3A_272] : memref<65536xf32, #tpu.memory_space<vmem>> -> memref<2048xf32, #tpu.memory_space<vmem>>
      tpu.vector_store_idx %scatter3A_273[%get3A_200], %mul3A_271 {add = true} : memref<2048xf32, #tpu.memory_space<vmem>>[vector<16xi32>], vector<16xf32>,
      %mul3A_274 = arith.constant 16 : i32
      %mul3A_275 = arith.muli %scan3A_195, %mul3A_274 : i32
      %get3A_276 = arith.constant 8 : i32
      %get3A_277 = arith.index_cast %get3A_276 : i32 to index
      %get3A_278 = arith.index_cast %mul3A_275 : i32 to index
      %get3A_279 = tpu.vector_load %arg11[%get3A_277, %get3A_278] {strides = array<i32>} : memref<32x512xf32, #tpu.memory_space<vmem>>, vector<16xf32>,
      %mul3A_280 = arith.mulf %get3A_279, %get3A_202 : vector<16xf32>
      %scatter3A_281 = arith.constant 16384 : i32
      %scatter3A_282 = tpu.memref_slice %arg13[%scatter3A_281] : memref<65536xf32, #tpu.memory_space<vmem>> -> memref<2048xf32, #tpu.memory_space<vmem>>
      tpu.vector_store_idx %scatter3A_282[%get3A_200], %mul3A_280 {add = true} : memref<2048xf32, #tpu.memory_space<vmem>>[vector<16xi32>], vector<16xf32>,
      %mul3A_283 = arith.constant 16 : i32
      %mul3A_284 = arith.muli %scan3A_195, %mul3A_283 : i32
      %get3A_285 = arith.constant 9 : i32
      %get3A_286 = arith.index_cast %get3A_285 : i32 to index
      %get3A_287 = arith.index_cast %mul3A_284 : i32 to index
      %get3A_288 = tpu.vector_load %arg11[%get3A_286, %get3A_287] {strides = array<i32>} : memref<32x512xf32, #tpu.memory_space<vmem>>, vector<16xf32>,
      %mul3A_289 = arith.mulf %get3A_288, %get3A_202 : vector<16xf32>
      %scatter3A_290 = arith.constant 18432 : i32
      %scatter3A_291 = tpu.memref_slice %arg13[%scatter3A_290] : memref<65536xf32, #tpu.memory_space<vmem>> -> memref<2048xf32, #tpu.memory_space<vmem>>
      tpu.vector_store_idx %scatter3A_291[%get3A_200], %mul3A_289 {add = true} : memref<2048xf32, #tpu.memory_space<vmem>>[vector<16xi32>], vector<16xf32>,
      %mul3A_292 = arith.constant 16 : i32
      %mul3A_293 = arith.muli %scan3A_195, %mul3A_292 : i32
      %get3A_294 = arith.constant 10 : i32
      %get3A_295 = arith.index_cast %get3A_294 : i32 to index
      %get3A_296 = arith.index_cast %mul3A_293 : i32 to index
      %get3A_297 = tpu.vector_load %arg11[%get3A_295, %get3A_296] {strides = array<i32>} : memref<32x512xf32, #tpu.memory_space<vmem>>, vector<16xf32>,
      %mul3A_298 = arith.mulf %get3A_297, %get3A_202 : vector<16xf32>
      %scatter3A_299 = arith.constant 20480 : i32
      %scatter3A_300 = tpu.memref_slice %arg13[%scatter3A_299] : memref<65536xf32, #tpu.memory_space<vmem>> -> memref<2048xf32, #tpu.memory_space<vmem>>
      tpu.vector_store_idx %scatter3A_300[%get3A_200], %mul3A_298 {add = true} : memref<2048xf32, #tpu.memory_space<vmem>>[vector<16xi32>], vector<16xf32>,
      %mul3A_301 = arith.constant 16 : i32
      %mul3A_302 = arith.muli %scan3A_195, %mul3A_301 : i32
      %get3A_303 = arith.constant 11 : i32
      %get3A_304 = arith.index_cast %get3A_303 : i32 to index
      %get3A_305 = arith.index_cast %mul3A_302 : i32 to index
      %get3A_306 = tpu.vector_load %arg11[%get3A_304, %get3A_305] {strides = array<i32>} : memref<32x512xf32, #tpu.memory_space<vmem>>, vector<16xf32>,
      %mul3A_307 = arith.mulf %get3A_306, %get3A_202 : vector<16xf32>
      %scatter3A_308 = arith.constant 22528 : i32
      %scatter3A_309 = tpu.memref_slice %arg13[%scatter3A_308] : memref<65536xf32, #tpu.memory_space<vmem>> -> memref<2048xf32, #tpu.memory_space<vmem>>
      tpu.vector_store_idx %scatter3A_309[%get3A_200], %mul3A_307 {add = true} : memref<2048xf32, #tpu.memory_space<vmem>>[vector<16xi32>], vector<16xf32>,
      %mul3A_310 = arith.constant 16 : i32
      %mul3A_311 = arith.muli %scan3A_195, %mul3A_310 : i32
      %get3A_312 = arith.constant 12 : i32
      %get3A_313 = arith.index_cast %get3A_312 : i32 to index
      %get3A_314 = arith.index_cast %mul3A_311 : i32 to index
      %get3A_315 = tpu.vector_load %arg11[%get3A_313, %get3A_314] {strides = array<i32>} : memref<32x512xf32, #tpu.memory_space<vmem>>, vector<16xf32>,
      %mul3A_316 = arith.mulf %get3A_315, %get3A_202 : vector<16xf32>
      %scatter3A_317 = arith.constant 24576 : i32
      %scatter3A_318 = tpu.memref_slice %arg13[%scatter3A_317] : memref<65536xf32, #tpu.memory_space<vmem>> -> memref<2048xf32, #tpu.memory_space<vmem>>
      tpu.vector_store_idx %scatter3A_318[%get3A_200], %mul3A_316 {add = true} : memref<2048xf32, #tpu.memory_space<vmem>>[vector<16xi32>], vector<16xf32>,
      %mul3A_319 = arith.constant 16 : i32
      %mul3A_320 = arith.muli %scan3A_195, %mul3A_319 : i32
      %get3A_321 = arith.constant 13 : i32
      %get3A_322 = arith.index_cast %get3A_321 : i32 to index
      %get3A_323 = arith.index_cast %mul3A_320 : i32 to index
      %get3A_324 = tpu.vector_load %arg11[%get3A_322, %get3A_323] {strides = array<i32>} : memref<32x512xf32, #tpu.memory_space<vmem>>, vector<16xf32>,
      %mul3A_325 = arith.mulf %get3A_324, %get3A_202 : vector<16xf32>
      %scatter3A_326 = arith.constant 26624 : i32
      %scatter3A_327 = tpu.memref_slice %arg13[%scatter3A_326] : memref<65536xf32, #tpu.memory_space<vmem>> -> memref<2048xf32, #tpu.memory_space<vmem>>
      tpu.vector_store_idx %scatter3A_327[%get3A_200], %mul3A_325 {add = true} : memref<2048xf32, #tpu.memory_space<vmem>>[vector<16xi32>], vector<16xf32>,
      %mul3A_328 = arith.constant 16 : i32
      %mul3A_329 = arith.muli %scan3A_195, %mul3A_328 : i32
      %get3A_330 = arith.constant 14 : i32
      %get3A_331 = arith.index_cast %get3A_330 : i32 to index
      %get3A_332 = arith.index_cast %mul3A_329 : i32 to index
      %get3A_333 = tpu.vector_load %arg11[%get3A_331, %get3A_332] {strides = array<i32>} : memref<32x512xf32, #tpu.memory_space<vmem>>, vector<16xf32>,
      %mul3A_334 = arith.mulf %get3A_333, %get3A_202 : vector<16xf32>
      %scatter3A_335 = arith.constant 28672 : i32
      %scatter3A_336 = tpu.memref_slice %arg13[%scatter3A_335] : memref<65536xf32, #tpu.memory_space<vmem>> -> memref<2048xf32, #tpu.memory_space<vmem>>
      tpu.vector_store_idx %scatter3A_336[%get3A_200], %mul3A_334 {add = true} : memref<2048xf32, #tpu.memory_space<vmem>>[vector<16xi32>], vector<16xf32>,
      %mul3A_337 = arith.constant 16 : i32
      %mul3A_338 = arith.muli %scan3A_195, %mul3A_337 : i32
      %get3A_339 = arith.constant 15 : i32
      %get3A_340 = arith.index_cast %get3A_339 : i32 to index
      %get3A_341 = arith.index_cast %mul3A_338 : i32 to index
      %get3A_342 = tpu.vector_load %arg11[%get3A_340, %get3A_341] {strides = array<i32>} : memref<32x512xf32, #tpu.memory_space<vmem>>, vector<16xf32>,
      %mul3A_343 = arith.mulf %get3A_342, %get3A_202 : vector<16xf32>
      %scatter3A_344 = arith.constant 30720 : i32
      %scatter3A_345 = tpu.memref_slice %arg13[%scatter3A_344] : memref<65536xf32, #tpu.memory_space<vmem>> -> memref<2048xf32, #tpu.memory_space<vmem>>
      tpu.vector_store_idx %scatter3A_345[%get3A_200], %mul3A_343 {add = true} : memref<2048xf32, #tpu.memory_space<vmem>>[vector<16xi32>], vector<16xf32>,
      %mul3A_346 = arith.constant 16 : i32
      %mul3A_347 = arith.muli %scan3A_195, %mul3A_346 : i32
      %get3A_348 = arith.constant 16 : i32
      %get3A_349 = arith.index_cast %get3A_348 : i32 to index
      %get3A_350 = arith.index_cast %mul3A_347 : i32 to index
      %get3A_351 = tpu.vector_load %arg11[%get3A_349, %get3A_350] {strides = array<i32>} : memref<32x512xf32, #tpu.memory_space<vmem>>, vector<16xf32>,
      %mul3A_352 = arith.mulf %get3A_351, %get3A_202 : vector<16xf32>
      %scatter3A_353 = arith.constant 32768 : i32
      %scatter3A_354 = tpu.memref_slice %arg13[%scatter3A_353] : memref<65536xf32, #tpu.memory_space<vmem>> -> memref<2048xf32, #tpu.memory_space<vmem>>
      tpu.vector_store_idx %scatter3A_354[%get3A_200], %mul3A_352 {add = true} : memref<2048xf32, #tpu.memory_space<vmem>>[vector<16xi32>], vector<16xf32>,
      %mul3A_355 = arith.constant 16 : i32
      %mul3A_356 = arith.muli %scan3A_195, %mul3A_355 : i32
      %get3A_357 = arith.constant 17 : i32
      %get3A_358 = arith.index_cast %get3A_357 : i32 to index
      %get3A_359 = arith.index_cast %mul3A_356 : i32 to index
      %get3A_360 = tpu.vector_load %arg11[%get3A_358, %get3A_359] {strides = array<i32>} : memref<32x512xf32, #tpu.memory_space<vmem>>, vector<16xf32>,
      %mul3A_361 = arith.mulf %get3A_360, %get3A_202 : vector<16xf32>
      %scatter3A_362 = arith.constant 34816 : i32
      %scatter3A_363 = tpu.memref_slice %arg13[%scatter3A_362] : memref<65536xf32, #tpu.memory_space<vmem>> -> memref<2048xf32, #tpu.memory_space<vmem>>
      tpu.vector_store_idx %scatter3A_363[%get3A_200], %mul3A_361 {add = true} : memref<2048xf32, #tpu.memory_space<vmem>>[vector<16xi32>], vector<16xf32>,
      %mul3A_364 = arith.constant 16 : i32
      %mul3A_365 = arith.muli %scan3A_195, %mul3A_364 : i32
      %get3A_366 = arith.constant 18 : i32
      %get3A_367 = arith.index_cast %get3A_366 : i32 to index
      %get3A_368 = arith.index_cast %mul3A_365 : i32 to index
      %get3A_369 = tpu.vector_load %arg11[%get3A_367, %get3A_368] {strides = array<i32>} : memref<32x512xf32, #tpu.memory_space<vmem>>, vector<16xf32>,
      %mul3A_370 = arith.mulf %get3A_369, %get3A_202 : vector<16xf32>
      %scatter3A_371 = arith.constant 36864 : i32
      %scatter3A_372 = tpu.memref_slice %arg13[%scatter3A_371] : memref<65536xf32, #tpu.memory_space<vmem>> -> memref<2048xf32, #tpu.memory_space<vmem>>
      tpu.vector_store_idx %scatter3A_372[%get3A_200], %mul3A_370 {add = true} : memref<2048xf32, #tpu.memory_space<vmem>>[vector<16xi32>], vector<16xf32>,
      %mul3A_373 = arith.constant 16 : i32
      %mul3A_374 = arith.muli %scan3A_195, %mul3A_373 : i32
      %get3A_375 = arith.constant 19 : i32
      %get3A_376 = arith.index_cast %get3A_375 : i32 to index
      %get3A_377 = arith.index_cast %mul3A_374 : i32 to index
      %get3A_378 = tpu.vector_load %arg11[%get3A_376, %get3A_377] {strides = array<i32>} : memref<32x512xf32, #tpu.memory_space<vmem>>, vector<16xf32>,
      %mul3A_379 = arith.mulf %get3A_378, %get3A_202 : vector<16xf32>
      %scatter3A_380 = arith.constant 38912 : i32
      %scatter3A_381 = tpu.memref_slice %arg13[%scatter3A_380] : memref<65536xf32, #tpu.memory_space<vmem>> -> memref<2048xf32, #tpu.memory_space<vmem>>
      tpu.vector_store_idx %scatter3A_381[%get3A_200], %mul3A_379 {add = true} : memref<2048xf32, #tpu.memory_space<vmem>>[vector<16xi32>], vector<16xf32>,
      %mul3A_382 = arith.constant 16 : i32
      %mul3A_383 = arith.muli %scan3A_195, %mul3A_382 : i32
      %get3A_384 = arith.constant 20 : i32
      %get3A_385 = arith.index_cast %get3A_384 : i32 to index
      %get3A_386 = arith.index_cast %mul3A_383 : i32 to index
      %get3A_387 = tpu.vector_load %arg11[%get3A_385, %get3A_386] {strides = array<i32>} : memref<32x512xf32, #tpu.memory_space<vmem>>, vector<16xf32>,
      %mul3A_388 = arith.mulf %get3A_387, %get3A_202 : vector<16xf32>
      %scatter3A_389 = arith.constant 40960 : i32
      %scatter3A_390 = tpu.memref_slice %arg13[%scatter3A_389] : memref<65536xf32, #tpu.memory_space<vmem>> -> memref<2048xf32, #tpu.memory_space<vmem>>
      tpu.vector_store_idx %scatter3A_390[%get3A_200], %mul3A_388 {add = true} : memref<2048xf32, #tpu.memory_space<vmem>>[vector<16xi32>], vector<16xf32>,
      %mul3A_391 = arith.constant 16 : i32
      %mul3A_392 = arith.muli %scan3A_195, %mul3A_391 : i32
      %get3A_393 = arith.constant 21 : i32
      %get3A_394 = arith.index_cast %get3A_393 : i32 to index
      %get3A_395 = arith.index_cast %mul3A_392 : i32 to index
      %get3A_396 = tpu.vector_load %arg11[%get3A_394, %get3A_395] {strides = array<i32>} : memref<32x512xf32, #tpu.memory_space<vmem>>, vector<16xf32>,
      %mul3A_397 = arith.mulf %get3A_396, %get3A_202 : vector<16xf32>
      %scatter3A_398 = arith.constant 43008 : i32
      %scatter3A_399 = tpu.memref_slice %arg13[%scatter3A_398] : memref<65536xf32, #tpu.memory_space<vmem>> -> memref<2048xf32, #tpu.memory_space<vmem>>
      tpu.vector_store_idx %scatter3A_399[%get3A_200], %mul3A_397 {add = true} : memref<2048xf32, #tpu.memory_space<vmem>>[vector<16xi32>], vector<16xf32>,
      %mul3A_400 = arith.constant 16 : i32
      %mul3A_401 = arith.muli %scan3A_195, %mul3A_400 : i32
      %get3A_402 = arith.constant 22 : i32
      %get3A_403 = arith.index_cast %get3A_402 : i32 to index
      %get3A_404 = arith.index_cast %mul3A_401 : i32 to index
      %get3A_405 = tpu.vector_load %arg11[%get3A_403, %get3A_404] {strides = array<i32>} : memref<32x512xf32, #tpu.memory_space<vmem>>, vector<16xf32>,
      %mul3A_406 = arith.mulf %get3A_405, %get3A_202 : vector<16xf32>
      %scatter3A_407 = arith.constant 45056 : i32
      %scatter3A_408 = tpu.memref_slice %arg13[%scatter3A_407] : memref<65536xf32, #tpu.memory_space<vmem>> -> memref<2048xf32, #tpu.memory_space<vmem>>
      tpu.vector_store_idx %scatter3A_408[%get3A_200], %mul3A_406 {add = true} : memref<2048xf32, #tpu.memory_space<vmem>>[vector<16xi32>], vector<16xf32>,
      %mul3A_409 = arith.constant 16 : i32
      %mul3A_410 = arith.muli %scan3A_195, %mul3A_409 : i32
      %get3A_411 = arith.constant 23 : i32
      %get3A_412 = arith.index_cast %get3A_411 : i32 to index
      %get3A_413 = arith.index_cast %mul3A_410 : i32 to index
      %get3A_414 = tpu.vector_load %arg11[%get3A_412, %get3A_413] {strides = array<i32>} : memref<32x512xf32, #tpu.memory_space<vmem>>, vector<16xf32>,
      %mul3A_415 = arith.mulf %get3A_414, %get3A_202 : vector<16xf32>
      %scatter3A_416 = arith.constant 47104 : i32
      %scatter3A_417 = tpu.memref_slice %arg13[%scatter3A_416] : memref<65536xf32, #tpu.memory_space<vmem>> -> memref<2048xf32, #tpu.memory_space<vmem>>
      tpu.vector_store_idx %scatter3A_417[%get3A_200], %mul3A_415 {add = true} : memref<2048xf32, #tpu.memory_space<vmem>>[vector<16xi32>], vector<16xf32>,
      %mul3A_418 = arith.constant 16 : i32
      %mul3A_419 = arith.muli %scan3A_195, %mul3A_418 : i32
      %get3A_420 = arith.constant 24 : i32
      %get3A_421 = arith.index_cast %get3A_420 : i32 to index
      %get3A_422 = arith.index_cast %mul3A_419 : i32 to index
      %get3A_423 = tpu.vector_load %arg11[%get3A_421, %get3A_422] {strides = array<i32>} : memref<32x512xf32, #tpu.memory_space<vmem>>, vector<16xf32>,
      %mul3A_424 = arith.mulf %get3A_423, %get3A_202 : vector<16xf32>
      %scatter3A_425 = arith.constant 49152 : i32
      %scatter3A_426 = tpu.memref_slice %arg13[%scatter3A_425] : memref<65536xf32, #tpu.memory_space<vmem>> -> memref<2048xf32, #tpu.memory_space<vmem>>
      tpu.vector_store_idx %scatter3A_426[%get3A_200], %mul3A_424 {add = true} : memref<2048xf32, #tpu.memory_space<vmem>>[vector<16xi32>], vector<16xf32>,
      %mul3A_427 = arith.constant 16 : i32
      %mul3A_428 = arith.muli %scan3A_195, %mul3A_427 : i32
      %get3A_429 = arith.constant 25 : i32
      %get3A_430 = arith.index_cast %get3A_429 : i32 to index
      %get3A_431 = arith.index_cast %mul3A_428 : i32 to index
      %get3A_432 = tpu.vector_load %arg11[%get3A_430, %get3A_431] {strides = array<i32>} : memref<32x512xf32, #tpu.memory_space<vmem>>, vector<16xf32>,
      %mul3A_433 = arith.mulf %get3A_432, %get3A_202 : vector<16xf32>
      %scatter3A_434 = arith.constant 51200 : i32
      %scatter3A_435 = tpu.memref_slice %arg13[%scatter3A_434] : memref<65536xf32, #tpu.memory_space<vmem>> -> memref<2048xf32, #tpu.memory_space<vmem>>
      tpu.vector_store_idx %scatter3A_435[%get3A_200], %mul3A_433 {add = true} : memref<2048xf32, #tpu.memory_space<vmem>>[vector<16xi32>], vector<16xf32>,
      %mul3A_436 = arith.constant 16 : i32
      %mul3A_437 = arith.muli %scan3A_195, %mul3A_436 : i32
      %get3A_438 = arith.constant 26 : i32
      %get3A_439 = arith.index_cast %get3A_438 : i32 to index
      %get3A_440 = arith.index_cast %mul3A_437 : i32 to index
      %get3A_441 = tpu.vector_load %arg11[%get3A_439, %get3A_440] {strides = array<i32>} : memref<32x512xf32, #tpu.memory_space<vmem>>, vector<16xf32>,
      %mul3A_442 = arith.mulf %get3A_441, %get3A_202 : vector<16xf32>
      %scatter3A_443 = arith.constant 53248 : i32
      %scatter3A_444 = tpu.memref_slice %arg13[%scatter3A_443] : memref<65536xf32, #tpu.memory_space<vmem>> -> memref<2048xf32, #tpu.memory_space<vmem>>
      tpu.vector_store_idx %scatter3A_444[%get3A_200], %mul3A_442 {add = true} : memref<2048xf32, #tpu.memory_space<vmem>>[vector<16xi32>], vector<16xf32>,
      %mul3A_445 = arith.constant 16 : i32
      %mul3A_446 = arith.muli %scan3A_195, %mul3A_445 : i32
      %get3A_447 = arith.constant 27 : i32
      %get3A_448 = arith.index_cast %get3A_447 : i32 to index
      %get3A_449 = arith.index_cast %mul3A_446 : i32 to index
      %get3A_450 = tpu.vector_load %arg11[%get3A_448, %get3A_449] {strides = array<i32>} : memref<32x512xf32, #tpu.memory_space<vmem>>, vector<16xf32>,
      %mul3A_451 = arith.mulf %get3A_450, %get3A_202 : vector<16xf32>
      %scatter3A_452 = arith.constant 55296 : i32
      %scatter3A_453 = tpu.memref_slice %arg13[%scatter3A_452] : memref<65536xf32, #tpu.memory_space<vmem>> -> memref<2048xf32, #tpu.memory_space<vmem>>
      tpu.vector_store_idx %scatter3A_453[%get3A_200], %mul3A_451 {add = true} : memref<2048xf32, #tpu.memory_space<vmem>>[vector<16xi32>], vector<16xf32>,
      %mul3A_454 = arith.constant 16 : i32
      %mul3A_455 = arith.muli %scan3A_195, %mul3A_454 : i32
      %get3A_456 = arith.constant 28 : i32
      %get3A_457 = arith.index_cast %get3A_456 : i32 to index
      %get3A_458 = arith.index_cast %mul3A_455 : i32 to index
      %get3A_459 = tpu.vector_load %arg11[%get3A_457, %get3A_458] {strides = array<i32>} : memref<32x512xf32, #tpu.memory_space<vmem>>, vector<16xf32>,
      %mul3A_460 = arith.mulf %get3A_459, %get3A_202 : vector<16xf32>
      %scatter3A_461 = arith.constant 57344 : i32
      %scatter3A_462 = tpu.memref_slice %arg13[%scatter3A_461] : memref<65536xf32, #tpu.memory_space<vmem>> -> memref<2048xf32, #tpu.memory_space<vmem>>
      tpu.vector_store_idx %scatter3A_462[%get3A_200], %mul3A_460 {add = true} : memref<2048xf32, #tpu.memory_space<vmem>>[vector<16xi32>], vector<16xf32>,
      %mul3A_463 = arith.constant 16 : i32
      %mul3A_464 = arith.muli %scan3A_195, %mul3A_463 : i32
      %get3A_465 = arith.constant 29 : i32
      %get3A_466 = arith.index_cast %get3A_465 : i32 to index
      %get3A_467 = arith.index_cast %mul3A_464 : i32 to index
      %get3A_468 = tpu.vector_load %arg11[%get3A_466, %get3A_467] {strides = array<i32>} : memref<32x512xf32, #tpu.memory_space<vmem>>, vector<16xf32>,
      %mul3A_469 = arith.mulf %get3A_468, %get3A_202 : vector<16xf32>
      %scatter3A_470 = arith.constant 59392 : i32
      %scatter3A_471 = tpu.memref_slice %arg13[%scatter3A_470] : memref<65536xf32, #tpu.memory_space<vmem>> -> memref<2048xf32, #tpu.memory_space<vmem>>
      tpu.vector_store_idx %scatter3A_471[%get3A_200], %mul3A_469 {add = true} : memref<2048xf32, #tpu.memory_space<vmem>>[vector<16xi32>], vector<16xf32>,
      %mul3A_472 = arith.constant 16 : i32
      %mul3A_473 = arith.muli %scan3A_195, %mul3A_472 : i32
      %get3A_474 = arith.constant 30 : i32
      %get3A_475 = arith.index_cast %get3A_474 : i32 to index
      %get3A_476 = arith.index_cast %mul3A_473 : i32 to index
      %get3A_477 = tpu.vector_load %arg11[%get3A_475, %get3A_476] {strides = array<i32>} : memref<32x512xf32, #tpu.memory_space<vmem>>, vector<16xf32>,
      %mul3A_478 = arith.mulf %get3A_477, %get3A_202 : vector<16xf32>
      %scatter3A_479 = arith.constant 61440 : i32
      %scatter3A_480 = tpu.memref_slice %arg13[%scatter3A_479] : memref<65536xf32, #tpu.memory_space<vmem>> -> memref<2048xf32, #tpu.memory_space<vmem>>
      tpu.vector_store_idx %scatter3A_480[%get3A_200], %mul3A_478 {add = true} : memref<2048xf32, #tpu.memory_space<vmem>>[vector<16xi32>], vector<16xf32>,
      %mul3A_481 = arith.constant 16 : i32
      %mul3A_482 = arith.muli %scan3A_195, %mul3A_481 : i32
      %get3A_483 = arith.constant 31 : i32
      %get3A_484 = arith.index_cast %get3A_483 : i32 to index
      %get3A_485 = arith.index_cast %mul3A_482 : i32 to index
      %get3A_486 = tpu.vector_load %arg11[%get3A_484, %get3A_485] {strides = array<i32>} : memref<32x512xf32, #tpu.memory_space<vmem>>, vector<16xf32>,
      %mul3A_487 = arith.mulf %get3A_486, %get3A_202 : vector<16xf32>
      %scatter3A_488 = arith.constant 63488 : i32
      %scatter3A_489 = tpu.memref_slice %arg13[%scatter3A_488] : memref<65536xf32, #tpu.memory_space<vmem>> -> memref<2048xf32, #tpu.memory_space<vmem>>
      tpu.vector_store_idx %scatter3A_489[%get3A_200], %mul3A_487 {add = true} : memref<2048xf32, #tpu.memory_space<vmem>>[vector<16xi32>], vector<16xf32>,
    }
    %scan3A_138 = arith.constant 32 : i32
    %mul3A_139 = arith.constant 4 : i32
    %mul3A_140 = arith.muli %arg0, %mul3A_139 : i32
    %add3A_141 = arith.constant 3 : i32
    %add3A_142 = arith.addi %mul3A_140, %add3A_141 : i32
    %dma_start3A_143 = arith.constant 0 : i32
    %dma_start3A_144 = tpu.memref_slice %arg2[%add3A_142, %mul3A_2, %dma_start3A_143] : memref<8x512x1024xf32, #tpu.memory_space<hbm>> -> memref<1x32x512xf32, #tpu.memory_space<hbm>>
    %dma_start3A_145 = tpu.memref_squeeze %dma_start3A_144 : memref<1x32x512xf32, #tpu.memory_space<hbm>> -> memref<32x512xf32, #tpu.memory_space<hbm>>
    %dma_start3A_146 = arith.constant 0 : i32
    %dma_start3A_147 = tpu.memref_slice %arg2[%add3A_142, %mul3A_2, %dma_start3A_146] : memref<8x512x1024xf32, #tpu.memory_space<hbm>> -> memref<1x32x512xf32, #tpu.memory_space<hbm>>
    %dma_start3A_148 = tpu.memref_squeeze %dma_start3A_147 : memref<1x32x512xf32, #tpu.memory_space<hbm>> -> memref<32x512xf32, #tpu.memory_space<hbm>>
    tpu.enqueue_dma source(%dma_start3A_148 : memref<32x512xf32, #tpu.memory_space<hbm>>) target(%arg11 : memref<32x512xf32, #tpu.memory_space<vmem>>) target_semaphore(%arg17 : memref<!tpu.dma_semaphore, #tpu.memory_space<semaphore_mem>>)
    %dma_wait3A_149 = arith.constant 512 : i32
    %dma_wait3A_150 = tpu.memref_slice %arg2[%add3A_120, %mul3A_2, %dma_wait3A_149] : memref<8x512x1024xf32, #tpu.memory_space<hbm>> -> memref<1x32x512xf32, #tpu.memory_space<hbm>>
    %dma_wait3A_151 = tpu.memref_squeeze %dma_wait3A_150 : memref<1x32x512xf32, #tpu.memory_space<hbm>> -> memref<32x512xf32, #tpu.memory_space<hbm>>
    %dma_wait3A_152 = arith.constant 512 : i32
    %dma_wait3A_153 = tpu.memref_slice %arg2[%add3A_120, %mul3A_2, %dma_wait3A_152] : memref<8x512x1024xf32, #tpu.memory_space<hbm>> -> memref<1x32x512xf32, #tpu.memory_space<hbm>>
    %dma_wait3A_154 = tpu.memref_squeeze %dma_wait3A_153 : memref<1x32x512xf32, #tpu.memory_space<hbm>> -> memref<32x512xf32, #tpu.memory_space<hbm>>
    tpu.wait_dma2 semaphore(%arg18 : memref<!tpu.dma_semaphore, #tpu.memory_space<semaphore_mem>>) src(%dma_wait3A_154 : memref<32x512xf32, #tpu.memory_space<hbm>>) dst(%arg12 : memref<32x512xf32, #tpu.memory_space<vmem>>)
    %scan3A_155 = arith.constant 0 : i32
    %scan3A_156 = arith.constant 0 : i32
    %scan3A_157 = arith.constant 32 : i32
    %scan3A_158 = arith.addi %scan3A_156, %scan3A_157 : i32
    %scan3A_159 = arith.constant 1 : i32
    scf.for %scan3A_195 = %scan3A_156 to %scan3A_158 step %scan3A_159  : i32 {
      %mul3A_196 = arith.constant 16 : i32
      %mul3A_197 = arith.muli %scan3A_195, %mul3A_196 : i32
      %add3A_198 = arith.constant 2560 : i32
      %add3A_199 = arith.addi %add3A_198, %mul3A_197 : i32
      %get3A = arith.index_cast %add3A_199 : i32 to index
      %get3A_200 = tpu.vector_load %arg8[%get3A] {strides = array<i32>} : memref<4096xi32, #tpu.memory_space<vmem>>, vector<16xi32>,
      %get3A_201 = arith.index_cast %add3A_199 : i32 to index
      %get3A_202 = tpu.vector_load %arg10[%get3A_201] {strides = array<i32>} : memref<4096xf32, #tpu.memory_space<vmem>>, vector<16xf32>,
      %mul3A_203 = arith.constant 16 : i32
      %mul3A_204 = arith.muli %scan3A_195, %mul3A_203 : i32
      %get3A_205 = arith.constant 0 : i32
      %get3A_206 = arith.index_cast %get3A_205 : i32 to index
      %get3A_207 = arith.index_cast %mul3A_204 : i32 to index
      %get3A_208 = tpu.vector_load %arg12[%get3A_206, %get3A_207] {strides = array<i32>} : memref<32x512xf32, #tpu.memory_space<vmem>>, vector<16xf32>,
      %mul3A_209 = arith.mulf %get3A_208, %get3A_202 : vector<16xf32>
      %scatter3A = arith.constant 0 : i32
      %scatter3A_210 = tpu.memref_slice %arg13[%scatter3A] : memref<65536xf32, #tpu.memory_space<vmem>> -> memref<2048xf32, #tpu.memory_space<vmem>>
      tpu.vector_store_idx %scatter3A_210[%get3A_200], %mul3A_209 {add = true} : memref<2048xf32, #tpu.memory_space<vmem>>[vector<16xi32>], vector<16xf32>,
      %mul3A_211 = arith.constant 16 : i32
      %mul3A_212 = arith.muli %scan3A_195, %mul3A_211 : i32
      %get3A_213 = arith.constant 1 : i32
      %get3A_214 = arith.index_cast %get3A_213 : i32 to index
      %get3A_215 = arith.index_cast %mul3A_212 : i32 to index
      %get3A_216 = tpu.vector_load %arg12[%get3A_214, %get3A_215] {strides = array<i32>} : memref<32x512xf32, #tpu.memory_space<vmem>>, vector<16xf32>,
      %mul3A_217 = arith.mulf %get3A_216, %get3A_202 : vector<16xf32>
      %scatter3A_218 = arith.constant 2048 : i32
      %scatter3A_219 = tpu.memref_slice %arg13[%scatter3A_218] : memref<65536xf32, #tpu.memory_space<vmem>> -> memref<2048xf32, #tpu.memory_space<vmem>>
      tpu.vector_store_idx %scatter3A_219[%get3A_200], %mul3A_217 {add = true} : memref<2048xf32, #tpu.memory_space<vmem>>[vector<16xi32>], vector<16xf32>,
      %mul3A_220 = arith.constant 16 : i32
      %mul3A_221 = arith.muli %scan3A_195, %mul3A_220 : i32
      %get3A_222 = arith.constant 2 : i32
      %get3A_223 = arith.index_cast %get3A_222 : i32 to index
      %get3A_224 = arith.index_cast %mul3A_221 : i32 to index
      %get3A_225 = tpu.vector_load %arg12[%get3A_223, %get3A_224] {strides = array<i32>} : memref<32x512xf32, #tpu.memory_space<vmem>>, vector<16xf32>,
      %mul3A_226 = arith.mulf %get3A_225, %get3A_202 : vector<16xf32>
      %scatter3A_227 = arith.constant 4096 : i32
      %scatter3A_228 = tpu.memref_slice %arg13[%scatter3A_227] : memref<65536xf32, #tpu.memory_space<vmem>> -> memref<2048xf32, #tpu.memory_space<vmem>>
      tpu.vector_store_idx %scatter3A_228[%get3A_200], %mul3A_226 {add = true} : memref<2048xf32, #tpu.memory_space<vmem>>[vector<16xi32>], vector<16xf32>,
      %mul3A_229 = arith.constant 16 : i32
      %mul3A_230 = arith.muli %scan3A_195, %mul3A_229 : i32
      %get3A_231 = arith.constant 3 : i32
      %get3A_232 = arith.index_cast %get3A_231 : i32 to index
      %get3A_233 = arith.index_cast %mul3A_230 : i32 to index
      %get3A_234 = tpu.vector_load %arg12[%get3A_232, %get3A_233] {strides = array<i32>} : memref<32x512xf32, #tpu.memory_space<vmem>>, vector<16xf32>,
      %mul3A_235 = arith.mulf %get3A_234, %get3A_202 : vector<16xf32>
      %scatter3A_236 = arith.constant 6144 : i32
      %scatter3A_237 = tpu.memref_slice %arg13[%scatter3A_236] : memref<65536xf32, #tpu.memory_space<vmem>> -> memref<2048xf32, #tpu.memory_space<vmem>>
      tpu.vector_store_idx %scatter3A_237[%get3A_200], %mul3A_235 {add = true} : memref<2048xf32, #tpu.memory_space<vmem>>[vector<16xi32>], vector<16xf32>,
      %mul3A_238 = arith.constant 16 : i32
      %mul3A_239 = arith.muli %scan3A_195, %mul3A_238 : i32
      %get3A_240 = arith.constant 4 : i32
      %get3A_241 = arith.index_cast %get3A_240 : i32 to index
      %get3A_242 = arith.index_cast %mul3A_239 : i32 to index
      %get3A_243 = tpu.vector_load %arg12[%get3A_241, %get3A_242] {strides = array<i32>} : memref<32x512xf32, #tpu.memory_space<vmem>>, vector<16xf32>,
      %mul3A_244 = arith.mulf %get3A_243, %get3A_202 : vector<16xf32>
      %scatter3A_245 = arith.constant 8192 : i32
      %scatter3A_246 = tpu.memref_slice %arg13[%scatter3A_245] : memref<65536xf32, #tpu.memory_space<vmem>> -> memref<2048xf32, #tpu.memory_space<vmem>>
      tpu.vector_store_idx %scatter3A_246[%get3A_200], %mul3A_244 {add = true} : memref<2048xf32, #tpu.memory_space<vmem>>[vector<16xi32>], vector<16xf32>,
      %mul3A_247 = arith.constant 16 : i32
      %mul3A_248 = arith.muli %scan3A_195, %mul3A_247 : i32
      %get3A_249 = arith.constant 5 : i32
      %get3A_250 = arith.index_cast %get3A_249 : i32 to index
      %get3A_251 = arith.index_cast %mul3A_248 : i32 to index
      %get3A_252 = tpu.vector_load %arg12[%get3A_250, %get3A_251] {strides = array<i32>} : memref<32x512xf32, #tpu.memory_space<vmem>>, vector<16xf32>,
      %mul3A_253 = arith.mulf %get3A_252, %get3A_202 : vector<16xf32>
      %scatter3A_254 = arith.constant 10240 : i32
      %scatter3A_255 = tpu.memref_slice %arg13[%scatter3A_254] : memref<65536xf32, #tpu.memory_space<vmem>> -> memref<2048xf32, #tpu.memory_space<vmem>>
      tpu.vector_store_idx %scatter3A_255[%get3A_200], %mul3A_253 {add = true} : memref<2048xf32, #tpu.memory_space<vmem>>[vector<16xi32>], vector<16xf32>,
      %mul3A_256 = arith.constant 16 : i32
      %mul3A_257 = arith.muli %scan3A_195, %mul3A_256 : i32
      %get3A_258 = arith.constant 6 : i32
      %get3A_259 = arith.index_cast %get3A_258 : i32 to index
      %get3A_260 = arith.index_cast %mul3A_257 : i32 to index
      %get3A_261 = tpu.vector_load %arg12[%get3A_259, %get3A_260] {strides = array<i32>} : memref<32x512xf32, #tpu.memory_space<vmem>>, vector<16xf32>,
      %mul3A_262 = arith.mulf %get3A_261, %get3A_202 : vector<16xf32>
      %scatter3A_263 = arith.constant 12288 : i32
      %scatter3A_264 = tpu.memref_slice %arg13[%scatter3A_263] : memref<65536xf32, #tpu.memory_space<vmem>> -> memref<2048xf32, #tpu.memory_space<vmem>>
      tpu.vector_store_idx %scatter3A_264[%get3A_200], %mul3A_262 {add = true} : memref<2048xf32, #tpu.memory_space<vmem>>[vector<16xi32>], vector<16xf32>,
      %mul3A_265 = arith.constant 16 : i32
      %mul3A_266 = arith.muli %scan3A_195, %mul3A_265 : i32
      %get3A_267 = arith.constant 7 : i32
      %get3A_268 = arith.index_cast %get3A_267 : i32 to index
      %get3A_269 = arith.index_cast %mul3A_266 : i32 to index
      %get3A_270 = tpu.vector_load %arg12[%get3A_268, %get3A_269] {strides = array<i32>} : memref<32x512xf32, #tpu.memory_space<vmem>>, vector<16xf32>,
      %mul3A_271 = arith.mulf %get3A_270, %get3A_202 : vector<16xf32>
      %scatter3A_272 = arith.constant 14336 : i32
      %scatter3A_273 = tpu.memref_slice %arg13[%scatter3A_272] : memref<65536xf32, #tpu.memory_space<vmem>> -> memref<2048xf32, #tpu.memory_space<vmem>>
      tpu.vector_store_idx %scatter3A_273[%get3A_200], %mul3A_271 {add = true} : memref<2048xf32, #tpu.memory_space<vmem>>[vector<16xi32>], vector<16xf32>,
      %mul3A_274 = arith.constant 16 : i32
      %mul3A_275 = arith.muli %scan3A_195, %mul3A_274 : i32
      %get3A_276 = arith.constant 8 : i32
      %get3A_277 = arith.index_cast %get3A_276 : i32 to index
      %get3A_278 = arith.index_cast %mul3A_275 : i32 to index
      %get3A_279 = tpu.vector_load %arg12[%get3A_277, %get3A_278] {strides = array<i32>} : memref<32x512xf32, #tpu.memory_space<vmem>>, vector<16xf32>,
      %mul3A_280 = arith.mulf %get3A_279, %get3A_202 : vector<16xf32>
      %scatter3A_281 = arith.constant 16384 : i32
      %scatter3A_282 = tpu.memref_slice %arg13[%scatter3A_281] : memref<65536xf32, #tpu.memory_space<vmem>> -> memref<2048xf32, #tpu.memory_space<vmem>>
      tpu.vector_store_idx %scatter3A_282[%get3A_200], %mul3A_280 {add = true} : memref<2048xf32, #tpu.memory_space<vmem>>[vector<16xi32>], vector<16xf32>,
      %mul3A_283 = arith.constant 16 : i32
      %mul3A_284 = arith.muli %scan3A_195, %mul3A_283 : i32
      %get3A_285 = arith.constant 9 : i32
      %get3A_286 = arith.index_cast %get3A_285 : i32 to index
      %get3A_287 = arith.index_cast %mul3A_284 : i32 to index
      %get3A_288 = tpu.vector_load %arg12[%get3A_286, %get3A_287] {strides = array<i32>} : memref<32x512xf32, #tpu.memory_space<vmem>>, vector<16xf32>,
      %mul3A_289 = arith.mulf %get3A_288, %get3A_202 : vector<16xf32>
      %scatter3A_290 = arith.constant 18432 : i32
      %scatter3A_291 = tpu.memref_slice %arg13[%scatter3A_290] : memref<65536xf32, #tpu.memory_space<vmem>> -> memref<2048xf32, #tpu.memory_space<vmem>>
      tpu.vector_store_idx %scatter3A_291[%get3A_200], %mul3A_289 {add = true} : memref<2048xf32, #tpu.memory_space<vmem>>[vector<16xi32>], vector<16xf32>,
      %mul3A_292 = arith.constant 16 : i32
      %mul3A_293 = arith.muli %scan3A_195, %mul3A_292 : i32
      %get3A_294 = arith.constant 10 : i32
      %get3A_295 = arith.index_cast %get3A_294 : i32 to index
      %get3A_296 = arith.index_cast %mul3A_293 : i32 to index
      %get3A_297 = tpu.vector_load %arg12[%get3A_295, %get3A_296] {strides = array<i32>} : memref<32x512xf32, #tpu.memory_space<vmem>>, vector<16xf32>,
      %mul3A_298 = arith.mulf %get3A_297, %get3A_202 : vector<16xf32>
      %scatter3A_299 = arith.constant 20480 : i32
      %scatter3A_300 = tpu.memref_slice %arg13[%scatter3A_299] : memref<65536xf32, #tpu.memory_space<vmem>> -> memref<2048xf32, #tpu.memory_space<vmem>>
      tpu.vector_store_idx %scatter3A_300[%get3A_200], %mul3A_298 {add = true} : memref<2048xf32, #tpu.memory_space<vmem>>[vector<16xi32>], vector<16xf32>,
      %mul3A_301 = arith.constant 16 : i32
      %mul3A_302 = arith.muli %scan3A_195, %mul3A_301 : i32
      %get3A_303 = arith.constant 11 : i32
      %get3A_304 = arith.index_cast %get3A_303 : i32 to index
      %get3A_305 = arith.index_cast %mul3A_302 : i32 to index
      %get3A_306 = tpu.vector_load %arg12[%get3A_304, %get3A_305] {strides = array<i32>} : memref<32x512xf32, #tpu.memory_space<vmem>>, vector<16xf32>,
      %mul3A_307 = arith.mulf %get3A_306, %get3A_202 : vector<16xf32>
      %scatter3A_308 = arith.constant 22528 : i32
      %scatter3A_309 = tpu.memref_slice %arg13[%scatter3A_308] : memref<65536xf32, #tpu.memory_space<vmem>> -> memref<2048xf32, #tpu.memory_space<vmem>>
      tpu.vector_store_idx %scatter3A_309[%get3A_200], %mul3A_307 {add = true} : memref<2048xf32, #tpu.memory_space<vmem>>[vector<16xi32>], vector<16xf32>,
      %mul3A_310 = arith.constant 16 : i32
      %mul3A_311 = arith.muli %scan3A_195, %mul3A_310 : i32
      %get3A_312 = arith.constant 12 : i32
      %get3A_313 = arith.index_cast %get3A_312 : i32 to index
      %get3A_314 = arith.index_cast %mul3A_311 : i32 to index
      %get3A_315 = tpu.vector_load %arg12[%get3A_313, %get3A_314] {strides = array<i32>} : memref<32x512xf32, #tpu.memory_space<vmem>>, vector<16xf32>,
      %mul3A_316 = arith.mulf %get3A_315, %get3A_202 : vector<16xf32>
      %scatter3A_317 = arith.constant 24576 : i32
      %scatter3A_318 = tpu.memref_slice %arg13[%scatter3A_317] : memref<65536xf32, #tpu.memory_space<vmem>> -> memref<2048xf32, #tpu.memory_space<vmem>>
      tpu.vector_store_idx %scatter3A_318[%get3A_200], %mul3A_316 {add = true} : memref<2048xf32, #tpu.memory_space<vmem>>[vector<16xi32>], vector<16xf32>,
      %mul3A_319 = arith.constant 16 : i32
      %mul3A_320 = arith.muli %scan3A_195, %mul3A_319 : i32
      %get3A_321 = arith.constant 13 : i32
      %get3A_322 = arith.index_cast %get3A_321 : i32 to index
      %get3A_323 = arith.index_cast %mul3A_320 : i32 to index
      %get3A_324 = tpu.vector_load %arg12[%get3A_322, %get3A_323] {strides = array<i32>} : memref<32x512xf32, #tpu.memory_space<vmem>>, vector<16xf32>,
      %mul3A_325 = arith.mulf %get3A_324, %get3A_202 : vector<16xf32>
      %scatter3A_326 = arith.constant 26624 : i32
      %scatter3A_327 = tpu.memref_slice %arg13[%scatter3A_326] : memref<65536xf32, #tpu.memory_space<vmem>> -> memref<2048xf32, #tpu.memory_space<vmem>>
      tpu.vector_store_idx %scatter3A_327[%get3A_200], %mul3A_325 {add = true} : memref<2048xf32, #tpu.memory_space<vmem>>[vector<16xi32>], vector<16xf32>,
      %mul3A_328 = arith.constant 16 : i32
      %mul3A_329 = arith.muli %scan3A_195, %mul3A_328 : i32
      %get3A_330 = arith.constant 14 : i32
      %get3A_331 = arith.index_cast %get3A_330 : i32 to index
      %get3A_332 = arith.index_cast %mul3A_329 : i32 to index
      %get3A_333 = tpu.vector_load %arg12[%get3A_331, %get3A_332] {strides = array<i32>} : memref<32x512xf32, #tpu.memory_space<vmem>>, vector<16xf32>,
      %mul3A_334 = arith.mulf %get3A_333, %get3A_202 : vector<16xf32>
      %scatter3A_335 = arith.constant 28672 : i32
      %scatter3A_336 = tpu.memref_slice %arg13[%scatter3A_335] : memref<65536xf32, #tpu.memory_space<vmem>> -> memref<2048xf32, #tpu.memory_space<vmem>>
      tpu.vector_store_idx %scatter3A_336[%get3A_200], %mul3A_334 {add = true} : memref<2048xf32, #tpu.memory_space<vmem>>[vector<16xi32>], vector<16xf32>,
      %mul3A_337 = arith.constant 16 : i32
      %mul3A_338 = arith.muli %scan3A_195, %mul3A_337 : i32
      %get3A_339 = arith.constant 15 : i32
      %get3A_340 = arith.index_cast %get3A_339 : i32 to index
      %get3A_341 = arith.index_cast %mul3A_338 : i32 to index
      %get3A_342 = tpu.vector_load %arg12[%get3A_340, %get3A_341] {strides = array<i32>} : memref<32x512xf32, #tpu.memory_space<vmem>>, vector<16xf32>,
      %mul3A_343 = arith.mulf %get3A_342, %get3A_202 : vector<16xf32>
      %scatter3A_344 = arith.constant 30720 : i32
      %scatter3A_345 = tpu.memref_slice %arg13[%scatter3A_344] : memref<65536xf32, #tpu.memory_space<vmem>> -> memref<2048xf32, #tpu.memory_space<vmem>>
      tpu.vector_store_idx %scatter3A_345[%get3A_200], %mul3A_343 {add = true} : memref<2048xf32, #tpu.memory_space<vmem>>[vector<16xi32>], vector<16xf32>,
      %mul3A_346 = arith.constant 16 : i32
      %mul3A_347 = arith.muli %scan3A_195, %mul3A_346 : i32
      %get3A_348 = arith.constant 16 : i32
      %get3A_349 = arith.index_cast %get3A_348 : i32 to index
      %get3A_350 = arith.index_cast %mul3A_347 : i32 to index
      %get3A_351 = tpu.vector_load %arg12[%get3A_349, %get3A_350] {strides = array<i32>} : memref<32x512xf32, #tpu.memory_space<vmem>>, vector<16xf32>,
      %mul3A_352 = arith.mulf %get3A_351, %get3A_202 : vector<16xf32>
      %scatter3A_353 = arith.constant 32768 : i32
      %scatter3A_354 = tpu.memref_slice %arg13[%scatter3A_353] : memref<65536xf32, #tpu.memory_space<vmem>> -> memref<2048xf32, #tpu.memory_space<vmem>>
      tpu.vector_store_idx %scatter3A_354[%get3A_200], %mul3A_352 {add = true} : memref<2048xf32, #tpu.memory_space<vmem>>[vector<16xi32>], vector<16xf32>,
      %mul3A_355 = arith.constant 16 : i32
      %mul3A_356 = arith.muli %scan3A_195, %mul3A_355 : i32
      %get3A_357 = arith.constant 17 : i32
      %get3A_358 = arith.index_cast %get3A_357 : i32 to index
      %get3A_359 = arith.index_cast %mul3A_356 : i32 to index
      %get3A_360 = tpu.vector_load %arg12[%get3A_358, %get3A_359] {strides = array<i32>} : memref<32x512xf32, #tpu.memory_space<vmem>>, vector<16xf32>,
      %mul3A_361 = arith.mulf %get3A_360, %get3A_202 : vector<16xf32>
      %scatter3A_362 = arith.constant 34816 : i32
      %scatter3A_363 = tpu.memref_slice %arg13[%scatter3A_362] : memref<65536xf32, #tpu.memory_space<vmem>> -> memref<2048xf32, #tpu.memory_space<vmem>>
      tpu.vector_store_idx %scatter3A_363[%get3A_200], %mul3A_361 {add = true} : memref<2048xf32, #tpu.memory_space<vmem>>[vector<16xi32>], vector<16xf32>,
      %mul3A_364 = arith.constant 16 : i32
      %mul3A_365 = arith.muli %scan3A_195, %mul3A_364 : i32
      %get3A_366 = arith.constant 18 : i32
      %get3A_367 = arith.index_cast %get3A_366 : i32 to index
      %get3A_368 = arith.index_cast %mul3A_365 : i32 to index
      %get3A_369 = tpu.vector_load %arg12[%get3A_367, %get3A_368] {strides = array<i32>} : memref<32x512xf32, #tpu.memory_space<vmem>>, vector<16xf32>,
      %mul3A_370 = arith.mulf %get3A_369, %get3A_202 : vector<16xf32>
      %scatter3A_371 = arith.constant 36864 : i32
      %scatter3A_372 = tpu.memref_slice %arg13[%scatter3A_371] : memref<65536xf32, #tpu.memory_space<vmem>> -> memref<2048xf32, #tpu.memory_space<vmem>>
      tpu.vector_store_idx %scatter3A_372[%get3A_200], %mul3A_370 {add = true} : memref<2048xf32, #tpu.memory_space<vmem>>[vector<16xi32>], vector<16xf32>,
      %mul3A_373 = arith.constant 16 : i32
      %mul3A_374 = arith.muli %scan3A_195, %mul3A_373 : i32
      %get3A_375 = arith.constant 19 : i32
      %get3A_376 = arith.index_cast %get3A_375 : i32 to index
      %get3A_377 = arith.index_cast %mul3A_374 : i32 to index
      %get3A_378 = tpu.vector_load %arg12[%get3A_376, %get3A_377] {strides = array<i32>} : memref<32x512xf32, #tpu.memory_space<vmem>>, vector<16xf32>,
      %mul3A_379 = arith.mulf %get3A_378, %get3A_202 : vector<16xf32>
      %scatter3A_380 = arith.constant 38912 : i32
      %scatter3A_381 = tpu.memref_slice %arg13[%scatter3A_380] : memref<65536xf32, #tpu.memory_space<vmem>> -> memref<2048xf32, #tpu.memory_space<vmem>>
      tpu.vector_store_idx %scatter3A_381[%get3A_200], %mul3A_379 {add = true} : memref<2048xf32, #tpu.memory_space<vmem>>[vector<16xi32>], vector<16xf32>,
      %mul3A_382 = arith.constant 16 : i32
      %mul3A_383 = arith.muli %scan3A_195, %mul3A_382 : i32
      %get3A_384 = arith.constant 20 : i32
      %get3A_385 = arith.index_cast %get3A_384 : i32 to index
      %get3A_386 = arith.index_cast %mul3A_383 : i32 to index
      %get3A_387 = tpu.vector_load %arg12[%get3A_385, %get3A_386] {strides = array<i32>} : memref<32x512xf32, #tpu.memory_space<vmem>>, vector<16xf32>,
      %mul3A_388 = arith.mulf %get3A_387, %get3A_202 : vector<16xf32>
      %scatter3A_389 = arith.constant 40960 : i32
      %scatter3A_390 = tpu.memref_slice %arg13[%scatter3A_389] : memref<65536xf32, #tpu.memory_space<vmem>> -> memref<2048xf32, #tpu.memory_space<vmem>>
      tpu.vector_store_idx %scatter3A_390[%get3A_200], %mul3A_388 {add = true} : memref<2048xf32, #tpu.memory_space<vmem>>[vector<16xi32>], vector<16xf32>,
      %mul3A_391 = arith.constant 16 : i32
      %mul3A_392 = arith.muli %scan3A_195, %mul3A_391 : i32
      %get3A_393 = arith.constant 21 : i32
      %get3A_394 = arith.index_cast %get3A_393 : i32 to index
      %get3A_395 = arith.index_cast %mul3A_392 : i32 to index
      %get3A_396 = tpu.vector_load %arg12[%get3A_394, %get3A_395] {strides = array<i32>} : memref<32x512xf32, #tpu.memory_space<vmem>>, vector<16xf32>,
      %mul3A_397 = arith.mulf %get3A_396, %get3A_202 : vector<16xf32>
      %scatter3A_398 = arith.constant 43008 : i32
      %scatter3A_399 = tpu.memref_slice %arg13[%scatter3A_398] : memref<65536xf32, #tpu.memory_space<vmem>> -> memref<2048xf32, #tpu.memory_space<vmem>>
      tpu.vector_store_idx %scatter3A_399[%get3A_200], %mul3A_397 {add = true} : memref<2048xf32, #tpu.memory_space<vmem>>[vector<16xi32>], vector<16xf32>,
      %mul3A_400 = arith.constant 16 : i32
      %mul3A_401 = arith.muli %scan3A_195, %mul3A_400 : i32
      %get3A_402 = arith.constant 22 : i32
      %get3A_403 = arith.index_cast %get3A_402 : i32 to index
      %get3A_404 = arith.index_cast %mul3A_401 : i32 to index
      %get3A_405 = tpu.vector_load %arg12[%get3A_403, %get3A_404] {strides = array<i32>} : memref<32x512xf32, #tpu.memory_space<vmem>>, vector<16xf32>,
      %mul3A_406 = arith.mulf %get3A_405, %get3A_202 : vector<16xf32>
      %scatter3A_407 = arith.constant 45056 : i32
      %scatter3A_408 = tpu.memref_slice %arg13[%scatter3A_407] : memref<65536xf32, #tpu.memory_space<vmem>> -> memref<2048xf32, #tpu.memory_space<vmem>>
      tpu.vector_store_idx %scatter3A_408[%get3A_200], %mul3A_406 {add = true} : memref<2048xf32, #tpu.memory_space<vmem>>[vector<16xi32>], vector<16xf32>,
      %mul3A_409 = arith.constant 16 : i32
      %mul3A_410 = arith.muli %scan3A_195, %mul3A_409 : i32
      %get3A_411 = arith.constant 23 : i32
      %get3A_412 = arith.index_cast %get3A_411 : i32 to index
      %get3A_413 = arith.index_cast %mul3A_410 : i32 to index
      %get3A_414 = tpu.vector_load %arg12[%get3A_412, %get3A_413] {strides = array<i32>} : memref<32x512xf32, #tpu.memory_space<vmem>>, vector<16xf32>,
      %mul3A_415 = arith.mulf %get3A_414, %get3A_202 : vector<16xf32>
      %scatter3A_416 = arith.constant 47104 : i32
      %scatter3A_417 = tpu.memref_slice %arg13[%scatter3A_416] : memref<65536xf32, #tpu.memory_space<vmem>> -> memref<2048xf32, #tpu.memory_space<vmem>>
      tpu.vector_store_idx %scatter3A_417[%get3A_200], %mul3A_415 {add = true} : memref<2048xf32, #tpu.memory_space<vmem>>[vector<16xi32>], vector<16xf32>,
      %mul3A_418 = arith.constant 16 : i32
      %mul3A_419 = arith.muli %scan3A_195, %mul3A_418 : i32
      %get3A_420 = arith.constant 24 : i32
      %get3A_421 = arith.index_cast %get3A_420 : i32 to index
      %get3A_422 = arith.index_cast %mul3A_419 : i32 to index
      %get3A_423 = tpu.vector_load %arg12[%get3A_421, %get3A_422] {strides = array<i32>} : memref<32x512xf32, #tpu.memory_space<vmem>>, vector<16xf32>,
      %mul3A_424 = arith.mulf %get3A_423, %get3A_202 : vector<16xf32>
      %scatter3A_425 = arith.constant 49152 : i32
      %scatter3A_426 = tpu.memref_slice %arg13[%scatter3A_425] : memref<65536xf32, #tpu.memory_space<vmem>> -> memref<2048xf32, #tpu.memory_space<vmem>>
      tpu.vector_store_idx %scatter3A_426[%get3A_200], %mul3A_424 {add = true} : memref<2048xf32, #tpu.memory_space<vmem>>[vector<16xi32>], vector<16xf32>,
      %mul3A_427 = arith.constant 16 : i32
      %mul3A_428 = arith.muli %scan3A_195, %mul3A_427 : i32
      %get3A_429 = arith.constant 25 : i32
      %get3A_430 = arith.index_cast %get3A_429 : i32 to index
      %get3A_431 = arith.index_cast %mul3A_428 : i32 to index
      %get3A_432 = tpu.vector_load %arg12[%get3A_430, %get3A_431] {strides = array<i32>} : memref<32x512xf32, #tpu.memory_space<vmem>>, vector<16xf32>,
      %mul3A_433 = arith.mulf %get3A_432, %get3A_202 : vector<16xf32>
      %scatter3A_434 = arith.constant 51200 : i32
      %scatter3A_435 = tpu.memref_slice %arg13[%scatter3A_434] : memref<65536xf32, #tpu.memory_space<vmem>> -> memref<2048xf32, #tpu.memory_space<vmem>>
      tpu.vector_store_idx %scatter3A_435[%get3A_200], %mul3A_433 {add = true} : memref<2048xf32, #tpu.memory_space<vmem>>[vector<16xi32>], vector<16xf32>,
      %mul3A_436 = arith.constant 16 : i32
      %mul3A_437 = arith.muli %scan3A_195, %mul3A_436 : i32
      %get3A_438 = arith.constant 26 : i32
      %get3A_439 = arith.index_cast %get3A_438 : i32 to index
      %get3A_440 = arith.index_cast %mul3A_437 : i32 to index
      %get3A_441 = tpu.vector_load %arg12[%get3A_439, %get3A_440] {strides = array<i32>} : memref<32x512xf32, #tpu.memory_space<vmem>>, vector<16xf32>,
      %mul3A_442 = arith.mulf %get3A_441, %get3A_202 : vector<16xf32>
      %scatter3A_443 = arith.constant 53248 : i32
      %scatter3A_444 = tpu.memref_slice %arg13[%scatter3A_443] : memref<65536xf32, #tpu.memory_space<vmem>> -> memref<2048xf32, #tpu.memory_space<vmem>>
      tpu.vector_store_idx %scatter3A_444[%get3A_200], %mul3A_442 {add = true} : memref<2048xf32, #tpu.memory_space<vmem>>[vector<16xi32>], vector<16xf32>,
      %mul3A_445 = arith.constant 16 : i32
      %mul3A_446 = arith.muli %scan3A_195, %mul3A_445 : i32
      %get3A_447 = arith.constant 27 : i32
      %get3A_448 = arith.index_cast %get3A_447 : i32 to index
      %get3A_449 = arith.index_cast %mul3A_446 : i32 to index
      %get3A_450 = tpu.vector_load %arg12[%get3A_448, %get3A_449] {strides = array<i32>} : memref<32x512xf32, #tpu.memory_space<vmem>>, vector<16xf32>,
      %mul3A_451 = arith.mulf %get3A_450, %get3A_202 : vector<16xf32>
      %scatter3A_452 = arith.constant 55296 : i32
      %scatter3A_453 = tpu.memref_slice %arg13[%scatter3A_452] : memref<65536xf32, #tpu.memory_space<vmem>> -> memref<2048xf32, #tpu.memory_space<vmem>>
      tpu.vector_store_idx %scatter3A_453[%get3A_200], %mul3A_451 {add = true} : memref<2048xf32, #tpu.memory_space<vmem>>[vector<16xi32>], vector<16xf32>,
      %mul3A_454 = arith.constant 16 : i32
      %mul3A_455 = arith.muli %scan3A_195, %mul3A_454 : i32
      %get3A_456 = arith.constant 28 : i32
      %get3A_457 = arith.index_cast %get3A_456 : i32 to index
      %get3A_458 = arith.index_cast %mul3A_455 : i32 to index
      %get3A_459 = tpu.vector_load %arg12[%get3A_457, %get3A_458] {strides = array<i32>} : memref<32x512xf32, #tpu.memory_space<vmem>>, vector<16xf32>,
      %mul3A_460 = arith.mulf %get3A_459, %get3A_202 : vector<16xf32>
      %scatter3A_461 = arith.constant 57344 : i32
      %scatter3A_462 = tpu.memref_slice %arg13[%scatter3A_461] : memref<65536xf32, #tpu.memory_space<vmem>> -> memref<2048xf32, #tpu.memory_space<vmem>>
      tpu.vector_store_idx %scatter3A_462[%get3A_200], %mul3A_460 {add = true} : memref<2048xf32, #tpu.memory_space<vmem>>[vector<16xi32>], vector<16xf32>,
      %mul3A_463 = arith.constant 16 : i32
      %mul3A_464 = arith.muli %scan3A_195, %mul3A_463 : i32
      %get3A_465 = arith.constant 29 : i32
      %get3A_466 = arith.index_cast %get3A_465 : i32 to index
      %get3A_467 = arith.index_cast %mul3A_464 : i32 to index
      %get3A_468 = tpu.vector_load %arg12[%get3A_466, %get3A_467] {strides = array<i32>} : memref<32x512xf32, #tpu.memory_space<vmem>>, vector<16xf32>,
      %mul3A_469 = arith.mulf %get3A_468, %get3A_202 : vector<16xf32>
      %scatter3A_470 = arith.constant 59392 : i32
      %scatter3A_471 = tpu.memref_slice %arg13[%scatter3A_470] : memref<65536xf32, #tpu.memory_space<vmem>> -> memref<2048xf32, #tpu.memory_space<vmem>>
      tpu.vector_store_idx %scatter3A_471[%get3A_200], %mul3A_469 {add = true} : memref<2048xf32, #tpu.memory_space<vmem>>[vector<16xi32>], vector<16xf32>,
      %mul3A_472 = arith.constant 16 : i32
      %mul3A_473 = arith.muli %scan3A_195, %mul3A_472 : i32
      %get3A_474 = arith.constant 30 : i32
      %get3A_475 = arith.index_cast %get3A_474 : i32 to index
      %get3A_476 = arith.index_cast %mul3A_473 : i32 to index
      %get3A_477 = tpu.vector_load %arg12[%get3A_475, %get3A_476] {strides = array<i32>} : memref<32x512xf32, #tpu.memory_space<vmem>>, vector<16xf32>,
      %mul3A_478 = arith.mulf %get3A_477, %get3A_202 : vector<16xf32>
      %scatter3A_479 = arith.constant 61440 : i32
      %scatter3A_480 = tpu.memref_slice %arg13[%scatter3A_479] : memref<65536xf32, #tpu.memory_space<vmem>> -> memref<2048xf32, #tpu.memory_space<vmem>>
      tpu.vector_store_idx %scatter3A_480[%get3A_200], %mul3A_478 {add = true} : memref<2048xf32, #tpu.memory_space<vmem>>[vector<16xi32>], vector<16xf32>,
      %mul3A_481 = arith.constant 16 : i32
      %mul3A_482 = arith.muli %scan3A_195, %mul3A_481 : i32
      %get3A_483 = arith.constant 31 : i32
      %get3A_484 = arith.index_cast %get3A_483 : i32 to index
      %get3A_485 = arith.index_cast %mul3A_482 : i32 to index
      %get3A_486 = tpu.vector_load %arg12[%get3A_484, %get3A_485] {strides = array<i32>} : memref<32x512xf32, #tpu.memory_space<vmem>>, vector<16xf32>,
      %mul3A_487 = arith.mulf %get3A_486, %get3A_202 : vector<16xf32>
      %scatter3A_488 = arith.constant 63488 : i32
      %scatter3A_489 = tpu.memref_slice %arg13[%scatter3A_488] : memref<65536xf32, #tpu.memory_space<vmem>> -> memref<2048xf32, #tpu.memory_space<vmem>>
      tpu.vector_store_idx %scatter3A_489[%get3A_200], %mul3A_487 {add = true} : memref<2048xf32, #tpu.memory_space<vmem>>[vector<16xi32>], vector<16xf32>,
    }
    %scan3A_160 = arith.constant 32 : i32
    %mul3A_161 = arith.constant 4 : i32
    %mul3A_162 = arith.muli %arg0, %mul3A_161 : i32
    %add3A_163 = arith.constant 3 : i32
    %add3A_164 = arith.addi %mul3A_162, %add3A_163 : i32
    %dma_start3A_165 = arith.constant 512 : i32
    %dma_start3A_166 = tpu.memref_slice %arg2[%add3A_164, %mul3A_2, %dma_start3A_165] : memref<8x512x1024xf32, #tpu.memory_space<hbm>> -> memref<1x32x512xf32, #tpu.memory_space<hbm>>
    %dma_start3A_167 = tpu.memref_squeeze %dma_start3A_166 : memref<1x32x512xf32, #tpu.memory_space<hbm>> -> memref<32x512xf32, #tpu.memory_space<hbm>>
    %dma_start3A_168 = arith.constant 512 : i32
    %dma_start3A_169 = tpu.memref_slice %arg2[%add3A_164, %mul3A_2, %dma_start3A_168] : memref<8x512x1024xf32, #tpu.memory_space<hbm>> -> memref<1x32x512xf32, #tpu.memory_space<hbm>>
    %dma_start3A_170 = tpu.memref_squeeze %dma_start3A_169 : memref<1x32x512xf32, #tpu.memory_space<hbm>> -> memref<32x512xf32, #tpu.memory_space<hbm>>
    tpu.enqueue_dma source(%dma_start3A_170 : memref<32x512xf32, #tpu.memory_space<hbm>>) target(%arg12 : memref<32x512xf32, #tpu.memory_space<vmem>>) target_semaphore(%arg18 : memref<!tpu.dma_semaphore, #tpu.memory_space<semaphore_mem>>)
    %dma_wait3A_171 = arith.constant 0 : i32
    %dma_wait3A_172 = tpu.memref_slice %arg2[%add3A_142, %mul3A_2, %dma_wait3A_171] : memref<8x512x1024xf32, #tpu.memory_space<hbm>> -> memref<1x32x512xf32, #tpu.memory_space<hbm>>
    %dma_wait3A_173 = tpu.memref_squeeze %dma_wait3A_172 : memref<1x32x512xf32, #tpu.memory_space<hbm>> -> memref<32x512xf32, #tpu.memory_space<hbm>>
    %dma_wait3A_174 = arith.constant 0 : i32
    %dma_wait3A_175 = tpu.memref_slice %arg2[%add3A_142, %mul3A_2, %dma_wait3A_174] : memref<8x512x1024xf32, #tpu.memory_space<hbm>> -> memref<1x32x512xf32, #tpu.memory_space<hbm>>
    %dma_wait3A_176 = tpu.memref_squeeze %dma_wait3A_175 : memref<1x32x512xf32, #tpu.memory_space<hbm>> -> memref<32x512xf32, #tpu.memory_space<hbm>>
    tpu.wait_dma2 semaphore(%arg17 : memref<!tpu.dma_semaphore, #tpu.memory_space<semaphore_mem>>) src(%dma_wait3A_176 : memref<32x512xf32, #tpu.memory_space<hbm>>) dst(%arg11 : memref<32x512xf32, #tpu.memory_space<vmem>>)
    %scan3A_177 = arith.constant 0 : i32
    %scan3A_178 = arith.constant 0 : i32
    %scan3A_179 = arith.constant 32 : i32
    %scan3A_180 = arith.addi %scan3A_178, %scan3A_179 : i32
    %scan3A_181 = arith.constant 1 : i32
    scf.for %scan3A_195 = %scan3A_178 to %scan3A_180 step %scan3A_181  : i32 {
      %mul3A_196 = arith.constant 16 : i32
      %mul3A_197 = arith.muli %scan3A_195, %mul3A_196 : i32
      %add3A_198 = arith.constant 3072 : i32
      %add3A_199 = arith.addi %add3A_198, %mul3A_197 : i32
      %get3A = arith.index_cast %add3A_199 : i32 to index
      %get3A_200 = tpu.vector_load %arg8[%get3A] {strides = array<i32>} : memref<4096xi32, #tpu.memory_space<vmem>>, vector<16xi32>,
      %get3A_201 = arith.index_cast %add3A_199 : i32 to index
      %get3A_202 = tpu.vector_load %arg10[%get3A_201] {strides = array<i32>} : memref<4096xf32, #tpu.memory_space<vmem>>, vector<16xf32>,
      %mul3A_203 = arith.constant 16 : i32
      %mul3A_204 = arith.muli %scan3A_195, %mul3A_203 : i32
      %get3A_205 = arith.constant 0 : i32
      %get3A_206 = arith.index_cast %get3A_205 : i32 to index
      %get3A_207 = arith.index_cast %mul3A_204 : i32 to index
      %get3A_208 = tpu.vector_load %arg11[%get3A_206, %get3A_207] {strides = array<i32>} : memref<32x512xf32, #tpu.memory_space<vmem>>, vector<16xf32>,
      %mul3A_209 = arith.mulf %get3A_208, %get3A_202 : vector<16xf32>
      %scatter3A = arith.constant 0 : i32
      %scatter3A_210 = tpu.memref_slice %arg13[%scatter3A] : memref<65536xf32, #tpu.memory_space<vmem>> -> memref<2048xf32, #tpu.memory_space<vmem>>
      tpu.vector_store_idx %scatter3A_210[%get3A_200], %mul3A_209 {add = true} : memref<2048xf32, #tpu.memory_space<vmem>>[vector<16xi32>], vector<16xf32>,
      %mul3A_211 = arith.constant 16 : i32
      %mul3A_212 = arith.muli %scan3A_195, %mul3A_211 : i32
      %get3A_213 = arith.constant 1 : i32
      %get3A_214 = arith.index_cast %get3A_213 : i32 to index
      %get3A_215 = arith.index_cast %mul3A_212 : i32 to index
      %get3A_216 = tpu.vector_load %arg11[%get3A_214, %get3A_215] {strides = array<i32>} : memref<32x512xf32, #tpu.memory_space<vmem>>, vector<16xf32>,
      %mul3A_217 = arith.mulf %get3A_216, %get3A_202 : vector<16xf32>
      %scatter3A_218 = arith.constant 2048 : i32
      %scatter3A_219 = tpu.memref_slice %arg13[%scatter3A_218] : memref<65536xf32, #tpu.memory_space<vmem>> -> memref<2048xf32, #tpu.memory_space<vmem>>
      tpu.vector_store_idx %scatter3A_219[%get3A_200], %mul3A_217 {add = true} : memref<2048xf32, #tpu.memory_space<vmem>>[vector<16xi32>], vector<16xf32>,
      %mul3A_220 = arith.constant 16 : i32
      %mul3A_221 = arith.muli %scan3A_195, %mul3A_220 : i32
      %get3A_222 = arith.constant 2 : i32
      %get3A_223 = arith.index_cast %get3A_222 : i32 to index
      %get3A_224 = arith.index_cast %mul3A_221 : i32 to index
      %get3A_225 = tpu.vector_load %arg11[%get3A_223, %get3A_224] {strides = array<i32>} : memref<32x512xf32, #tpu.memory_space<vmem>>, vector<16xf32>,
      %mul3A_226 = arith.mulf %get3A_225, %get3A_202 : vector<16xf32>
      %scatter3A_227 = arith.constant 4096 : i32
      %scatter3A_228 = tpu.memref_slice %arg13[%scatter3A_227] : memref<65536xf32, #tpu.memory_space<vmem>> -> memref<2048xf32, #tpu.memory_space<vmem>>
      tpu.vector_store_idx %scatter3A_228[%get3A_200], %mul3A_226 {add = true} : memref<2048xf32, #tpu.memory_space<vmem>>[vector<16xi32>], vector<16xf32>,
      %mul3A_229 = arith.constant 16 : i32
      %mul3A_230 = arith.muli %scan3A_195, %mul3A_229 : i32
      %get3A_231 = arith.constant 3 : i32
      %get3A_232 = arith.index_cast %get3A_231 : i32 to index
      %get3A_233 = arith.index_cast %mul3A_230 : i32 to index
      %get3A_234 = tpu.vector_load %arg11[%get3A_232, %get3A_233] {strides = array<i32>} : memref<32x512xf32, #tpu.memory_space<vmem>>, vector<16xf32>,
      %mul3A_235 = arith.mulf %get3A_234, %get3A_202 : vector<16xf32>
      %scatter3A_236 = arith.constant 6144 : i32
      %scatter3A_237 = tpu.memref_slice %arg13[%scatter3A_236] : memref<65536xf32, #tpu.memory_space<vmem>> -> memref<2048xf32, #tpu.memory_space<vmem>>
      tpu.vector_store_idx %scatter3A_237[%get3A_200], %mul3A_235 {add = true} : memref<2048xf32, #tpu.memory_space<vmem>>[vector<16xi32>], vector<16xf32>,
      %mul3A_238 = arith.constant 16 : i32
      %mul3A_239 = arith.muli %scan3A_195, %mul3A_238 : i32
      %get3A_240 = arith.constant 4 : i32
      %get3A_241 = arith.index_cast %get3A_240 : i32 to index
      %get3A_242 = arith.index_cast %mul3A_239 : i32 to index
      %get3A_243 = tpu.vector_load %arg11[%get3A_241, %get3A_242] {strides = array<i32>} : memref<32x512xf32, #tpu.memory_space<vmem>>, vector<16xf32>,
      %mul3A_244 = arith.mulf %get3A_243, %get3A_202 : vector<16xf32>
      %scatter3A_245 = arith.constant 8192 : i32
      %scatter3A_246 = tpu.memref_slice %arg13[%scatter3A_245] : memref<65536xf32, #tpu.memory_space<vmem>> -> memref<2048xf32, #tpu.memory_space<vmem>>
      tpu.vector_store_idx %scatter3A_246[%get3A_200], %mul3A_244 {add = true} : memref<2048xf32, #tpu.memory_space<vmem>>[vector<16xi32>], vector<16xf32>,
      %mul3A_247 = arith.constant 16 : i32
      %mul3A_248 = arith.muli %scan3A_195, %mul3A_247 : i32
      %get3A_249 = arith.constant 5 : i32
      %get3A_250 = arith.index_cast %get3A_249 : i32 to index
      %get3A_251 = arith.index_cast %mul3A_248 : i32 to index
      %get3A_252 = tpu.vector_load %arg11[%get3A_250, %get3A_251] {strides = array<i32>} : memref<32x512xf32, #tpu.memory_space<vmem>>, vector<16xf32>,
      %mul3A_253 = arith.mulf %get3A_252, %get3A_202 : vector<16xf32>
      %scatter3A_254 = arith.constant 10240 : i32
      %scatter3A_255 = tpu.memref_slice %arg13[%scatter3A_254] : memref<65536xf32, #tpu.memory_space<vmem>> -> memref<2048xf32, #tpu.memory_space<vmem>>
      tpu.vector_store_idx %scatter3A_255[%get3A_200], %mul3A_253 {add = true} : memref<2048xf32, #tpu.memory_space<vmem>>[vector<16xi32>], vector<16xf32>,
      %mul3A_256 = arith.constant 16 : i32
      %mul3A_257 = arith.muli %scan3A_195, %mul3A_256 : i32
      %get3A_258 = arith.constant 6 : i32
      %get3A_259 = arith.index_cast %get3A_258 : i32 to index
      %get3A_260 = arith.index_cast %mul3A_257 : i32 to index
      %get3A_261 = tpu.vector_load %arg11[%get3A_259, %get3A_260] {strides = array<i32>} : memref<32x512xf32, #tpu.memory_space<vmem>>, vector<16xf32>,
      %mul3A_262 = arith.mulf %get3A_261, %get3A_202 : vector<16xf32>
      %scatter3A_263 = arith.constant 12288 : i32
      %scatter3A_264 = tpu.memref_slice %arg13[%scatter3A_263] : memref<65536xf32, #tpu.memory_space<vmem>> -> memref<2048xf32, #tpu.memory_space<vmem>>
      tpu.vector_store_idx %scatter3A_264[%get3A_200], %mul3A_262 {add = true} : memref<2048xf32, #tpu.memory_space<vmem>>[vector<16xi32>], vector<16xf32>,
      %mul3A_265 = arith.constant 16 : i32
      %mul3A_266 = arith.muli %scan3A_195, %mul3A_265 : i32
      %get3A_267 = arith.constant 7 : i32
      %get3A_268 = arith.index_cast %get3A_267 : i32 to index
      %get3A_269 = arith.index_cast %mul3A_266 : i32 to index
      %get3A_270 = tpu.vector_load %arg11[%get3A_268, %get3A_269] {strides = array<i32>} : memref<32x512xf32, #tpu.memory_space<vmem>>, vector<16xf32>,
      %mul3A_271 = arith.mulf %get3A_270, %get3A_202 : vector<16xf32>
      %scatter3A_272 = arith.constant 14336 : i32
      %scatter3A_273 = tpu.memref_slice %arg13[%scatter3A_272] : memref<65536xf32, #tpu.memory_space<vmem>> -> memref<2048xf32, #tpu.memory_space<vmem>>
      tpu.vector_store_idx %scatter3A_273[%get3A_200], %mul3A_271 {add = true} : memref<2048xf32, #tpu.memory_space<vmem>>[vector<16xi32>], vector<16xf32>,
      %mul3A_274 = arith.constant 16 : i32
      %mul3A_275 = arith.muli %scan3A_195, %mul3A_274 : i32
      %get3A_276 = arith.constant 8 : i32
      %get3A_277 = arith.index_cast %get3A_276 : i32 to index
      %get3A_278 = arith.index_cast %mul3A_275 : i32 to index
      %get3A_279 = tpu.vector_load %arg11[%get3A_277, %get3A_278] {strides = array<i32>} : memref<32x512xf32, #tpu.memory_space<vmem>>, vector<16xf32>,
      %mul3A_280 = arith.mulf %get3A_279, %get3A_202 : vector<16xf32>
      %scatter3A_281 = arith.constant 16384 : i32
      %scatter3A_282 = tpu.memref_slice %arg13[%scatter3A_281] : memref<65536xf32, #tpu.memory_space<vmem>> -> memref<2048xf32, #tpu.memory_space<vmem>>
      tpu.vector_store_idx %scatter3A_282[%get3A_200], %mul3A_280 {add = true} : memref<2048xf32, #tpu.memory_space<vmem>>[vector<16xi32>], vector<16xf32>,
      %mul3A_283 = arith.constant 16 : i32
      %mul3A_284 = arith.muli %scan3A_195, %mul3A_283 : i32
      %get3A_285 = arith.constant 9 : i32
      %get3A_286 = arith.index_cast %get3A_285 : i32 to index
      %get3A_287 = arith.index_cast %mul3A_284 : i32 to index
      %get3A_288 = tpu.vector_load %arg11[%get3A_286, %get3A_287] {strides = array<i32>} : memref<32x512xf32, #tpu.memory_space<vmem>>, vector<16xf32>,
      %mul3A_289 = arith.mulf %get3A_288, %get3A_202 : vector<16xf32>
      %scatter3A_290 = arith.constant 18432 : i32
      %scatter3A_291 = tpu.memref_slice %arg13[%scatter3A_290] : memref<65536xf32, #tpu.memory_space<vmem>> -> memref<2048xf32, #tpu.memory_space<vmem>>
      tpu.vector_store_idx %scatter3A_291[%get3A_200], %mul3A_289 {add = true} : memref<2048xf32, #tpu.memory_space<vmem>>[vector<16xi32>], vector<16xf32>,
      %mul3A_292 = arith.constant 16 : i32
      %mul3A_293 = arith.muli %scan3A_195, %mul3A_292 : i32
      %get3A_294 = arith.constant 10 : i32
      %get3A_295 = arith.index_cast %get3A_294 : i32 to index
      %get3A_296 = arith.index_cast %mul3A_293 : i32 to index
      %get3A_297 = tpu.vector_load %arg11[%get3A_295, %get3A_296] {strides = array<i32>} : memref<32x512xf32, #tpu.memory_space<vmem>>, vector<16xf32>,
      %mul3A_298 = arith.mulf %get3A_297, %get3A_202 : vector<16xf32>
      %scatter3A_299 = arith.constant 20480 : i32
      %scatter3A_300 = tpu.memref_slice %arg13[%scatter3A_299] : memref<65536xf32, #tpu.memory_space<vmem>> -> memref<2048xf32, #tpu.memory_space<vmem>>
      tpu.vector_store_idx %scatter3A_300[%get3A_200], %mul3A_298 {add = true} : memref<2048xf32, #tpu.memory_space<vmem>>[vector<16xi32>], vector<16xf32>,
      %mul3A_301 = arith.constant 16 : i32
      %mul3A_302 = arith.muli %scan3A_195, %mul3A_301 : i32
      %get3A_303 = arith.constant 11 : i32
      %get3A_304 = arith.index_cast %get3A_303 : i32 to index
      %get3A_305 = arith.index_cast %mul3A_302 : i32 to index
      %get3A_306 = tpu.vector_load %arg11[%get3A_304, %get3A_305] {strides = array<i32>} : memref<32x512xf32, #tpu.memory_space<vmem>>, vector<16xf32>,
      %mul3A_307 = arith.mulf %get3A_306, %get3A_202 : vector<16xf32>
      %scatter3A_308 = arith.constant 22528 : i32
      %scatter3A_309 = tpu.memref_slice %arg13[%scatter3A_308] : memref<65536xf32, #tpu.memory_space<vmem>> -> memref<2048xf32, #tpu.memory_space<vmem>>
      tpu.vector_store_idx %scatter3A_309[%get3A_200], %mul3A_307 {add = true} : memref<2048xf32, #tpu.memory_space<vmem>>[vector<16xi32>], vector<16xf32>,
      %mul3A_310 = arith.constant 16 : i32
      %mul3A_311 = arith.muli %scan3A_195, %mul3A_310 : i32
      %get3A_312 = arith.constant 12 : i32
      %get3A_313 = arith.index_cast %get3A_312 : i32 to index
      %get3A_314 = arith.index_cast %mul3A_311 : i32 to index
      %get3A_315 = tpu.vector_load %arg11[%get3A_313, %get3A_314] {strides = array<i32>} : memref<32x512xf32, #tpu.memory_space<vmem>>, vector<16xf32>,
      %mul3A_316 = arith.mulf %get3A_315, %get3A_202 : vector<16xf32>
      %scatter3A_317 = arith.constant 24576 : i32
      %scatter3A_318 = tpu.memref_slice %arg13[%scatter3A_317] : memref<65536xf32, #tpu.memory_space<vmem>> -> memref<2048xf32, #tpu.memory_space<vmem>>
      tpu.vector_store_idx %scatter3A_318[%get3A_200], %mul3A_316 {add = true} : memref<2048xf32, #tpu.memory_space<vmem>>[vector<16xi32>], vector<16xf32>,
      %mul3A_319 = arith.constant 16 : i32
      %mul3A_320 = arith.muli %scan3A_195, %mul3A_319 : i32
      %get3A_321 = arith.constant 13 : i32
      %get3A_322 = arith.index_cast %get3A_321 : i32 to index
      %get3A_323 = arith.index_cast %mul3A_320 : i32 to index
      %get3A_324 = tpu.vector_load %arg11[%get3A_322, %get3A_323] {strides = array<i32>} : memref<32x512xf32, #tpu.memory_space<vmem>>, vector<16xf32>,
      %mul3A_325 = arith.mulf %get3A_324, %get3A_202 : vector<16xf32>
      %scatter3A_326 = arith.constant 26624 : i32
      %scatter3A_327 = tpu.memref_slice %arg13[%scatter3A_326] : memref<65536xf32, #tpu.memory_space<vmem>> -> memref<2048xf32, #tpu.memory_space<vmem>>
      tpu.vector_store_idx %scatter3A_327[%get3A_200], %mul3A_325 {add = true} : memref<2048xf32, #tpu.memory_space<vmem>>[vector<16xi32>], vector<16xf32>,
      %mul3A_328 = arith.constant 16 : i32
      %mul3A_329 = arith.muli %scan3A_195, %mul3A_328 : i32
      %get3A_330 = arith.constant 14 : i32
      %get3A_331 = arith.index_cast %get3A_330 : i32 to index
      %get3A_332 = arith.index_cast %mul3A_329 : i32 to index
      %get3A_333 = tpu.vector_load %arg11[%get3A_331, %get3A_332] {strides = array<i32>} : memref<32x512xf32, #tpu.memory_space<vmem>>, vector<16xf32>,
      %mul3A_334 = arith.mulf %get3A_333, %get3A_202 : vector<16xf32>
      %scatter3A_335 = arith.constant 28672 : i32
      %scatter3A_336 = tpu.memref_slice %arg13[%scatter3A_335] : memref<65536xf32, #tpu.memory_space<vmem>> -> memref<2048xf32, #tpu.memory_space<vmem>>
      tpu.vector_store_idx %scatter3A_336[%get3A_200], %mul3A_334 {add = true} : memref<2048xf32, #tpu.memory_space<vmem>>[vector<16xi32>], vector<16xf32>,
      %mul3A_337 = arith.constant 16 : i32
      %mul3A_338 = arith.muli %scan3A_195, %mul3A_337 : i32
      %get3A_339 = arith.constant 15 : i32
      %get3A_340 = arith.index_cast %get3A_339 : i32 to index
      %get3A_341 = arith.index_cast %mul3A_338 : i32 to index
      %get3A_342 = tpu.vector_load %arg11[%get3A_340, %get3A_341] {strides = array<i32>} : memref<32x512xf32, #tpu.memory_space<vmem>>, vector<16xf32>,
      %mul3A_343 = arith.mulf %get3A_342, %get3A_202 : vector<16xf32>
      %scatter3A_344 = arith.constant 30720 : i32
      %scatter3A_345 = tpu.memref_slice %arg13[%scatter3A_344] : memref<65536xf32, #tpu.memory_space<vmem>> -> memref<2048xf32, #tpu.memory_space<vmem>>
      tpu.vector_store_idx %scatter3A_345[%get3A_200], %mul3A_343 {add = true} : memref<2048xf32, #tpu.memory_space<vmem>>[vector<16xi32>], vector<16xf32>,
      %mul3A_346 = arith.constant 16 : i32
      %mul3A_347 = arith.muli %scan3A_195, %mul3A_346 : i32
      %get3A_348 = arith.constant 16 : i32
      %get3A_349 = arith.index_cast %get3A_348 : i32 to index
      %get3A_350 = arith.index_cast %mul3A_347 : i32 to index
      %get3A_351 = tpu.vector_load %arg11[%get3A_349, %get3A_350] {strides = array<i32>} : memref<32x512xf32, #tpu.memory_space<vmem>>, vector<16xf32>,
      %mul3A_352 = arith.mulf %get3A_351, %get3A_202 : vector<16xf32>
      %scatter3A_353 = arith.constant 32768 : i32
      %scatter3A_354 = tpu.memref_slice %arg13[%scatter3A_353] : memref<65536xf32, #tpu.memory_space<vmem>> -> memref<2048xf32, #tpu.memory_space<vmem>>
      tpu.vector_store_idx %scatter3A_354[%get3A_200], %mul3A_352 {add = true} : memref<2048xf32, #tpu.memory_space<vmem>>[vector<16xi32>], vector<16xf32>,
      %mul3A_355 = arith.constant 16 : i32
      %mul3A_356 = arith.muli %scan3A_195, %mul3A_355 : i32
      %get3A_357 = arith.constant 17 : i32
      %get3A_358 = arith.index_cast %get3A_357 : i32 to index
      %get3A_359 = arith.index_cast %mul3A_356 : i32 to index
      %get3A_360 = tpu.vector_load %arg11[%get3A_358, %get3A_359] {strides = array<i32>} : memref<32x512xf32, #tpu.memory_space<vmem>>, vector<16xf32>,
      %mul3A_361 = arith.mulf %get3A_360, %get3A_202 : vector<16xf32>
      %scatter3A_362 = arith.constant 34816 : i32
      %scatter3A_363 = tpu.memref_slice %arg13[%scatter3A_362] : memref<65536xf32, #tpu.memory_space<vmem>> -> memref<2048xf32, #tpu.memory_space<vmem>>
      tpu.vector_store_idx %scatter3A_363[%get3A_200], %mul3A_361 {add = true} : memref<2048xf32, #tpu.memory_space<vmem>>[vector<16xi32>], vector<16xf32>,
      %mul3A_364 = arith.constant 16 : i32
      %mul3A_365 = arith.muli %scan3A_195, %mul3A_364 : i32
      %get3A_366 = arith.constant 18 : i32
      %get3A_367 = arith.index_cast %get3A_366 : i32 to index
      %get3A_368 = arith.index_cast %mul3A_365 : i32 to index
      %get3A_369 = tpu.vector_load %arg11[%get3A_367, %get3A_368] {strides = array<i32>} : memref<32x512xf32, #tpu.memory_space<vmem>>, vector<16xf32>,
      %mul3A_370 = arith.mulf %get3A_369, %get3A_202 : vector<16xf32>
      %scatter3A_371 = arith.constant 36864 : i32
      %scatter3A_372 = tpu.memref_slice %arg13[%scatter3A_371] : memref<65536xf32, #tpu.memory_space<vmem>> -> memref<2048xf32, #tpu.memory_space<vmem>>
      tpu.vector_store_idx %scatter3A_372[%get3A_200], %mul3A_370 {add = true} : memref<2048xf32, #tpu.memory_space<vmem>>[vector<16xi32>], vector<16xf32>,
      %mul3A_373 = arith.constant 16 : i32
      %mul3A_374 = arith.muli %scan3A_195, %mul3A_373 : i32
      %get3A_375 = arith.constant 19 : i32
      %get3A_376 = arith.index_cast %get3A_375 : i32 to index
      %get3A_377 = arith.index_cast %mul3A_374 : i32 to index
      %get3A_378 = tpu.vector_load %arg11[%get3A_376, %get3A_377] {strides = array<i32>} : memref<32x512xf32, #tpu.memory_space<vmem>>, vector<16xf32>,
      %mul3A_379 = arith.mulf %get3A_378, %get3A_202 : vector<16xf32>
      %scatter3A_380 = arith.constant 38912 : i32
      %scatter3A_381 = tpu.memref_slice %arg13[%scatter3A_380] : memref<65536xf32, #tpu.memory_space<vmem>> -> memref<2048xf32, #tpu.memory_space<vmem>>
      tpu.vector_store_idx %scatter3A_381[%get3A_200], %mul3A_379 {add = true} : memref<2048xf32, #tpu.memory_space<vmem>>[vector<16xi32>], vector<16xf32>,
      %mul3A_382 = arith.constant 16 : i32
      %mul3A_383 = arith.muli %scan3A_195, %mul3A_382 : i32
      %get3A_384 = arith.constant 20 : i32
      %get3A_385 = arith.index_cast %get3A_384 : i32 to index
      %get3A_386 = arith.index_cast %mul3A_383 : i32 to index
      %get3A_387 = tpu.vector_load %arg11[%get3A_385, %get3A_386] {strides = array<i32>} : memref<32x512xf32, #tpu.memory_space<vmem>>, vector<16xf32>,
      %mul3A_388 = arith.mulf %get3A_387, %get3A_202 : vector<16xf32>
      %scatter3A_389 = arith.constant 40960 : i32
      %scatter3A_390 = tpu.memref_slice %arg13[%scatter3A_389] : memref<65536xf32, #tpu.memory_space<vmem>> -> memref<2048xf32, #tpu.memory_space<vmem>>
      tpu.vector_store_idx %scatter3A_390[%get3A_200], %mul3A_388 {add = true} : memref<2048xf32, #tpu.memory_space<vmem>>[vector<16xi32>], vector<16xf32>,
      %mul3A_391 = arith.constant 16 : i32
      %mul3A_392 = arith.muli %scan3A_195, %mul3A_391 : i32
      %get3A_393 = arith.constant 21 : i32
      %get3A_394 = arith.index_cast %get3A_393 : i32 to index
      %get3A_395 = arith.index_cast %mul3A_392 : i32 to index
      %get3A_396 = tpu.vector_load %arg11[%get3A_394, %get3A_395] {strides = array<i32>} : memref<32x512xf32, #tpu.memory_space<vmem>>, vector<16xf32>,
      %mul3A_397 = arith.mulf %get3A_396, %get3A_202 : vector<16xf32>
      %scatter3A_398 = arith.constant 43008 : i32
      %scatter3A_399 = tpu.memref_slice %arg13[%scatter3A_398] : memref<65536xf32, #tpu.memory_space<vmem>> -> memref<2048xf32, #tpu.memory_space<vmem>>
      tpu.vector_store_idx %scatter3A_399[%get3A_200], %mul3A_397 {add = true} : memref<2048xf32, #tpu.memory_space<vmem>>[vector<16xi32>], vector<16xf32>,
      %mul3A_400 = arith.constant 16 : i32
      %mul3A_401 = arith.muli %scan3A_195, %mul3A_400 : i32
      %get3A_402 = arith.constant 22 : i32
      %get3A_403 = arith.index_cast %get3A_402 : i32 to index
      %get3A_404 = arith.index_cast %mul3A_401 : i32 to index
      %get3A_405 = tpu.vector_load %arg11[%get3A_403, %get3A_404] {strides = array<i32>} : memref<32x512xf32, #tpu.memory_space<vmem>>, vector<16xf32>,
      %mul3A_406 = arith.mulf %get3A_405, %get3A_202 : vector<16xf32>
      %scatter3A_407 = arith.constant 45056 : i32
      %scatter3A_408 = tpu.memref_slice %arg13[%scatter3A_407] : memref<65536xf32, #tpu.memory_space<vmem>> -> memref<2048xf32, #tpu.memory_space<vmem>>
      tpu.vector_store_idx %scatter3A_408[%get3A_200], %mul3A_406 {add = true} : memref<2048xf32, #tpu.memory_space<vmem>>[vector<16xi32>], vector<16xf32>,
      %mul3A_409 = arith.constant 16 : i32
      %mul3A_410 = arith.muli %scan3A_195, %mul3A_409 : i32
      %get3A_411 = arith.constant 23 : i32
      %get3A_412 = arith.index_cast %get3A_411 : i32 to index
      %get3A_413 = arith.index_cast %mul3A_410 : i32 to index
      %get3A_414 = tpu.vector_load %arg11[%get3A_412, %get3A_413] {strides = array<i32>} : memref<32x512xf32, #tpu.memory_space<vmem>>, vector<16xf32>,
      %mul3A_415 = arith.mulf %get3A_414, %get3A_202 : vector<16xf32>
      %scatter3A_416 = arith.constant 47104 : i32
      %scatter3A_417 = tpu.memref_slice %arg13[%scatter3A_416] : memref<65536xf32, #tpu.memory_space<vmem>> -> memref<2048xf32, #tpu.memory_space<vmem>>
      tpu.vector_store_idx %scatter3A_417[%get3A_200], %mul3A_415 {add = true} : memref<2048xf32, #tpu.memory_space<vmem>>[vector<16xi32>], vector<16xf32>,
      %mul3A_418 = arith.constant 16 : i32
      %mul3A_419 = arith.muli %scan3A_195, %mul3A_418 : i32
      %get3A_420 = arith.constant 24 : i32
      %get3A_421 = arith.index_cast %get3A_420 : i32 to index
      %get3A_422 = arith.index_cast %mul3A_419 : i32 to index
      %get3A_423 = tpu.vector_load %arg11[%get3A_421, %get3A_422] {strides = array<i32>} : memref<32x512xf32, #tpu.memory_space<vmem>>, vector<16xf32>,
      %mul3A_424 = arith.mulf %get3A_423, %get3A_202 : vector<16xf32>
      %scatter3A_425 = arith.constant 49152 : i32
      %scatter3A_426 = tpu.memref_slice %arg13[%scatter3A_425] : memref<65536xf32, #tpu.memory_space<vmem>> -> memref<2048xf32, #tpu.memory_space<vmem>>
      tpu.vector_store_idx %scatter3A_426[%get3A_200], %mul3A_424 {add = true} : memref<2048xf32, #tpu.memory_space<vmem>>[vector<16xi32>], vector<16xf32>,
      %mul3A_427 = arith.constant 16 : i32
      %mul3A_428 = arith.muli %scan3A_195, %mul3A_427 : i32
      %get3A_429 = arith.constant 25 : i32
      %get3A_430 = arith.index_cast %get3A_429 : i32 to index
      %get3A_431 = arith.index_cast %mul3A_428 : i32 to index
      %get3A_432 = tpu.vector_load %arg11[%get3A_430, %get3A_431] {strides = array<i32>} : memref<32x512xf32, #tpu.memory_space<vmem>>, vector<16xf32>,
      %mul3A_433 = arith.mulf %get3A_432, %get3A_202 : vector<16xf32>
      %scatter3A_434 = arith.constant 51200 : i32
      %scatter3A_435 = tpu.memref_slice %arg13[%scatter3A_434] : memref<65536xf32, #tpu.memory_space<vmem>> -> memref<2048xf32, #tpu.memory_space<vmem>>
      tpu.vector_store_idx %scatter3A_435[%get3A_200], %mul3A_433 {add = true} : memref<2048xf32, #tpu.memory_space<vmem>>[vector<16xi32>], vector<16xf32>,
      %mul3A_436 = arith.constant 16 : i32
      %mul3A_437 = arith.muli %scan3A_195, %mul3A_436 : i32
      %get3A_438 = arith.constant 26 : i32
      %get3A_439 = arith.index_cast %get3A_438 : i32 to index
      %get3A_440 = arith.index_cast %mul3A_437 : i32 to index
      %get3A_441 = tpu.vector_load %arg11[%get3A_439, %get3A_440] {strides = array<i32>} : memref<32x512xf32, #tpu.memory_space<vmem>>, vector<16xf32>,
      %mul3A_442 = arith.mulf %get3A_441, %get3A_202 : vector<16xf32>
      %scatter3A_443 = arith.constant 53248 : i32
      %scatter3A_444 = tpu.memref_slice %arg13[%scatter3A_443] : memref<65536xf32, #tpu.memory_space<vmem>> -> memref<2048xf32, #tpu.memory_space<vmem>>
      tpu.vector_store_idx %scatter3A_444[%get3A_200], %mul3A_442 {add = true} : memref<2048xf32, #tpu.memory_space<vmem>>[vector<16xi32>], vector<16xf32>,
      %mul3A_445 = arith.constant 16 : i32
      %mul3A_446 = arith.muli %scan3A_195, %mul3A_445 : i32
      %get3A_447 = arith.constant 27 : i32
      %get3A_448 = arith.index_cast %get3A_447 : i32 to index
      %get3A_449 = arith.index_cast %mul3A_446 : i32 to index
      %get3A_450 = tpu.vector_load %arg11[%get3A_448, %get3A_449] {strides = array<i32>} : memref<32x512xf32, #tpu.memory_space<vmem>>, vector<16xf32>,
      %mul3A_451 = arith.mulf %get3A_450, %get3A_202 : vector<16xf32>
      %scatter3A_452 = arith.constant 55296 : i32
      %scatter3A_453 = tpu.memref_slice %arg13[%scatter3A_452] : memref<65536xf32, #tpu.memory_space<vmem>> -> memref<2048xf32, #tpu.memory_space<vmem>>
      tpu.vector_store_idx %scatter3A_453[%get3A_200], %mul3A_451 {add = true} : memref<2048xf32, #tpu.memory_space<vmem>>[vector<16xi32>], vector<16xf32>,
      %mul3A_454 = arith.constant 16 : i32
      %mul3A_455 = arith.muli %scan3A_195, %mul3A_454 : i32
      %get3A_456 = arith.constant 28 : i32
      %get3A_457 = arith.index_cast %get3A_456 : i32 to index
      %get3A_458 = arith.index_cast %mul3A_455 : i32 to index
      %get3A_459 = tpu.vector_load %arg11[%get3A_457, %get3A_458] {strides = array<i32>} : memref<32x512xf32, #tpu.memory_space<vmem>>, vector<16xf32>,
      %mul3A_460 = arith.mulf %get3A_459, %get3A_202 : vector<16xf32>
      %scatter3A_461 = arith.constant 57344 : i32
      %scatter3A_462 = tpu.memref_slice %arg13[%scatter3A_461] : memref<65536xf32, #tpu.memory_space<vmem>> -> memref<2048xf32, #tpu.memory_space<vmem>>
      tpu.vector_store_idx %scatter3A_462[%get3A_200], %mul3A_460 {add = true} : memref<2048xf32, #tpu.memory_space<vmem>>[vector<16xi32>], vector<16xf32>,
      %mul3A_463 = arith.constant 16 : i32
      %mul3A_464 = arith.muli %scan3A_195, %mul3A_463 : i32
      %get3A_465 = arith.constant 29 : i32
      %get3A_466 = arith.index_cast %get3A_465 : i32 to index
      %get3A_467 = arith.index_cast %mul3A_464 : i32 to index
      %get3A_468 = tpu.vector_load %arg11[%get3A_466, %get3A_467] {strides = array<i32>} : memref<32x512xf32, #tpu.memory_space<vmem>>, vector<16xf32>,
      %mul3A_469 = arith.mulf %get3A_468, %get3A_202 : vector<16xf32>
      %scatter3A_470 = arith.constant 59392 : i32
      %scatter3A_471 = tpu.memref_slice %arg13[%scatter3A_470] : memref<65536xf32, #tpu.memory_space<vmem>> -> memref<2048xf32, #tpu.memory_space<vmem>>
      tpu.vector_store_idx %scatter3A_471[%get3A_200], %mul3A_469 {add = true} : memref<2048xf32, #tpu.memory_space<vmem>>[vector<16xi32>], vector<16xf32>,
      %mul3A_472 = arith.constant 16 : i32
      %mul3A_473 = arith.muli %scan3A_195, %mul3A_472 : i32
      %get3A_474 = arith.constant 30 : i32
      %get3A_475 = arith.index_cast %get3A_474 : i32 to index
      %get3A_476 = arith.index_cast %mul3A_473 : i32 to index
      %get3A_477 = tpu.vector_load %arg11[%get3A_475, %get3A_476] {strides = array<i32>} : memref<32x512xf32, #tpu.memory_space<vmem>>, vector<16xf32>,
      %mul3A_478 = arith.mulf %get3A_477, %get3A_202 : vector<16xf32>
      %scatter3A_479 = arith.constant 61440 : i32
      %scatter3A_480 = tpu.memref_slice %arg13[%scatter3A_479] : memref<65536xf32, #tpu.memory_space<vmem>> -> memref<2048xf32, #tpu.memory_space<vmem>>
      tpu.vector_store_idx %scatter3A_480[%get3A_200], %mul3A_478 {add = true} : memref<2048xf32, #tpu.memory_space<vmem>>[vector<16xi32>], vector<16xf32>,
      %mul3A_481 = arith.constant 16 : i32
      %mul3A_482 = arith.muli %scan3A_195, %mul3A_481 : i32
      %get3A_483 = arith.constant 31 : i32
      %get3A_484 = arith.index_cast %get3A_483 : i32 to index
      %get3A_485 = arith.index_cast %mul3A_482 : i32 to index
      %get3A_486 = tpu.vector_load %arg11[%get3A_484, %get3A_485] {strides = array<i32>} : memref<32x512xf32, #tpu.memory_space<vmem>>, vector<16xf32>,
      %mul3A_487 = arith.mulf %get3A_486, %get3A_202 : vector<16xf32>
      %scatter3A_488 = arith.constant 63488 : i32
      %scatter3A_489 = tpu.memref_slice %arg13[%scatter3A_488] : memref<65536xf32, #tpu.memory_space<vmem>> -> memref<2048xf32, #tpu.memory_space<vmem>>
      tpu.vector_store_idx %scatter3A_489[%get3A_200], %mul3A_487 {add = true} : memref<2048xf32, #tpu.memory_space<vmem>>[vector<16xi32>], vector<16xf32>,
    }
    %scan3A_182 = arith.constant 32 : i32
    %dma_wait3A_183 = arith.constant 512 : i32
    %dma_wait3A_184 = tpu.memref_slice %arg2[%add3A_164, %mul3A_2, %dma_wait3A_183] : memref<8x512x1024xf32, #tpu.memory_space<hbm>> -> memref<1x32x512xf32, #tpu.memory_space<hbm>>
    %dma_wait3A_185 = tpu.memref_squeeze %dma_wait3A_184 : memref<1x32x512xf32, #tpu.memory_space<hbm>> -> memref<32x512xf32, #tpu.memory_space<hbm>>
    %dma_wait3A_186 = arith.constant 512 : i32
    %dma_wait3A_187 = tpu.memref_slice %arg2[%add3A_164, %mul3A_2, %dma_wait3A_186] : memref<8x512x1024xf32, #tpu.memory_space<hbm>> -> memref<1x32x512xf32, #tpu.memory_space<hbm>>
    %dma_wait3A_188 = tpu.memref_squeeze %dma_wait3A_187 : memref<1x32x512xf32, #tpu.memory_space<hbm>> -> memref<32x512xf32, #tpu.memory_space<hbm>>
    tpu.wait_dma2 semaphore(%arg18 : memref<!tpu.dma_semaphore, #tpu.memory_space<semaphore_mem>>) src(%dma_wait3A_188 : memref<32x512xf32, #tpu.memory_space<hbm>>) dst(%arg12 : memref<32x512xf32, #tpu.memory_space<vmem>>)
    %scan3A_189 = arith.constant 0 : i32
    %scan3A_190 = arith.constant 0 : i32
    %scan3A_191 = arith.constant 32 : i32
    %scan3A_192 = arith.addi %scan3A_190, %scan3A_191 : i32
    %scan3A_193 = arith.constant 1 : i32
    scf.for %scan3A_195 = %scan3A_190 to %scan3A_192 step %scan3A_193  : i32 {
      %mul3A_196 = arith.constant 16 : i32
      %mul3A_197 = arith.muli %scan3A_195, %mul3A_196 : i32
      %add3A_198 = arith.constant 3584 : i32
      %add3A_199 = arith.addi %add3A_198, %mul3A_197 : i32
      %get3A = arith.index_cast %add3A_199 : i32 to index
      %get3A_200 = tpu.vector_load %arg8[%get3A] {strides = array<i32>} : memref<4096xi32, #tpu.memory_space<vmem>>, vector<16xi32>,
      %get3A_201 = arith.index_cast %add3A_199 : i32 to index
      %get3A_202 = tpu.vector_load %arg10[%get3A_201] {strides = array<i32>} : memref<4096xf32, #tpu.memory_space<vmem>>, vector<16xf32>,
      %mul3A_203 = arith.constant 16 : i32
      %mul3A_204 = arith.muli %scan3A_195, %mul3A_203 : i32
      %get3A_205 = arith.constant 0 : i32
      %get3A_206 = arith.index_cast %get3A_205 : i32 to index
      %get3A_207 = arith.index_cast %mul3A_204 : i32 to index
      %get3A_208 = tpu.vector_load %arg12[%get3A_206, %get3A_207] {strides = array<i32>} : memref<32x512xf32, #tpu.memory_space<vmem>>, vector<16xf32>,
      %mul3A_209 = arith.mulf %get3A_208, %get3A_202 : vector<16xf32>
      %scatter3A = arith.constant 0 : i32
      %scatter3A_210 = tpu.memref_slice %arg13[%scatter3A] : memref<65536xf32, #tpu.memory_space<vmem>> -> memref<2048xf32, #tpu.memory_space<vmem>>
      tpu.vector_store_idx %scatter3A_210[%get3A_200], %mul3A_209 {add = true} : memref<2048xf32, #tpu.memory_space<vmem>>[vector<16xi32>], vector<16xf32>,
      %mul3A_211 = arith.constant 16 : i32
      %mul3A_212 = arith.muli %scan3A_195, %mul3A_211 : i32
      %get3A_213 = arith.constant 1 : i32
      %get3A_214 = arith.index_cast %get3A_213 : i32 to index
      %get3A_215 = arith.index_cast %mul3A_212 : i32 to index
      %get3A_216 = tpu.vector_load %arg12[%get3A_214, %get3A_215] {strides = array<i32>} : memref<32x512xf32, #tpu.memory_space<vmem>>, vector<16xf32>,
      %mul3A_217 = arith.mulf %get3A_216, %get3A_202 : vector<16xf32>
      %scatter3A_218 = arith.constant 2048 : i32
      %scatter3A_219 = tpu.memref_slice %arg13[%scatter3A_218] : memref<65536xf32, #tpu.memory_space<vmem>> -> memref<2048xf32, #tpu.memory_space<vmem>>
      tpu.vector_store_idx %scatter3A_219[%get3A_200], %mul3A_217 {add = true} : memref<2048xf32, #tpu.memory_space<vmem>>[vector<16xi32>], vector<16xf32>,
      %mul3A_220 = arith.constant 16 : i32
      %mul3A_221 = arith.muli %scan3A_195, %mul3A_220 : i32
      %get3A_222 = arith.constant 2 : i32
      %get3A_223 = arith.index_cast %get3A_222 : i32 to index
      %get3A_224 = arith.index_cast %mul3A_221 : i32 to index
      %get3A_225 = tpu.vector_load %arg12[%get3A_223, %get3A_224] {strides = array<i32>} : memref<32x512xf32, #tpu.memory_space<vmem>>, vector<16xf32>,
      %mul3A_226 = arith.mulf %get3A_225, %get3A_202 : vector<16xf32>
      %scatter3A_227 = arith.constant 4096 : i32
      %scatter3A_228 = tpu.memref_slice %arg13[%scatter3A_227] : memref<65536xf32, #tpu.memory_space<vmem>> -> memref<2048xf32, #tpu.memory_space<vmem>>
      tpu.vector_store_idx %scatter3A_228[%get3A_200], %mul3A_226 {add = true} : memref<2048xf32, #tpu.memory_space<vmem>>[vector<16xi32>], vector<16xf32>,
      %mul3A_229 = arith.constant 16 : i32
      %mul3A_230 = arith.muli %scan3A_195, %mul3A_229 : i32
      %get3A_231 = arith.constant 3 : i32
      %get3A_232 = arith.index_cast %get3A_231 : i32 to index
      %get3A_233 = arith.index_cast %mul3A_230 : i32 to index
      %get3A_234 = tpu.vector_load %arg12[%get3A_232, %get3A_233] {strides = array<i32>} : memref<32x512xf32, #tpu.memory_space<vmem>>, vector<16xf32>,
      %mul3A_235 = arith.mulf %get3A_234, %get3A_202 : vector<16xf32>
      %scatter3A_236 = arith.constant 6144 : i32
      %scatter3A_237 = tpu.memref_slice %arg13[%scatter3A_236] : memref<65536xf32, #tpu.memory_space<vmem>> -> memref<2048xf32, #tpu.memory_space<vmem>>
      tpu.vector_store_idx %scatter3A_237[%get3A_200], %mul3A_235 {add = true} : memref<2048xf32, #tpu.memory_space<vmem>>[vector<16xi32>], vector<16xf32>,
      %mul3A_238 = arith.constant 16 : i32
      %mul3A_239 = arith.muli %scan3A_195, %mul3A_238 : i32
      %get3A_240 = arith.constant 4 : i32
      %get3A_241 = arith.index_cast %get3A_240 : i32 to index
      %get3A_242 = arith.index_cast %mul3A_239 : i32 to index
      %get3A_243 = tpu.vector_load %arg12[%get3A_241, %get3A_242] {strides = array<i32>} : memref<32x512xf32, #tpu.memory_space<vmem>>, vector<16xf32>,
      %mul3A_244 = arith.mulf %get3A_243, %get3A_202 : vector<16xf32>
      %scatter3A_245 = arith.constant 8192 : i32
      %scatter3A_246 = tpu.memref_slice %arg13[%scatter3A_245] : memref<65536xf32, #tpu.memory_space<vmem>> -> memref<2048xf32, #tpu.memory_space<vmem>>
      tpu.vector_store_idx %scatter3A_246[%get3A_200], %mul3A_244 {add = true} : memref<2048xf32, #tpu.memory_space<vmem>>[vector<16xi32>], vector<16xf32>,
      %mul3A_247 = arith.constant 16 : i32
      %mul3A_248 = arith.muli %scan3A_195, %mul3A_247 : i32
      %get3A_249 = arith.constant 5 : i32
      %get3A_250 = arith.index_cast %get3A_249 : i32 to index
      %get3A_251 = arith.index_cast %mul3A_248 : i32 to index
      %get3A_252 = tpu.vector_load %arg12[%get3A_250, %get3A_251] {strides = array<i32>} : memref<32x512xf32, #tpu.memory_space<vmem>>, vector<16xf32>,
      %mul3A_253 = arith.mulf %get3A_252, %get3A_202 : vector<16xf32>
      %scatter3A_254 = arith.constant 10240 : i32
      %scatter3A_255 = tpu.memref_slice %arg13[%scatter3A_254] : memref<65536xf32, #tpu.memory_space<vmem>> -> memref<2048xf32, #tpu.memory_space<vmem>>
      tpu.vector_store_idx %scatter3A_255[%get3A_200], %mul3A_253 {add = true} : memref<2048xf32, #tpu.memory_space<vmem>>[vector<16xi32>], vector<16xf32>,
      %mul3A_256 = arith.constant 16 : i32
      %mul3A_257 = arith.muli %scan3A_195, %mul3A_256 : i32
      %get3A_258 = arith.constant 6 : i32
      %get3A_259 = arith.index_cast %get3A_258 : i32 to index
      %get3A_260 = arith.index_cast %mul3A_257 : i32 to index
      %get3A_261 = tpu.vector_load %arg12[%get3A_259, %get3A_260] {strides = array<i32>} : memref<32x512xf32, #tpu.memory_space<vmem>>, vector<16xf32>,
      %mul3A_262 = arith.mulf %get3A_261, %get3A_202 : vector<16xf32>
      %scatter3A_263 = arith.constant 12288 : i32
      %scatter3A_264 = tpu.memref_slice %arg13[%scatter3A_263] : memref<65536xf32, #tpu.memory_space<vmem>> -> memref<2048xf32, #tpu.memory_space<vmem>>
      tpu.vector_store_idx %scatter3A_264[%get3A_200], %mul3A_262 {add = true} : memref<2048xf32, #tpu.memory_space<vmem>>[vector<16xi32>], vector<16xf32>,
      %mul3A_265 = arith.constant 16 : i32
      %mul3A_266 = arith.muli %scan3A_195, %mul3A_265 : i32
      %get3A_267 = arith.constant 7 : i32
      %get3A_268 = arith.index_cast %get3A_267 : i32 to index
      %get3A_269 = arith.index_cast %mul3A_266 : i32 to index
      %get3A_270 = tpu.vector_load %arg12[%get3A_268, %get3A_269] {strides = array<i32>} : memref<32x512xf32, #tpu.memory_space<vmem>>, vector<16xf32>,
      %mul3A_271 = arith.mulf %get3A_270, %get3A_202 : vector<16xf32>
      %scatter3A_272 = arith.constant 14336 : i32
      %scatter3A_273 = tpu.memref_slice %arg13[%scatter3A_272] : memref<65536xf32, #tpu.memory_space<vmem>> -> memref<2048xf32, #tpu.memory_space<vmem>>
      tpu.vector_store_idx %scatter3A_273[%get3A_200], %mul3A_271 {add = true} : memref<2048xf32, #tpu.memory_space<vmem>>[vector<16xi32>], vector<16xf32>,
      %mul3A_274 = arith.constant 16 : i32
      %mul3A_275 = arith.muli %scan3A_195, %mul3A_274 : i32
      %get3A_276 = arith.constant 8 : i32
      %get3A_277 = arith.index_cast %get3A_276 : i32 to index
      %get3A_278 = arith.index_cast %mul3A_275 : i32 to index
      %get3A_279 = tpu.vector_load %arg12[%get3A_277, %get3A_278] {strides = array<i32>} : memref<32x512xf32, #tpu.memory_space<vmem>>, vector<16xf32>,
      %mul3A_280 = arith.mulf %get3A_279, %get3A_202 : vector<16xf32>
      %scatter3A_281 = arith.constant 16384 : i32
      %scatter3A_282 = tpu.memref_slice %arg13[%scatter3A_281] : memref<65536xf32, #tpu.memory_space<vmem>> -> memref<2048xf32, #tpu.memory_space<vmem>>
      tpu.vector_store_idx %scatter3A_282[%get3A_200], %mul3A_280 {add = true} : memref<2048xf32, #tpu.memory_space<vmem>>[vector<16xi32>], vector<16xf32>,
      %mul3A_283 = arith.constant 16 : i32
      %mul3A_284 = arith.muli %scan3A_195, %mul3A_283 : i32
      %get3A_285 = arith.constant 9 : i32
      %get3A_286 = arith.index_cast %get3A_285 : i32 to index
      %get3A_287 = arith.index_cast %mul3A_284 : i32 to index
      %get3A_288 = tpu.vector_load %arg12[%get3A_286, %get3A_287] {strides = array<i32>} : memref<32x512xf32, #tpu.memory_space<vmem>>, vector<16xf32>,
      %mul3A_289 = arith.mulf %get3A_288, %get3A_202 : vector<16xf32>
      %scatter3A_290 = arith.constant 18432 : i32
      %scatter3A_291 = tpu.memref_slice %arg13[%scatter3A_290] : memref<65536xf32, #tpu.memory_space<vmem>> -> memref<2048xf32, #tpu.memory_space<vmem>>
      tpu.vector_store_idx %scatter3A_291[%get3A_200], %mul3A_289 {add = true} : memref<2048xf32, #tpu.memory_space<vmem>>[vector<16xi32>], vector<16xf32>,
      %mul3A_292 = arith.constant 16 : i32
      %mul3A_293 = arith.muli %scan3A_195, %mul3A_292 : i32
      %get3A_294 = arith.constant 10 : i32
      %get3A_295 = arith.index_cast %get3A_294 : i32 to index
      %get3A_296 = arith.index_cast %mul3A_293 : i32 to index
      %get3A_297 = tpu.vector_load %arg12[%get3A_295, %get3A_296] {strides = array<i32>} : memref<32x512xf32, #tpu.memory_space<vmem>>, vector<16xf32>,
      %mul3A_298 = arith.mulf %get3A_297, %get3A_202 : vector<16xf32>
      %scatter3A_299 = arith.constant 20480 : i32
      %scatter3A_300 = tpu.memref_slice %arg13[%scatter3A_299] : memref<65536xf32, #tpu.memory_space<vmem>> -> memref<2048xf32, #tpu.memory_space<vmem>>
      tpu.vector_store_idx %scatter3A_300[%get3A_200], %mul3A_298 {add = true} : memref<2048xf32, #tpu.memory_space<vmem>>[vector<16xi32>], vector<16xf32>,
      %mul3A_301 = arith.constant 16 : i32
      %mul3A_302 = arith.muli %scan3A_195, %mul3A_301 : i32
      %get3A_303 = arith.constant 11 : i32
      %get3A_304 = arith.index_cast %get3A_303 : i32 to index
      %get3A_305 = arith.index_cast %mul3A_302 : i32 to index
      %get3A_306 = tpu.vector_load %arg12[%get3A_304, %get3A_305] {strides = array<i32>} : memref<32x512xf32, #tpu.memory_space<vmem>>, vector<16xf32>,
      %mul3A_307 = arith.mulf %get3A_306, %get3A_202 : vector<16xf32>
      %scatter3A_308 = arith.constant 22528 : i32
      %scatter3A_309 = tpu.memref_slice %arg13[%scatter3A_308] : memref<65536xf32, #tpu.memory_space<vmem>> -> memref<2048xf32, #tpu.memory_space<vmem>>
      tpu.vector_store_idx %scatter3A_309[%get3A_200], %mul3A_307 {add = true} : memref<2048xf32, #tpu.memory_space<vmem>>[vector<16xi32>], vector<16xf32>,
      %mul3A_310 = arith.constant 16 : i32
      %mul3A_311 = arith.muli %scan3A_195, %mul3A_310 : i32
      %get3A_312 = arith.constant 12 : i32
      %get3A_313 = arith.index_cast %get3A_312 : i32 to index
      %get3A_314 = arith.index_cast %mul3A_311 : i32 to index
      %get3A_315 = tpu.vector_load %arg12[%get3A_313, %get3A_314] {strides = array<i32>} : memref<32x512xf32, #tpu.memory_space<vmem>>, vector<16xf32>,
      %mul3A_316 = arith.mulf %get3A_315, %get3A_202 : vector<16xf32>
      %scatter3A_317 = arith.constant 24576 : i32
      %scatter3A_318 = tpu.memref_slice %arg13[%scatter3A_317] : memref<65536xf32, #tpu.memory_space<vmem>> -> memref<2048xf32, #tpu.memory_space<vmem>>
      tpu.vector_store_idx %scatter3A_318[%get3A_200], %mul3A_316 {add = true} : memref<2048xf32, #tpu.memory_space<vmem>>[vector<16xi32>], vector<16xf32>,
      %mul3A_319 = arith.constant 16 : i32
      %mul3A_320 = arith.muli %scan3A_195, %mul3A_319 : i32
      %get3A_321 = arith.constant 13 : i32
      %get3A_322 = arith.index_cast %get3A_321 : i32 to index
      %get3A_323 = arith.index_cast %mul3A_320 : i32 to index
      %get3A_324 = tpu.vector_load %arg12[%get3A_322, %get3A_323] {strides = array<i32>} : memref<32x512xf32, #tpu.memory_space<vmem>>, vector<16xf32>,
      %mul3A_325 = arith.mulf %get3A_324, %get3A_202 : vector<16xf32>
      %scatter3A_326 = arith.constant 26624 : i32
      %scatter3A_327 = tpu.memref_slice %arg13[%scatter3A_326] : memref<65536xf32, #tpu.memory_space<vmem>> -> memref<2048xf32, #tpu.memory_space<vmem>>
      tpu.vector_store_idx %scatter3A_327[%get3A_200], %mul3A_325 {add = true} : memref<2048xf32, #tpu.memory_space<vmem>>[vector<16xi32>], vector<16xf32>,
      %mul3A_328 = arith.constant 16 : i32
      %mul3A_329 = arith.muli %scan3A_195, %mul3A_328 : i32
      %get3A_330 = arith.constant 14 : i32
      %get3A_331 = arith.index_cast %get3A_330 : i32 to index
      %get3A_332 = arith.index_cast %mul3A_329 : i32 to index
      %get3A_333 = tpu.vector_load %arg12[%get3A_331, %get3A_332] {strides = array<i32>} : memref<32x512xf32, #tpu.memory_space<vmem>>, vector<16xf32>,
      %mul3A_334 = arith.mulf %get3A_333, %get3A_202 : vector<16xf32>
      %scatter3A_335 = arith.constant 28672 : i32
      %scatter3A_336 = tpu.memref_slice %arg13[%scatter3A_335] : memref<65536xf32, #tpu.memory_space<vmem>> -> memref<2048xf32, #tpu.memory_space<vmem>>
      tpu.vector_store_idx %scatter3A_336[%get3A_200], %mul3A_334 {add = true} : memref<2048xf32, #tpu.memory_space<vmem>>[vector<16xi32>], vector<16xf32>,
      %mul3A_337 = arith.constant 16 : i32
      %mul3A_338 = arith.muli %scan3A_195, %mul3A_337 : i32
      %get3A_339 = arith.constant 15 : i32
      %get3A_340 = arith.index_cast %get3A_339 : i32 to index
      %get3A_341 = arith.index_cast %mul3A_338 : i32 to index
      %get3A_342 = tpu.vector_load %arg12[%get3A_340, %get3A_341] {strides = array<i32>} : memref<32x512xf32, #tpu.memory_space<vmem>>, vector<16xf32>,
      %mul3A_343 = arith.mulf %get3A_342, %get3A_202 : vector<16xf32>
      %scatter3A_344 = arith.constant 30720 : i32
      %scatter3A_345 = tpu.memref_slice %arg13[%scatter3A_344] : memref<65536xf32, #tpu.memory_space<vmem>> -> memref<2048xf32, #tpu.memory_space<vmem>>
      tpu.vector_store_idx %scatter3A_345[%get3A_200], %mul3A_343 {add = true} : memref<2048xf32, #tpu.memory_space<vmem>>[vector<16xi32>], vector<16xf32>,
      %mul3A_346 = arith.constant 16 : i32
      %mul3A_347 = arith.muli %scan3A_195, %mul3A_346 : i32
      %get3A_348 = arith.constant 16 : i32
      %get3A_349 = arith.index_cast %get3A_348 : i32 to index
      %get3A_350 = arith.index_cast %mul3A_347 : i32 to index
      %get3A_351 = tpu.vector_load %arg12[%get3A_349, %get3A_350] {strides = array<i32>} : memref<32x512xf32, #tpu.memory_space<vmem>>, vector<16xf32>,
      %mul3A_352 = arith.mulf %get3A_351, %get3A_202 : vector<16xf32>
      %scatter3A_353 = arith.constant 32768 : i32
      %scatter3A_354 = tpu.memref_slice %arg13[%scatter3A_353] : memref<65536xf32, #tpu.memory_space<vmem>> -> memref<2048xf32, #tpu.memory_space<vmem>>
      tpu.vector_store_idx %scatter3A_354[%get3A_200], %mul3A_352 {add = true} : memref<2048xf32, #tpu.memory_space<vmem>>[vector<16xi32>], vector<16xf32>,
      %mul3A_355 = arith.constant 16 : i32
      %mul3A_356 = arith.muli %scan3A_195, %mul3A_355 : i32
      %get3A_357 = arith.constant 17 : i32
      %get3A_358 = arith.index_cast %get3A_357 : i32 to index
      %get3A_359 = arith.index_cast %mul3A_356 : i32 to index
      %get3A_360 = tpu.vector_load %arg12[%get3A_358, %get3A_359] {strides = array<i32>} : memref<32x512xf32, #tpu.memory_space<vmem>>, vector<16xf32>,
      %mul3A_361 = arith.mulf %get3A_360, %get3A_202 : vector<16xf32>
      %scatter3A_362 = arith.constant 34816 : i32
      %scatter3A_363 = tpu.memref_slice %arg13[%scatter3A_362] : memref<65536xf32, #tpu.memory_space<vmem>> -> memref<2048xf32, #tpu.memory_space<vmem>>
      tpu.vector_store_idx %scatter3A_363[%get3A_200], %mul3A_361 {add = true} : memref<2048xf32, #tpu.memory_space<vmem>>[vector<16xi32>], vector<16xf32>,
      %mul3A_364 = arith.constant 16 : i32
      %mul3A_365 = arith.muli %scan3A_195, %mul3A_364 : i32
      %get3A_366 = arith.constant 18 : i32
      %get3A_367 = arith.index_cast %get3A_366 : i32 to index
      %get3A_368 = arith.index_cast %mul3A_365 : i32 to index
      %get3A_369 = tpu.vector_load %arg12[%get3A_367, %get3A_368] {strides = array<i32>} : memref<32x512xf32, #tpu.memory_space<vmem>>, vector<16xf32>,
      %mul3A_370 = arith.mulf %get3A_369, %get3A_202 : vector<16xf32>
      %scatter3A_371 = arith.constant 36864 : i32
      %scatter3A_372 = tpu.memref_slice %arg13[%scatter3A_371] : memref<65536xf32, #tpu.memory_space<vmem>> -> memref<2048xf32, #tpu.memory_space<vmem>>
      tpu.vector_store_idx %scatter3A_372[%get3A_200], %mul3A_370 {add = true} : memref<2048xf32, #tpu.memory_space<vmem>>[vector<16xi32>], vector<16xf32>,
      %mul3A_373 = arith.constant 16 : i32
      %mul3A_374 = arith.muli %scan3A_195, %mul3A_373 : i32
      %get3A_375 = arith.constant 19 : i32
      %get3A_376 = arith.index_cast %get3A_375 : i32 to index
      %get3A_377 = arith.index_cast %mul3A_374 : i32 to index
      %get3A_378 = tpu.vector_load %arg12[%get3A_376, %get3A_377] {strides = array<i32>} : memref<32x512xf32, #tpu.memory_space<vmem>>, vector<16xf32>,
      %mul3A_379 = arith.mulf %get3A_378, %get3A_202 : vector<16xf32>
      %scatter3A_380 = arith.constant 38912 : i32
      %scatter3A_381 = tpu.memref_slice %arg13[%scatter3A_380] : memref<65536xf32, #tpu.memory_space<vmem>> -> memref<2048xf32, #tpu.memory_space<vmem>>
      tpu.vector_store_idx %scatter3A_381[%get3A_200], %mul3A_379 {add = true} : memref<2048xf32, #tpu.memory_space<vmem>>[vector<16xi32>], vector<16xf32>,
      %mul3A_382 = arith.constant 16 : i32
      %mul3A_383 = arith.muli %scan3A_195, %mul3A_382 : i32
      %get3A_384 = arith.constant 20 : i32
      %get3A_385 = arith.index_cast %get3A_384 : i32 to index
      %get3A_386 = arith.index_cast %mul3A_383 : i32 to index
      %get3A_387 = tpu.vector_load %arg12[%get3A_385, %get3A_386] {strides = array<i32>} : memref<32x512xf32, #tpu.memory_space<vmem>>, vector<16xf32>,
      %mul3A_388 = arith.mulf %get3A_387, %get3A_202 : vector<16xf32>
      %scatter3A_389 = arith.constant 40960 : i32
      %scatter3A_390 = tpu.memref_slice %arg13[%scatter3A_389] : memref<65536xf32, #tpu.memory_space<vmem>> -> memref<2048xf32, #tpu.memory_space<vmem>>
      tpu.vector_store_idx %scatter3A_390[%get3A_200], %mul3A_388 {add = true} : memref<2048xf32, #tpu.memory_space<vmem>>[vector<16xi32>], vector<16xf32>,
      %mul3A_391 = arith.constant 16 : i32
      %mul3A_392 = arith.muli %scan3A_195, %mul3A_391 : i32
      %get3A_393 = arith.constant 21 : i32
      %get3A_394 = arith.index_cast %get3A_393 : i32 to index
      %get3A_395 = arith.index_cast %mul3A_392 : i32 to index
      %get3A_396 = tpu.vector_load %arg12[%get3A_394, %get3A_395] {strides = array<i32>} : memref<32x512xf32, #tpu.memory_space<vmem>>, vector<16xf32>,
      %mul3A_397 = arith.mulf %get3A_396, %get3A_202 : vector<16xf32>
      %scatter3A_398 = arith.constant 43008 : i32
      %scatter3A_399 = tpu.memref_slice %arg13[%scatter3A_398] : memref<65536xf32, #tpu.memory_space<vmem>> -> memref<2048xf32, #tpu.memory_space<vmem>>
      tpu.vector_store_idx %scatter3A_399[%get3A_200], %mul3A_397 {add = true} : memref<2048xf32, #tpu.memory_space<vmem>>[vector<16xi32>], vector<16xf32>,
      %mul3A_400 = arith.constant 16 : i32
      %mul3A_401 = arith.muli %scan3A_195, %mul3A_400 : i32
      %get3A_402 = arith.constant 22 : i32
      %get3A_403 = arith.index_cast %get3A_402 : i32 to index
      %get3A_404 = arith.index_cast %mul3A_401 : i32 to index
      %get3A_405 = tpu.vector_load %arg12[%get3A_403, %get3A_404] {strides = array<i32>} : memref<32x512xf32, #tpu.memory_space<vmem>>, vector<16xf32>,
      %mul3A_406 = arith.mulf %get3A_405, %get3A_202 : vector<16xf32>
      %scatter3A_407 = arith.constant 45056 : i32
      %scatter3A_408 = tpu.memref_slice %arg13[%scatter3A_407] : memref<65536xf32, #tpu.memory_space<vmem>> -> memref<2048xf32, #tpu.memory_space<vmem>>
      tpu.vector_store_idx %scatter3A_408[%get3A_200], %mul3A_406 {add = true} : memref<2048xf32, #tpu.memory_space<vmem>>[vector<16xi32>], vector<16xf32>,
      %mul3A_409 = arith.constant 16 : i32
      %mul3A_410 = arith.muli %scan3A_195, %mul3A_409 : i32
      %get3A_411 = arith.constant 23 : i32
      %get3A_412 = arith.index_cast %get3A_411 : i32 to index
      %get3A_413 = arith.index_cast %mul3A_410 : i32 to index
      %get3A_414 = tpu.vector_load %arg12[%get3A_412, %get3A_413] {strides = array<i32>} : memref<32x512xf32, #tpu.memory_space<vmem>>, vector<16xf32>,
      %mul3A_415 = arith.mulf %get3A_414, %get3A_202 : vector<16xf32>
      %scatter3A_416 = arith.constant 47104 : i32
      %scatter3A_417 = tpu.memref_slice %arg13[%scatter3A_416] : memref<65536xf32, #tpu.memory_space<vmem>> -> memref<2048xf32, #tpu.memory_space<vmem>>
      tpu.vector_store_idx %scatter3A_417[%get3A_200], %mul3A_415 {add = true} : memref<2048xf32, #tpu.memory_space<vmem>>[vector<16xi32>], vector<16xf32>,
      %mul3A_418 = arith.constant 16 : i32
      %mul3A_419 = arith.muli %scan3A_195, %mul3A_418 : i32
      %get3A_420 = arith.constant 24 : i32
      %get3A_421 = arith.index_cast %get3A_420 : i32 to index
      %get3A_422 = arith.index_cast %mul3A_419 : i32 to index
      %get3A_423 = tpu.vector_load %arg12[%get3A_421, %get3A_422] {strides = array<i32>} : memref<32x512xf32, #tpu.memory_space<vmem>>, vector<16xf32>,
      %mul3A_424 = arith.mulf %get3A_423, %get3A_202 : vector<16xf32>
      %scatter3A_425 = arith.constant 49152 : i32
      %scatter3A_426 = tpu.memref_slice %arg13[%scatter3A_425] : memref<65536xf32, #tpu.memory_space<vmem>> -> memref<2048xf32, #tpu.memory_space<vmem>>
      tpu.vector_store_idx %scatter3A_426[%get3A_200], %mul3A_424 {add = true} : memref<2048xf32, #tpu.memory_space<vmem>>[vector<16xi32>], vector<16xf32>,
      %mul3A_427 = arith.constant 16 : i32
      %mul3A_428 = arith.muli %scan3A_195, %mul3A_427 : i32
      %get3A_429 = arith.constant 25 : i32
      %get3A_430 = arith.index_cast %get3A_429 : i32 to index
      %get3A_431 = arith.index_cast %mul3A_428 : i32 to index
      %get3A_432 = tpu.vector_load %arg12[%get3A_430, %get3A_431] {strides = array<i32>} : memref<32x512xf32, #tpu.memory_space<vmem>>, vector<16xf32>,
      %mul3A_433 = arith.mulf %get3A_432, %get3A_202 : vector<16xf32>
      %scatter3A_434 = arith.constant 51200 : i32
      %scatter3A_435 = tpu.memref_slice %arg13[%scatter3A_434] : memref<65536xf32, #tpu.memory_space<vmem>> -> memref<2048xf32, #tpu.memory_space<vmem>>
      tpu.vector_store_idx %scatter3A_435[%get3A_200], %mul3A_433 {add = true} : memref<2048xf32, #tpu.memory_space<vmem>>[vector<16xi32>], vector<16xf32>,
      %mul3A_436 = arith.constant 16 : i32
      %mul3A_437 = arith.muli %scan3A_195, %mul3A_436 : i32
      %get3A_438 = arith.constant 26 : i32
      %get3A_439 = arith.index_cast %get3A_438 : i32 to index
      %get3A_440 = arith.index_cast %mul3A_437 : i32 to index
      %get3A_441 = tpu.vector_load %arg12[%get3A_439, %get3A_440] {strides = array<i32>} : memref<32x512xf32, #tpu.memory_space<vmem>>, vector<16xf32>,
      %mul3A_442 = arith.mulf %get3A_441, %get3A_202 : vector<16xf32>
      %scatter3A_443 = arith.constant 53248 : i32
      %scatter3A_444 = tpu.memref_slice %arg13[%scatter3A_443] : memref<65536xf32, #tpu.memory_space<vmem>> -> memref<2048xf32, #tpu.memory_space<vmem>>
      tpu.vector_store_idx %scatter3A_444[%get3A_200], %mul3A_442 {add = true} : memref<2048xf32, #tpu.memory_space<vmem>>[vector<16xi32>], vector<16xf32>,
      %mul3A_445 = arith.constant 16 : i32
      %mul3A_446 = arith.muli %scan3A_195, %mul3A_445 : i32
      %get3A_447 = arith.constant 27 : i32
      %get3A_448 = arith.index_cast %get3A_447 : i32 to index
      %get3A_449 = arith.index_cast %mul3A_446 : i32 to index
      %get3A_450 = tpu.vector_load %arg12[%get3A_448, %get3A_449] {strides = array<i32>} : memref<32x512xf32, #tpu.memory_space<vmem>>, vector<16xf32>,
      %mul3A_451 = arith.mulf %get3A_450, %get3A_202 : vector<16xf32>
      %scatter3A_452 = arith.constant 55296 : i32
      %scatter3A_453 = tpu.memref_slice %arg13[%scatter3A_452] : memref<65536xf32, #tpu.memory_space<vmem>> -> memref<2048xf32, #tpu.memory_space<vmem>>
      tpu.vector_store_idx %scatter3A_453[%get3A_200], %mul3A_451 {add = true} : memref<2048xf32, #tpu.memory_space<vmem>>[vector<16xi32>], vector<16xf32>,
      %mul3A_454 = arith.constant 16 : i32
      %mul3A_455 = arith.muli %scan3A_195, %mul3A_454 : i32
      %get3A_456 = arith.constant 28 : i32
      %get3A_457 = arith.index_cast %get3A_456 : i32 to index
      %get3A_458 = arith.index_cast %mul3A_455 : i32 to index
      %get3A_459 = tpu.vector_load %arg12[%get3A_457, %get3A_458] {strides = array<i32>} : memref<32x512xf32, #tpu.memory_space<vmem>>, vector<16xf32>,
      %mul3A_460 = arith.mulf %get3A_459, %get3A_202 : vector<16xf32>
      %scatter3A_461 = arith.constant 57344 : i32
      %scatter3A_462 = tpu.memref_slice %arg13[%scatter3A_461] : memref<65536xf32, #tpu.memory_space<vmem>> -> memref<2048xf32, #tpu.memory_space<vmem>>
      tpu.vector_store_idx %scatter3A_462[%get3A_200], %mul3A_460 {add = true} : memref<2048xf32, #tpu.memory_space<vmem>>[vector<16xi32>], vector<16xf32>,
      %mul3A_463 = arith.constant 16 : i32
      %mul3A_464 = arith.muli %scan3A_195, %mul3A_463 : i32
      %get3A_465 = arith.constant 29 : i32
      %get3A_466 = arith.index_cast %get3A_465 : i32 to index
      %get3A_467 = arith.index_cast %mul3A_464 : i32 to index
      %get3A_468 = tpu.vector_load %arg12[%get3A_466, %get3A_467] {strides = array<i32>} : memref<32x512xf32, #tpu.memory_space<vmem>>, vector<16xf32>,
      %mul3A_469 = arith.mulf %get3A_468, %get3A_202 : vector<16xf32>
      %scatter3A_470 = arith.constant 59392 : i32
      %scatter3A_471 = tpu.memref_slice %arg13[%scatter3A_470] : memref<65536xf32, #tpu.memory_space<vmem>> -> memref<2048xf32, #tpu.memory_space<vmem>>
      tpu.vector_store_idx %scatter3A_471[%get3A_200], %mul3A_469 {add = true} : memref<2048xf32, #tpu.memory_space<vmem>>[vector<16xi32>], vector<16xf32>,
      %mul3A_472 = arith.constant 16 : i32
      %mul3A_473 = arith.muli %scan3A_195, %mul3A_472 : i32
      %get3A_474 = arith.constant 30 : i32
      %get3A_475 = arith.index_cast %get3A_474 : i32 to index
      %get3A_476 = arith.index_cast %mul3A_473 : i32 to index
      %get3A_477 = tpu.vector_load %arg12[%get3A_475, %get3A_476] {strides = array<i32>} : memref<32x512xf32, #tpu.memory_space<vmem>>, vector<16xf32>,
      %mul3A_478 = arith.mulf %get3A_477, %get3A_202 : vector<16xf32>
      %scatter3A_479 = arith.constant 61440 : i32
      %scatter3A_480 = tpu.memref_slice %arg13[%scatter3A_479] : memref<65536xf32, #tpu.memory_space<vmem>> -> memref<2048xf32, #tpu.memory_space<vmem>>
      tpu.vector_store_idx %scatter3A_480[%get3A_200], %mul3A_478 {add = true} : memref<2048xf32, #tpu.memory_space<vmem>>[vector<16xi32>], vector<16xf32>,
      %mul3A_481 = arith.constant 16 : i32
      %mul3A_482 = arith.muli %scan3A_195, %mul3A_481 : i32
      %get3A_483 = arith.constant 31 : i32
      %get3A_484 = arith.index_cast %get3A_483 : i32 to index
      %get3A_485 = arith.index_cast %mul3A_482 : i32 to index
      %get3A_486 = tpu.vector_load %arg12[%get3A_484, %get3A_485] {strides = array<i32>} : memref<32x512xf32, #tpu.memory_space<vmem>>, vector<16xf32>,
      %mul3A_487 = arith.mulf %get3A_486, %get3A_202 : vector<16xf32>
      %scatter3A_488 = arith.constant 63488 : i32
      %scatter3A_489 = tpu.memref_slice %arg13[%scatter3A_488] : memref<65536xf32, #tpu.memory_space<vmem>> -> memref<2048xf32, #tpu.memory_space<vmem>>
      tpu.vector_store_idx %scatter3A_489[%get3A_200], %mul3A_487 {add = true} : memref<2048xf32, #tpu.memory_space<vmem>>[vector<16xi32>], vector<16xf32>,
    }
    %scan3A_194 = arith.constant 32 : i32
    "tpu.region"() ({
      %run_scoped3A = tpu.sem_alloc : memref<!tpu.dma_semaphore, #tpu.memory_space<semaphore_mem>>
      %dma_start3A_195 = arith.constant 0 : i32
      %dma_start3A_196 = tpu.memref_slice %arg6[%arg0, %arg1, %dma_start3A_195] : memref<2x16x65536xf32, #tpu.memory_space<hbm>> -> memref<1x1x65536xf32, #tpu.memory_space<hbm>>
      %dma_start3A_197 = tpu.memref_squeeze %dma_start3A_196 : memref<1x1x65536xf32, #tpu.memory_space<hbm>> -> memref<65536xf32, #tpu.memory_space<hbm>>
      %dma_start3A_198 = arith.constant 0 : i32
      %dma_start3A_199 = tpu.memref_slice %arg6[%arg0, %arg1, %dma_start3A_198] : memref<2x16x65536xf32, #tpu.memory_space<hbm>> -> memref<1x1x65536xf32, #tpu.memory_space<hbm>>
      %dma_start3A_200 = tpu.memref_squeeze %dma_start3A_199 : memref<1x1x65536xf32, #tpu.memory_space<hbm>> -> memref<65536xf32, #tpu.memory_space<hbm>>
      tpu.enqueue_dma source(%arg13 : memref<65536xf32, #tpu.memory_space<vmem>>) target(%dma_start3A_200 : memref<65536xf32, #tpu.memory_space<hbm>>) target_semaphore(%run_scoped3A : memref<!tpu.dma_semaphore, #tpu.memory_space<semaphore_mem>>)
      %dma_wait3A_201 = arith.constant 0 : i32
      %dma_wait3A_202 = tpu.memref_slice %arg6[%arg0, %arg1, %dma_wait3A_201] : memref<2x16x65536xf32, #tpu.memory_space<hbm>> -> memref<1x1x65536xf32, #tpu.memory_space<hbm>>
      %dma_wait3A_203 = tpu.memref_squeeze %dma_wait3A_202 : memref<1x1x65536xf32, #tpu.memory_space<hbm>> -> memref<65536xf32, #tpu.memory_space<hbm>>
      %dma_wait3A_204 = arith.constant 0 : i32
      %dma_wait3A_205 = tpu.memref_slice %arg6[%arg0, %arg1, %dma_wait3A_204] : memref<2x16x65536xf32, #tpu.memory_space<hbm>> -> memref<1x1x65536xf32, #tpu.memory_space<hbm>>
      %dma_wait3A_206 = tpu.memref_squeeze %dma_wait3A_205 : memref<1x1x65536xf32, #tpu.memory_space<hbm>> -> memref<65536xf32, #tpu.memory_space<hbm>>
      tpu.wait_dma2 semaphore(%run_scoped3A : memref<!tpu.dma_semaphore, #tpu.memory_space<semaphore_mem>>) src(%arg13 : memref<65536xf32, #tpu.memory_space<vmem>>) dst(%dma_wait3A_206 : memref<65536xf32, #tpu.memory_space<hbm>>)
      tpu.yield
    }) : () -> ()
    return
  }
}

module attributes {stable_mosaic.version = 14 : i64} {
  func.func @_tc1_body(%arg0: i32, %arg1: memref<1024x512xf32, #tpu.memory_space<vmem>>, %arg2: memref<2048x512xf32, #tpu.memory_space<vmem>>, %arg3: memref<2048x512xbf16, #tpu.memory_space<vmem>>, %arg4: memref<1024x512xf32, #tpu.memory_space<vmem>>, %arg5: memref<1024xi32, #tpu.memory_space<vmem>>, %arg6: memref<1024xf32, #tpu.memory_space<vmem>>, %arg7: memref<2048xf32, #tpu.memory_space<vmem>>) attributes {dimension_semantics = [#tpu.dimension_semantics<arbitrary>], iteration_bounds = array<i64: 8>, scalar_prefetch = 0 : i64, scratch_operands = 0 : i64, tpu.core_type = #tpu.core_type<tc>, window_params = [{transform_indices = @transform_0, window_bounds = array<i64: 1024, 512>}, {pipeline_mode = #tpu.pipeline_mode<synchronous>, transform_indices = @transform_1, window_bounds = array<i64: 2048, 512>}, {pipeline_mode = #tpu.pipeline_mode<synchronous>, transform_indices = @transform_2, window_bounds = array<i64: 2048, 512>}, {transform_indices = @transform_3, window_bounds = array<i64: 1024, 512>}, {transform_indices = @transform_4, window_bounds = array<i64: 1024>}, {transform_indices = @transform_5, window_bounds = array<i64: 1024>}, {pipeline_mode = #tpu.pipeline_mode<synchronous>, transform_indices = @transform_6, window_bounds = array<i64: 2048>}]} {
    %get3A = arith.constant 0 : index
    %get3A_0 = arith.constant 0 : index
    %get3A_1 = vector.load %arg1[%get3A, %get3A_0] : memref<1024x512xf32, #tpu.memory_space<vmem>>, vector<1024x512xf32>
    %get3A_2 = arith.constant 0 : index
    %get3A_3 = arith.constant 0 : index
    %get3A_4 = vector.load %arg2[%get3A_2, %get3A_3] : memref<2048x512xf32, #tpu.memory_space<vmem>>, vector<2048x512xf32>
    %dot_general3A = arith.constant dense<0.000000e+00> : vector<1024x2048xf32>
    %dot_general3A_5 = tpu.matmul %get3A_1, %get3A_4, %dot_general3A {dimension_numbers = #tpu.dot_dimension_numbers<[1], [1], [0], [0], [0, 0, 1, 0], [], []>, transpose_lhs_hint = false} : vector<1024x512xf32>, vector<2048x512xf32>, vector<1024x2048xf32> -> vector<1024x2048xf32>
    %reduce_max3A = arith.constant dense<0xFF800000> : vector<1024xf32>
    %reduce_max3A_6 = vector.multi_reduction <maximumf>, %dot_general3A_5, %reduce_max3A [1] : vector<1024x2048xf32> to vector<1024xf32>
    %broadcast_in_dim3A = vector.shape_cast %reduce_max3A_6 : vector<1024xf32> to vector<1024x1xf32>
    %sub3A = vector.broadcast %broadcast_in_dim3A : vector<1024x1xf32> to vector<1024x2048xf32>
    %sub3A_7 = arith.subf %dot_general3A_5, %sub3A : vector<1024x2048xf32>
    %exp3A = math.exp %sub3A_7 : vector<1024x2048xf32>
    %reduce_sum3A = arith.constant dense<0.000000e+00> : vector<1024xf32>
    %reduce_sum3A_8 = vector.multi_reduction <add>, %exp3A, %reduce_sum3A [1] : vector<1024x2048xf32> to vector<1024xf32>
    %broadcast_in_dim3A_9 = vector.shape_cast %reduce_sum3A_8 : vector<1024xf32> to vector<1024x1xf32>
    %iota3A = tpu.iota {dimensions = array<i32: 1>} : vector<1024x2048xi32>
    %convert_element_type3A = arith.sitofp %iota3A : vector<1024x2048xi32> to vector<1024x2048xf32>
    %eq3A = vector.broadcast %broadcast_in_dim3A : vector<1024x1xf32> to vector<1024x2048xf32>
    %eq3A_10 = arith.cmpf oeq, %dot_general3A_5, %eq3A : vector<1024x2048xf32>
    %jit3A = arith.constant 2.048000e+03 : f32
    %broadcast_in_dim3A_11 = vector.broadcast %jit3A : f32 to vector<1024x2048xf32>
    %select_n3A = arith.select %eq3A_10, %convert_element_type3A, %broadcast_in_dim3A_11 : vector<1024x2048xi1>, vector<1024x2048xf32>
    %reduce_min3A = arith.constant dense<0x7F800000> : vector<1024xf32>
    %reduce_min3A_12 = vector.multi_reduction <minimumf>, %select_n3A, %reduce_min3A [1] : vector<1024x2048xf32> to vector<1024xf32>
    %convert_element_type3A_13 = arith.fptosi %reduce_min3A_12 : vector<1024xf32> to vector<1024xi32>
    %mul3A = arith.constant 4.8828125E-4 : f32
    %mul3A_14 = vector.broadcast %mul3A : f32 to vector<1024x1xf32>
    %mul3A_15 = arith.mulf %broadcast_in_dim3A_9, %mul3A_14 : vector<1024x1xf32>
    %lt3A = vector.broadcast %mul3A_15 : vector<1024x1xf32> to vector<1024x2048xf32>
    %lt3A_16 = arith.cmpf olt, %exp3A, %lt3A : vector<1024x2048xf32>
    %jit3A_17 = arith.constant 0.000000e+00 : f32
    %broadcast_in_dim3A_18 = vector.broadcast %jit3A_17 : f32 to vector<1024x2048xf32>
    %select_n3A_19 = arith.select %lt3A_16, %broadcast_in_dim3A_18, %exp3A : vector<1024x2048xi1>, vector<1024x2048xf32>
    %reduce_sum3A_20 = arith.constant dense<0.000000e+00> : vector<1024xf32>
    %reduce_sum3A_21 = vector.multi_reduction <add>, %select_n3A_19, %reduce_sum3A_20 [1] : vector<1024x2048xf32> to vector<1024xf32>
    %broadcast_in_dim3A_22 = vector.shape_cast %reduce_sum3A_21 : vector<1024xf32> to vector<1024x1xf32>
    %max3A = arith.constant 9.99999996E-13 : f32
    %max3A_23 = vector.broadcast %max3A : f32 to vector<1024x1xf32>
    %max3A_24 = arith.maximumf %broadcast_in_dim3A_22, %max3A_23 : vector<1024x1xf32>
    %convert_element_type3A_25 = arith.truncf %select_n3A_19 : vector<1024x2048xf32> to vector<1024x2048xbf16>
    %get3A_26 = arith.constant 0 : index
    %get3A_27 = arith.constant 0 : index
    %get3A_28 = vector.load %arg3[%get3A_26, %get3A_27] : memref<2048x512xbf16, #tpu.memory_space<vmem>>, vector<2048x512xbf16>
    %dot_general3A_29 = arith.constant dense<0.000000e+00> : vector<1024x512xf32>
    %dot_general3A_30 = tpu.matmul %convert_element_type3A_25, %get3A_28, %dot_general3A_29 {dimension_numbers = #tpu.dot_dimension_numbers<[1], [0], [0], [1], [0, 0, 1, 1], [], []>, transpose_lhs_hint = false} : vector<1024x2048xbf16>, vector<2048x512xbf16>, vector<1024x512xf32> -> vector<1024x512xf32>
    %div3A = arith.constant 1.000000e+00 : f32
    %div3A_31 = vector.broadcast %div3A : f32 to vector<1024x1xf32>
    %div3A_32 = arith.divf %div3A_31, %max3A_24 : vector<1024x1xf32>
    %mul3A_33 = vector.broadcast %div3A_32 : vector<1024x1xf32> to vector<1024x512xf32>
    %mul3A_34 = arith.mulf %dot_general3A_30, %mul3A_33 : vector<1024x512xf32>
    %swap3A = arith.constant 0 : index
    %swap3A_35 = arith.constant 0 : index
    %swap3A_36 = vector.load %arg4[%swap3A, %swap3A_35] : memref<1024x512xf32, #tpu.memory_space<vmem>>, vector<1024x512xf32>
    tpu.vector_store %arg4[%swap3A, %swap3A_35], %mul3A_34 {strides = array<i32>} : memref<1024x512xf32, #tpu.memory_space<vmem>>, vector<1024x512xf32>,
    %swap3A_37 = arith.constant 0 : index
    %swap3A_38 = vector.load %arg5[%swap3A_37] : memref<1024xi32, #tpu.memory_space<vmem>>, vector<1024xi32>
    tpu.vector_store %arg5[%swap3A_37], %convert_element_type3A_13 {strides = array<i32>} : memref<1024xi32, #tpu.memory_space<vmem>>, vector<1024xi32>,
    %squeeze3A = vector.shape_cast %broadcast_in_dim3A : vector<1024x1xf32> to vector<1024xf32>
    %swap3A_39 = arith.constant 0 : index
    %swap3A_40 = vector.load %arg6[%swap3A_39] : memref<1024xf32, #tpu.memory_space<vmem>>, vector<1024xf32>
    tpu.vector_store %arg6[%swap3A_39], %squeeze3A {strides = array<i32>} : memref<1024xf32, #tpu.memory_space<vmem>>, vector<1024xf32>,
    %jit3A_41 = arith.constant -3.000000e+38 : f32
    %broadcast_in_dim3A_42 = vector.shape_cast %broadcast_in_dim3A : vector<1024x1xf32> to vector<1024x1xf32>
    %broadcast_in_dim3A_43 = vector.broadcast %broadcast_in_dim3A_42 : vector<1024x1xf32> to vector<1024x2048xf32>
    %broadcast_in_dim3A_44 = vector.broadcast %jit3A_41 : f32 to vector<1024x2048xf32>
    %select_n3A_45 = arith.select %eq3A_10, %broadcast_in_dim3A_43, %broadcast_in_dim3A_44 : vector<1024x2048xi1>, vector<1024x2048xf32>
    %reduce_max3A_46 = arith.constant dense<0xFF800000> : vector<2048xf32>
    %reduce_max3A_47 = vector.multi_reduction <maximumf>, %select_n3A_45, %reduce_max3A_46 [0] : vector<1024x2048xf32> to vector<2048xf32>
    %eq3A_48 = arith.constant 0 : i32
    %eq3A_49 = arith.cmpi eq, %arg0, %eq3A_48 : i32
    %convert_element_type3A_50 = arith.extui %eq3A_49 : i1 to i32
    %cond3A = arith.constant 0 : i32
    %cond3A_51 = arith.cmpi ne, %convert_element_type3A_50, %cond3A : i32
    scf.if %cond3A_51 {
      %swap3A_56 = arith.constant 0 : index
      %swap3A_57 = vector.load %arg7[%swap3A_56] : memref<2048xf32, #tpu.memory_space<vmem>>, vector<2048xf32>
      tpu.vector_store %arg7[%swap3A_56], %reduce_max3A_47 {strides = array<i32>} : memref<2048xf32, #tpu.memory_space<vmem>>, vector<2048xf32>,
    } else {
    }
    %ne3A = arith.constant 0 : i32
    %ne3A_52 = arith.cmpi ne, %arg0, %ne3A : i32
    %convert_element_type3A_53 = arith.extui %ne3A_52 : i1 to i32
    %cond3A_54 = arith.constant 0 : i32
    %cond3A_55 = arith.cmpi ne, %convert_element_type3A_53, %cond3A_54 : i32
    scf.if %cond3A_55 {
      %get3A_56 = arith.constant 0 : index
      %get3A_57 = vector.load %arg7[%get3A_56] : memref<2048xf32, #tpu.memory_space<vmem>>, vector<2048xf32>
      %max3A_58 = arith.maximumf %get3A_57, %reduce_max3A_47 : vector<2048xf32>
      %swap3A_59 = arith.constant 0 : index
      %swap3A_60 = vector.load %arg7[%swap3A_59] : memref<2048xf32, #tpu.memory_space<vmem>>, vector<2048xf32>
      tpu.vector_store %arg7[%swap3A_59], %max3A_58 {strides = array<i32>} : memref<2048xf32, #tpu.memory_space<vmem>>, vector<2048xf32>,
    } else {
    }
    return
  }
  func.func @transform_0(%arg0: i32) -> (i32, i32) {
    %c0_i32 = arith.constant 0 : i32
    %c0_i32_0 = arith.constant 0 : i32
    return %arg0, %c0_i32 : i32, i32
  }
  func.func @transform_1(%arg0: i32) -> (i32, i32) {
    %c0_i32 = arith.constant 0 : i32
    %c0_i32_0 = arith.constant 0 : i32
    %c0_i32_1 = arith.constant 0 : i32
    return %c0_i32, %c0_i32_0 : i32, i32
  }
  func.func @transform_2(%arg0: i32) -> (i32, i32) {
    %c0_i32 = arith.constant 0 : i32
    %c0_i32_0 = arith.constant 0 : i32
    %c0_i32_1 = arith.constant 0 : i32
    return %c0_i32, %c0_i32_0 : i32, i32
  }
  func.func @transform_3(%arg0: i32) -> (i32, i32) {
    %c0_i32 = arith.constant 0 : i32
    %c0_i32_0 = arith.constant 0 : i32
    return %arg0, %c0_i32 : i32, i32
  }
  func.func @transform_4(%arg0: i32) -> i32 {
    %c0_i32 = arith.constant 0 : i32
    return %arg0 : i32
  }
  func.func @transform_5(%arg0: i32) -> i32 {
    %c0_i32 = arith.constant 0 : i32
    return %arg0 : i32
  }
  func.func @transform_6(%arg0: i32) -> i32 {
    %c0_i32 = arith.constant 0 : i32
    %c0_i32_0 = arith.constant 0 : i32
    return %c0_i32 : i32
  }
}

module attributes {stable_mosaic.version = 14 : i64} {
  func.func @_tc2_body(%arg0: i32, %arg1: memref<512x512xf32, #tpu.memory_space<vmem>>, %arg2: memref<2x16x32x512xf32, #tpu.memory_space<vmem>>, %arg3: memref<1x512xf32, #tpu.memory_space<vmem>>, %arg4: memref<512x512xf32, #tpu.memory_space<vmem>>) attributes {dimension_semantics = [#tpu.dimension_semantics<arbitrary>], iteration_bounds = array<i64: 4>, scalar_prefetch = 0 : i64, scratch_operands = 0 : i64, tpu.core_type = #tpu.core_type<tc>, window_params = [{transform_indices = @transform_0, window_bounds = array<i64: 512, 512>}, {transform_indices = @transform_1, window_bounds = array<i64: 2, 16, 32, 512>}, {transform_indices = @transform_2, window_bounds = array<i64: 1, 512>}, {transform_indices = @transform_3, window_bounds = array<i64: 512, 512>}]} {
    %get3A = arith.constant 0 : index
    %get3A_0 = arith.constant 0 : index
    %get3A_1 = arith.constant 0 : index
    %get3A_2 = arith.constant 0 : index
    %get3A_3 = vector.load %arg2[%get3A, %get3A_0, %get3A_1, %get3A_2] : memref<2x16x32x512xf32, #tpu.memory_space<vmem>>, vector<1x1x32x512xf32>
    %get3A_4 = vector.shape_cast %get3A_3 : vector<1x1x32x512xf32> to vector<32x512xf32>
    %get3A_5 = arith.constant 1 : index
    %get3A_6 = arith.constant 0 : index
    %get3A_7 = arith.constant 0 : index
    %get3A_8 = arith.constant 0 : index
    %get3A_9 = vector.load %arg2[%get3A_5, %get3A_6, %get3A_7, %get3A_8] : memref<2x16x32x512xf32, #tpu.memory_space<vmem>>, vector<1x1x32x512xf32>
    %get3A_10 = vector.shape_cast %get3A_9 : vector<1x1x32x512xf32> to vector<32x512xf32>
    %add3A = arith.addf %get3A_4, %get3A_10 : vector<32x512xf32>
    %get3A_11 = arith.constant 0 : index
    %get3A_12 = arith.constant 1 : index
    %get3A_13 = arith.constant 0 : index
    %get3A_14 = arith.constant 0 : index
    %get3A_15 = vector.load %arg2[%get3A_11, %get3A_12, %get3A_13, %get3A_14] : memref<2x16x32x512xf32, #tpu.memory_space<vmem>>, vector<1x1x32x512xf32>
    %get3A_16 = vector.shape_cast %get3A_15 : vector<1x1x32x512xf32> to vector<32x512xf32>
    %get3A_17 = arith.constant 1 : index
    %get3A_18 = arith.constant 1 : index
    %get3A_19 = arith.constant 0 : index
    %get3A_20 = arith.constant 0 : index
    %get3A_21 = vector.load %arg2[%get3A_17, %get3A_18, %get3A_19, %get3A_20] : memref<2x16x32x512xf32, #tpu.memory_space<vmem>>, vector<1x1x32x512xf32>
    %get3A_22 = vector.shape_cast %get3A_21 : vector<1x1x32x512xf32> to vector<32x512xf32>
    %add3A_23 = arith.addf %get3A_16, %get3A_22 : vector<32x512xf32>
    %get3A_24 = arith.constant 0 : index
    %get3A_25 = arith.constant 2 : index
    %get3A_26 = arith.constant 0 : index
    %get3A_27 = arith.constant 0 : index
    %get3A_28 = vector.load %arg2[%get3A_24, %get3A_25, %get3A_26, %get3A_27] : memref<2x16x32x512xf32, #tpu.memory_space<vmem>>, vector<1x1x32x512xf32>
    %get3A_29 = vector.shape_cast %get3A_28 : vector<1x1x32x512xf32> to vector<32x512xf32>
    %get3A_30 = arith.constant 1 : index
    %get3A_31 = arith.constant 2 : index
    %get3A_32 = arith.constant 0 : index
    %get3A_33 = arith.constant 0 : index
    %get3A_34 = vector.load %arg2[%get3A_30, %get3A_31, %get3A_32, %get3A_33] : memref<2x16x32x512xf32, #tpu.memory_space<vmem>>, vector<1x1x32x512xf32>
    %get3A_35 = vector.shape_cast %get3A_34 : vector<1x1x32x512xf32> to vector<32x512xf32>
    %add3A_36 = arith.addf %get3A_29, %get3A_35 : vector<32x512xf32>
    %get3A_37 = arith.constant 0 : index
    %get3A_38 = arith.constant 3 : index
    %get3A_39 = arith.constant 0 : index
    %get3A_40 = arith.constant 0 : index
    %get3A_41 = vector.load %arg2[%get3A_37, %get3A_38, %get3A_39, %get3A_40] : memref<2x16x32x512xf32, #tpu.memory_space<vmem>>, vector<1x1x32x512xf32>
    %get3A_42 = vector.shape_cast %get3A_41 : vector<1x1x32x512xf32> to vector<32x512xf32>
    %get3A_43 = arith.constant 1 : index
    %get3A_44 = arith.constant 3 : index
    %get3A_45 = arith.constant 0 : index
    %get3A_46 = arith.constant 0 : index
    %get3A_47 = vector.load %arg2[%get3A_43, %get3A_44, %get3A_45, %get3A_46] : memref<2x16x32x512xf32, #tpu.memory_space<vmem>>, vector<1x1x32x512xf32>
    %get3A_48 = vector.shape_cast %get3A_47 : vector<1x1x32x512xf32> to vector<32x512xf32>
    %add3A_49 = arith.addf %get3A_42, %get3A_48 : vector<32x512xf32>
    %get3A_50 = arith.constant 0 : index
    %get3A_51 = arith.constant 4 : index
    %get3A_52 = arith.constant 0 : index
    %get3A_53 = arith.constant 0 : index
    %get3A_54 = vector.load %arg2[%get3A_50, %get3A_51, %get3A_52, %get3A_53] : memref<2x16x32x512xf32, #tpu.memory_space<vmem>>, vector<1x1x32x512xf32>
    %get3A_55 = vector.shape_cast %get3A_54 : vector<1x1x32x512xf32> to vector<32x512xf32>
    %get3A_56 = arith.constant 1 : index
    %get3A_57 = arith.constant 4 : index
    %get3A_58 = arith.constant 0 : index
    %get3A_59 = arith.constant 0 : index
    %get3A_60 = vector.load %arg2[%get3A_56, %get3A_57, %get3A_58, %get3A_59] : memref<2x16x32x512xf32, #tpu.memory_space<vmem>>, vector<1x1x32x512xf32>
    %get3A_61 = vector.shape_cast %get3A_60 : vector<1x1x32x512xf32> to vector<32x512xf32>
    %add3A_62 = arith.addf %get3A_55, %get3A_61 : vector<32x512xf32>
    %get3A_63 = arith.constant 0 : index
    %get3A_64 = arith.constant 5 : index
    %get3A_65 = arith.constant 0 : index
    %get3A_66 = arith.constant 0 : index
    %get3A_67 = vector.load %arg2[%get3A_63, %get3A_64, %get3A_65, %get3A_66] : memref<2x16x32x512xf32, #tpu.memory_space<vmem>>, vector<1x1x32x512xf32>
    %get3A_68 = vector.shape_cast %get3A_67 : vector<1x1x32x512xf32> to vector<32x512xf32>
    %get3A_69 = arith.constant 1 : index
    %get3A_70 = arith.constant 5 : index
    %get3A_71 = arith.constant 0 : index
    %get3A_72 = arith.constant 0 : index
    %get3A_73 = vector.load %arg2[%get3A_69, %get3A_70, %get3A_71, %get3A_72] : memref<2x16x32x512xf32, #tpu.memory_space<vmem>>, vector<1x1x32x512xf32>
    %get3A_74 = vector.shape_cast %get3A_73 : vector<1x1x32x512xf32> to vector<32x512xf32>
    %add3A_75 = arith.addf %get3A_68, %get3A_74 : vector<32x512xf32>
    %get3A_76 = arith.constant 0 : index
    %get3A_77 = arith.constant 6 : index
    %get3A_78 = arith.constant 0 : index
    %get3A_79 = arith.constant 0 : index
    %get3A_80 = vector.load %arg2[%get3A_76, %get3A_77, %get3A_78, %get3A_79] : memref<2x16x32x512xf32, #tpu.memory_space<vmem>>, vector<1x1x32x512xf32>
    %get3A_81 = vector.shape_cast %get3A_80 : vector<1x1x32x512xf32> to vector<32x512xf32>
    %get3A_82 = arith.constant 1 : index
    %get3A_83 = arith.constant 6 : index
    %get3A_84 = arith.constant 0 : index
    %get3A_85 = arith.constant 0 : index
    %get3A_86 = vector.load %arg2[%get3A_82, %get3A_83, %get3A_84, %get3A_85] : memref<2x16x32x512xf32, #tpu.memory_space<vmem>>, vector<1x1x32x512xf32>
    %get3A_87 = vector.shape_cast %get3A_86 : vector<1x1x32x512xf32> to vector<32x512xf32>
    %add3A_88 = arith.addf %get3A_81, %get3A_87 : vector<32x512xf32>
    %get3A_89 = arith.constant 0 : index
    %get3A_90 = arith.constant 7 : index
    %get3A_91 = arith.constant 0 : index
    %get3A_92 = arith.constant 0 : index
    %get3A_93 = vector.load %arg2[%get3A_89, %get3A_90, %get3A_91, %get3A_92] : memref<2x16x32x512xf32, #tpu.memory_space<vmem>>, vector<1x1x32x512xf32>
    %get3A_94 = vector.shape_cast %get3A_93 : vector<1x1x32x512xf32> to vector<32x512xf32>
    %get3A_95 = arith.constant 1 : index
    %get3A_96 = arith.constant 7 : index
    %get3A_97 = arith.constant 0 : index
    %get3A_98 = arith.constant 0 : index
    %get3A_99 = vector.load %arg2[%get3A_95, %get3A_96, %get3A_97, %get3A_98] : memref<2x16x32x512xf32, #tpu.memory_space<vmem>>, vector<1x1x32x512xf32>
    %get3A_100 = vector.shape_cast %get3A_99 : vector<1x1x32x512xf32> to vector<32x512xf32>
    %add3A_101 = arith.addf %get3A_94, %get3A_100 : vector<32x512xf32>
    %get3A_102 = arith.constant 0 : index
    %get3A_103 = arith.constant 8 : index
    %get3A_104 = arith.constant 0 : index
    %get3A_105 = arith.constant 0 : index
    %get3A_106 = vector.load %arg2[%get3A_102, %get3A_103, %get3A_104, %get3A_105] : memref<2x16x32x512xf32, #tpu.memory_space<vmem>>, vector<1x1x32x512xf32>
    %get3A_107 = vector.shape_cast %get3A_106 : vector<1x1x32x512xf32> to vector<32x512xf32>
    %get3A_108 = arith.constant 1 : index
    %get3A_109 = arith.constant 8 : index
    %get3A_110 = arith.constant 0 : index
    %get3A_111 = arith.constant 0 : index
    %get3A_112 = vector.load %arg2[%get3A_108, %get3A_109, %get3A_110, %get3A_111] : memref<2x16x32x512xf32, #tpu.memory_space<vmem>>, vector<1x1x32x512xf32>
    %get3A_113 = vector.shape_cast %get3A_112 : vector<1x1x32x512xf32> to vector<32x512xf32>
    %add3A_114 = arith.addf %get3A_107, %get3A_113 : vector<32x512xf32>
    %get3A_115 = arith.constant 0 : index
    %get3A_116 = arith.constant 9 : index
    %get3A_117 = arith.constant 0 : index
    %get3A_118 = arith.constant 0 : index
    %get3A_119 = vector.load %arg2[%get3A_115, %get3A_116, %get3A_117, %get3A_118] : memref<2x16x32x512xf32, #tpu.memory_space<vmem>>, vector<1x1x32x512xf32>
    %get3A_120 = vector.shape_cast %get3A_119 : vector<1x1x32x512xf32> to vector<32x512xf32>
    %get3A_121 = arith.constant 1 : index
    %get3A_122 = arith.constant 9 : index
    %get3A_123 = arith.constant 0 : index
    %get3A_124 = arith.constant 0 : index
    %get3A_125 = vector.load %arg2[%get3A_121, %get3A_122, %get3A_123, %get3A_124] : memref<2x16x32x512xf32, #tpu.memory_space<vmem>>, vector<1x1x32x512xf32>
    %get3A_126 = vector.shape_cast %get3A_125 : vector<1x1x32x512xf32> to vector<32x512xf32>
    %add3A_127 = arith.addf %get3A_120, %get3A_126 : vector<32x512xf32>
    %get3A_128 = arith.constant 0 : index
    %get3A_129 = arith.constant 10 : index
    %get3A_130 = arith.constant 0 : index
    %get3A_131 = arith.constant 0 : index
    %get3A_132 = vector.load %arg2[%get3A_128, %get3A_129, %get3A_130, %get3A_131] : memref<2x16x32x512xf32, #tpu.memory_space<vmem>>, vector<1x1x32x512xf32>
    %get3A_133 = vector.shape_cast %get3A_132 : vector<1x1x32x512xf32> to vector<32x512xf32>
    %get3A_134 = arith.constant 1 : index
    %get3A_135 = arith.constant 10 : index
    %get3A_136 = arith.constant 0 : index
    %get3A_137 = arith.constant 0 : index
    %get3A_138 = vector.load %arg2[%get3A_134, %get3A_135, %get3A_136, %get3A_137] : memref<2x16x32x512xf32, #tpu.memory_space<vmem>>, vector<1x1x32x512xf32>
    %get3A_139 = vector.shape_cast %get3A_138 : vector<1x1x32x512xf32> to vector<32x512xf32>
    %add3A_140 = arith.addf %get3A_133, %get3A_139 : vector<32x512xf32>
    %get3A_141 = arith.constant 0 : index
    %get3A_142 = arith.constant 11 : index
    %get3A_143 = arith.constant 0 : index
    %get3A_144 = arith.constant 0 : index
    %get3A_145 = vector.load %arg2[%get3A_141, %get3A_142, %get3A_143, %get3A_144] : memref<2x16x32x512xf32, #tpu.memory_space<vmem>>, vector<1x1x32x512xf32>
    %get3A_146 = vector.shape_cast %get3A_145 : vector<1x1x32x512xf32> to vector<32x512xf32>
    %get3A_147 = arith.constant 1 : index
    %get3A_148 = arith.constant 11 : index
    %get3A_149 = arith.constant 0 : index
    %get3A_150 = arith.constant 0 : index
    %get3A_151 = vector.load %arg2[%get3A_147, %get3A_148, %get3A_149, %get3A_150] : memref<2x16x32x512xf32, #tpu.memory_space<vmem>>, vector<1x1x32x512xf32>
    %get3A_152 = vector.shape_cast %get3A_151 : vector<1x1x32x512xf32> to vector<32x512xf32>
    %add3A_153 = arith.addf %get3A_146, %get3A_152 : vector<32x512xf32>
    %get3A_154 = arith.constant 0 : index
    %get3A_155 = arith.constant 12 : index
    %get3A_156 = arith.constant 0 : index
    %get3A_157 = arith.constant 0 : index
    %get3A_158 = vector.load %arg2[%get3A_154, %get3A_155, %get3A_156, %get3A_157] : memref<2x16x32x512xf32, #tpu.memory_space<vmem>>, vector<1x1x32x512xf32>
    %get3A_159 = vector.shape_cast %get3A_158 : vector<1x1x32x512xf32> to vector<32x512xf32>
    %get3A_160 = arith.constant 1 : index
    %get3A_161 = arith.constant 12 : index
    %get3A_162 = arith.constant 0 : index
    %get3A_163 = arith.constant 0 : index
    %get3A_164 = vector.load %arg2[%get3A_160, %get3A_161, %get3A_162, %get3A_163] : memref<2x16x32x512xf32, #tpu.memory_space<vmem>>, vector<1x1x32x512xf32>
    %get3A_165 = vector.shape_cast %get3A_164 : vector<1x1x32x512xf32> to vector<32x512xf32>
    %add3A_166 = arith.addf %get3A_159, %get3A_165 : vector<32x512xf32>
    %get3A_167 = arith.constant 0 : index
    %get3A_168 = arith.constant 13 : index
    %get3A_169 = arith.constant 0 : index
    %get3A_170 = arith.constant 0 : index
    %get3A_171 = vector.load %arg2[%get3A_167, %get3A_168, %get3A_169, %get3A_170] : memref<2x16x32x512xf32, #tpu.memory_space<vmem>>, vector<1x1x32x512xf32>
    %get3A_172 = vector.shape_cast %get3A_171 : vector<1x1x32x512xf32> to vector<32x512xf32>
    %get3A_173 = arith.constant 1 : index
    %get3A_174 = arith.constant 13 : index
    %get3A_175 = arith.constant 0 : index
    %get3A_176 = arith.constant 0 : index
    %get3A_177 = vector.load %arg2[%get3A_173, %get3A_174, %get3A_175, %get3A_176] : memref<2x16x32x512xf32, #tpu.memory_space<vmem>>, vector<1x1x32x512xf32>
    %get3A_178 = vector.shape_cast %get3A_177 : vector<1x1x32x512xf32> to vector<32x512xf32>
    %add3A_179 = arith.addf %get3A_172, %get3A_178 : vector<32x512xf32>
    %get3A_180 = arith.constant 0 : index
    %get3A_181 = arith.constant 14 : index
    %get3A_182 = arith.constant 0 : index
    %get3A_183 = arith.constant 0 : index
    %get3A_184 = vector.load %arg2[%get3A_180, %get3A_181, %get3A_182, %get3A_183] : memref<2x16x32x512xf32, #tpu.memory_space<vmem>>, vector<1x1x32x512xf32>
    %get3A_185 = vector.shape_cast %get3A_184 : vector<1x1x32x512xf32> to vector<32x512xf32>
    %get3A_186 = arith.constant 1 : index
    %get3A_187 = arith.constant 14 : index
    %get3A_188 = arith.constant 0 : index
    %get3A_189 = arith.constant 0 : index
    %get3A_190 = vector.load %arg2[%get3A_186, %get3A_187, %get3A_188, %get3A_189] : memref<2x16x32x512xf32, #tpu.memory_space<vmem>>, vector<1x1x32x512xf32>
    %get3A_191 = vector.shape_cast %get3A_190 : vector<1x1x32x512xf32> to vector<32x512xf32>
    %add3A_192 = arith.addf %get3A_185, %get3A_191 : vector<32x512xf32>
    %get3A_193 = arith.constant 0 : index
    %get3A_194 = arith.constant 15 : index
    %get3A_195 = arith.constant 0 : index
    %get3A_196 = arith.constant 0 : index
    %get3A_197 = vector.load %arg2[%get3A_193, %get3A_194, %get3A_195, %get3A_196] : memref<2x16x32x512xf32, #tpu.memory_space<vmem>>, vector<1x1x32x512xf32>
    %get3A_198 = vector.shape_cast %get3A_197 : vector<1x1x32x512xf32> to vector<32x512xf32>
    %get3A_199 = arith.constant 1 : index
    %get3A_200 = arith.constant 15 : index
    %get3A_201 = arith.constant 0 : index
    %get3A_202 = arith.constant 0 : index
    %get3A_203 = vector.load %arg2[%get3A_199, %get3A_200, %get3A_201, %get3A_202] : memref<2x16x32x512xf32, #tpu.memory_space<vmem>>, vector<1x1x32x512xf32>
    %get3A_204 = vector.shape_cast %get3A_203 : vector<1x1x32x512xf32> to vector<32x512xf32>
    %add3A_205 = arith.addf %get3A_198, %get3A_204 : vector<32x512xf32>
    %concatenate3A = tpu.concatenate %add3A, %add3A_23, %add3A_36, %add3A_49, %add3A_62, %add3A_75, %add3A_88, %add3A_101, %add3A_114, %add3A_127, %add3A_140, %add3A_153, %add3A_166, %add3A_179, %add3A_192, %add3A_205 in 0 : vector<32x512xf32>, vector<32x512xf32>, vector<32x512xf32>, vector<32x512xf32>, vector<32x512xf32>, vector<32x512xf32>, vector<32x512xf32>, vector<32x512xf32>, vector<32x512xf32>, vector<32x512xf32>, vector<32x512xf32>, vector<32x512xf32>, vector<32x512xf32>, vector<32x512xf32>, vector<32x512xf32>, vector<32x512xf32> -> vector<512x512xf32>
    %get3A_206 = arith.constant 0 : index
    %get3A_207 = arith.constant 0 : index
    %get3A_208 = vector.load %arg1[%get3A_206, %get3A_207] : memref<512x512xf32, #tpu.memory_space<vmem>>, vector<512x512xf32>
    %transpose3A = tpu.transpose %get3A_208, [1, 0] : vector<512x512xf32> -> vector<512x512xf32>
    %add3A_209 = arith.addf %transpose3A, %concatenate3A : vector<512x512xf32>
    %mul3A = arith.mulf %add3A_209, %add3A_209 : vector<512x512xf32>
    %reduce_sum3A = arith.constant dense<0.000000e+00> : vector<512xf32>
    %reduce_sum3A_210 = vector.multi_reduction <add>, %mul3A, %reduce_sum3A [0] : vector<512x512xf32> to vector<512xf32>
    %broadcast_in_dim3A = vector.shape_cast %reduce_sum3A_210 : vector<512xf32> to vector<1x512xf32>
    %sqrt3A = math.sqrt %broadcast_in_dim3A : vector<1x512xf32>
    %max3A = arith.constant 9.99999996E-13 : f32
    %max3A_211 = vector.broadcast %max3A : f32 to vector<1x512xf32>
    %max3A_212 = arith.maximumf %sqrt3A, %max3A_211 : vector<1x512xf32>
    %div3A = vector.broadcast %max3A_212 : vector<1x512xf32> to vector<512x512xf32>
    %div3A_213 = arith.divf %add3A_209, %div3A : vector<512x512xf32>
    %get3A_214 = arith.constant 0 : index
    %get3A_215 = arith.constant 0 : index
    %get3A_216 = vector.load %arg3[%get3A_214, %get3A_215] : memref<1x512xf32, #tpu.memory_space<vmem>>, vector<1x512xf32>
    %gt3A = arith.constant -1.000000e+30 : f32
    %gt3A_217 = vector.broadcast %gt3A : f32 to vector<1x512xf32>
    %gt3A_218 = arith.cmpf ogt, %get3A_216, %gt3A_217 : vector<1x512xf32>
    %jit3A = arith.constant 0.000000e+00 : f32
    %broadcast_in_dim3A_219 = vector.shape_cast %gt3A_218 : vector<1x512xi1> to vector<1x512xi1>
    %broadcast_in_dim3A_220 = vector.broadcast %broadcast_in_dim3A_219 : vector<1x512xi1> to vector<512x512xi1>
    %broadcast_in_dim3A_221 = vector.broadcast %jit3A : f32 to vector<512x512xf32>
    %select_n3A = arith.select %broadcast_in_dim3A_220, %div3A_213, %broadcast_in_dim3A_221 : vector<512x512xi1>, vector<512x512xf32>
    %transpose3A_222 = tpu.transpose %select_n3A, [1, 0] : vector<512x512xf32> -> vector<512x512xf32>
    %swap3A = arith.constant 0 : index
    %swap3A_223 = arith.constant 0 : index
    %swap3A_224 = vector.load %arg4[%swap3A, %swap3A_223] : memref<512x512xf32, #tpu.memory_space<vmem>>, vector<512x512xf32>
    tpu.vector_store %arg4[%swap3A, %swap3A_223], %transpose3A_222 {strides = array<i32>} : memref<512x512xf32, #tpu.memory_space<vmem>>, vector<512x512xf32>,
    return
  }
  func.func @transform_0(%arg0: i32) -> (i32, i32) {
    %c0_i32 = arith.constant 0 : i32
    %c0_i32_0 = arith.constant 0 : i32
    return %arg0, %c0_i32 : i32, i32
  }
  func.func @transform_1(%arg0: i32) -> (i32, i32, i32, i32) {
    %c0_i32 = arith.constant 0 : i32
    %c0_i32_0 = arith.constant 0 : i32
    %c0_i32_1 = arith.constant 0 : i32
    %c0_i32_2 = arith.constant 0 : i32
    return %c0_i32, %c0_i32_0, %c0_i32_1, %arg0 : i32, i32, i32, i32
  }
  func.func @transform_2(%arg0: i32) -> (i32, i32) {
    %c0_i32 = arith.constant 0 : i32
    %c0_i32_0 = arith.constant 0 : i32
    return %c0_i32, %arg0 : i32, i32
  }
  func.func @transform_3(%arg0: i32) -> (i32, i32) {
    %c0_i32 = arith.constant 0 : i32
    %c0_i32_0 = arith.constant 0 : i32
    return %arg0, %c0_i32 : i32, i32
  }
}

</mosaic_0001>

<sc_bundles>
// kernel: kernel.5.cloned.1.call-start
scs
__scs_entry_jumppad:
0x0: {  	(pc) =	sbr.rel $0x88, $3  }
0x1: {  	(tag) =	ssettag $0x0;
	lr =	simm.s32 $0x1  }
0x2: {  	[smem:$0x3F9F] =	sst lr;
	_ =	strace $0xD0000000  }
0x3: {  	_ = 	snop  }
0x4: {  	_ = 	snop  }
0x5: {  	_ = 	snop  }
0x6: {  	_ = 	snop  }
0x7: {  	_ = 	snop  }
__scs_overlays_trampoline_lowered:
0x8: {  	[smem:$0x3FAE] =	sst s0  }
0x9: {  	[smem:$0x3FAF] =	sst s1  }
0xa: {  	[smem:$0x3FB0] =	sst s2  }
0xb: {  	[smem:$0x3FB1] =	sst s3  }
0xc: {  	[smem:$0x3FB2] =	sst s4  }
0xd: {  	[smem:$0x3FB3] =	sst s5  }
0xe: {  	[smem:$0x3FB4] =	sst s6  }
0xf: {  	[smem:$0x3FB5] =	sst s7  }
0x10: {  	[smem:$0x3FB6] =	sst s8  }
0x11: {  	[smem:$0x3FB7] =	sst s9;
	s0 =	simm.s32 @!p0 $0x0  }
0x12: {  	s1 =	sld [smem:$0x3F9D];
	s0 =	simm.s32 @p0 $0x1  }
0x13: {  	[smem:$0x3FB8] =	sst s0;
	s0 =	simm.s32 @!p1 $0x0  }
0x14: {  	s2 =	sld [smem:$0x3F9C];
	s0 =	simm.s32 @p1 $0x1  }
0x15: {  	[smem:$0x3FB9] =	sst s0;
	s0 =	simm.s32 @!p2 $0x0  }
0x16: {  	s3 =	sld [smem:$0x3FDB];
	s0 =	simm.s32 @p2 $0x1  }
0x17: {  	s4 =	simm.s32 $0x1BF5;
	[smem:$0x3FBB] =	sst s0  }
0x18: {  	s0 =	sld [smem:$0x3F9E];
	_ =	swait.ge [sflag:s4], $0x0  }
0x19: {  	s7 =	sld [smem:$0x3F9F]  }
0x1a: {  	s8 =	sadd.s32 $0xFFFFE003, lr  }
0x1b: {  	s9 =	sadd.s32 $0xFFFFFEF7, lr;
	s5 =	simm.s32 $0xFFFFFFFF;
	p2 =	slt.u32 s8, $0xFFFFF086  }
0x1c: {  	p1 =	slt.u32 s9, $0xF7A;
	s5 =	simm.s32 @!p2 $0x0  }
0x1d: {  	s5 =	simm.s32 @p1 $0x1;
	p0 =	seq.s32 s7, s2  }
0x1e: {  	s7 =	smul.u32 @!p0 $0xF7A, s2;
	p2 =	seq.s32 @!p0 s5, $0x0  }
0x1f: {  	s9 =	smul.u32 $0xF7A, s1;
	s8 =	simm.s32 @!p0 $0x1BF5;
	p2 =	por !p2, p0  }
0x20: {  	[sflag:s8] =	ssyncset.s32 @!p0 $0xFFFFF086;
	s6 =	sadd.s32 @!p0 s3, s7;
	s7 =	simm.s32 @!p0 $0x108  }
0x21: {  	s3 =	sadd.s32 s3, s9;
	s6 =	sadd.s32 @!p0 $0x88, s6;
	s7 =	simm.s32 @p2 $0x1082  }
0x22: {  	[simem:s7], [sflag:s8] =	dma.local @!p0 [hbm:s6], $0xF7A  }
0x23: {  	s9 =	sor.u32 $0xD0000000, s2;
	s6 =	simm.s32 $0x108;
	_ =	swait.ge @!p0 [sflag:s8], $0x0  }
0x24: {  	s3 =	sadd.s32 $0x88, s3;
	s6 =	simm.s32 @!p1 $0x1082;
	[sflag:s4] =	ssyncset.s32 $0xFFFFF086  }
0x25: {  	[simem:s6], [sflag:s4] =	dma.local [hbm:s3], $0xF7A  }
0x26: {  	[smem:$0x3F9F] =	sst s1;
	(tag) =	ssettag s2;
	_ =	strace s9  }
0x27: {  	s1 =	sld [smem:$0x3FAF]  }
0x28: {  	s2 =	sld [smem:$0x3FB0]  }
0x29: {  	s4 =	sld [smem:$0x3FB2]  }
0x2a: {  	p0 =	seq.s32 s5, $0x0;
	s5 =	sld [smem:$0x3FB3]  }
0x2b: {  	s6 =	sld [smem:$0x3FB4]  }
0x2c: {  	s7 =	sld [smem:$0x3FB5]  }
0x2d: {  	s3 =	simm.s32 $0x108;
	s8 =	sld [smem:$0x3FB6]  }
0x2e: {  	s3 =	simm.s32 @!p0 $0x1082;
	s9 =	sld [smem:$0x3FB7]  }
0x2f: {  	lr =	sadd.s32 s0, s3;
	s0 =	sld [smem:$0x3FAE]  }
0x30: {  	s3 =	sld [smem:$0x3FB1]  }
0x31: {  	[smem:$0x3FBA] =	sst s10  }
0x32: {  	s10 =	sld [smem:$0x3FB8];
	_ =	sdelay $0x3  }
0x33: {  	p0 =	seq.s32 s10, $0x1;
	s10 =	sld [smem:$0x3FBA];
	_ =	sdelay $0x3  }
0x34: {  	[smem:$0x3FBA] =	sst s10  }
0x35: {  	s10 =	sld [smem:$0x3FB9];
	_ =	sdelay $0x3  }
0x36: {  	p1 =	seq.s32 s10, $0x1;
	s10 =	sld [smem:$0x3FBA];
	_ =	sdelay $0x3  }
0x37: {  	[smem:$0x3FBA] =	sst s10  }
0x38: {  	s10 =	sld [smem:$0x3FBB]  }
0x39: {  	_ = 	snop;
	(pc) =	sbr.ind lr, $3  }
0x3a: {  	_ = 	snop  }
0x3b: {  	_ = 	snop  }
0x3c: {  	p2 =	seq.s32 s10, $0x1;
	s10 =	sld [smem:$0x3FBA]  }
0x3d: {  	_ =	shalt  }
0x3e: {  	_ =	shalt  }
0x3f: {  	_ =	shalt  }
0x40: {  	_ =	shalt  }
0x41: {  	_ =	shalt  }
0x42: {  	_ =	shalt  }
0x43: {  	_ =	shalt  }
0x44: {  	_ =	shalt  }
0x45: {  	_ =	shalt  }
0x46: {  	_ =	shalt  }
0x47: {  	_ =	shalt  }
0x48: {  	_ =	shalt  }
0x49: {  	_ =	shalt  }
0x4a: {  	_ =	shalt  }
0x4b: {  	_ =	shalt  }
0x4c: {  	_ =	shalt  }
0x4d: {  	_ =	shalt  }
0x4e: {  	_ =	shalt  }
0x4f: {  	_ =	shalt  }
0x50: {  	_ =	shalt  }
0x51: {  	_ =	shalt  }
0x52: {  	_ =	shalt  }
0x53: {  	_ =	shalt  }
0x54: {  	_ =	shalt  }
0x55: {  	_ =	shalt  }
0x56: {  	_ =	shalt  }
0x57: {  	_ =	shalt  }
0x58: {  	_ =	shalt  }
0x59: {  	_ =	shalt  }
0x5a: {  	_ =	shalt  }
0x5b: {  	_ =	shalt  }
0x5c: {  	_ =	shalt  }
0x5d: {  	_ =	shalt  }
0x5e: {  	_ =	shalt  }
0x5f: {  	_ =	shalt  }
0x60: {  	_ =	shalt  }
0x61: {  	_ =	shalt  }
0x62: {  	_ =	shalt  }
0x63: {  	_ =	shalt  }
0x64: {  	_ =	shalt  }
0x65: {  	_ =	shalt  }
0x66: {  	_ =	shalt  }
0x67: {  	_ =	shalt  }
0x68: {  	_ =	shalt  }
0x69: {  	_ =	shalt  }
0x6a: {  	_ =	shalt  }
0x6b: {  	_ =	shalt  }
0x6c: {  	_ =	shalt  }
0x6d: {  	_ =	shalt  }
0x6e: {  	_ =	shalt  }
0x6f: {  	_ =	shalt  }
0x70: {  	_ =	shalt  }
0x71: {  	_ =	shalt  }
0x72: {  	_ =	shalt  }
0x73: {  	_ =	shalt  }
0x74: {  	_ =	shalt  }
0x75: {  	_ =	shalt  }
0x76: {  	_ =	shalt  }
0x77: {  	_ =	shalt  }
0x78: {  	_ =	shalt  }
0x79: {  	_ =	shalt  }
0x7a: {  	_ =	shalt  }
0x7b: {  	_ =	shalt  }
0x7c: {  	_ =	shalt  }
0x7d: {  	_ =	shalt  }
0x7e: {  	_ =	shalt  }
0x7f: {  	_ =	shalt  }
0x80: {  	_ =	shalt  }
0x81: {  	_ =	shalt  }
0x82: {  	_ =	shalt  }
0x83: {  	_ =	shalt  }
0x84: {  	_ =	shalt  }
0x85: {  	_ =	shalt  }
0x86: {  	_ =	shalt  }
0x87: {  	_ =	shalt  }
.Lfunc_end0:
.L_simem_size_0:
called_computation_lowered:
.L_overlay_start_0:
0x88: {  	s2 =	sld [smem:$0x3FD9]  }
0x89: {  	s3 =	sld [smem:$0x3FFE];
	_ =	sdelay $0x1  }
0x8a: {  	s1 =	srdreg.scid  }
0x8b: {  	s0 =	sand.u32 $0x1, s1  }
0x8c: {  	s14 =	sshll.u32 s0, $0xA;
	s2 =	sadd.s32 s3, s2  }
0x8d: {  	s2 =	sadd.s32 s2, s14  }
0x8e: {  	[smem:$0x3FC6] =	sst s2  }
0x8f: {  	_ = 	snop  }
0x90: {  	s2 =	sld [smem:$0x3FD0];
	_ =	sdelay $0x2  }
0x91: {  	s15 =	simm.s32 $0xA;
	s4 =	simm.s32 $0x10  }
0x92: {  	[smem:s4], [sflag:s15] =	dma.local [hbm:s2], $0x1  }
0x93: {  	_ =	swait.eq [sflag:s15], $0x1  }
0x94: {  	[sflag:s15] =	ssyncset.done $0x0  }
0x95: {  	[sflag:s15] =	ssyncadd.s32 $0xFFFFFFFF  }
0x96: {  	s16 =	sld [smem:$0x11];
	(tm) =	ssettm $0x1  }
0x97: {  	s17 =	sld [smem:$0x3FFB];
	_ =	sdelay $0x3  }
0x98: {  	_ =	strace s17  }
0x99: {  	s3 =	sld [smem:$0x3FFC];
	_ =	sdelay $0x3  }
0x9a: {  	_ =	strace s3  }
0x9b: {  	s3 =	sld [smem:$0x3FFD];
	_ =	sdelay $0x3  }
0x9c: {  	_ =	strace s3  }
0x9d: {  	_ =	strace $0x8FFFFFFF  }
0x9e: {  	s18 =	sld [smem:$0x3FDB];
	_ =	sdelay $0x1  }
0x9f: {  	s19 =	simm.s32 $_scs_section_size  }
0xa0: {  	s5 =	simm.s32 $_size__tile_overlayer_lowered;
	s6 =	simm.s32 $_tile_overlayer_lowered  }
0xa1: {  	s22 =	simm.s32 $0x1BFF;
	s21 =	sshll.u32 s6, $0x1;
	s3 =	sadd.s32 s19, s18  }
0xa2: {  	s7 =	simm.s32 $0x0;
	s20 =	sshll.u32 s5, $0x1;
	s5 =	sadd.s32 s21, s3  }
0xa3: {  	[timem:s7], [sflag:s22] =	dma.local [hbm:s5], s20  }
0xa4: {  	_ =	swait.ge [sflag:s22], s20  }
0xa5: {  	s4 =	ssub.s32 $0x0, s20;
	[sflag:s22] =	ssyncset.done $0x0  }
0xa6: {  	[sflag:s22] =	ssyncadd.s32 s4;
	_ =	sdelay $0x1  }
0xa7: {  	s23 =	simm.s32 $0x1B8B  }
0xa8: {  	_ =	swait.ge [sflag:s23], $0x1  }
0xa9: {  	[sflag:s23] =	ssyncset.done $0x0  }
0xaa: {  	s25 =	simm.s32 $0x1B8E;
	s24 =	sld [smem:$0x3FFE];
	[sflag:s23] =	ssyncadd.s32 $0xFFFFFFFF  }
0xab: {  	s26 =	simm.s32 $execute0_lowered;
	[smem:$0x3FD2] =	sst s25  }
0xac: {  	s5 =	sshll.u32 s26, $0x1;
	_ =	strace $0x80000046;
	[dreg:$0x1] =	wrdreg $0xFFFFFFFF  }
0xad: {  	s28 =	simm.s32 $_size_execute0_lowered;
	s3 =	sadd.s32 s3, s5;
	[dreg:$0x0] =	wrdreg $0x0  }
0xae: {  	s5 =	sshll.u32 s28, $0x1;
	[dreg:$0x2] =	wrdreg s3  }
0xaf: {  	[dreg:$0x3] =	wrdreg s5  }
0xb0: {  	[dreg:$0x4] =	wrdreg $0xC0  }
0xb1: {  	_ =	task [dreg:s7], $0x5FFFF  }
0xb2: {  	[dreg:$0x1] =	wrdreg $0xFFFFFFFF  }
0xb3: {  	[dreg:$0x0] =	wrdreg $0x60  }
0xb4: {  	[dreg:$0x2] =	wrdreg s24  }
0xb5: {  	[dreg:$0x3] =	wrdreg s16  }
0xb6: {  	[dreg:$0x4] =	wrdreg $0x9  }
0xb7: {  	_ =	task.clear_ibuf [dreg:s7], $0x5FFFF;
	_ =	strace $0x90000046  }
0xb8: {  	s29 =	simm.s32 $0x9;
	_ =	strace $0x80000048  }
0xb9: {  	_ =	swait.ge [sflag:s29], $0x1  }
0xba: {  	[sflag:s29] =	ssyncadd.s32 $0xFFFFFFFF  }
0xbb: {  	_ =	strace $0x90000048  }
0xbc: {  	_ =	sfence  }
0xbd: {  	s30 =	sld [smem:$0x0];
	_ =	sdelay $0x2  }
0xbe: {  	s31 =	sshll.u32 s1, $0xD;
	s1 =	sshrl.u32 s1, $0x2  }
0xbf: {  	s3 =	sand.u32 $0x4000, s31;
	s1 =	sadd.s32 s1, s30  }
0xc0: {  	s0 =	sor.u32 s3, s0;
	s1 =	sshll.u32 s1, $0x11  }
0xc1: {  	s0 =	sor.u32 s1, s0  }
0xc2: {  	s0 =	sadd.s32 $0x8F2B, s0  }
0xc3: {  	[sflag:s0] =	ssyncadd.remote.s32 $0x1  }
0xc4: {  	_ =	sfence.sel $0xFFFF  }
0xc5: {  	[dreg:$0x0] =	wrdreg $0xFFFFFFFF;
	(pc) =	sbr.abs _section_cstart, $3  }
0xc6: {  	[dreg:$0x1] =	wrdreg $0xFFFFFFFF  }
0xc7: {  	_ =	task.clear_ibuf [dreg:s7], $0x2FFFF;
	_ =	strace $0x9FFFFFFF  }
0xc8: {  	(tm) =	ssettm $0x7FFFFFFF  }
0xc9: {  	_ =	shalt  }
tec
execute0_lowered:
.L_overlay_start_1:
0x0: {  	(tag) =	ssettag $0x1  }
0x1: {  	s0 =	rddreg [dreg:$0x0]  }
0x2: {  	s1 =	rddreg [dreg:$0x1]  }
0x3: {  	s2 =	srdreg.scid;
	s7 =	stileid.u32;
	s29 =	simm.s32 $0x0  }
0x4: {  	s2 =	sand.u32 $0x1, s2;
	s4 =	sshll.u32 s7, $0xC;
	[smem:$0x7FF] =	sst s29  }
0x5: {  	s8 =	sadd.s32 $0x81400, s0;
	s21 =	sshll.u32 s7, $0xD;
	s23 =	sshll.u32 s7, $0x4  }
0x6: {  	s7 =	simm.s32 $0xE800;
	s3 =	sshll.u32 s2, $0x12;
	_ =	strace $0x80000047  }
0x7: {  	s16 =	sshll.u32 s2, $0x9;
	s6 =	sshll.u32 s2, $0x11;
	s2 =	ssub.s32 $0x2, s2  }
0x8: {  	[dreg:$0x3] =	wrdreg s8;
	s3 =	sor.u32 s4, s3;
	s5 =	sadd.s32 s16, s0  }
0x9: {  	s17 =	sshrl.u32 s2, $0x1;
	s1 =	sadd.s32 s1, s16;
	s4 =	sand.u32 $0x70, s23  }
0xa: {  	s3 =	sadd.s32 s3, s0;
	[dreg:$0x4] =	wrdreg s1;
	s18 =	sadd.s32 $0x81000, s5  }
0xb: {  	s16 =	simm.s32 $0xB800;
	[dreg:$0x5] =	wrdreg s18;
	s19 =	sadd.s32 $0x1000, s3  }
0xc: {  	s0 =	sadd.s32 s6, s0;
	s20 =	sadd.s32 $0x1200, s3;
	[dreg:$0x6] =	wrdreg s19  }
0xd: {  	s2 =	ssub.s32 s2, s17;
	s22 =	sadd.s32 $0x11000, s3;
	[dreg:$0x7] =	wrdreg s20  }
0xe: {  	s1 =	sand.u32 $0x10000, s21;
	s24 =	sadd.s32 $0x11200, s3;
	[dreg:$0x8] =	wrdreg s22  }
0xf: {  	s17 =	simm.s32 $0xC000;
	s25 =	sadd.s32 $0x21000, s3;
	[dreg:$0x9] =	wrdreg s24  }
0x10: {  	s5 =	simm.s32 $0xD800;
	s26 =	sadd.s32 $0x21200, s3;
	[dreg:$0xa] =	wrdreg s25  }
0x11: {  	s6 =	simm.s32 $0xE000;
	s28 =	sadd.s32 $0x31000, s3;
	[dreg:$0xb] =	wrdreg s26  }
0x12: {  	s0 =	sadd.s32 s1, s0;
	s30 =	sadd.s32 $0x31200, s3;
	[dreg:$0xc] =	wrdreg s28  }
0x13: {  	s31 =	smax.u32 s2, $0x1;
	s0 =	sadd.s32 s4, s0;
	[dreg:$0xd] =	wrdreg s30  }
0x14: {  	s3 =	simm.s32 $0xC800;
	[dreg:$0xf] =	wrdreg s31;
	s0 =	sadd.s32 $0x81600, s0  }
0x15: {  	v0 =	vimm.f32 $0.0e+00;
	s2 =	simm.s32 $0x0;
	s4 =	simm.s32 $0xD000;
	[dreg:$0xe] =	wrdreg s0  }
.LBB2_1:
0x16: {  	s0 =	rddreg [dreg:$0x3]  }
0x17: {  	s21 =	rddreg [dreg:$0x4]  }
0x18: {  	[tilespmem:s29], [sflag:$0x1] =	stream.linear.gather [hbm4b:s0+s29], $0x800, $0x38;
	[tilespmem:$0x1B800] =	vst v63  }
0x19: {  	s1 =	simm.s32 $0x800;
	s22 =	rddreg [dreg:$0x5]  }
0x1a: {  	[tilespmem:s1], [sflag:$0x2] =	stream.linear.gather [hbm4b:s21+s29], $0x1000, $0x38;
	[tilespmem:$0x1B800] =	vst v63  }
0x1b: {  	s23 =	simm.s32 $0x1800;
	s24 =	rddreg [dreg:$0x6];
	s25 =	simm.s32 $0x1000  }
0x1c: {  	[tilespmem:s23], [sflag:$0x3] =	stream.linear.gather [hbm4b:s22+s29], $0x1000, $0x38;
	[tilespmem:$0x1B800] =	vst v63  }
0x1d: {  	s28 =	simm.s32 $0x2000;
	s30 =	simm.s32 $0x3800;
	s26 =	rddreg [dreg:$0x7]  }
0x1e: {  	[tilespmem:s30], [sflag:$0x4] =	stream.strided.gather [hbm4b:s24+s25], $0x4000, s28, s25, $0x38;
	[tilespmem:$0x1B800] =	vst v63  }
0x1f: {  	s31 =	simm.s32 $0x7800;
	s0 =	simm.s32 $0x0;
	s1 =	simm.s32 $0x400  }
0x20: {  	[tilespmem:s31], [sflag:$0x5] =	stream.strided.gather [hbm4b:s26+s25], $0x4000, s28, s25, $0x38;
	[tilespmem:$0x1B800] =	vst v63  }
.LBB2_2:
0x21: {  	p0 =	sne.s32 s1, $0x3FC00;
	[tilespmem:s0+$0xB8F0] =	vst v0  }
0x22: {  	[tilespmem:s0+$0xB800] =	vst v0  }
0x23: {  	[tilespmem:s0+$0xB810] =	vst v0  }
0x24: {  	[tilespmem:s0+$0xB820] =	vst v0  }
0x25: {  	[tilespmem:s0+$0xB830] =	vst v0  }
0x26: {  	[tilespmem:s0+$0xB840] =	vst v0  }
0x27: {  	[tilespmem:s0+$0xB850] =	vst v0  }
0x28: {  	[tilespmem:s0+$0xB860] =	vst v0  }
0x29: {  	[tilespmem:s0+$0xB870] =	vst v0  }
0x2a: {  	[tilespmem:s0+$0xB880] =	vst v0  }
0x2b: {  	[tilespmem:s0+$0xB890] =	vst v0  }
.Ltmp0:
0x2c: {  	[tilespmem:s0+$0xB8A0] =	vst v0;
	(pc) =	sbr.rel @p0 .LBB2_2-.Ltmp0, $4  }
0x2d: {  	[tilespmem:s0+$0xB8B0] =	vst v0  }
0x2e: {  	[tilespmem:s0+$0xB8C0] =	vst v0  }
0x2f: {  	[tilespmem:s0+$0xB8D0] =	vst v0  }
0x30: {  	[tilespmem:s0+$0xB8E0] =	vst v0;
	s0 =	sshra.s32 s1, $0x2;
	s1 =	sadd.s32 $0x400, s1  }
0x31: {  	[tilespmem:s0+$0xB8F0] =	vst v0  }
0x32: {  	[tilespmem:s0+$0xB800] =	vst v0  }
0x33: {  	[tilespmem:s0+$0xB810] =	vst v0  }
0x34: {  	[tilespmem:s0+$0xB820] =	vst v0  }
0x35: {  	[tilespmem:s0+$0xB830] =	vst v0  }
0x36: {  	[tilespmem:s0+$0xB840] =	vst v0  }
0x37: {  	[tilespmem:s0+$0xB850] =	vst v0  }
0x38: {  	[tilespmem:s0+$0xB860] =	vst v0  }
0x39: {  	[tilespmem:s0+$0xB870] =	vst v0  }
0x3a: {  	[tilespmem:s0+$0xB880] =	vst v0  }
0x3b: {  	[tilespmem:s0+$0xB890] =	vst v0  }
0x3c: {  	[tilespmem:s0+$0xB8A0] =	vst v0  }
0x3d: {  	[tilespmem:s0+$0xB8B0] =	vst v0  }
0x3e: {  	[tilespmem:s0+$0xB8C0] =	vst v0  }
0x3f: {  	[tilespmem:s0+$0xB8D0] =	vst v0  }
0x40: {  	[dreg:$0x10] =	wrdreg s2;
	[tilespmem:s0+$0xB8E0] =	vst v0;
	s26 =	simm.s32 $0x1  }
0x41: {  	_ =	swait.ge [sflag:s26], $0x800  }
0x42: {  	[sflag:s26] =	ssyncset.done $0x0  }
0x43: {  	s30 =	simm.s32 $0x2;
	[sflag:s26] =	ssyncadd.s32 $0xFFFFF800  }
0x44: {  	_ =	swait.ge [sflag:s30], $0x1000  }
0x45: {  	[sflag:s30] =	ssyncset.done $0x0  }
0x46: {  	s31 =	simm.s32 $0x3;
	[sflag:s30] =	ssyncadd.s32 $0xFFFFF000  }
0x47: {  	_ =	swait.ge [sflag:s31], $0x1000  }
0x48: {  	[sflag:s31] =	ssyncset.done $0x0  }
0x49: {  	s0 =	simm.s32 $0x0;
	[sflag:s31] =	ssyncadd.s32 $0xFFFFF000  }
0x4a: {  	v1 =	vld [tilespmem:s0+$0x800];
	_ =	sdelay $0x6  }
0x4b: {  	v2 =	vld [tilespmem:s0+$0x1800]  }
0x4c: {  	v1 =	vld.idx.msk [tilespmem:v1+s29+$0x0], $0xffff;
	_ =	sdelay $0x4  }
0x4d: {  	v1 =	vsub.f32 v2, v1;
	_ =	sdelay $0x1  }
0x4e: {  	v1 =	vmul.f32 $1.442695020e+00, v1;
	_ =	sdelay $0x1  }
0x4f: {  	(erf) = vpow2.f32 v1;
	_ =	sdelay $0x1  }
0x50: {  	s28 =	simm.s32 $0x10;
	s1 =	simm.s32 $0x80  }
.LBB2_4:
0x51: {  	p0 =	sne.s32 s1, $0x3FC0;
	v1 =	vld [tilespmem:s28+$0x800];
	_ =	sdelay $0x5  }
0x52: {  	v2 =	vpop (erf)  }
0x53: {  	[tilespmem:s0+$0x2800] =	vst v2;
	s0 =	smov.u32 s28  }
0x54: {  	v1 =	vld.idx.msk [tilespmem:v1+s29+$0x0], $0xffff  }
0x55: {  	v2 =	vld [tilespmem:s0+$0x1800];
	_ =	sdelay $0x4  }
0x56: {  	v1 =	vsub.f32 v2, v1;
	_ =	sdelay $0x1  }
.Ltmp1:
0x57: {  	v1 =	vmul.f32 $1.442695020e+00, v1;
	(pc) =	sbr.rel @p0 .LBB2_4-.Ltmp1, $3  }
0x58: {  	_ = 	snop  }
0x59: {  	(erf) = vpow2.f32 v1;
	_ =	sdelay $0x1  }
0x5a: {  	s28 =	sshra.s32 s1, $0x2;
	s1 =	sadd.s32 $0x40, s1  }
0x5b: {  	v1 =	vld [tilespmem:s28+$0x800];
	_ =	sdelay $0x5  }
0x5c: {  	v2 =	vpop (erf)  }
0x5d: {  	[tilespmem:s0+$0x2800] =	vst v2  }
0x5e: {  	v1 =	vld.idx.msk [tilespmem:v1+s29+$0x0], $0xffff  }
0x5f: {  	v2 =	vld [tilespmem:s28+$0x1800];
	_ =	sdelay $0x4  }
0x60: {  	v1 =	vsub.f32 v2, v1;
	_ =	sdelay $0x1  }
0x61: {  	v1 =	vmul.f32 $1.442695020e+00, v1;
	_ =	sdelay $0x1  }
0x62: {  	(erf) = vpow2.f32 v1;
	_ =	sdelay $0x8  }
0x63: {  	v1 =	vpop (erf)  }
0x64: {  	s25 =	simm.s32 $0x4;
	[tilespmem:s28+$0x2800] =	vst v1  }
0x65: {  	_ =	swait.ge [sflag:s25], $0x4000  }
0x66: {  	[sflag:s25] =	ssyncset.done $0x0  }
0x67: {  	s29 =	simm.s32 $0x2800;
	s28 =	simm.s32 $0x0;
	[sflag:s25] =	ssyncadd.s32 $0xFFFFC000  }
0x68: {  	s30 =	simm.s32 $0x800;
	s26 =	sand.u32 $0x70, s28;
	s1 =	sand.u32 $0xC00, s28;
	v2 =	vld [tilespmem:s29+$0x0]  }
0x69: {  	s0 =	sor.u32 s26, s1;
	v1 =	vld [tilespmem:s30+$0x0]  }
0x6a: {  	v3 =	vld [tilespmem:s0+$0x3800];
	_ =	sdelay $0x4  }
0x6b: {  	v3 =	vmul.f32 v3, v2;
	_ =	sdelay $0x1  }
0x6c: {  	[tilespmem:v1+s16+$0x0] =	vst.idx.add.f32.msk $0xffff, v3  }
0x6d: {  	v3 =	vld [tilespmem:s0+$0x3880];
	_ =	sdelay $0x4  }
0x6e: {  	v3 =	vmul.f32 v3, v2;
	_ =	sdelay $0x1  }
0x6f: {  	[tilespmem:v1+s17+$0x0] =	vst.idx.add.f32.msk $0xffff, v3  }
0x70: {  	v3 =	vld [tilespmem:s0+$0x3900];
	_ =	sdelay $0x4  }
0x71: {  	v3 =	vmul.f32 v3, v2;
	_ =	sdelay $0x1  }
0x72: {  	[tilespmem:v1+s3+$0x0] =	vst.idx.add.f32.msk $0xffff, v3  }
0x73: {  	v3 =	vld [tilespmem:s0+$0x3980];
	_ =	sdelay $0x4  }
0x74: {  	v3 =	vmul.f32 v3, v2;
	_ =	sdelay $0x1  }
0x75: {  	[tilespmem:v1+s4+$0x0] =	vst.idx.add.f32.msk $0xffff, v3  }
0x76: {  	v3 =	vld [tilespmem:s0+$0x3A00];
	_ =	sdelay $0x4  }
0x77: {  	v3 =	vmul.f32 v3, v2;
	_ =	sdelay $0x1  }
0x78: {  	[tilespmem:v1+s5+$0x0] =	vst.idx.add.f32.msk $0xffff, v3  }
0x79: {  	v3 =	vld [tilespmem:s0+$0x3A80];
	_ =	sdelay $0x4  }
0x7a: {  	v3 =	vmul.f32 v3, v2;
	_ =	sdelay $0x1  }
0x7b: {  	[tilespmem:v1+s6+$0x0] =	vst.idx.add.f32.msk $0xffff, v3  }
0x7c: {  	v3 =	vld [tilespmem:s0+$0x3B00];
	_ =	sdelay $0x4  }
0x7d: {  	v3 =	vmul.f32 v3, v2  }
0x7e: {  	s2 =	sor.u32 s28, s28  }
0x7f: {  	s1 =	sor.u32 $0x380, s2;
	[tilespmem:v1+s7+$0x0] =	vst.idx.add.f32.msk $0xffff, v3  }
0x80: {  	v3 =	vld [tilespmem:s1+$0x3800];
	_ =	sdelay $0x4  }
0x81: {  	v3 =	vmul.f32 v3, v2  }
0x82: {  	s8 =	simm.s32 $0xF000  }
0x83: {  	[tilespmem:v1+s8+$0x0] =	vst.idx.add.f32.msk $0xffff, v3  }
0x84: {  	v3 =	vld [tilespmem:s0+$0x4800];
	_ =	sdelay $0x4  }
0x85: {  	v3 =	vmul.f32 v3, v2  }
0x86: {  	s9 =	simm.s32 $0xF800  }
0x87: {  	[tilespmem:v1+s9+$0x0] =	vst.idx.add.f32.msk $0xffff, v3  }
0x88: {  	v3 =	vld [tilespmem:s0+$0x4880];
	_ =	sdelay $0x4  }
0x89: {  	v3 =	vmul.f32 v3, v2  }
0x8a: {  	s10 =	simm.s32 $0x10000  }
0x8b: {  	[tilespmem:v1+s10+$0x0] =	vst.idx.add.f32.msk $0xffff, v3  }
0x8c: {  	v3 =	vld [tilespmem:s0+$0x4900];
	_ =	sdelay $0x4  }
0x8d: {  	v3 =	vmul.f32 v3, v2  }
0x8e: {  	s11 =	simm.s32 $0x10800  }
0x8f: {  	[tilespmem:v1+s11+$0x0] =	vst.idx.add.f32.msk $0xffff, v3  }
0x90: {  	v3 =	vld [tilespmem:s0+$0x4980];
	_ =	sdelay $0x4  }
0x91: {  	v3 =	vmul.f32 v3, v2  }
0x92: {  	s12 =	simm.s32 $0x11000  }
0x93: {  	[tilespmem:v1+s12+$0x0] =	vst.idx.add.f32.msk $0xffff, v3  }
0x94: {  	v3 =	vld [tilespmem:s0+$0x4A00];
	_ =	sdelay $0x4  }
0x95: {  	v3 =	vmul.f32 v3, v2  }
0x96: {  	s13 =	simm.s32 $0x11800  }
0x97: {  	[tilespmem:v1+s13+$0x0] =	vst.idx.add.f32.msk $0xffff, v3  }
0x98: {  	v3 =	vld [tilespmem:s0+$0x4A80];
	_ =	sdelay $0x4  }
0x99: {  	v3 =	vmul.f32 v3, v2  }
0x9a: {  	s14 =	simm.s32 $0x12000  }
0x9b: {  	[tilespmem:v1+s14+$0x0] =	vst.idx.add.f32.msk $0xffff, v3  }
0x9c: {  	v3 =	vld [tilespmem:s0+$0x4B00];
	_ =	sdelay $0x4  }
0x9d: {  	v3 =	vmul.f32 v3, v2  }
0x9e: {  	s15 =	simm.s32 $0x12800  }
0x9f: {  	[tilespmem:v1+s15+$0x0] =	vst.idx.add.f32.msk $0xffff, v3  }
0xa0: {  	v3 =	vld [tilespmem:s0+$0x4B80];
	_ =	sdelay $0x4  }
0xa1: {  	v3 =	vmul.f32 v3, v2  }
0xa2: {  	s22 =	simm.s32 $0x13000  }
0xa3: {  	[tilespmem:v1+s22+$0x0] =	vst.idx.add.f32.msk $0xffff, v3  }
0xa4: {  	v3 =	vld [tilespmem:s0+$0x5800];
	_ =	sdelay $0x4  }
0xa5: {  	v3 =	vmul.f32 v3, v2  }
0xa6: {  	s23 =	simm.s32 $0x13800  }
0xa7: {  	[tilespmem:v1+s23+$0x0] =	vst.idx.add.f32.msk $0xffff, v3  }
0xa8: {  	v3 =	vld [tilespmem:s0+$0x5880];
	_ =	sdelay $0x4  }
0xa9: {  	v3 =	vmul.f32 v3, v2  }
0xaa: {  	s24 =	simm.s32 $0x14000  }
0xab: {  	[tilespmem:v1+s24+$0x0] =	vst.idx.add.f32.msk $0xffff, v3  }
0xac: {  	v3 =	vld [tilespmem:s0+$0x5900];
	_ =	sdelay $0x4  }
0xad: {  	v3 =	vmul.f32 v3, v2  }
0xae: {  	s20 =	simm.s32 $0x14800  }
0xaf: {  	[tilespmem:v1+s20+$0x0] =	vst.idx.add.f32.msk $0xffff, v3  }
0xb0: {  	v3 =	vld [tilespmem:s0+$0x5980];
	_ =	sdelay $0x4  }
0xb1: {  	v3 =	vmul.f32 v3, v2  }
0xb2: {  	s21 =	simm.s32 $0x15000  }
0xb3: {  	[tilespmem:v1+s21+$0x0] =	vst.idx.add.f32.msk $0xffff, v3  }
0xb4: {  	v3 =	vld [tilespmem:s0+$0x5A00];
	_ =	sdelay $0x4  }
0xb5: {  	v3 =	vmul.f32 v3, v2  }
0xb6: {  	s18 =	simm.s32 $0x15800  }
0xb7: {  	[tilespmem:v1+s18+$0x0] =	vst.idx.add.f32.msk $0xffff, v3  }
0xb8: {  	v3 =	vld [tilespmem:s0+$0x5A80];
	_ =	sdelay $0x4  }
0xb9: {  	v3 =	vmul.f32 v3, v2  }
0xba: {  	s19 =	simm.s32 $0x16000  }
0xbb: {  	[tilespmem:v1+s19+$0x0] =	vst.idx.add.f32.msk $0xffff, v3  }
0xbc: {  	v3 =	vld [tilespmem:s0+$0x5B00];
	_ =	sdelay $0x4  }
0xbd: {  	v3 =	vmul.f32 v3, v2  }
0xbe: {  	s25 =	simm.s32 $0x16800  }
0xbf: {  	[tilespmem:v1+s25+$0x0] =	vst.idx.add.f32.msk $0xffff, v3  }
0xc0: {  	v3 =	vld [tilespmem:s0+$0x5B80];
	_ =	sdelay $0x4  }
0xc1: {  	v3 =	vmul.f32 v3, v2  }
0xc2: {  	s3 =	simm.s32 $0x17000  }
0xc3: {  	[tilespmem:v1+s3+$0x0] =	vst.idx.add.f32.msk $0xffff, v3  }
0xc4: {  	v3 =	vld [tilespmem:s0+$0x6800];
	_ =	sdelay $0x4  }
0xc5: {  	v3 =	vmul.f32 v3, v2  }
0xc6: {  	s26 =	simm.s32 $0x17800  }
0xc7: {  	[tilespmem:v1+s26+$0x0] =	vst.idx.add.f32.msk $0xffff, v3  }
0xc8: {  	v3 =	vld [tilespmem:s0+$0x6880];
	_ =	sdelay $0x4  }
0xc9: {  	v3 =	vmul.f32 v3, v2  }
0xca: {  	s4 =	simm.s32 $0x18000  }
0xcb: {  	[tilespmem:v1+s4+$0x0] =	vst.idx.add.f32.msk $0xffff, v3  }
0xcc: {  	v3 =	vld [tilespmem:s0+$0x6900];
	_ =	sdelay $0x4  }
0xcd: {  	v3 =	vmul.f32 v3, v2  }
0xce: {  	s5 =	simm.s32 $0x18800  }
0xcf: {  	[tilespmem:v1+s5+$0x0] =	vst.idx.add.f32.msk $0xffff, v3  }
0xd0: {  	v3 =	vld [tilespmem:s0+$0x6980];
	_ =	sdelay $0x4  }
0xd1: {  	v3 =	vmul.f32 v3, v2  }
0xd2: {  	s6 =	simm.s32 $0x19000  }
0xd3: {  	[tilespmem:v1+s6+$0x0] =	vst.idx.add.f32.msk $0xffff, v3  }
0xd4: {  	v3 =	vld [tilespmem:s0+$0x6A00];
	_ =	sdelay $0x4  }
0xd5: {  	v3 =	vmul.f32 v3, v2  }
0xd6: {  	s7 =	simm.s32 $0x19800  }
0xd7: {  	[tilespmem:v1+s7+$0x0] =	vst.idx.add.f32.msk $0xffff, v3  }
0xd8: {  	v3 =	vld [tilespmem:s0+$0x6A80];
	_ =	sdelay $0x4  }
0xd9: {  	v3 =	vmul.f32 v3, v2  }
0xda: {  	s16 =	simm.s32 $0x1A000  }
0xdb: {  	[tilespmem:v1+s16+$0x0] =	vst.idx.add.f32.msk $0xffff, v3  }
0xdc: {  	v3 =	vld [tilespmem:s0+$0x6B00];
	_ =	sdelay $0x4  }
0xdd: {  	v3 =	vmul.f32 v3, v2  }
0xde: {  	s17 =	simm.s32 $0x1A800  }
0xdf: {  	[tilespmem:v1+s17+$0x0] =	vst.idx.add.f32.msk $0xffff, v3  }
0xe0: {  	v3 =	vld [tilespmem:s0+$0x6B80];
	_ =	sdelay $0x2  }
0xe1: {  	s31 =	simm.s32 $0x10;
	s3 =	simm.s32 $0xC800  }
0xe2: {  	s4 =	simm.s32 $0xD000;
	s5 =	simm.s32 $0xD800;
	s6 =	simm.s32 $0xE000  }
0xe3: {  	s7 =	simm.s32 $0xE800;
	s16 =	simm.s32 $0x1B000;
	s17 =	simm.s32 $0xC000;
	v2 =	vmul.f32 v3, v2  }
.LBB2_6:
0xe4: {  	_ = 	snop  }
0xe5: {  	s28 =	sadd.s32 $0x80, s28;
	s30 =	sadd.s32 $0x10, s30;
	s29 =	sadd.s32 $0x10, s29;
	[tilespmem:v1+s16+$0x0] =	vst.idx.add.f32.msk $0xffff, v2  }
0xe6: {  	s0 =	sand.u32 $0x70, s31;
	p0 =	sne.s32 s31, $0x1F0;
	s1 =	sand.u32 $0xC00, s28;
	v2 =	vld [tilespmem:s29+$0x0]  }
0xe7: {  	s0 =	sor.u32 s0, s1;
	s1 =	smov.u32 s31;
	s31 =	sadd.s32 $0x10, s31;
	v1 =	vld [tilespmem:s30+$0x0]  }
0xe8: {  	v3 =	vld [tilespmem:s0+$0x3800];
	_ =	sdelay $0x4  }
0xe9: {  	v3 =	vmul.f32 v3, v2  }
0xea: {  	s2 =	simm.s32 $0xB800  }
0xeb: {  	[tilespmem:v1+s2+$0x0] =	vst.idx.add.f32.msk $0xffff, v3  }
0xec: {  	v3 =	vld [tilespmem:s0+$0x3880];
	_ =	sdelay $0x4  }
0xed: {  	v3 =	vmul.f32 v3, v2;
	_ =	sdelay $0x1  }
0xee: {  	[tilespmem:v1+s17+$0x0] =	vst.idx.add.f32.msk $0xffff, v3  }
0xef: {  	v3 =	vld [tilespmem:s0+$0x3900];
	_ =	sdelay $0x4  }
0xf0: {  	v3 =	vmul.f32 v3, v2;
	_ =	sdelay $0x1  }
0xf1: {  	[tilespmem:v1+s3+$0x0] =	vst.idx.add.f32.msk $0xffff, v3  }
0xf2: {  	v3 =	vld [tilespmem:s0+$0x3980];
	_ =	sdelay $0x4  }
0xf3: {  	v3 =	vmul.f32 v3, v2;
	_ =	sdelay $0x1  }
0xf4: {  	[tilespmem:v1+s4+$0x0] =	vst.idx.add.f32.msk $0xffff, v3  }
0xf5: {  	v3 =	vld [tilespmem:s0+$0x3A00];
	_ =	sdelay $0x4  }
0xf6: {  	v3 =	vmul.f32 v3, v2;
	_ =	sdelay $0x1  }
0xf7: {  	[tilespmem:v1+s5+$0x0] =	vst.idx.add.f32.msk $0xffff, v3  }
0xf8: {  	v3 =	vld [tilespmem:s0+$0x3A80];
	_ =	sdelay $0x4  }
0xf9: {  	v3 =	vmul.f32 v3, v2;
	_ =	sdelay $0x1  }
0xfa: {  	[tilespmem:v1+s6+$0x0] =	vst.idx.add.f32.msk $0xffff, v3  }
0xfb: {  	v3 =	vld [tilespmem:s0+$0x3B00];
	_ =	sdelay $0x4  }
0xfc: {  	v3 =	vmul.f32 v3, v2  }
0xfd: {  	s1 =	sor.u32 s28, s1  }
0xfe: {  	s1 =	sor.u32 $0x380, s1;
	[tilespmem:v1+s7+$0x0] =	vst.idx.add.f32.msk $0xffff, v3  }
0xff: {  	v3 =	vld [tilespmem:s1+$0x3800];
	_ =	sdelay $0x4  }
0x100: {  	v3 =	vmul.f32 v3, v2;
	_ =	sdelay $0x1  }
0x101: {  	[tilespmem:v1+s8+$0x0] =	vst.idx.add.f32.msk $0xffff, v3  }
0x102: {  	v3 =	vld [tilespmem:s0+$0x4800];
	_ =	sdelay $0x4  }
0x103: {  	v3 =	vmul.f32 v3, v2;
	_ =	sdelay $0x1  }
0x104: {  	[tilespmem:v1+s9+$0x0] =	vst.idx.add.f32.msk $0xffff, v3  }
0x105: {  	v3 =	vld [tilespmem:s0+$0x4880];
	_ =	sdelay $0x4  }
0x106: {  	v3 =	vmul.f32 v3, v2;
	_ =	sdelay $0x1  }
0x107: {  	[tilespmem:v1+s10+$0x0] =	vst.idx.add.f32.msk $0xffff, v3  }
0x108: {  	v3 =	vld [tilespmem:s0+$0x4900];
	_ =	sdelay $0x4  }
0x109: {  	v3 =	vmul.f32 v3, v2;
	_ =	sdelay $0x1  }
0x10a: {  	[tilespmem:v1+s11+$0x0] =	vst.idx.add.f32.msk $0xffff, v3  }
0x10b: {  	v3 =	vld [tilespmem:s0+$0x4980];
	_ =	sdelay $0x4  }
0x10c: {  	v3 =	vmul.f32 v3, v2;
	_ =	sdelay $0x1  }
0x10d: {  	[tilespmem:v1+s12+$0x0] =	vst.idx.add.f32.msk $0xffff, v3  }
0x10e: {  	v3 =	vld [tilespmem:s0+$0x4A00];
	_ =	sdelay $0x4  }
0x10f: {  	v3 =	vmul.f32 v3, v2;
	_ =	sdelay $0x1  }
0x110: {  	[tilespmem:v1+s13+$0x0] =	vst.idx.add.f32.msk $0xffff, v3  }
0x111: {  	v3 =	vld [tilespmem:s0+$0x4A80];
	_ =	sdelay $0x4  }
0x112: {  	v3 =	vmul.f32 v3, v2;
	_ =	sdelay $0x1  }
0x113: {  	[tilespmem:v1+s14+$0x0] =	vst.idx.add.f32.msk $0xffff, v3  }
0x114: {  	v3 =	vld [tilespmem:s0+$0x4B00];
	_ =	sdelay $0x4  }
0x115: {  	v3 =	vmul.f32 v3, v2;
	_ =	sdelay $0x1  }
0x116: {  	[tilespmem:v1+s15+$0x0] =	vst.idx.add.f32.msk $0xffff, v3  }
0x117: {  	v3 =	vld [tilespmem:s0+$0x4B80];
	_ =	sdelay $0x4  }
0x118: {  	v3 =	vmul.f32 v3, v2;
	_ =	sdelay $0x1  }
0x119: {  	[tilespmem:v1+s22+$0x0] =	vst.idx.add.f32.msk $0xffff, v3  }
0x11a: {  	v3 =	vld [tilespmem:s0+$0x5800];
	_ =	sdelay $0x4  }
0x11b: {  	v3 =	vmul.f32 v3, v2;
	_ =	sdelay $0x1  }
0x11c: {  	[tilespmem:v1+s23+$0x0] =	vst.idx.add.f32.msk $0xffff, v3  }
0x11d: {  	v3 =	vld [tilespmem:s0+$0x5880];
	_ =	sdelay $0x4  }
0x11e: {  	v3 =	vmul.f32 v3, v2;
	_ =	sdelay $0x1  }
0x11f: {  	[tilespmem:v1+s24+$0x0] =	vst.idx.add.f32.msk $0xffff, v3  }
0x120: {  	v3 =	vld [tilespmem:s0+$0x5900];
	_ =	sdelay $0x4  }
0x121: {  	v3 =	vmul.f32 v3, v2;
	_ =	sdelay $0x1  }
0x122: {  	[tilespmem:v1+s20+$0x0] =	vst.idx.add.f32.msk $0xffff, v3  }
0x123: {  	v3 =	vld [tilespmem:s0+$0x5980];
	_ =	sdelay $0x4  }
0x124: {  	v3 =	vmul.f32 v3, v2;
	_ =	sdelay $0x1  }
0x125: {  	[tilespmem:v1+s21+$0x0] =	vst.idx.add.f32.msk $0xffff, v3  }
0x126: {  	v3 =	vld [tilespmem:s0+$0x5A00];
	_ =	sdelay $0x4  }
0x127: {  	v3 =	vmul.f32 v3, v2;
	_ =	sdelay $0x1  }
0x128: {  	[tilespmem:v1+s18+$0x0] =	vst.idx.add.f32.msk $0xffff, v3  }
0x129: {  	v3 =	vld [tilespmem:s0+$0x5A80];
	_ =	sdelay $0x4  }
0x12a: {  	v3 =	vmul.f32 v3, v2;
	_ =	sdelay $0x1  }
0x12b: {  	[tilespmem:v1+s19+$0x0] =	vst.idx.add.f32.msk $0xffff, v3  }
0x12c: {  	v3 =	vld [tilespmem:s0+$0x5B00];
	_ =	sdelay $0x4  }
0x12d: {  	v3 =	vmul.f32 v3, v2;
	_ =	sdelay $0x1  }
0x12e: {  	[tilespmem:v1+s25+$0x0] =	vst.idx.add.f32.msk $0xffff, v3  }
0x12f: {  	v3 =	vld [tilespmem:s0+$0x5B80];
	_ =	sdelay $0x4  }
0x130: {  	v3 =	vmul.f32 v3, v2  }
0x131: {  	s1 =	simm.s32 $0x17000  }
0x132: {  	[tilespmem:v1+s1+$0x0] =	vst.idx.add.f32.msk $0xffff, v3  }
0x133: {  	v3 =	vld [tilespmem:s0+$0x6800];
	_ =	sdelay $0x4  }
0x134: {  	v3 =	vmul.f32 v3, v2;
	_ =	sdelay $0x1  }
0x135: {  	[tilespmem:v1+s26+$0x0] =	vst.idx.add.f32.msk $0xffff, v3  }
0x136: {  	v3 =	vld [tilespmem:s0+$0x6880];
	_ =	sdelay $0x4  }
0x137: {  	v3 =	vmul.f32 v3, v2  }
0x138: {  	s1 =	simm.s32 $0x18000  }
0x139: {  	[tilespmem:v1+s1+$0x0] =	vst.idx.add.f32.msk $0xffff, v3  }
0x13a: {  	v3 =	vld [tilespmem:s0+$0x6900];
	_ =	sdelay $0x4  }
0x13b: {  	v3 =	vmul.f32 v3, v2  }
0x13c: {  	s1 =	simm.s32 $0x18800  }
0x13d: {  	[tilespmem:v1+s1+$0x0] =	vst.idx.add.f32.msk $0xffff, v3  }
0x13e: {  	v3 =	vld [tilespmem:s0+$0x6980];
	_ =	sdelay $0x4  }
0x13f: {  	v3 =	vmul.f32 v3, v2  }
0x140: {  	s1 =	simm.s32 $0x19000  }
0x141: {  	[tilespmem:v1+s1+$0x0] =	vst.idx.add.f32.msk $0xffff, v3  }
0x142: {  	v3 =	vld [tilespmem:s0+$0x6A00];
	_ =	sdelay $0x4  }
0x143: {  	v3 =	vmul.f32 v3, v2  }
0x144: {  	s1 =	simm.s32 $0x19800  }
0x145: {  	[tilespmem:v1+s1+$0x0] =	vst.idx.add.f32.msk $0xffff, v3  }
0x146: {  	v3 =	vld [tilespmem:s0+$0x6A80];
	_ =	sdelay $0x4  }
0x147: {  	v3 =	vmul.f32 v3, v2  }
0x148: {  	s1 =	simm.s32 $0x1A000  }
0x149: {  	[tilespmem:v1+s1+$0x0] =	vst.idx.add.f32.msk $0xffff, v3  }
0x14a: {  	v3 =	vld [tilespmem:s0+$0x6B00];
	_ =	sdelay $0x4  }
0x14b: {  	v3 =	vmul.f32 v3, v2  }
0x14c: {  	s1 =	simm.s32 $0x1A800  }
0x14d: {  	[tilespmem:v1+s1+$0x0] =	vst.idx.add.f32.msk $0xffff, v3  }
0x14e: {  	v3 =	vld [tilespmem:s0+$0x6B80]  }
.Ltmp2:
0x14f: {  	(pc) =	sbr.rel @p0 .LBB2_6-.Ltmp2, $2  }
0x150: {  	_ =	sdelay $0x2  }
0x151: {  	v2 =	vmul.f32 v3, v2  }
0x152: {  	_ =	sdelay $0x2  }
0x153: {  	s0 =	rddreg [dreg:$0x8];
	s1 =	simm.s32 $0x1000  }
0x154: {  	s28 =	simm.s32 $0x2000;
	s29 =	simm.s32 $0x3800;
	s2 =	simm.s32 $0x5;
	[tilespmem:v1+s16+$0x0] =	vst.idx.add.f32.msk $0xffff, v2  }
0x155: {  	[tilespmem:s29], [sflag:$0x4] =	stream.strided.gather [hbm4b:s0+s1], $0x4000, s28, s1, $0x38;
	[tilespmem:$0x1B800] =	vst v63  }
0x156: {  	_ =	swait.ge [sflag:s2], $0x4000  }
0x157: {  	[sflag:s2] =	ssyncset.done $0x0  }
0x158: {  	s28 =	simm.s32 $0x0;
	s29 =	simm.s32 $0x2A00;
	[sflag:s2] =	ssyncadd.s32 $0xFFFFC000  }
0x159: {  	s30 =	simm.s32 $0xA00;
	s1 =	sand.u32 $0x70, s28;
	s2 =	sand.u32 $0xC00, s28;
	v2 =	vld [tilespmem:s29+$0x0]  }
0x15a: {  	v1 =	vld [tilespmem:s30+$0x0];
	s0 =	sor.u32 s1, s2  }
0x15b: {  	v3 =	vld [tilespmem:s0+$0x7800];
	_ =	sdelay $0x4  }
0x15c: {  	v3 =	vmul.f32 v3, v2  }
0x15d: {  	s2 =	simm.s32 $0xB800  }
0x15e: {  	[tilespmem:v1+s2+$0x0] =	vst.idx.add.f32.msk $0xffff, v3  }
0x15f: {  	v3 =	vld [tilespmem:s0+$0x7880];
	_ =	sdelay $0x4  }
0x160: {  	v3 =	vmul.f32 v3, v2;
	_ =	sdelay $0x1  }
0x161: {  	[tilespmem:v1+s17+$0x0] =	vst.idx.add.f32.msk $0xffff, v3  }
0x162: {  	v3 =	vld [tilespmem:s0+$0x7900];
	_ =	sdelay $0x4  }
0x163: {  	v3 =	vmul.f32 v3, v2;
	_ =	sdelay $0x1  }
0x164: {  	[tilespmem:v1+s3+$0x0] =	vst.idx.add.f32.msk $0xffff, v3  }
0x165: {  	v3 =	vld [tilespmem:s0+$0x7980];
	_ =	sdelay $0x4  }
0x166: {  	v3 =	vmul.f32 v3, v2;
	_ =	sdelay $0x1  }
0x167: {  	[tilespmem:v1+s4+$0x0] =	vst.idx.add.f32.msk $0xffff, v3  }
0x168: {  	v3 =	vld [tilespmem:s0+$0x7A00];
	_ =	sdelay $0x4  }
0x169: {  	v3 =	vmul.f32 v3, v2;
	_ =	sdelay $0x1  }
0x16a: {  	[tilespmem:v1+s5+$0x0] =	vst.idx.add.f32.msk $0xffff, v3  }
0x16b: {  	v3 =	vld [tilespmem:s0+$0x7A80];
	_ =	sdelay $0x4  }
0x16c: {  	v3 =	vmul.f32 v3, v2;
	_ =	sdelay $0x1  }
0x16d: {  	[tilespmem:v1+s6+$0x0] =	vst.idx.add.f32.msk $0xffff, v3  }
0x16e: {  	v3 =	vld [tilespmem:s0+$0x7B00];
	_ =	sdelay $0x4  }
0x16f: {  	v3 =	vmul.f32 v3, v2  }
0x170: {  	s2 =	sor.u32 s28, s28  }
0x171: {  	s1 =	sor.u32 $0x380, s2;
	[tilespmem:v1+s7+$0x0] =	vst.idx.add.f32.msk $0xffff, v3  }
0x172: {  	v3 =	vld [tilespmem:s1+$0x7800];
	_ =	sdelay $0x4  }
0x173: {  	v3 =	vmul.f32 v3, v2;
	_ =	sdelay $0x1  }
0x174: {  	[tilespmem:v1+s8+$0x0] =	vst.idx.add.f32.msk $0xffff, v3  }
0x175: {  	v3 =	vld [tilespmem:s0+$0x8800];
	_ =	sdelay $0x4  }
0x176: {  	v3 =	vmul.f32 v3, v2;
	_ =	sdelay $0x1  }
0x177: {  	[tilespmem:v1+s9+$0x0] =	vst.idx.add.f32.msk $0xffff, v3  }
0x178: {  	v3 =	vld [tilespmem:s0+$0x8880];
	_ =	sdelay $0x4  }
0x179: {  	v3 =	vmul.f32 v3, v2;
	_ =	sdelay $0x1  }
0x17a: {  	[tilespmem:v1+s10+$0x0] =	vst.idx.add.f32.msk $0xffff, v3  }
0x17b: {  	v3 =	vld [tilespmem:s0+$0x8900];
	_ =	sdelay $0x4  }
0x17c: {  	v3 =	vmul.f32 v3, v2;
	_ =	sdelay $0x1  }
0x17d: {  	[tilespmem:v1+s11+$0x0] =	vst.idx.add.f32.msk $0xffff, v3  }
0x17e: {  	v3 =	vld [tilespmem:s0+$0x8980];
	_ =	sdelay $0x4  }
0x17f: {  	v3 =	vmul.f32 v3, v2;
	_ =	sdelay $0x1  }
0x180: {  	[tilespmem:v1+s12+$0x0] =	vst.idx.add.f32.msk $0xffff, v3  }
0x181: {  	v3 =	vld [tilespmem:s0+$0x8A00];
	_ =	sdelay $0x4  }
0x182: {  	v3 =	vmul.f32 v3, v2;
	_ =	sdelay $0x1  }
0x183: {  	[tilespmem:v1+s13+$0x0] =	vst.idx.add.f32.msk $0xffff, v3  }
0x184: {  	v3 =	vld [tilespmem:s0+$0x8A80];
	_ =	sdelay $0x4  }
0x185: {  	v3 =	vmul.f32 v3, v2;
	_ =	sdelay $0x1  }
0x186: {  	[tilespmem:v1+s14+$0x0] =	vst.idx.add.f32.msk $0xffff, v3  }
0x187: {  	v3 =	vld [tilespmem:s0+$0x8B00];
	_ =	sdelay $0x4  }
0x188: {  	v3 =	vmul.f32 v3, v2;
	_ =	sdelay $0x1  }
0x189: {  	[tilespmem:v1+s15+$0x0] =	vst.idx.add.f32.msk $0xffff, v3  }
0x18a: {  	v3 =	vld [tilespmem:s0+$0x8B80];
	_ =	sdelay $0x4  }
0x18b: {  	v3 =	vmul.f32 v3, v2;
	_ =	sdelay $0x1  }
0x18c: {  	[tilespmem:v1+s22+$0x0] =	vst.idx.add.f32.msk $0xffff, v3  }
0x18d: {  	v3 =	vld [tilespmem:s0+$0x9800];
	_ =	sdelay $0x4  }
0x18e: {  	v3 =	vmul.f32 v3, v2;
	_ =	sdelay $0x1  }
0x18f: {  	[tilespmem:v1+s23+$0x0] =	vst.idx.add.f32.msk $0xffff, v3  }
0x190: {  	v3 =	vld [tilespmem:s0+$0x9880];
	_ =	sdelay $0x4  }
0x191: {  	v3 =	vmul.f32 v3, v2;
	_ =	sdelay $0x1  }
0x192: {  	[tilespmem:v1+s24+$0x0] =	vst.idx.add.f32.msk $0xffff, v3  }
0x193: {  	v3 =	vld [tilespmem:s0+$0x9900];
	_ =	sdelay $0x4  }
0x194: {  	v3 =	vmul.f32 v3, v2;
	_ =	sdelay $0x1  }
0x195: {  	[tilespmem:v1+s20+$0x0] =	vst.idx.add.f32.msk $0xffff, v3  }
0x196: {  	v3 =	vld [tilespmem:s0+$0x9980];
	_ =	sdelay $0x4  }
0x197: {  	v3 =	vmul.f32 v3, v2;
	_ =	sdelay $0x1  }
0x198: {  	[tilespmem:v1+s21+$0x0] =	vst.idx.add.f32.msk $0xffff, v3  }
0x199: {  	v3 =	vld [tilespmem:s0+$0x9A00];
	_ =	sdelay $0x4  }
0x19a: {  	v3 =	vmul.f32 v3, v2;
	_ =	sdelay $0x1  }
0x19b: {  	[tilespmem:v1+s18+$0x0] =	vst.idx.add.f32.msk $0xffff, v3  }
0x19c: {  	v3 =	vld [tilespmem:s0+$0x9A80];
	_ =	sdelay $0x4  }
0x19d: {  	v3 =	vmul.f32 v3, v2;
	_ =	sdelay $0x1  }
0x19e: {  	[tilespmem:v1+s19+$0x0] =	vst.idx.add.f32.msk $0xffff, v3  }
0x19f: {  	v3 =	vld [tilespmem:s0+$0x9B00];
	_ =	sdelay $0x4  }
0x1a0: {  	v3 =	vmul.f32 v3, v2;
	_ =	sdelay $0x1  }
0x1a1: {  	[tilespmem:v1+s25+$0x0] =	vst.idx.add.f32.msk $0xffff, v3  }
0x1a2: {  	v3 =	vld [tilespmem:s0+$0x9B80];
	_ =	sdelay $0x4  }
0x1a3: {  	v3 =	vmul.f32 v3, v2  }
0x1a4: {  	s2 =	simm.s32 $0x17000  }
0x1a5: {  	[tilespmem:v1+s2+$0x0] =	vst.idx.add.f32.msk $0xffff, v3  }
0x1a6: {  	v3 =	vld [tilespmem:s0+$0xA800];
	_ =	sdelay $0x4  }
0x1a7: {  	v3 =	vmul.f32 v3, v2;
	_ =	sdelay $0x1  }
0x1a8: {  	[tilespmem:v1+s26+$0x0] =	vst.idx.add.f32.msk $0xffff, v3  }
0x1a9: {  	v3 =	vld [tilespmem:s0+$0xA880];
	_ =	sdelay $0x4  }
0x1aa: {  	v3 =	vmul.f32 v3, v2  }
0x1ab: {  	s2 =	simm.s32 $0x18000  }
0x1ac: {  	[tilespmem:v1+s2+$0x0] =	vst.idx.add.f32.msk $0xffff, v3  }
0x1ad: {  	v3 =	vld [tilespmem:s0+$0xA900];
	_ =	sdelay $0x4  }
0x1ae: {  	v3 =	vmul.f32 v3, v2  }
0x1af: {  	s2 =	simm.s32 $0x18800  }
0x1b0: {  	[tilespmem:v1+s2+$0x0] =	vst.idx.add.f32.msk $0xffff, v3  }
0x1b1: {  	v3 =	vld [tilespmem:s0+$0xA980];
	_ =	sdelay $0x4  }
0x1b2: {  	v3 =	vmul.f32 v3, v2  }
0x1b3: {  	s2 =	simm.s32 $0x19000  }
0x1b4: {  	[tilespmem:v1+s2+$0x0] =	vst.idx.add.f32.msk $0xffff, v3  }
0x1b5: {  	v3 =	vld [tilespmem:s0+$0xAA00];
	_ =	sdelay $0x4  }
0x1b6: {  	v3 =	vmul.f32 v3, v2  }
0x1b7: {  	s2 =	simm.s32 $0x19800  }
0x1b8: {  	[tilespmem:v1+s2+$0x0] =	vst.idx.add.f32.msk $0xffff, v3  }
0x1b9: {  	v3 =	vld [tilespmem:s0+$0xAA80];
	_ =	sdelay $0x4  }
0x1ba: {  	v3 =	vmul.f32 v3, v2  }
0x1bb: {  	s2 =	simm.s32 $0x1A000  }
0x1bc: {  	[tilespmem:v1+s2+$0x0] =	vst.idx.add.f32.msk $0xffff, v3  }
0x1bd: {  	v3 =	vld [tilespmem:s0+$0xAB00];
	_ =	sdelay $0x4  }
0x1be: {  	v3 =	vmul.f32 v3, v2  }
0x1bf: {  	s2 =	simm.s32 $0x1A800  }
0x1c0: {  	[tilespmem:v1+s2+$0x0] =	vst.idx.add.f32.msk $0xffff, v3  }
0x1c1: {  	v3 =	vld [tilespmem:s0+$0xAB80];
	_ =	sdelay $0x4  }
0x1c2: {  	s31 =	simm.s32 $0x10;
	v2 =	vmul.f32 v3, v2  }
.LBB2_8:
0x1c3: {  	_ = 	snop  }
0x1c4: {  	s28 =	sadd.s32 $0x80, s28;
	s29 =	sadd.s32 $0x10, s29;
	s30 =	sadd.s32 $0x10, s30;
	[tilespmem:v1+s16+$0x0] =	vst.idx.add.f32.msk $0xffff, v2  }
0x1c5: {  	s0 =	sand.u32 $0x70, s31;
	p0 =	sne.s32 s31, $0x1F0;
	s1 =	sand.u32 $0xC00, s28;
	v2 =	vld [tilespmem:s29+$0x0]  }
0x1c6: {  	s0 =	sor.u32 s0, s1;
	s1 =	smov.u32 s31;
	s31 =	sadd.s32 $0x10, s31;
	v1 =	vld [tilespmem:s30+$0x0]  }
0x1c7: {  	v3 =	vld [tilespmem:s0+$0x7800];
	_ =	sdelay $0x4  }
0x1c8: {  	v3 =	vmul.f32 v3, v2  }
0x1c9: {  	s2 =	simm.s32 $0xB800  }
0x1ca: {  	[tilespmem:v1+s2+$0x0] =	vst.idx.add.f32.msk $0xffff, v3  }
0x1cb: {  	v3 =	vld [tilespmem:s0+$0x7880];
	_ =	sdelay $0x4  }
0x1cc: {  	v3 =	vmul.f32 v3, v2;
	_ =	sdelay $0x1  }
0x1cd: {  	[tilespmem:v1+s17+$0x0] =	vst.idx.add.f32.msk $0xffff, v3  }
0x1ce: {  	v3 =	vld [tilespmem:s0+$0x7900];
	_ =	sdelay $0x4  }
0x1cf: {  	v3 =	vmul.f32 v3, v2;
	_ =	sdelay $0x1  }
0x1d0: {  	[tilespmem:v1+s3+$0x0] =	vst.idx.add.f32.msk $0xffff, v3  }
0x1d1: {  	v3 =	vld [tilespmem:s0+$0x7980];
	_ =	sdelay $0x4  }
0x1d2: {  	v3 =	vmul.f32 v3, v2;
	_ =	sdelay $0x1  }
0x1d3: {  	[tilespmem:v1+s4+$0x0] =	vst.idx.add.f32.msk $0xffff, v3  }
0x1d4: {  	v3 =	vld [tilespmem:s0+$0x7A00];
	_ =	sdelay $0x4  }
0x1d5: {  	v3 =	vmul.f32 v3, v2;
	_ =	sdelay $0x1  }
0x1d6: {  	[tilespmem:v1+s5+$0x0] =	vst.idx.add.f32.msk $0xffff, v3  }
0x1d7: {  	v3 =	vld [tilespmem:s0+$0x7A80];
	_ =	sdelay $0x4  }
0x1d8: {  	v3 =	vmul.f32 v3, v2;
	_ =	sdelay $0x1  }
0x1d9: {  	[tilespmem:v1+s6+$0x0] =	vst.idx.add.f32.msk $0xffff, v3  }
0x1da: {  	v3 =	vld [tilespmem:s0+$0x7B00];
	_ =	sdelay $0x4  }
0x1db: {  	v3 =	vmul.f32 v3, v2  }
0x1dc: {  	s1 =	sor.u32 s28, s1  }
0x1dd: {  	s1 =	sor.u32 $0x380, s1;
	[tilespmem:v1+s7+$0x0] =	vst.idx.add.f32.msk $0xffff, v3  }
0x1de: {  	v3 =	vld [tilespmem:s1+$0x7800];
	_ =	sdelay $0x4  }
0x1df: {  	v3 =	vmul.f32 v3, v2;
	_ =	sdelay $0x1  }
0x1e0: {  	[tilespmem:v1+s8+$0x0] =	vst.idx.add.f32.msk $0xffff, v3  }
0x1e1: {  	v3 =	vld [tilespmem:s0+$0x8800];
	_ =	sdelay $0x4  }
0x1e2: {  	v3 =	vmul.f32 v3, v2;
	_ =	sdelay $0x1  }
0x1e3: {  	[tilespmem:v1+s9+$0x0] =	vst.idx.add.f32.msk $0xffff, v3  }
0x1e4: {  	v3 =	vld [tilespmem:s0+$0x8880];
	_ =	sdelay $0x4  }
0x1e5: {  	v3 =	vmul.f32 v3, v2;
	_ =	sdelay $0x1  }
0x1e6: {  	[tilespmem:v1+s10+$0x0] =	vst.idx.add.f32.msk $0xffff, v3  }
0x1e7: {  	v3 =	vld [tilespmem:s0+$0x8900];
	_ =	sdelay $0x4  }
0x1e8: {  	v3 =	vmul.f32 v3, v2;
	_ =	sdelay $0x1  }
0x1e9: {  	[tilespmem:v1+s11+$0x0] =	vst.idx.add.f32.msk $0xffff, v3  }
0x1ea: {  	v3 =	vld [tilespmem:s0+$0x8980];
	_ =	sdelay $0x4  }
0x1eb: {  	v3 =	vmul.f32 v3, v2;
	_ =	sdelay $0x1  }
0x1ec: {  	[tilespmem:v1+s12+$0x0] =	vst.idx.add.f32.msk $0xffff, v3  }
0x1ed: {  	v3 =	vld [tilespmem:s0+$0x8A00];
	_ =	sdelay $0x4  }
0x1ee: {  	v3 =	vmul.f32 v3, v2;
	_ =	sdelay $0x1  }
0x1ef: {  	[tilespmem:v1+s13+$0x0] =	vst.idx.add.f32.msk $0xffff, v3  }
0x1f0: {  	v3 =	vld [tilespmem:s0+$0x8A80];
	_ =	sdelay $0x4  }
0x1f1: {  	v3 =	vmul.f32 v3, v2;
	_ =	sdelay $0x1  }
0x1f2: {  	[tilespmem:v1+s14+$0x0] =	vst.idx.add.f32.msk $0xffff, v3  }
0x1f3: {  	v3 =	vld [tilespmem:s0+$0x8B00];
	_ =	sdelay $0x4  }
0x1f4: {  	v3 =	vmul.f32 v3, v2;
	_ =	sdelay $0x1  }
0x1f5: {  	[tilespmem:v1+s15+$0x0] =	vst.idx.add.f32.msk $0xffff, v3  }
0x1f6: {  	v3 =	vld [tilespmem:s0+$0x8B80];
	_ =	sdelay $0x4  }
0x1f7: {  	v3 =	vmul.f32 v3, v2;
	_ =	sdelay $0x1  }
0x1f8: {  	[tilespmem:v1+s22+$0x0] =	vst.idx.add.f32.msk $0xffff, v3  }
0x1f9: {  	v3 =	vld [tilespmem:s0+$0x9800];
	_ =	sdelay $0x4  }
0x1fa: {  	v3 =	vmul.f32 v3, v2;
	_ =	sdelay $0x1  }
0x1fb: {  	[tilespmem:v1+s23+$0x0] =	vst.idx.add.f32.msk $0xffff, v3  }
0x1fc: {  	v3 =	vld [tilespmem:s0+$0x9880];
	_ =	sdelay $0x4  }
0x1fd: {  	v3 =	vmul.f32 v3, v2;
	_ =	sdelay $0x1  }
0x1fe: {  	[tilespmem:v1+s24+$0x0] =	vst.idx.add.f32.msk $0xffff, v3  }
0x1ff: {  	v3 =	vld [tilespmem:s0+$0x9900];
	_ =	sdelay $0x4  }
0x200: {  	v3 =	vmul.f32 v3, v2;
	_ =	sdelay $0x1  }
0x201: {  	[tilespmem:v1+s20+$0x0] =	vst.idx.add.f32.msk $0xffff, v3  }
0x202: {  	v3 =	vld [tilespmem:s0+$0x9980];
	_ =	sdelay $0x4  }
0x203: {  	v3 =	vmul.f32 v3, v2;
	_ =	sdelay $0x1  }
0x204: {  	[tilespmem:v1+s21+$0x0] =	vst.idx.add.f32.msk $0xffff, v3  }
0x205: {  	v3 =	vld [tilespmem:s0+$0x9A00];
	_ =	sdelay $0x4  }
0x206: {  	v3 =	vmul.f32 v3, v2;
	_ =	sdelay $0x1  }
0x207: {  	[tilespmem:v1+s18+$0x0] =	vst.idx.add.f32.msk $0xffff, v3  }
0x208: {  	v3 =	vld [tilespmem:s0+$0x9A80];
	_ =	sdelay $0x4  }
0x209: {  	v3 =	vmul.f32 v3, v2;
	_ =	sdelay $0x1  }
0x20a: {  	[tilespmem:v1+s19+$0x0] =	vst.idx.add.f32.msk $0xffff, v3  }
0x20b: {  	v3 =	vld [tilespmem:s0+$0x9B00];
	_ =	sdelay $0x4  }
0x20c: {  	v3 =	vmul.f32 v3, v2;
	_ =	sdelay $0x1  }
0x20d: {  	[tilespmem:v1+s25+$0x0] =	vst.idx.add.f32.msk $0xffff, v3  }
0x20e: {  	v3 =	vld [tilespmem:s0+$0x9B80];
	_ =	sdelay $0x4  }
0x20f: {  	v3 =	vmul.f32 v3, v2  }
0x210: {  	s1 =	simm.s32 $0x17000  }
0x211: {  	[tilespmem:v1+s1+$0x0] =	vst.idx.add.f32.msk $0xffff, v3  }
0x212: {  	v3 =	vld [tilespmem:s0+$0xA800];
	_ =	sdelay $0x4  }
0x213: {  	v3 =	vmul.f32 v3, v2;
	_ =	sdelay $0x1  }
0x214: {  	[tilespmem:v1+s26+$0x0] =	vst.idx.add.f32.msk $0xffff, v3  }
0x215: {  	v3 =	vld [tilespmem:s0+$0xA880];
	_ =	sdelay $0x4  }
0x216: {  	v3 =	vmul.f32 v3, v2  }
0x217: {  	s1 =	simm.s32 $0x18000  }
0x218: {  	[tilespmem:v1+s1+$0x0] =	vst.idx.add.f32.msk $0xffff, v3  }
0x219: {  	v3 =	vld [tilespmem:s0+$0xA900];
	_ =	sdelay $0x4  }
0x21a: {  	v3 =	vmul.f32 v3, v2  }
0x21b: {  	s1 =	simm.s32 $0x18800  }
0x21c: {  	[tilespmem:v1+s1+$0x0] =	vst.idx.add.f32.msk $0xffff, v3  }
0x21d: {  	v3 =	vld [tilespmem:s0+$0xA980];
	_ =	sdelay $0x4  }
0x21e: {  	v3 =	vmul.f32 v3, v2  }
0x21f: {  	s1 =	simm.s32 $0x19000  }
0x220: {  	[tilespmem:v1+s1+$0x0] =	vst.idx.add.f32.msk $0xffff, v3  }
0x221: {  	v3 =	vld [tilespmem:s0+$0xAA00];
	_ =	sdelay $0x4  }
0x222: {  	v3 =	vmul.f32 v3, v2  }
0x223: {  	s1 =	simm.s32 $0x19800  }
0x224: {  	[tilespmem:v1+s1+$0x0] =	vst.idx.add.f32.msk $0xffff, v3  }
0x225: {  	v3 =	vld [tilespmem:s0+$0xAA80];
	_ =	sdelay $0x4  }
0x226: {  	v3 =	vmul.f32 v3, v2  }
0x227: {  	s1 =	simm.s32 $0x1A000  }
0x228: {  	[tilespmem:v1+s1+$0x0] =	vst.idx.add.f32.msk $0xffff, v3  }
0x229: {  	v3 =	vld [tilespmem:s0+$0xAB00];
	_ =	sdelay $0x4  }
0x22a: {  	v3 =	vmul.f32 v3, v2  }
0x22b: {  	s1 =	simm.s32 $0x1A800  }
0x22c: {  	[tilespmem:v1+s1+$0x0] =	vst.idx.add.f32.msk $0xffff, v3  }
0x22d: {  	v3 =	vld [tilespmem:s0+$0xAB80]  }
.Ltmp3:
0x22e: {  	(pc) =	sbr.rel @p0 .LBB2_8-.Ltmp3, $2  }
0x22f: {  	_ =	sdelay $0x2  }
0x230: {  	v2 =	vmul.f32 v3, v2  }
0x231: {  	_ =	sdelay $0x2  }
0x232: {  	s0 =	rddreg [dreg:$0x9];
	s1 =	simm.s32 $0x1000  }
0x233: {  	s28 =	simm.s32 $0x2000;
	s29 =	simm.s32 $0x7800;
	s2 =	simm.s32 $0x4;
	[tilespmem:v1+s16+$0x0] =	vst.idx.add.f32.msk $0xffff, v2  }
0x234: {  	[tilespmem:s29], [sflag:$0x5] =	stream.strided.gather [hbm4b:s0+s1], $0x4000, s28, s1, $0x38;
	[tilespmem:$0x1B800] =	vst v63  }
0x235: {  	_ =	swait.ge [sflag:s2], $0x4000  }
0x236: {  	[sflag:s2] =	ssyncset.done $0x0  }
0x237: {  	s28 =	simm.s32 $0x0;
	s29 =	simm.s32 $0x2C00;
	[sflag:s2] =	ssyncadd.s32 $0xFFFFC000  }
0x238: {  	s30 =	simm.s32 $0xC00;
	s1 =	sand.u32 $0x70, s28;
	s2 =	sand.u32 $0xC00, s28;
	v2 =	vld [tilespmem:s29+$0x0]  }
0x239: {  	v1 =	vld [tilespmem:s30+$0x0];
	s0 =	sor.u32 s1, s2  }
0x23a: {  	v3 =	vld [tilespmem:s0+$0x3800];
	_ =	sdelay $0x4  }
0x23b: {  	v3 =	vmul.f32 v3, v2  }
0x23c: {  	s2 =	simm.s32 $0xB800  }
0x23d: {  	[tilespmem:v1+s2+$0x0] =	vst.idx.add.f32.msk $0xffff, v3  }
0x23e: {  	v3 =	vld [tilespmem:s0+$0x3880];
	_ =	sdelay $0x4  }
0x23f: {  	v3 =	vmul.f32 v3, v2;
	_ =	sdelay $0x1  }
0x240: {  	[tilespmem:v1+s17+$0x0] =	vst.idx.add.f32.msk $0xffff, v3  }
0x241: {  	v3 =	vld [tilespmem:s0+$0x3900];
	_ =	sdelay $0x4  }
0x242: {  	v3 =	vmul.f32 v3, v2;
	_ =	sdelay $0x1  }
0x243: {  	[tilespmem:v1+s3+$0x0] =	vst.idx.add.f32.msk $0xffff, v3  }
0x244: {  	v3 =	vld [tilespmem:s0+$0x3980];
	_ =	sdelay $0x4  }
0x245: {  	v3 =	vmul.f32 v3, v2;
	_ =	sdelay $0x1  }
0x246: {  	[tilespmem:v1+s4+$0x0] =	vst.idx.add.f32.msk $0xffff, v3  }
0x247: {  	v3 =	vld [tilespmem:s0+$0x3A00];
	_ =	sdelay $0x4  }
0x248: {  	v3 =	vmul.f32 v3, v2;
	_ =	sdelay $0x1  }
0x249: {  	[tilespmem:v1+s5+$0x0] =	vst.idx.add.f32.msk $0xffff, v3  }
0x24a: {  	v3 =	vld [tilespmem:s0+$0x3A80];
	_ =	sdelay $0x4  }
0x24b: {  	v3 =	vmul.f32 v3, v2;
	_ =	sdelay $0x1  }
0x24c: {  	[tilespmem:v1+s6+$0x0] =	vst.idx.add.f32.msk $0xffff, v3  }
0x24d: {  	v3 =	vld [tilespmem:s0+$0x3B00];
	_ =	sdelay $0x4  }
0x24e: {  	v3 =	vmul.f32 v3, v2  }
0x24f: {  	s2 =	sor.u32 s28, s28  }
0x250: {  	s1 =	sor.u32 $0x380, s2;
	[tilespmem:v1+s7+$0x0] =	vst.idx.add.f32.msk $0xffff, v3  }
0x251: {  	v3 =	vld [tilespmem:s1+$0x3800];
	_ =	sdelay $0x4  }
0x252: {  	v3 =	vmul.f32 v3, v2;
	_ =	sdelay $0x1  }
0x253: {  	[tilespmem:v1+s8+$0x0] =	vst.idx.add.f32.msk $0xffff, v3  }
0x254: {  	v3 =	vld [tilespmem:s0+$0x4800];
	_ =	sdelay $0x4  }
0x255: {  	v3 =	vmul.f32 v3, v2;
	_ =	sdelay $0x1  }
0x256: {  	[tilespmem:v1+s9+$0x0] =	vst.idx.add.f32.msk $0xffff, v3  }
0x257: {  	v3 =	vld [tilespmem:s0+$0x4880];
	_ =	sdelay $0x4  }
0x258: {  	v3 =	vmul.f32 v3, v2;
	_ =	sdelay $0x1  }
0x259: {  	[tilespmem:v1+s10+$0x0] =	vst.idx.add.f32.msk $0xffff, v3  }
0x25a: {  	v3 =	vld [tilespmem:s0+$0x4900];
	_ =	sdelay $0x4  }
0x25b: {  	v3 =	vmul.f32 v3, v2;
	_ =	sdelay $0x1  }
0x25c: {  	[tilespmem:v1+s11+$0x0] =	vst.idx.add.f32.msk $0xffff, v3  }
0x25d: {  	v3 =	vld [tilespmem:s0+$0x4980];
	_ =	sdelay $0x4  }
0x25e: {  	v3 =	vmul.f32 v3, v2;
	_ =	sdelay $0x1  }
0x25f: {  	[tilespmem:v1+s12+$0x0] =	vst.idx.add.f32.msk $0xffff, v3  }
0x260: {  	v3 =	vld [tilespmem:s0+$0x4A00];
	_ =	sdelay $0x4  }
0x261: {  	v3 =	vmul.f32 v3, v2;
	_ =	sdelay $0x1  }
0x262: {  	[tilespmem:v1+s13+$0x0] =	vst.idx.add.f32.msk $0xffff, v3  }
0x263: {  	v3 =	vld [tilespmem:s0+$0x4A80];
	_ =	sdelay $0x4  }
0x264: {  	v3 =	vmul.f32 v3, v2;
	_ =	sdelay $0x1  }
0x265: {  	[tilespmem:v1+s14+$0x0] =	vst.idx.add.f32.msk $0xffff, v3  }
0x266: {  	v3 =	vld [tilespmem:s0+$0x4B00];
	_ =	sdelay $0x4  }
0x267: {  	v3 =	vmul.f32 v3, v2;
	_ =	sdelay $0x1  }
0x268: {  	[tilespmem:v1+s15+$0x0] =	vst.idx.add.f32.msk $0xffff, v3  }
0x269: {  	v3 =	vld [tilespmem:s0+$0x4B80];
	_ =	sdelay $0x4  }
0x26a: {  	v3 =	vmul.f32 v3, v2;
	_ =	sdelay $0x1  }
0x26b: {  	[tilespmem:v1+s22+$0x0] =	vst.idx.add.f32.msk $0xffff, v3  }
0x26c: {  	v3 =	vld [tilespmem:s0+$0x5800];
	_ =	sdelay $0x4  }
0x26d: {  	v3 =	vmul.f32 v3, v2;
	_ =	sdelay $0x1  }
0x26e: {  	[tilespmem:v1+s23+$0x0] =	vst.idx.add.f32.msk $0xffff, v3  }
0x26f: {  	v3 =	vld [tilespmem:s0+$0x5880];
	_ =	sdelay $0x4  }
0x270: {  	v3 =	vmul.f32 v3, v2;
	_ =	sdelay $0x1  }
0x271: {  	[tilespmem:v1+s24+$0x0] =	vst.idx.add.f32.msk $0xffff, v3  }
0x272: {  	v3 =	vld [tilespmem:s0+$0x5900];
	_ =	sdelay $0x4  }
0x273: {  	v3 =	vmul.f32 v3, v2;
	_ =	sdelay $0x1  }
0x274: {  	[tilespmem:v1+s20+$0x0] =	vst.idx.add.f32.msk $0xffff, v3  }
0x275: {  	v3 =	vld [tilespmem:s0+$0x5980];
	_ =	sdelay $0x4  }
0x276: {  	v3 =	vmul.f32 v3, v2;
	_ =	sdelay $0x1  }
0x277: {  	[tilespmem:v1+s21+$0x0] =	vst.idx.add.f32.msk $0xffff, v3  }
0x278: {  	v3 =	vld [tilespmem:s0+$0x5A00];
	_ =	sdelay $0x4  }
0x279: {  	v3 =	vmul.f32 v3, v2;
	_ =	sdelay $0x1  }
0x27a: {  	[tilespmem:v1+s18+$0x0] =	vst.idx.add.f32.msk $0xffff, v3  }
0x27b: {  	v3 =	vld [tilespmem:s0+$0x5A80];
	_ =	sdelay $0x4  }
0x27c: {  	v3 =	vmul.f32 v3, v2;
	_ =	sdelay $0x1  }
0x27d: {  	[tilespmem:v1+s19+$0x0] =	vst.idx.add.f32.msk $0xffff, v3  }
0x27e: {  	v3 =	vld [tilespmem:s0+$0x5B00];
	_ =	sdelay $0x4  }
0x27f: {  	v3 =	vmul.f32 v3, v2;
	_ =	sdelay $0x1  }
0x280: {  	[tilespmem:v1+s25+$0x0] =	vst.idx.add.f32.msk $0xffff, v3  }
0x281: {  	v3 =	vld [tilespmem:s0+$0x5B80];
	_ =	sdelay $0x4  }
0x282: {  	v3 =	vmul.f32 v3, v2  }
0x283: {  	s2 =	simm.s32 $0x17000  }
0x284: {  	[tilespmem:v1+s2+$0x0] =	vst.idx.add.f32.msk $0xffff, v3  }
0x285: {  	v3 =	vld [tilespmem:s0+$0x6800];
	_ =	sdelay $0x4  }
0x286: {  	v3 =	vmul.f32 v3, v2;
	_ =	sdelay $0x1  }
0x287: {  	[tilespmem:v1+s26+$0x0] =	vst.idx.add.f32.msk $0xffff, v3  }
0x288: {  	v3 =	vld [tilespmem:s0+$0x6880];
	_ =	sdelay $0x4  }
0x289: {  	v3 =	vmul.f32 v3, v2  }
0x28a: {  	s2 =	simm.s32 $0x18000  }
0x28b: {  	[tilespmem:v1+s2+$0x0] =	vst.idx.add.f32.msk $0xffff, v3  }
0x28c: {  	v3 =	vld [tilespmem:s0+$0x6900];
	_ =	sdelay $0x4  }
0x28d: {  	v3 =	vmul.f32 v3, v2  }
0x28e: {  	s2 =	simm.s32 $0x18800  }
0x28f: {  	[tilespmem:v1+s2+$0x0] =	vst.idx.add.f32.msk $0xffff, v3  }
0x290: {  	v3 =	vld [tilespmem:s0+$0x6980];
	_ =	sdelay $0x4  }
0x291: {  	v3 =	vmul.f32 v3, v2  }
0x292: {  	s2 =	simm.s32 $0x19000  }
0x293: {  	[tilespmem:v1+s2+$0x0] =	vst.idx.add.f32.msk $0xffff, v3  }
0x294: {  	v3 =	vld [tilespmem:s0+$0x6A00];
	_ =	sdelay $0x4  }
0x295: {  	v3 =	vmul.f32 v3, v2  }
0x296: {  	s2 =	simm.s32 $0x19800  }
0x297: {  	[tilespmem:v1+s2+$0x0] =	vst.idx.add.f32.msk $0xffff, v3  }
0x298: {  	v3 =	vld [tilespmem:s0+$0x6A80];
	_ =	sdelay $0x4  }
0x299: {  	v3 =	vmul.f32 v3, v2  }
0x29a: {  	s2 =	simm.s32 $0x1A000  }
0x29b: {  	[tilespmem:v1+s2+$0x0] =	vst.idx.add.f32.msk $0xffff, v3  }
0x29c: {  	v3 =	vld [tilespmem:s0+$0x6B00];
	_ =	sdelay $0x4  }
0x29d: {  	v3 =	vmul.f32 v3, v2  }
0x29e: {  	s2 =	simm.s32 $0x1A800  }
0x29f: {  	[tilespmem:v1+s2+$0x0] =	vst.idx.add.f32.msk $0xffff, v3  }
0x2a0: {  	v3 =	vld [tilespmem:s0+$0x6B80];
	_ =	sdelay $0x4  }
0x2a1: {  	s31 =	simm.s32 $0x10;
	v2 =	vmul.f32 v3, v2  }
.LBB2_10:
0x2a2: {  	_ = 	snop  }
0x2a3: {  	s28 =	sadd.s32 $0x80, s28;
	s29 =	sadd.s32 $0x10, s29;
	s30 =	sadd.s32 $0x10, s30;
	[tilespmem:v1+s16+$0x0] =	vst.idx.add.f32.msk $0xffff, v2  }
0x2a4: {  	s0 =	sand.u32 $0x70, s31;
	p0 =	sne.s32 s31, $0x1F0;
	s1 =	sand.u32 $0xC00, s28;
	v2 =	vld [tilespmem:s29+$0x0]  }
0x2a5: {  	s0 =	sor.u32 s0, s1;
	s1 =	smov.u32 s31;
	s31 =	sadd.s32 $0x10, s31;
	v1 =	vld [tilespmem:s30+$0x0]  }
0x2a6: {  	v3 =	vld [tilespmem:s0+$0x3800];
	_ =	sdelay $0x4  }
0x2a7: {  	v3 =	vmul.f32 v3, v2  }
0x2a8: {  	s2 =	simm.s32 $0xB800  }
0x2a9: {  	[tilespmem:v1+s2+$0x0] =	vst.idx.add.f32.msk $0xffff, v3  }
0x2aa: {  	v3 =	vld [tilespmem:s0+$0x3880];
	_ =	sdelay $0x4  }
0x2ab: {  	v3 =	vmul.f32 v3, v2;
	_ =	sdelay $0x1  }
0x2ac: {  	[tilespmem:v1+s17+$0x0] =	vst.idx.add.f32.msk $0xffff, v3  }
0x2ad: {  	v3 =	vld [tilespmem:s0+$0x3900];
	_ =	sdelay $0x4  }
0x2ae: {  	v3 =	vmul.f32 v3, v2;
	_ =	sdelay $0x1  }
0x2af: {  	[tilespmem:v1+s3+$0x0] =	vst.idx.add.f32.msk $0xffff, v3  }
0x2b0: {  	v3 =	vld [tilespmem:s0+$0x3980];
	_ =	sdelay $0x4  }
0x2b1: {  	v3 =	vmul.f32 v3, v2;
	_ =	sdelay $0x1  }
0x2b2: {  	[tilespmem:v1+s4+$0x0] =	vst.idx.add.f32.msk $0xffff, v3  }
0x2b3: {  	v3 =	vld [tilespmem:s0+$0x3A00];
	_ =	sdelay $0x4  }
0x2b4: {  	v3 =	vmul.f32 v3, v2;
	_ =	sdelay $0x1  }
0x2b5: {  	[tilespmem:v1+s5+$0x0] =	vst.idx.add.f32.msk $0xffff, v3  }
0x2b6: {  	v3 =	vld [tilespmem:s0+$0x3A80];
	_ =	sdelay $0x4  }
0x2b7: {  	v3 =	vmul.f32 v3, v2;
	_ =	sdelay $0x1  }
0x2b8: {  	[tilespmem:v1+s6+$0x0] =	vst.idx.add.f32.msk $0xffff, v3  }
0x2b9: {  	v3 =	vld [tilespmem:s0+$0x3B00];
	_ =	sdelay $0x4  }
0x2ba: {  	v3 =	vmul.f32 v3, v2  }
0x2bb: {  	s1 =	sor.u32 s28, s1  }
0x2bc: {  	s1 =	sor.u32 $0x380, s1;
	[tilespmem:v1+s7+$0x0] =	vst.idx.add.f32.msk $0xffff, v3  }
0x2bd: {  	v3 =	vld [tilespmem:s1+$0x3800];
	_ =	sdelay $0x4  }
0x2be: {  	v3 =	vmul.f32 v3, v2;
	_ =	sdelay $0x1  }
0x2bf: {  	[tilespmem:v1+s8+$0x0] =	vst.idx.add.f32.msk $0xffff, v3  }
0x2c0: {  	v3 =	vld [tilespmem:s0+$0x4800];
	_ =	sdelay $0x4  }
0x2c1: {  	v3 =	vmul.f32 v3, v2;
	_ =	sdelay $0x1  }
0x2c2: {  	[tilespmem:v1+s9+$0x0] =	vst.idx.add.f32.msk $0xffff, v3  }
0x2c3: {  	v3 =	vld [tilespmem:s0+$0x4880];
	_ =	sdelay $0x4  }
0x2c4: {  	v3 =	vmul.f32 v3, v2;
	_ =	sdelay $0x1  }
0x2c5: {  	[tilespmem:v1+s10+$0x0] =	vst.idx.add.f32.msk $0xffff, v3  }
0x2c6: {  	v3 =	vld [tilespmem:s0+$0x4900];
	_ =	sdelay $0x4  }
0x2c7: {  	v3 =	vmul.f32 v3, v2;
	_ =	sdelay $0x1  }
0x2c8: {  	[tilespmem:v1+s11+$0x0] =	vst.idx.add.f32.msk $0xffff, v3  }
0x2c9: {  	v3 =	vld [tilespmem:s0+$0x4980];
	_ =	sdelay $0x4  }
0x2ca: {  	v3 =	vmul.f32 v3, v2;
	_ =	sdelay $0x1  }
0x2cb: {  	[tilespmem:v1+s12+$0x0] =	vst.idx.add.f32.msk $0xffff, v3  }
0x2cc: {  	v3 =	vld [tilespmem:s0+$0x4A00];
	_ =	sdelay $0x4  }
0x2cd: {  	v3 =	vmul.f32 v3, v2;
	_ =	sdelay $0x1  }
0x2ce: {  	[tilespmem:v1+s13+$0x0] =	vst.idx.add.f32.msk $0xffff, v3  }
0x2cf: {  	v3 =	vld [tilespmem:s0+$0x4A80];
	_ =	sdelay $0x4  }
0x2d0: {  	v3 =	vmul.f32 v3, v2;
	_ =	sdelay $0x1  }
0x2d1: {  	[tilespmem:v1+s14+$0x0] =	vst.idx.add.f32.msk $0xffff, v3  }
0x2d2: {  	v3 =	vld [tilespmem:s0+$0x4B00];
	_ =	sdelay $0x4  }
0x2d3: {  	v3 =	vmul.f32 v3, v2;
	_ =	sdelay $0x1  }
0x2d4: {  	[tilespmem:v1+s15+$0x0] =	vst.idx.add.f32.msk $0xffff, v3  }
0x2d5: {  	v3 =	vld [tilespmem:s0+$0x4B80];
	_ =	sdelay $0x4  }
0x2d6: {  	v3 =	vmul.f32 v3, v2;
	_ =	sdelay $0x1  }
0x2d7: {  	[tilespmem:v1+s22+$0x0] =	vst.idx.add.f32.msk $0xffff, v3  }
0x2d8: {  	v3 =	vld [tilespmem:s0+$0x5800];
	_ =	sdelay $0x4  }
0x2d9: {  	v3 =	vmul.f32 v3, v2;
	_ =	sdelay $0x1  }
0x2da: {  	[tilespmem:v1+s23+$0x0] =	vst.idx.add.f32.msk $0xffff, v3  }
0x2db: {  	v3 =	vld [tilespmem:s0+$0x5880];
	_ =	sdelay $0x4  }
0x2dc: {  	v3 =	vmul.f32 v3, v2;
	_ =	sdelay $0x1  }
0x2dd: {  	[tilespmem:v1+s24+$0x0] =	vst.idx.add.f32.msk $0xffff, v3  }
0x2de: {  	v3 =	vld [tilespmem:s0+$0x5900];
	_ =	sdelay $0x4  }
0x2df: {  	v3 =	vmul.f32 v3, v2;
	_ =	sdelay $0x1  }
0x2e0: {  	[tilespmem:v1+s20+$0x0] =	vst.idx.add.f32.msk $0xffff, v3  }
0x2e1: {  	v3 =	vld [tilespmem:s0+$0x5980];
	_ =	sdelay $0x4  }
0x2e2: {  	v3 =	vmul.f32 v3, v2;
	_ =	sdelay $0x1  }
0x2e3: {  	[tilespmem:v1+s21+$0x0] =	vst.idx.add.f32.msk $0xffff, v3  }
0x2e4: {  	v3 =	vld [tilespmem:s0+$0x5A00];
	_ =	sdelay $0x4  }
0x2e5: {  	v3 =	vmul.f32 v3, v2;
	_ =	sdelay $0x1  }
0x2e6: {  	[tilespmem:v1+s18+$0x0] =	vst.idx.add.f32.msk $0xffff, v3  }
0x2e7: {  	v3 =	vld [tilespmem:s0+$0x5A80];
	_ =	sdelay $0x4  }
0x2e8: {  	v3 =	vmul.f32 v3, v2;
	_ =	sdelay $0x1  }
0x2e9: {  	[tilespmem:v1+s19+$0x0] =	vst.idx.add.f32.msk $0xffff, v3  }
0x2ea: {  	v3 =	vld [tilespmem:s0+$0x5B00];
	_ =	sdelay $0x4  }
0x2eb: {  	v3 =	vmul.f32 v3, v2;
	_ =	sdelay $0x1  }
0x2ec: {  	[tilespmem:v1+s25+$0x0] =	vst.idx.add.f32.msk $0xffff, v3  }
0x2ed: {  	v3 =	vld [tilespmem:s0+$0x5B80];
	_ =	sdelay $0x4  }
0x2ee: {  	v3 =	vmul.f32 v3, v2  }
0x2ef: {  	s1 =	simm.s32 $0x17000  }
0x2f0: {  	[tilespmem:v1+s1+$0x0] =	vst.idx.add.f32.msk $0xffff, v3  }
0x2f1: {  	v3 =	vld [tilespmem:s0+$0x6800];
	_ =	sdelay $0x4  }
0x2f2: {  	v3 =	vmul.f32 v3, v2;
	_ =	sdelay $0x1  }
0x2f3: {  	[tilespmem:v1+s26+$0x0] =	vst.idx.add.f32.msk $0xffff, v3  }
0x2f4: {  	v3 =	vld [tilespmem:s0+$0x6880];
	_ =	sdelay $0x4  }
0x2f5: {  	v3 =	vmul.f32 v3, v2  }
0x2f6: {  	s1 =	simm.s32 $0x18000  }
0x2f7: {  	[tilespmem:v1+s1+$0x0] =	vst.idx.add.f32.msk $0xffff, v3  }
0x2f8: {  	v3 =	vld [tilespmem:s0+$0x6900];
	_ =	sdelay $0x4  }
0x2f9: {  	v3 =	vmul.f32 v3, v2  }
0x2fa: {  	s1 =	simm.s32 $0x18800  }
0x2fb: {  	[tilespmem:v1+s1+$0x0] =	vst.idx.add.f32.msk $0xffff, v3  }
0x2fc: {  	v3 =	vld [tilespmem:s0+$0x6980];
	_ =	sdelay $0x4  }
0x2fd: {  	v3 =	vmul.f32 v3, v2  }
0x2fe: {  	s1 =	simm.s32 $0x19000  }
0x2ff: {  	[tilespmem:v1+s1+$0x0] =	vst.idx.add.f32.msk $0xffff, v3  }
0x300: {  	v3 =	vld [tilespmem:s0+$0x6A00];
	_ =	sdelay $0x4  }
0x301: {  	v3 =	vmul.f32 v3, v2  }
0x302: {  	s1 =	simm.s32 $0x19800  }
0x303: {  	[tilespmem:v1+s1+$0x0] =	vst.idx.add.f32.msk $0xffff, v3  }
0x304: {  	v3 =	vld [tilespmem:s0+$0x6A80];
	_ =	sdelay $0x4  }
0x305: {  	v3 =	vmul.f32 v3, v2  }
0x306: {  	s1 =	simm.s32 $0x1A000  }
0x307: {  	[tilespmem:v1+s1+$0x0] =	vst.idx.add.f32.msk $0xffff, v3  }
0x308: {  	v3 =	vld [tilespmem:s0+$0x6B00];
	_ =	sdelay $0x4  }
0x309: {  	v3 =	vmul.f32 v3, v2  }
0x30a: {  	s1 =	simm.s32 $0x1A800  }
0x30b: {  	[tilespmem:v1+s1+$0x0] =	vst.idx.add.f32.msk $0xffff, v3  }
0x30c: {  	v3 =	vld [tilespmem:s0+$0x6B80]  }
.Ltmp4:
0x30d: {  	(pc) =	sbr.rel @p0 .LBB2_10-.Ltmp4, $2  }
0x30e: {  	_ =	sdelay $0x2  }
0x30f: {  	v2 =	vmul.f32 v3, v2  }
0x310: {  	_ =	sdelay $0x2  }
0x311: {  	s0 =	rddreg [dreg:$0xa];
	s1 =	simm.s32 $0x1000  }
0x312: {  	s28 =	simm.s32 $0x2000;
	s29 =	simm.s32 $0x3800;
	s2 =	simm.s32 $0x5;
	[tilespmem:v1+s16+$0x0] =	vst.idx.add.f32.msk $0xffff, v2  }
0x313: {  	[tilespmem:s29], [sflag:$0x4] =	stream.strided.gather [hbm4b:s0+s1], $0x4000, s28, s1, $0x38;
	[tilespmem:$0x1B800] =	vst v63  }
0x314: {  	_ =	swait.ge [sflag:s2], $0x4000  }
0x315: {  	[sflag:s2] =	ssyncset.done $0x0  }
0x316: {  	s28 =	simm.s32 $0x0;
	s29 =	simm.s32 $0x2E00;
	[sflag:s2] =	ssyncadd.s32 $0xFFFFC000  }
0x317: {  	s30 =	simm.s32 $0xE00;
	s1 =	sand.u32 $0x70, s28;
	s2 =	sand.u32 $0xC00, s28;
	v2 =	vld [tilespmem:s29+$0x0]  }
0x318: {  	v1 =	vld [tilespmem:s30+$0x0];
	s0 =	sor.u32 s1, s2  }
0x319: {  	v3 =	vld [tilespmem:s0+$0x7800];
	_ =	sdelay $0x4  }
0x31a: {  	v3 =	vmul.f32 v3, v2  }
0x31b: {  	s2 =	simm.s32 $0xB800  }
0x31c: {  	[tilespmem:v1+s2+$0x0] =	vst.idx.add.f32.msk $0xffff, v3  }
0x31d: {  	v3 =	vld [tilespmem:s0+$0x7880];
	_ =	sdelay $0x4  }
0x31e: {  	v3 =	vmul.f32 v3, v2;
	_ =	sdelay $0x1  }
0x31f: {  	[tilespmem:v1+s17+$0x0] =	vst.idx.add.f32.msk $0xffff, v3  }
0x320: {  	v3 =	vld [tilespmem:s0+$0x7900];
	_ =	sdelay $0x4  }
0x321: {  	v3 =	vmul.f32 v3, v2;
	_ =	sdelay $0x1  }
0x322: {  	[tilespmem:v1+s3+$0x0] =	vst.idx.add.f32.msk $0xffff, v3  }
0x323: {  	v3 =	vld [tilespmem:s0+$0x7980];
	_ =	sdelay $0x4  }
0x324: {  	v3 =	vmul.f32 v3, v2;
	_ =	sdelay $0x1  }
0x325: {  	[tilespmem:v1+s4+$0x0] =	vst.idx.add.f32.msk $0xffff, v3  }
0x326: {  	v3 =	vld [tilespmem:s0+$0x7A00];
	_ =	sdelay $0x4  }
0x327: {  	v3 =	vmul.f32 v3, v2;
	_ =	sdelay $0x1  }
0x328: {  	[tilespmem:v1+s5+$0x0] =	vst.idx.add.f32.msk $0xffff, v3  }
0x329: {  	v3 =	vld [tilespmem:s0+$0x7A80];
	_ =	sdelay $0x4  }
0x32a: {  	v3 =	vmul.f32 v3, v2;
	_ =	sdelay $0x1  }
0x32b: {  	[tilespmem:v1+s6+$0x0] =	vst.idx.add.f32.msk $0xffff, v3  }
0x32c: {  	v3 =	vld [tilespmem:s0+$0x7B00];
	_ =	sdelay $0x4  }
0x32d: {  	v3 =	vmul.f32 v3, v2  }
0x32e: {  	s2 =	sor.u32 s28, s28  }
0x32f: {  	s1 =	sor.u32 $0x380, s2;
	[tilespmem:v1+s7+$0x0] =	vst.idx.add.f32.msk $0xffff, v3  }
0x330: {  	v3 =	vld [tilespmem:s1+$0x7800];
	_ =	sdelay $0x4  }
0x331: {  	v3 =	vmul.f32 v3, v2;
	_ =	sdelay $0x1  }
0x332: {  	[tilespmem:v1+s8+$0x0] =	vst.idx.add.f32.msk $0xffff, v3  }
0x333: {  	v3 =	vld [tilespmem:s0+$0x8800];
	_ =	sdelay $0x4  }
0x334: {  	v3 =	vmul.f32 v3, v2;
	_ =	sdelay $0x1  }
0x335: {  	[tilespmem:v1+s9+$0x0] =	vst.idx.add.f32.msk $0xffff, v3  }
0x336: {  	v3 =	vld [tilespmem:s0+$0x8880];
	_ =	sdelay $0x4  }
0x337: {  	v3 =	vmul.f32 v3, v2;
	_ =	sdelay $0x1  }
0x338: {  	[tilespmem:v1+s10+$0x0] =	vst.idx.add.f32.msk $0xffff, v3  }
0x339: {  	v3 =	vld [tilespmem:s0+$0x8900];
	_ =	sdelay $0x4  }
0x33a: {  	v3 =	vmul.f32 v3, v2;
	_ =	sdelay $0x1  }
0x33b: {  	[tilespmem:v1+s11+$0x0] =	vst.idx.add.f32.msk $0xffff, v3  }
0x33c: {  	v3 =	vld [tilespmem:s0+$0x8980];
	_ =	sdelay $0x4  }
0x33d: {  	v3 =	vmul.f32 v3, v2;
	_ =	sdelay $0x1  }
0x33e: {  	[tilespmem:v1+s12+$0x0] =	vst.idx.add.f32.msk $0xffff, v3  }
0x33f: {  	v3 =	vld [tilespmem:s0+$0x8A00];
	_ =	sdelay $0x4  }
0x340: {  	v3 =	vmul.f32 v3, v2;
	_ =	sdelay $0x1  }
0x341: {  	[tilespmem:v1+s13+$0x0] =	vst.idx.add.f32.msk $0xffff, v3  }
0x342: {  	v3 =	vld [tilespmem:s0+$0x8A80];
	_ =	sdelay $0x4  }
0x343: {  	v3 =	vmul.f32 v3, v2;
	_ =	sdelay $0x1  }
0x344: {  	[tilespmem:v1+s14+$0x0] =	vst.idx.add.f32.msk $0xffff, v3  }
0x345: {  	v3 =	vld [tilespmem:s0+$0x8B00];
	_ =	sdelay $0x4  }
0x346: {  	v3 =	vmul.f32 v3, v2;
	_ =	sdelay $0x1  }
0x347: {  	[tilespmem:v1+s15+$0x0] =	vst.idx.add.f32.msk $0xffff, v3  }
0x348: {  	v3 =	vld [tilespmem:s0+$0x8B80];
	_ =	sdelay $0x4  }
0x349: {  	v3 =	vmul.f32 v3, v2;
	_ =	sdelay $0x1  }
0x34a: {  	[tilespmem:v1+s22+$0x0] =	vst.idx.add.f32.msk $0xffff, v3  }
0x34b: {  	v3 =	vld [tilespmem:s0+$0x9800];
	_ =	sdelay $0x4  }
0x34c: {  	v3 =	vmul.f32 v3, v2;
	_ =	sdelay $0x1  }
0x34d: {  	[tilespmem:v1+s23+$0x0] =	vst.idx.add.f32.msk $0xffff, v3  }
0x34e: {  	v3 =	vld [tilespmem:s0+$0x9880];
	_ =	sdelay $0x4  }
0x34f: {  	v3 =	vmul.f32 v3, v2;
	_ =	sdelay $0x1  }
0x350: {  	[tilespmem:v1+s24+$0x0] =	vst.idx.add.f32.msk $0xffff, v3  }
0x351: {  	v3 =	vld [tilespmem:s0+$0x9900];
	_ =	sdelay $0x4  }
0x352: {  	v3 =	vmul.f32 v3, v2;
	_ =	sdelay $0x1  }
0x353: {  	[tilespmem:v1+s20+$0x0] =	vst.idx.add.f32.msk $0xffff, v3  }
0x354: {  	v3 =	vld [tilespmem:s0+$0x9980];
	_ =	sdelay $0x4  }
0x355: {  	v3 =	vmul.f32 v3, v2;
	_ =	sdelay $0x1  }
0x356: {  	[tilespmem:v1+s21+$0x0] =	vst.idx.add.f32.msk $0xffff, v3  }
0x357: {  	v3 =	vld [tilespmem:s0+$0x9A00];
	_ =	sdelay $0x4  }
0x358: {  	v3 =	vmul.f32 v3, v2;
	_ =	sdelay $0x1  }
0x359: {  	[tilespmem:v1+s18+$0x0] =	vst.idx.add.f32.msk $0xffff, v3  }
0x35a: {  	v3 =	vld [tilespmem:s0+$0x9A80];
	_ =	sdelay $0x4  }
0x35b: {  	v3 =	vmul.f32 v3, v2;
	_ =	sdelay $0x1  }
0x35c: {  	[tilespmem:v1+s19+$0x0] =	vst.idx.add.f32.msk $0xffff, v3  }
0x35d: {  	v3 =	vld [tilespmem:s0+$0x9B00];
	_ =	sdelay $0x4  }
0x35e: {  	v3 =	vmul.f32 v3, v2;
	_ =	sdelay $0x1  }
0x35f: {  	[tilespmem:v1+s25+$0x0] =	vst.idx.add.f32.msk $0xffff, v3  }
0x360: {  	v3 =	vld [tilespmem:s0+$0x9B80];
	_ =	sdelay $0x4  }
0x361: {  	v3 =	vmul.f32 v3, v2  }
0x362: {  	s2 =	simm.s32 $0x17000  }
0x363: {  	[tilespmem:v1+s2+$0x0] =	vst.idx.add.f32.msk $0xffff, v3  }
0x364: {  	v3 =	vld [tilespmem:s0+$0xA800];
	_ =	sdelay $0x4  }
0x365: {  	v3 =	vmul.f32 v3, v2;
	_ =	sdelay $0x1  }
0x366: {  	[tilespmem:v1+s26+$0x0] =	vst.idx.add.f32.msk $0xffff, v3  }
0x367: {  	v3 =	vld [tilespmem:s0+$0xA880];
	_ =	sdelay $0x4  }
0x368: {  	v3 =	vmul.f32 v3, v2  }
0x369: {  	s2 =	simm.s32 $0x18000  }
0x36a: {  	[tilespmem:v1+s2+$0x0] =	vst.idx.add.f32.msk $0xffff, v3  }
0x36b: {  	v3 =	vld [tilespmem:s0+$0xA900];
	_ =	sdelay $0x4  }
0x36c: {  	v3 =	vmul.f32 v3, v2  }
0x36d: {  	s2 =	simm.s32 $0x18800  }
0x36e: {  	[tilespmem:v1+s2+$0x0] =	vst.idx.add.f32.msk $0xffff, v3  }
0x36f: {  	v3 =	vld [tilespmem:s0+$0xA980];
	_ =	sdelay $0x4  }
0x370: {  	v3 =	vmul.f32 v3, v2  }
0x371: {  	s2 =	simm.s32 $0x19000  }
0x372: {  	[tilespmem:v1+s2+$0x0] =	vst.idx.add.f32.msk $0xffff, v3  }
0x373: {  	v3 =	vld [tilespmem:s0+$0xAA00];
	_ =	sdelay $0x4  }
0x374: {  	v3 =	vmul.f32 v3, v2  }
0x375: {  	s2 =	simm.s32 $0x19800  }
0x376: {  	[tilespmem:v1+s2+$0x0] =	vst.idx.add.f32.msk $0xffff, v3  }
0x377: {  	v3 =	vld [tilespmem:s0+$0xAA80];
	_ =	sdelay $0x4  }
0x378: {  	v3 =	vmul.f32 v3, v2  }
0x379: {  	s2 =	simm.s32 $0x1A000  }
0x37a: {  	[tilespmem:v1+s2+$0x0] =	vst.idx.add.f32.msk $0xffff, v3  }
0x37b: {  	v3 =	vld [tilespmem:s0+$0xAB00];
	_ =	sdelay $0x4  }
0x37c: {  	v3 =	vmul.f32 v3, v2  }
0x37d: {  	s2 =	simm.s32 $0x1A800  }
0x37e: {  	[tilespmem:v1+s2+$0x0] =	vst.idx.add.f32.msk $0xffff, v3  }
0x37f: {  	v3 =	vld [tilespmem:s0+$0xAB80];
	_ =	sdelay $0x4  }
0x380: {  	s31 =	simm.s32 $0x10;
	v2 =	vmul.f32 v3, v2  }
.LBB2_12:
0x381: {  	_ = 	snop  }
0x382: {  	s28 =	sadd.s32 $0x80, s28;
	s29 =	sadd.s32 $0x10, s29;
	s30 =	sadd.s32 $0x10, s30;
	[tilespmem:v1+s16+$0x0] =	vst.idx.add.f32.msk $0xffff, v2  }
0x383: {  	s0 =	sand.u32 $0x70, s31;
	p0 =	sne.s32 s31, $0x1F0;
	s1 =	sand.u32 $0xC00, s28;
	v2 =	vld [tilespmem:s29+$0x0]  }
0x384: {  	s0 =	sor.u32 s0, s1;
	s1 =	smov.u32 s31;
	s31 =	sadd.s32 $0x10, s31;
	v1 =	vld [tilespmem:s30+$0x0]  }
0x385: {  	v3 =	vld [tilespmem:s0+$0x7800];
	_ =	sdelay $0x4  }
0x386: {  	v3 =	vmul.f32 v3, v2  }
0x387: {  	s2 =	simm.s32 $0xB800  }
0x388: {  	[tilespmem:v1+s2+$0x0] =	vst.idx.add.f32.msk $0xffff, v3  }
0x389: {  	v3 =	vld [tilespmem:s0+$0x7880];
	_ =	sdelay $0x4  }
0x38a: {  	v3 =	vmul.f32 v3, v2;
	_ =	sdelay $0x1  }
0x38b: {  	[tilespmem:v1+s17+$0x0] =	vst.idx.add.f32.msk $0xffff, v3  }
0x38c: {  	v3 =	vld [tilespmem:s0+$0x7900];
	_ =	sdelay $0x4  }
0x38d: {  	v3 =	vmul.f32 v3, v2;
	_ =	sdelay $0x1  }
0x38e: {  	[tilespmem:v1+s3+$0x0] =	vst.idx.add.f32.msk $0xffff, v3  }
0x38f: {  	v3 =	vld [tilespmem:s0+$0x7980];
	_ =	sdelay $0x4  }
0x390: {  	v3 =	vmul.f32 v3, v2;
	_ =	sdelay $0x1  }
0x391: {  	[tilespmem:v1+s4+$0x0] =	vst.idx.add.f32.msk $0xffff, v3  }
0x392: {  	v3 =	vld [tilespmem:s0+$0x7A00];
	_ =	sdelay $0x4  }
0x393: {  	v3 =	vmul.f32 v3, v2;
	_ =	sdelay $0x1  }
0x394: {  	[tilespmem:v1+s5+$0x0] =	vst.idx.add.f32.msk $0xffff, v3  }
0x395: {  	v3 =	vld [tilespmem:s0+$0x7A80];
	_ =	sdelay $0x4  }
0x396: {  	v3 =	vmul.f32 v3, v2;
	_ =	sdelay $0x1  }
0x397: {  	[tilespmem:v1+s6+$0x0] =	vst.idx.add.f32.msk $0xffff, v3  }
0x398: {  	v3 =	vld [tilespmem:s0+$0x7B00];
	_ =	sdelay $0x4  }
0x399: {  	v3 =	vmul.f32 v3, v2  }
0x39a: {  	s1 =	sor.u32 s28, s1  }
0x39b: {  	s1 =	sor.u32 $0x380, s1;
	[tilespmem:v1+s7+$0x0] =	vst.idx.add.f32.msk $0xffff, v3  }
0x39c: {  	v3 =	vld [tilespmem:s1+$0x7800];
	_ =	sdelay $0x4  }
0x39d: {  	v3 =	vmul.f32 v3, v2;
	_ =	sdelay $0x1  }
0x39e: {  	[tilespmem:v1+s8+$0x0] =	vst.idx.add.f32.msk $0xffff, v3  }
0x39f: {  	v3 =	vld [tilespmem:s0+$0x8800];
	_ =	sdelay $0x4  }
0x3a0: {  	v3 =	vmul.f32 v3, v2;
	_ =	sdelay $0x1  }
0x3a1: {  	[tilespmem:v1+s9+$0x0] =	vst.idx.add.f32.msk $0xffff, v3  }
0x3a2: {  	v3 =	vld [tilespmem:s0+$0x8880];
	_ =	sdelay $0x4  }
0x3a3: {  	v3 =	vmul.f32 v3, v2;
	_ =	sdelay $0x1  }
0x3a4: {  	[tilespmem:v1+s10+$0x0] =	vst.idx.add.f32.msk $0xffff, v3  }
0x3a5: {  	v3 =	vld [tilespmem:s0+$0x8900];
	_ =	sdelay $0x4  }
0x3a6: {  	v3 =	vmul.f32 v3, v2;
	_ =	sdelay $0x1  }
0x3a7: {  	[tilespmem:v1+s11+$0x0] =	vst.idx.add.f32.msk $0xffff, v3  }
0x3a8: {  	v3 =	vld [tilespmem:s0+$0x8980];
	_ =	sdelay $0x4  }
0x3a9: {  	v3 =	vmul.f32 v3, v2;
	_ =	sdelay $0x1  }
0x3aa: {  	[tilespmem:v1+s12+$0x0] =	vst.idx.add.f32.msk $0xffff, v3  }
0x3ab: {  	v3 =	vld [tilespmem:s0+$0x8A00];
	_ =	sdelay $0x4  }
0x3ac: {  	v3 =	vmul.f32 v3, v2;
	_ =	sdelay $0x1  }
0x3ad: {  	[tilespmem:v1+s13+$0x0] =	vst.idx.add.f32.msk $0xffff, v3  }
0x3ae: {  	v3 =	vld [tilespmem:s0+$0x8A80];
	_ =	sdelay $0x4  }
0x3af: {  	v3 =	vmul.f32 v3, v2;
	_ =	sdelay $0x1  }
0x3b0: {  	[tilespmem:v1+s14+$0x0] =	vst.idx.add.f32.msk $0xffff, v3  }
0x3b1: {  	v3 =	vld [tilespmem:s0+$0x8B00];
	_ =	sdelay $0x4  }
0x3b2: {  	v3 =	vmul.f32 v3, v2;
	_ =	sdelay $0x1  }
0x3b3: {  	[tilespmem:v1+s15+$0x0] =	vst.idx.add.f32.msk $0xffff, v3  }
0x3b4: {  	v3 =	vld [tilespmem:s0+$0x8B80];
	_ =	sdelay $0x4  }
0x3b5: {  	v3 =	vmul.f32 v3, v2;
	_ =	sdelay $0x1  }
0x3b6: {  	[tilespmem:v1+s22+$0x0] =	vst.idx.add.f32.msk $0xffff, v3  }
0x3b7: {  	v3 =	vld [tilespmem:s0+$0x9800];
	_ =	sdelay $0x4  }
0x3b8: {  	v3 =	vmul.f32 v3, v2;
	_ =	sdelay $0x1  }
0x3b9: {  	[tilespmem:v1+s23+$0x0] =	vst.idx.add.f32.msk $0xffff, v3  }
0x3ba: {  	v3 =	vld [tilespmem:s0+$0x9880];
	_ =	sdelay $0x4  }
0x3bb: {  	v3 =	vmul.f32 v3, v2;
	_ =	sdelay $0x1  }
0x3bc: {  	[tilespmem:v1+s24+$0x0] =	vst.idx.add.f32.msk $0xffff, v3  }
0x3bd: {  	v3 =	vld [tilespmem:s0+$0x9900];
	_ =	sdelay $0x4  }
0x3be: {  	v3 =	vmul.f32 v3, v2;
	_ =	sdelay $0x1  }
0x3bf: {  	[tilespmem:v1+s20+$0x0] =	vst.idx.add.f32.msk $0xffff, v3  }
0x3c0: {  	v3 =	vld [tilespmem:s0+$0x9980];
	_ =	sdelay $0x4  }
0x3c1: {  	v3 =	vmul.f32 v3, v2;
	_ =	sdelay $0x1  }
0x3c2: {  	[tilespmem:v1+s21+$0x0] =	vst.idx.add.f32.msk $0xffff, v3  }
0x3c3: {  	v3 =	vld [tilespmem:s0+$0x9A00];
	_ =	sdelay $0x4  }
0x3c4: {  	v3 =	vmul.f32 v3, v2;
	_ =	sdelay $0x1  }
0x3c5: {  	[tilespmem:v1+s18+$0x0] =	vst.idx.add.f32.msk $0xffff, v3  }
0x3c6: {  	v3 =	vld [tilespmem:s0+$0x9A80];
	_ =	sdelay $0x4  }
0x3c7: {  	v3 =	vmul.f32 v3, v2;
	_ =	sdelay $0x1  }
0x3c8: {  	[tilespmem:v1+s19+$0x0] =	vst.idx.add.f32.msk $0xffff, v3  }
0x3c9: {  	v3 =	vld [tilespmem:s0+$0x9B00];
	_ =	sdelay $0x4  }
0x3ca: {  	v3 =	vmul.f32 v3, v2;
	_ =	sdelay $0x1  }
0x3cb: {  	[tilespmem:v1+s25+$0x0] =	vst.idx.add.f32.msk $0xffff, v3  }
0x3cc: {  	v3 =	vld [tilespmem:s0+$0x9B80];
	_ =	sdelay $0x4  }
0x3cd: {  	v3 =	vmul.f32 v3, v2  }
0x3ce: {  	s1 =	simm.s32 $0x17000  }
0x3cf: {  	[tilespmem:v1+s1+$0x0] =	vst.idx.add.f32.msk $0xffff, v3  }
0x3d0: {  	v3 =	vld [tilespmem:s0+$0xA800];
	_ =	sdelay $0x4  }
0x3d1: {  	v3 =	vmul.f32 v3, v2;
	_ =	sdelay $0x1  }
0x3d2: {  	[tilespmem:v1+s26+$0x0] =	vst.idx.add.f32.msk $0xffff, v3  }
0x3d3: {  	v3 =	vld [tilespmem:s0+$0xA880];
	_ =	sdelay $0x4  }
0x3d4: {  	v3 =	vmul.f32 v3, v2  }
0x3d5: {  	s1 =	simm.s32 $0x18000  }
0x3d6: {  	[tilespmem:v1+s1+$0x0] =	vst.idx.add.f32.msk $0xffff, v3  }
0x3d7: {  	v3 =	vld [tilespmem:s0+$0xA900];
	_ =	sdelay $0x4  }
0x3d8: {  	v3 =	vmul.f32 v3, v2  }
0x3d9: {  	s1 =	simm.s32 $0x18800  }
0x3da: {  	[tilespmem:v1+s1+$0x0] =	vst.idx.add.f32.msk $0xffff, v3  }
0x3db: {  	v3 =	vld [tilespmem:s0+$0xA980];
	_ =	sdelay $0x4  }
0x3dc: {  	v3 =	vmul.f32 v3, v2  }
0x3dd: {  	s1 =	simm.s32 $0x19000  }
0x3de: {  	[tilespmem:v1+s1+$0x0] =	vst.idx.add.f32.msk $0xffff, v3  }
0x3df: {  	v3 =	vld [tilespmem:s0+$0xAA00];
	_ =	sdelay $0x4  }
0x3e0: {  	v3 =	vmul.f32 v3, v2  }
0x3e1: {  	s1 =	simm.s32 $0x19800  }
0x3e2: {  	[tilespmem:v1+s1+$0x0] =	vst.idx.add.f32.msk $0xffff, v3  }
0x3e3: {  	v3 =	vld [tilespmem:s0+$0xAA80];
	_ =	sdelay $0x4  }
0x3e4: {  	v3 =	vmul.f32 v3, v2  }
0x3e5: {  	s1 =	simm.s32 $0x1A000  }
0x3e6: {  	[tilespmem:v1+s1+$0x0] =	vst.idx.add.f32.msk $0xffff, v3  }
0x3e7: {  	v3 =	vld [tilespmem:s0+$0xAB00];
	_ =	sdelay $0x4  }
0x3e8: {  	v3 =	vmul.f32 v3, v2  }
0x3e9: {  	s1 =	simm.s32 $0x1A800  }
0x3ea: {  	[tilespmem:v1+s1+$0x0] =	vst.idx.add.f32.msk $0xffff, v3  }
0x3eb: {  	v3 =	vld [tilespmem:s0+$0xAB80]  }
.Ltmp5:
0x3ec: {  	(pc) =	sbr.rel @p0 .LBB2_12-.Ltmp5, $2  }
0x3ed: {  	_ =	sdelay $0x2  }
0x3ee: {  	v2 =	vmul.f32 v3, v2  }
0x3ef: {  	_ =	sdelay $0x2  }
0x3f0: {  	s28 =	simm.s32 $0x1000;
	s0 =	rddreg [dreg:$0xb]  }
0x3f1: {  	s1 =	simm.s32 $0x2000;
	s29 =	simm.s32 $0x7800;
	s2 =	simm.s32 $0x4;
	[tilespmem:v1+s16+$0x0] =	vst.idx.add.f32.msk $0xffff, v2  }
0x3f2: {  	[tilespmem:s29], [sflag:$0x5] =	stream.strided.gather [hbm4b:s0+s28], $0x4000, s1, s28, $0x38;
	[tilespmem:$0x1B800] =	vst v63  }
0x3f3: {  	_ =	swait.ge [sflag:s2], $0x4000  }
0x3f4: {  	[sflag:s2] =	ssyncset.done $0x0  }
0x3f5: {  	s30 =	simm.s32 $0x3000;
	s29 =	simm.s32 $0x0;
	[sflag:s2] =	ssyncadd.s32 $0xFFFFC000  }
0x3f6: {  	s1 =	sand.u32 $0x70, s29;
	s2 =	sand.u32 $0xC00, s29;
	v2 =	vld [tilespmem:s30+$0x0]  }
0x3f7: {  	v1 =	vld [tilespmem:s28+$0x0];
	s0 =	sor.u32 s1, s2  }
0x3f8: {  	v3 =	vld [tilespmem:s0+$0x3800];
	_ =	sdelay $0x4  }
0x3f9: {  	v3 =	vmul.f32 v3, v2  }
0x3fa: {  	s2 =	simm.s32 $0xB800  }
0x3fb: {  	[tilespmem:v1+s2+$0x0] =	vst.idx.add.f32.msk $0xffff, v3  }
0x3fc: {  	v3 =	vld [tilespmem:s0+$0x3880];
	_ =	sdelay $0x4  }
0x3fd: {  	v3 =	vmul.f32 v3, v2;
	_ =	sdelay $0x1  }
0x3fe: {  	[tilespmem:v1+s17+$0x0] =	vst.idx.add.f32.msk $0xffff, v3  }
0x3ff: {  	v3 =	vld [tilespmem:s0+$0x3900];
	_ =	sdelay $0x4  }
0x400: {  	v3 =	vmul.f32 v3, v2;
	_ =	sdelay $0x1  }
0x401: {  	[tilespmem:v1+s3+$0x0] =	vst.idx.add.f32.msk $0xffff, v3  }
0x402: {  	v3 =	vld [tilespmem:s0+$0x3980];
	_ =	sdelay $0x4  }
0x403: {  	v3 =	vmul.f32 v3, v2;
	_ =	sdelay $0x1  }
0x404: {  	[tilespmem:v1+s4+$0x0] =	vst.idx.add.f32.msk $0xffff, v3  }
0x405: {  	v3 =	vld [tilespmem:s0+$0x3A00];
	_ =	sdelay $0x4  }
0x406: {  	v3 =	vmul.f32 v3, v2;
	_ =	sdelay $0x1  }
0x407: {  	[tilespmem:v1+s5+$0x0] =	vst.idx.add.f32.msk $0xffff, v3  }
0x408: {  	v3 =	vld [tilespmem:s0+$0x3A80];
	_ =	sdelay $0x4  }
0x409: {  	v3 =	vmul.f32 v3, v2;
	_ =	sdelay $0x1  }
0x40a: {  	[tilespmem:v1+s6+$0x0] =	vst.idx.add.f32.msk $0xffff, v3  }
0x40b: {  	v3 =	vld [tilespmem:s0+$0x3B00];
	_ =	sdelay $0x4  }
0x40c: {  	v3 =	vmul.f32 v3, v2  }
0x40d: {  	s2 =	sor.u32 s29, s29  }
0x40e: {  	s1 =	sor.u32 $0x380, s2;
	[tilespmem:v1+s7+$0x0] =	vst.idx.add.f32.msk $0xffff, v3  }
0x40f: {  	v3 =	vld [tilespmem:s1+$0x3800];
	_ =	sdelay $0x4  }
0x410: {  	v3 =	vmul.f32 v3, v2;
	_ =	sdelay $0x1  }
0x411: {  	[tilespmem:v1+s8+$0x0] =	vst.idx.add.f32.msk $0xffff, v3  }
0x412: {  	v3 =	vld [tilespmem:s0+$0x4800];
	_ =	sdelay $0x4  }
0x413: {  	v3 =	vmul.f32 v3, v2;
	_ =	sdelay $0x1  }
0x414: {  	[tilespmem:v1+s9+$0x0] =	vst.idx.add.f32.msk $0xffff, v3  }
0x415: {  	v3 =	vld [tilespmem:s0+$0x4880];
	_ =	sdelay $0x4  }
0x416: {  	v3 =	vmul.f32 v3, v2;
	_ =	sdelay $0x1  }
0x417: {  	[tilespmem:v1+s10+$0x0] =	vst.idx.add.f32.msk $0xffff, v3  }
0x418: {  	v3 =	vld [tilespmem:s0+$0x4900];
	_ =	sdelay $0x4  }
0x419: {  	v3 =	vmul.f32 v3, v2;
	_ =	sdelay $0x1  }
0x41a: {  	[tilespmem:v1+s11+$0x0] =	vst.idx.add.f32.msk $0xffff, v3  }
0x41b: {  	v3 =	vld [tilespmem:s0+$0x4980];
	_ =	sdelay $0x4  }
0x41c: {  	v3 =	vmul.f32 v3, v2;
	_ =	sdelay $0x1  }
0x41d: {  	[tilespmem:v1+s12+$0x0] =	vst.idx.add.f32.msk $0xffff, v3  }
0x41e: {  	v3 =	vld [tilespmem:s0+$0x4A00];
	_ =	sdelay $0x4  }
0x41f: {  	v3 =	vmul.f32 v3, v2;
	_ =	sdelay $0x1  }
0x420: {  	[tilespmem:v1+s13+$0x0] =	vst.idx.add.f32.msk $0xffff, v3  }
0x421: {  	v3 =	vld [tilespmem:s0+$0x4A80];
	_ =	sdelay $0x4  }
0x422: {  	v3 =	vmul.f32 v3, v2;
	_ =	sdelay $0x1  }
0x423: {  	[tilespmem:v1+s14+$0x0] =	vst.idx.add.f32.msk $0xffff, v3  }
0x424: {  	v3 =	vld [tilespmem:s0+$0x4B00];
	_ =	sdelay $0x4  }
0x425: {  	v3 =	vmul.f32 v3, v2;
	_ =	sdelay $0x1  }
0x426: {  	[tilespmem:v1+s15+$0x0] =	vst.idx.add.f32.msk $0xffff, v3  }
0x427: {  	v3 =	vld [tilespmem:s0+$0x4B80];
	_ =	sdelay $0x4  }
0x428: {  	v3 =	vmul.f32 v3, v2;
	_ =	sdelay $0x1  }
0x429: {  	[tilespmem:v1+s22+$0x0] =	vst.idx.add.f32.msk $0xffff, v3  }
0x42a: {  	v3 =	vld [tilespmem:s0+$0x5800];
	_ =	sdelay $0x4  }
0x42b: {  	v3 =	vmul.f32 v3, v2;
	_ =	sdelay $0x1  }
0x42c: {  	[tilespmem:v1+s23+$0x0] =	vst.idx.add.f32.msk $0xffff, v3  }
0x42d: {  	v3 =	vld [tilespmem:s0+$0x5880];
	_ =	sdelay $0x4  }
0x42e: {  	v3 =	vmul.f32 v3, v2;
	_ =	sdelay $0x1  }
0x42f: {  	[tilespmem:v1+s24+$0x0] =	vst.idx.add.f32.msk $0xffff, v3  }
0x430: {  	v3 =	vld [tilespmem:s0+$0x5900];
	_ =	sdelay $0x4  }
0x431: {  	v3 =	vmul.f32 v3, v2;
	_ =	sdelay $0x1  }
0x432: {  	[tilespmem:v1+s20+$0x0] =	vst.idx.add.f32.msk $0xffff, v3  }
0x433: {  	v3 =	vld [tilespmem:s0+$0x5980];
	_ =	sdelay $0x4  }
0x434: {  	v3 =	vmul.f32 v3, v2;
	_ =	sdelay $0x1  }
0x435: {  	[tilespmem:v1+s21+$0x0] =	vst.idx.add.f32.msk $0xffff, v3  }
0x436: {  	v3 =	vld [tilespmem:s0+$0x5A00];
	_ =	sdelay $0x4  }
0x437: {  	v3 =	vmul.f32 v3, v2;
	_ =	sdelay $0x1  }
0x438: {  	[tilespmem:v1+s18+$0x0] =	vst.idx.add.f32.msk $0xffff, v3  }
0x439: {  	v3 =	vld [tilespmem:s0+$0x5A80];
	_ =	sdelay $0x4  }
0x43a: {  	v3 =	vmul.f32 v3, v2;
	_ =	sdelay $0x1  }
0x43b: {  	[tilespmem:v1+s19+$0x0] =	vst.idx.add.f32.msk $0xffff, v3  }
0x43c: {  	v3 =	vld [tilespmem:s0+$0x5B00];
	_ =	sdelay $0x4  }
0x43d: {  	v3 =	vmul.f32 v3, v2;
	_ =	sdelay $0x1  }
0x43e: {  	[tilespmem:v1+s25+$0x0] =	vst.idx.add.f32.msk $0xffff, v3  }
0x43f: {  	v3 =	vld [tilespmem:s0+$0x5B80];
	_ =	sdelay $0x4  }
0x440: {  	v3 =	vmul.f32 v3, v2  }
0x441: {  	s2 =	simm.s32 $0x17000  }
0x442: {  	[tilespmem:v1+s2+$0x0] =	vst.idx.add.f32.msk $0xffff, v3  }
0x443: {  	v3 =	vld [tilespmem:s0+$0x6800];
	_ =	sdelay $0x4  }
0x444: {  	v3 =	vmul.f32 v3, v2;
	_ =	sdelay $0x1  }
0x445: {  	[tilespmem:v1+s26+$0x0] =	vst.idx.add.f32.msk $0xffff, v3  }
0x446: {  	v3 =	vld [tilespmem:s0+$0x6880];
	_ =	sdelay $0x4  }
0x447: {  	v3 =	vmul.f32 v3, v2  }
0x448: {  	s2 =	simm.s32 $0x18000  }
0x449: {  	[tilespmem:v1+s2+$0x0] =	vst.idx.add.f32.msk $0xffff, v3  }
0x44a: {  	v3 =	vld [tilespmem:s0+$0x6900];
	_ =	sdelay $0x4  }
0x44b: {  	v3 =	vmul.f32 v3, v2  }
0x44c: {  	s2 =	simm.s32 $0x18800  }
0x44d: {  	[tilespmem:v1+s2+$0x0] =	vst.idx.add.f32.msk $0xffff, v3  }
0x44e: {  	v3 =	vld [tilespmem:s0+$0x6980];
	_ =	sdelay $0x4  }
0x44f: {  	v3 =	vmul.f32 v3, v2  }
0x450: {  	s2 =	simm.s32 $0x19000  }
0x451: {  	[tilespmem:v1+s2+$0x0] =	vst.idx.add.f32.msk $0xffff, v3  }
0x452: {  	v3 =	vld [tilespmem:s0+$0x6A00];
	_ =	sdelay $0x4  }
0x453: {  	v3 =	vmul.f32 v3, v2  }
0x454: {  	s2 =	simm.s32 $0x19800  }
0x455: {  	[tilespmem:v1+s2+$0x0] =	vst.idx.add.f32.msk $0xffff, v3  }
0x456: {  	v3 =	vld [tilespmem:s0+$0x6A80];
	_ =	sdelay $0x4  }
0x457: {  	v3 =	vmul.f32 v3, v2  }
0x458: {  	s2 =	simm.s32 $0x1A000  }
0x459: {  	[tilespmem:v1+s2+$0x0] =	vst.idx.add.f32.msk $0xffff, v3  }
0x45a: {  	v3 =	vld [tilespmem:s0+$0x6B00];
	_ =	sdelay $0x4  }
0x45b: {  	v3 =	vmul.f32 v3, v2  }
0x45c: {  	s2 =	simm.s32 $0x1A800  }
0x45d: {  	[tilespmem:v1+s2+$0x0] =	vst.idx.add.f32.msk $0xffff, v3  }
0x45e: {  	v3 =	vld [tilespmem:s0+$0x6B80];
	_ =	sdelay $0x4  }
0x45f: {  	s31 =	simm.s32 $0x10;
	v2 =	vmul.f32 v3, v2  }
.LBB2_14:
0x460: {  	_ = 	snop  }
0x461: {  	s29 =	sadd.s32 $0x80, s29;
	s30 =	sadd.s32 $0x10, s30;
	s28 =	sadd.s32 $0x10, s28;
	[tilespmem:v1+s16+$0x0] =	vst.idx.add.f32.msk $0xffff, v2  }
0x462: {  	s0 =	sand.u32 $0x70, s31;
	p0 =	sne.s32 s31, $0x1F0;
	s1 =	sand.u32 $0xC00, s29;
	v2 =	vld [tilespmem:s30+$0x0]  }
0x463: {  	s0 =	sor.u32 s0, s1;
	s1 =	smov.u32 s31;
	s31 =	sadd.s32 $0x10, s31;
	v1 =	vld [tilespmem:s28+$0x0]  }
0x464: {  	v3 =	vld [tilespmem:s0+$0x3800];
	_ =	sdelay $0x4  }
0x465: {  	v3 =	vmul.f32 v3, v2  }
0x466: {  	s2 =	simm.s32 $0xB800  }
0x467: {  	[tilespmem:v1+s2+$0x0] =	vst.idx.add.f32.msk $0xffff, v3  }
0x468: {  	v3 =	vld [tilespmem:s0+$0x3880];
	_ =	sdelay $0x4  }
0x469: {  	v3 =	vmul.f32 v3, v2;
	_ =	sdelay $0x1  }
0x46a: {  	[tilespmem:v1+s17+$0x0] =	vst.idx.add.f32.msk $0xffff, v3  }
0x46b: {  	v3 =	vld [tilespmem:s0+$0x3900];
	_ =	sdelay $0x4  }
0x46c: {  	v3 =	vmul.f32 v3, v2;
	_ =	sdelay $0x1  }
0x46d: {  	[tilespmem:v1+s3+$0x0] =	vst.idx.add.f32.msk $0xffff, v3  }
0x46e: {  	v3 =	vld [tilespmem:s0+$0x3980];
	_ =	sdelay $0x4  }
0x46f: {  	v3 =	vmul.f32 v3, v2;
	_ =	sdelay $0x1  }
0x470: {  	[tilespmem:v1+s4+$0x0] =	vst.idx.add.f32.msk $0xffff, v3  }
0x471: {  	v3 =	vld [tilespmem:s0+$0x3A00];
	_ =	sdelay $0x4  }
0x472: {  	v3 =	vmul.f32 v3, v2;
	_ =	sdelay $0x1  }
0x473: {  	[tilespmem:v1+s5+$0x0] =	vst.idx.add.f32.msk $0xffff, v3  }
0x474: {  	v3 =	vld [tilespmem:s0+$0x3A80];
	_ =	sdelay $0x4  }
0x475: {  	v3 =	vmul.f32 v3, v2;
	_ =	sdelay $0x1  }
0x476: {  	[tilespmem:v1+s6+$0x0] =	vst.idx.add.f32.msk $0xffff, v3  }
0x477: {  	v3 =	vld [tilespmem:s0+$0x3B00];
	_ =	sdelay $0x4  }
0x478: {  	v3 =	vmul.f32 v3, v2  }
0x479: {  	s1 =	sor.u32 s29, s1  }
0x47a: {  	s1 =	sor.u32 $0x380, s1;
	[tilespmem:v1+s7+$0x0] =	vst.idx.add.f32.msk $0xffff, v3  }
0x47b: {  	v3 =	vld [tilespmem:s1+$0x3800];
	_ =	sdelay $0x4  }
0x47c: {  	v3 =	vmul.f32 v3, v2;
	_ =	sdelay $0x1  }
0x47d: {  	[tilespmem:v1+s8+$0x0] =	vst.idx.add.f32.msk $0xffff, v3  }
0x47e: {  	v3 =	vld [tilespmem:s0+$0x4800];
	_ =	sdelay $0x4  }
0x47f: {  	v3 =	vmul.f32 v3, v2;
	_ =	sdelay $0x1  }
0x480: {  	[tilespmem:v1+s9+$0x0] =	vst.idx.add.f32.msk $0xffff, v3  }
0x481: {  	v3 =	vld [tilespmem:s0+$0x4880];
	_ =	sdelay $0x4  }
0x482: {  	v3 =	vmul.f32 v3, v2;
	_ =	sdelay $0x1  }
0x483: {  	[tilespmem:v1+s10+$0x0] =	vst.idx.add.f32.msk $0xffff, v3  }
0x484: {  	v3 =	vld [tilespmem:s0+$0x4900];
	_ =	sdelay $0x4  }
0x485: {  	v3 =	vmul.f32 v3, v2;
	_ =	sdelay $0x1  }
0x486: {  	[tilespmem:v1+s11+$0x0] =	vst.idx.add.f32.msk $0xffff, v3  }
0x487: {  	v3 =	vld [tilespmem:s0+$0x4980];
	_ =	sdelay $0x4  }
0x488: {  	v3 =	vmul.f32 v3, v2;
	_ =	sdelay $0x1  }
0x489: {  	[tilespmem:v1+s12+$0x0] =	vst.idx.add.f32.msk $0xffff, v3  }
0x48a: {  	v3 =	vld [tilespmem:s0+$0x4A00];
	_ =	sdelay $0x4  }
0x48b: {  	v3 =	vmul.f32 v3, v2;
	_ =	sdelay $0x1  }
0x48c: {  	[tilespmem:v1+s13+$0x0] =	vst.idx.add.f32.msk $0xffff, v3  }
0x48d: {  	v3 =	vld [tilespmem:s0+$0x4A80];
	_ =	sdelay $0x4  }
0x48e: {  	v3 =	vmul.f32 v3, v2;
	_ =	sdelay $0x1  }
0x48f: {  	[tilespmem:v1+s14+$0x0] =	vst.idx.add.f32.msk $0xffff, v3  }
0x490: {  	v3 =	vld [tilespmem:s0+$0x4B00];
	_ =	sdelay $0x4  }
0x491: {  	v3 =	vmul.f32 v3, v2;
	_ =	sdelay $0x1  }
0x492: {  	[tilespmem:v1+s15+$0x0] =	vst.idx.add.f32.msk $0xffff, v3  }
0x493: {  	v3 =	vld [tilespmem:s0+$0x4B80];
	_ =	sdelay $0x4  }
0x494: {  	v3 =	vmul.f32 v3, v2;
	_ =	sdelay $0x1  }
0x495: {  	[tilespmem:v1+s22+$0x0] =	vst.idx.add.f32.msk $0xffff, v3  }
0x496: {  	v3 =	vld [tilespmem:s0+$0x5800];
	_ =	sdelay $0x4  }
0x497: {  	v3 =	vmul.f32 v3, v2;
	_ =	sdelay $0x1  }
0x498: {  	[tilespmem:v1+s23+$0x0] =	vst.idx.add.f32.msk $0xffff, v3  }
0x499: {  	v3 =	vld [tilespmem:s0+$0x5880];
	_ =	sdelay $0x4  }
0x49a: {  	v3 =	vmul.f32 v3, v2;
	_ =	sdelay $0x1  }
0x49b: {  	[tilespmem:v1+s24+$0x0] =	vst.idx.add.f32.msk $0xffff, v3  }
0x49c: {  	v3 =	vld [tilespmem:s0+$0x5900];
	_ =	sdelay $0x4  }
0x49d: {  	v3 =	vmul.f32 v3, v2;
	_ =	sdelay $0x1  }
0x49e: {  	[tilespmem:v1+s20+$0x0] =	vst.idx.add.f32.msk $0xffff, v3  }
0x49f: {  	v3 =	vld [tilespmem:s0+$0x5980];
	_ =	sdelay $0x4  }
0x4a0: {  	v3 =	vmul.f32 v3, v2;
	_ =	sdelay $0x1  }
0x4a1: {  	[tilespmem:v1+s21+$0x0] =	vst.idx.add.f32.msk $0xffff, v3  }
0x4a2: {  	v3 =	vld [tilespmem:s0+$0x5A00];
	_ =	sdelay $0x4  }
0x4a3: {  	v3 =	vmul.f32 v3, v2;
	_ =	sdelay $0x1  }
0x4a4: {  	[tilespmem:v1+s18+$0x0] =	vst.idx.add.f32.msk $0xffff, v3  }
0x4a5: {  	v3 =	vld [tilespmem:s0+$0x5A80];
	_ =	sdelay $0x4  }
0x4a6: {  	v3 =	vmul.f32 v3, v2;
	_ =	sdelay $0x1  }
0x4a7: {  	[tilespmem:v1+s19+$0x0] =	vst.idx.add.f32.msk $0xffff, v3  }
0x4a8: {  	v3 =	vld [tilespmem:s0+$0x5B00];
	_ =	sdelay $0x4  }
0x4a9: {  	v3 =	vmul.f32 v3, v2;
	_ =	sdelay $0x1  }
0x4aa: {  	[tilespmem:v1+s25+$0x0] =	vst.idx.add.f32.msk $0xffff, v3  }
0x4ab: {  	v3 =	vld [tilespmem:s0+$0x5B80];
	_ =	sdelay $0x4  }
0x4ac: {  	v3 =	vmul.f32 v3, v2  }
0x4ad: {  	s1 =	simm.s32 $0x17000  }
0x4ae: {  	[tilespmem:v1+s1+$0x0] =	vst.idx.add.f32.msk $0xffff, v3  }
0x4af: {  	v3 =	vld [tilespmem:s0+$0x6800];
	_ =	sdelay $0x4  }
0x4b0: {  	v3 =	vmul.f32 v3, v2;
	_ =	sdelay $0x1  }
0x4b1: {  	[tilespmem:v1+s26+$0x0] =	vst.idx.add.f32.msk $0xffff, v3  }
0x4b2: {  	v3 =	vld [tilespmem:s0+$0x6880];
	_ =	sdelay $0x4  }
0x4b3: {  	v3 =	vmul.f32 v3, v2  }
0x4b4: {  	s1 =	simm.s32 $0x18000  }
0x4b5: {  	[tilespmem:v1+s1+$0x0] =	vst.idx.add.f32.msk $0xffff, v3  }
0x4b6: {  	v3 =	vld [tilespmem:s0+$0x6900];
	_ =	sdelay $0x4  }
0x4b7: {  	v3 =	vmul.f32 v3, v2  }
0x4b8: {  	s1 =	simm.s32 $0x18800  }
0x4b9: {  	[tilespmem:v1+s1+$0x0] =	vst.idx.add.f32.msk $0xffff, v3  }
0x4ba: {  	v3 =	vld [tilespmem:s0+$0x6980];
	_ =	sdelay $0x4  }
0x4bb: {  	v3 =	vmul.f32 v3, v2  }
0x4bc: {  	s1 =	simm.s32 $0x19000  }
0x4bd: {  	[tilespmem:v1+s1+$0x0] =	vst.idx.add.f32.msk $0xffff, v3  }
0x4be: {  	v3 =	vld [tilespmem:s0+$0x6A00];
	_ =	sdelay $0x4  }
0x4bf: {  	v3 =	vmul.f32 v3, v2  }
0x4c0: {  	s1 =	simm.s32 $0x19800  }
0x4c1: {  	[tilespmem:v1+s1+$0x0] =	vst.idx.add.f32.msk $0xffff, v3  }
0x4c2: {  	v3 =	vld [tilespmem:s0+$0x6A80];
	_ =	sdelay $0x4  }
0x4c3: {  	v3 =	vmul.f32 v3, v2  }
0x4c4: {  	s1 =	simm.s32 $0x1A000  }
0x4c5: {  	[tilespmem:v1+s1+$0x0] =	vst.idx.add.f32.msk $0xffff, v3  }
0x4c6: {  	v3 =	vld [tilespmem:s0+$0x6B00];
	_ =	sdelay $0x4  }
0x4c7: {  	v3 =	vmul.f32 v3, v2  }
0x4c8: {  	s1 =	simm.s32 $0x1A800  }
0x4c9: {  	[tilespmem:v1+s1+$0x0] =	vst.idx.add.f32.msk $0xffff, v3  }
0x4ca: {  	v3 =	vld [tilespmem:s0+$0x6B80]  }
.Ltmp6:
0x4cb: {  	(pc) =	sbr.rel @p0 .LBB2_14-.Ltmp6, $2  }
0x4cc: {  	_ =	sdelay $0x2  }
0x4cd: {  	v2 =	vmul.f32 v3, v2  }
0x4ce: {  	_ =	sdelay $0x2  }
0x4cf: {  	s0 =	rddreg [dreg:$0xc];
	s1 =	simm.s32 $0x1000  }
0x4d0: {  	s28 =	simm.s32 $0x2000;
	s29 =	simm.s32 $0x3800;
	s2 =	simm.s32 $0x5;
	[tilespmem:v1+s16+$0x0] =	vst.idx.add.f32.msk $0xffff, v2  }
0x4d1: {  	[tilespmem:s29], [sflag:$0x4] =	stream.strided.gather [hbm4b:s0+s1], $0x4000, s28, s1, $0x38;
	[tilespmem:$0x1B800] =	vst v63  }
0x4d2: {  	_ =	swait.ge [sflag:s2], $0x4000  }
0x4d3: {  	[sflag:s2] =	ssyncset.done $0x0  }
0x4d4: {  	s28 =	simm.s32 $0x0;
	s29 =	simm.s32 $0x3200;
	[sflag:s2] =	ssyncadd.s32 $0xFFFFC000  }
0x4d5: {  	s30 =	simm.s32 $0x1200;
	s1 =	sand.u32 $0x70, s28;
	s2 =	sand.u32 $0xC00, s28;
	v2 =	vld [tilespmem:s29+$0x0]  }
0x4d6: {  	v1 =	vld [tilespmem:s30+$0x0];
	s0 =	sor.u32 s1, s2  }
0x4d7: {  	v3 =	vld [tilespmem:s0+$0x7800];
	_ =	sdelay $0x4  }
0x4d8: {  	v3 =	vmul.f32 v3, v2  }
0x4d9: {  	s2 =	simm.s32 $0xB800  }
0x4da: {  	[tilespmem:v1+s2+$0x0] =	vst.idx.add.f32.msk $0xffff, v3  }
0x4db: {  	v3 =	vld [tilespmem:s0+$0x7880];
	_ =	sdelay $0x4  }
0x4dc: {  	v3 =	vmul.f32 v3, v2;
	_ =	sdelay $0x1  }
0x4dd: {  	[tilespmem:v1+s17+$0x0] =	vst.idx.add.f32.msk $0xffff, v3  }
0x4de: {  	v3 =	vld [tilespmem:s0+$0x7900];
	_ =	sdelay $0x4  }
0x4df: {  	v3 =	vmul.f32 v3, v2;
	_ =	sdelay $0x1  }
0x4e0: {  	[tilespmem:v1+s3+$0x0] =	vst.idx.add.f32.msk $0xffff, v3  }
0x4e1: {  	v3 =	vld [tilespmem:s0+$0x7980];
	_ =	sdelay $0x4  }
0x4e2: {  	v3 =	vmul.f32 v3, v2;
	_ =	sdelay $0x1  }
0x4e3: {  	[tilespmem:v1+s4+$0x0] =	vst.idx.add.f32.msk $0xffff, v3  }
0x4e4: {  	v3 =	vld [tilespmem:s0+$0x7A00];
	_ =	sdelay $0x4  }
0x4e5: {  	v3 =	vmul.f32 v3, v2;
	_ =	sdelay $0x1  }
0x4e6: {  	[tilespmem:v1+s5+$0x0] =	vst.idx.add.f32.msk $0xffff, v3  }
0x4e7: {  	v3 =	vld [tilespmem:s0+$0x7A80];
	_ =	sdelay $0x4  }
0x4e8: {  	v3 =	vmul.f32 v3, v2;
	_ =	sdelay $0x1  }
0x4e9: {  	[tilespmem:v1+s6+$0x0] =	vst.idx.add.f32.msk $0xffff, v3  }
0x4ea: {  	v3 =	vld [tilespmem:s0+$0x7B00];
	_ =	sdelay $0x4  }
0x4eb: {  	v3 =	vmul.f32 v3, v2  }
0x4ec: {  	s2 =	sor.u32 s28, s28  }
0x4ed: {  	s1 =	sor.u32 $0x380, s2;
	[tilespmem:v1+s7+$0x0] =	vst.idx.add.f32.msk $0xffff, v3  }
0x4ee: {  	v3 =	vld [tilespmem:s1+$0x7800];
	_ =	sdelay $0x4  }
0x4ef: {  	v3 =	vmul.f32 v3, v2;
	_ =	sdelay $0x1  }
0x4f0: {  	[tilespmem:v1+s8+$0x0] =	vst.idx.add.f32.msk $0xffff, v3  }
0x4f1: {  	v3 =	vld [tilespmem:s0+$0x8800];
	_ =	sdelay $0x4  }
0x4f2: {  	v3 =	vmul.f32 v3, v2;
	_ =	sdelay $0x1  }
0x4f3: {  	[tilespmem:v1+s9+$0x0] =	vst.idx.add.f32.msk $0xffff, v3  }
0x4f4: {  	v3 =	vld [tilespmem:s0+$0x8880];
	_ =	sdelay $0x4  }
0x4f5: {  	v3 =	vmul.f32 v3, v2;
	_ =	sdelay $0x1  }
0x4f6: {  	[tilespmem:v1+s10+$0x0] =	vst.idx.add.f32.msk $0xffff, v3  }
0x4f7: {  	v3 =	vld [tilespmem:s0+$0x8900];
	_ =	sdelay $0x4  }
0x4f8: {  	v3 =	vmul.f32 v3, v2;
	_ =	sdelay $0x1  }
0x4f9: {  	[tilespmem:v1+s11+$0x0] =	vst.idx.add.f32.msk $0xffff, v3  }
0x4fa: {  	v3 =	vld [tilespmem:s0+$0x8980];
	_ =	sdelay $0x4  }
0x4fb: {  	v3 =	vmul.f32 v3, v2;
	_ =	sdelay $0x1  }
0x4fc: {  	[tilespmem:v1+s12+$0x0] =	vst.idx.add.f32.msk $0xffff, v3  }
0x4fd: {  	v3 =	vld [tilespmem:s0+$0x8A00];
	_ =	sdelay $0x4  }
0x4fe: {  	v3 =	vmul.f32 v3, v2;
	_ =	sdelay $0x1  }
0x4ff: {  	[tilespmem:v1+s13+$0x0] =	vst.idx.add.f32.msk $0xffff, v3  }
0x500: {  	v3 =	vld [tilespmem:s0+$0x8A80];
	_ =	sdelay $0x4  }
0x501: {  	v3 =	vmul.f32 v3, v2;
	_ =	sdelay $0x1  }
0x502: {  	[tilespmem:v1+s14+$0x0] =	vst.idx.add.f32.msk $0xffff, v3  }
0x503: {  	v3 =	vld [tilespmem:s0+$0x8B00];
	_ =	sdelay $0x4  }
0x504: {  	v3 =	vmul.f32 v3, v2;
	_ =	sdelay $0x1  }
0x505: {  	[tilespmem:v1+s15+$0x0] =	vst.idx.add.f32.msk $0xffff, v3  }
0x506: {  	v3 =	vld [tilespmem:s0+$0x8B80];
	_ =	sdelay $0x4  }
0x507: {  	v3 =	vmul.f32 v3, v2;
	_ =	sdelay $0x1  }
0x508: {  	[tilespmem:v1+s22+$0x0] =	vst.idx.add.f32.msk $0xffff, v3  }
0x509: {  	v3 =	vld [tilespmem:s0+$0x9800];
	_ =	sdelay $0x4  }
0x50a: {  	v3 =	vmul.f32 v3, v2;
	_ =	sdelay $0x1  }
0x50b: {  	[tilespmem:v1+s23+$0x0] =	vst.idx.add.f32.msk $0xffff, v3  }
0x50c: {  	v3 =	vld [tilespmem:s0+$0x9880];
	_ =	sdelay $0x4  }
0x50d: {  	v3 =	vmul.f32 v3, v2;
	_ =	sdelay $0x1  }
0x50e: {  	[tilespmem:v1+s24+$0x0] =	vst.idx.add.f32.msk $0xffff, v3  }
0x50f: {  	v3 =	vld [tilespmem:s0+$0x9900];
	_ =	sdelay $0x4  }
0x510: {  	v3 =	vmul.f32 v3, v2;
	_ =	sdelay $0x1  }
0x511: {  	[tilespmem:v1+s20+$0x0] =	vst.idx.add.f32.msk $0xffff, v3  }
0x512: {  	v3 =	vld [tilespmem:s0+$0x9980];
	_ =	sdelay $0x4  }
0x513: {  	v3 =	vmul.f32 v3, v2;
	_ =	sdelay $0x1  }
0x514: {  	[tilespmem:v1+s21+$0x0] =	vst.idx.add.f32.msk $0xffff, v3  }
0x515: {  	v3 =	vld [tilespmem:s0+$0x9A00];
	_ =	sdelay $0x4  }
0x516: {  	v3 =	vmul.f32 v3, v2;
	_ =	sdelay $0x1  }
0x517: {  	[tilespmem:v1+s18+$0x0] =	vst.idx.add.f32.msk $0xffff, v3  }
0x518: {  	v3 =	vld [tilespmem:s0+$0x9A80];
	_ =	sdelay $0x4  }
0x519: {  	v3 =	vmul.f32 v3, v2;
	_ =	sdelay $0x1  }
0x51a: {  	[tilespmem:v1+s19+$0x0] =	vst.idx.add.f32.msk $0xffff, v3  }
0x51b: {  	v3 =	vld [tilespmem:s0+$0x9B00];
	_ =	sdelay $0x4  }
0x51c: {  	v3 =	vmul.f32 v3, v2;
	_ =	sdelay $0x1  }
0x51d: {  	[tilespmem:v1+s25+$0x0] =	vst.idx.add.f32.msk $0xffff, v3  }
0x51e: {  	v3 =	vld [tilespmem:s0+$0x9B80];
	_ =	sdelay $0x4  }
0x51f: {  	v3 =	vmul.f32 v3, v2  }
0x520: {  	s2 =	simm.s32 $0x17000  }
0x521: {  	[tilespmem:v1+s2+$0x0] =	vst.idx.add.f32.msk $0xffff, v3  }
0x522: {  	v3 =	vld [tilespmem:s0+$0xA800];
	_ =	sdelay $0x4  }
0x523: {  	v3 =	vmul.f32 v3, v2;
	_ =	sdelay $0x1  }
0x524: {  	[tilespmem:v1+s26+$0x0] =	vst.idx.add.f32.msk $0xffff, v3  }
0x525: {  	v3 =	vld [tilespmem:s0+$0xA880];
	_ =	sdelay $0x4  }
0x526: {  	v3 =	vmul.f32 v3, v2  }
0x527: {  	s2 =	simm.s32 $0x18000  }
0x528: {  	[tilespmem:v1+s2+$0x0] =	vst.idx.add.f32.msk $0xffff, v3  }
0x529: {  	v3 =	vld [tilespmem:s0+$0xA900];
	_ =	sdelay $0x4  }
0x52a: {  	v3 =	vmul.f32 v3, v2  }
0x52b: {  	s2 =	simm.s32 $0x18800  }
0x52c: {  	[tilespmem:v1+s2+$0x0] =	vst.idx.add.f32.msk $0xffff, v3  }
0x52d: {  	v3 =	vld [tilespmem:s0+$0xA980];
	_ =	sdelay $0x4  }
0x52e: {  	v3 =	vmul.f32 v3, v2  }
0x52f: {  	s2 =	simm.s32 $0x19000  }
0x530: {  	[tilespmem:v1+s2+$0x0] =	vst.idx.add.f32.msk $0xffff, v3  }
0x531: {  	v3 =	vld [tilespmem:s0+$0xAA00];
	_ =	sdelay $0x4  }
0x532: {  	v3 =	vmul.f32 v3, v2  }
0x533: {  	s2 =	simm.s32 $0x19800  }
0x534: {  	[tilespmem:v1+s2+$0x0] =	vst.idx.add.f32.msk $0xffff, v3  }
0x535: {  	v3 =	vld [tilespmem:s0+$0xAA80];
	_ =	sdelay $0x4  }
0x536: {  	v3 =	vmul.f32 v3, v2  }
0x537: {  	s2 =	simm.s32 $0x1A000  }
0x538: {  	[tilespmem:v1+s2+$0x0] =	vst.idx.add.f32.msk $0xffff, v3  }
0x539: {  	v3 =	vld [tilespmem:s0+$0xAB00];
	_ =	sdelay $0x4  }
0x53a: {  	v3 =	vmul.f32 v3, v2  }
0x53b: {  	s2 =	simm.s32 $0x1A800  }
0x53c: {  	[tilespmem:v1+s2+$0x0] =	vst.idx.add.f32.msk $0xffff, v3  }
0x53d: {  	v3 =	vld [tilespmem:s0+$0xAB80];
	_ =	sdelay $0x4  }
0x53e: {  	s31 =	simm.s32 $0x10;
	v2 =	vmul.f32 v3, v2  }
.LBB2_16:
0x53f: {  	_ = 	snop  }
0x540: {  	s28 =	sadd.s32 $0x80, s28;
	s29 =	sadd.s32 $0x10, s29;
	s30 =	sadd.s32 $0x10, s30;
	[tilespmem:v1+s16+$0x0] =	vst.idx.add.f32.msk $0xffff, v2  }
0x541: {  	s0 =	sand.u32 $0x70, s31;
	p0 =	sne.s32 s31, $0x1F0;
	s1 =	sand.u32 $0xC00, s28;
	v2 =	vld [tilespmem:s29+$0x0]  }
0x542: {  	s0 =	sor.u32 s0, s1;
	s1 =	smov.u32 s31;
	s31 =	sadd.s32 $0x10, s31;
	v1 =	vld [tilespmem:s30+$0x0]  }
0x543: {  	v3 =	vld [tilespmem:s0+$0x7800];
	_ =	sdelay $0x4  }
0x544: {  	v3 =	vmul.f32 v3, v2  }
0x545: {  	s2 =	simm.s32 $0xB800  }
0x546: {  	[tilespmem:v1+s2+$0x0] =	vst.idx.add.f32.msk $0xffff, v3  }
0x547: {  	v3 =	vld [tilespmem:s0+$0x7880];
	_ =	sdelay $0x4  }
0x548: {  	v3 =	vmul.f32 v3, v2;
	_ =	sdelay $0x1  }
0x549: {  	[tilespmem:v1+s17+$0x0] =	vst.idx.add.f32.msk $0xffff, v3  }
0x54a: {  	v3 =	vld [tilespmem:s0+$0x7900];
	_ =	sdelay $0x4  }
0x54b: {  	v3 =	vmul.f32 v3, v2;
	_ =	sdelay $0x1  }
0x54c: {  	[tilespmem:v1+s3+$0x0] =	vst.idx.add.f32.msk $0xffff, v3  }
0x54d: {  	v3 =	vld [tilespmem:s0+$0x7980];
	_ =	sdelay $0x4  }
0x54e: {  	v3 =	vmul.f32 v3, v2;
	_ =	sdelay $0x1  }
0x54f: {  	[tilespmem:v1+s4+$0x0] =	vst.idx.add.f32.msk $0xffff, v3  }
0x550: {  	v3 =	vld [tilespmem:s0+$0x7A00];
	_ =	sdelay $0x4  }
0x551: {  	v3 =	vmul.f32 v3, v2;
	_ =	sdelay $0x1  }
0x552: {  	[tilespmem:v1+s5+$0x0] =	vst.idx.add.f32.msk $0xffff, v3  }
0x553: {  	v3 =	vld [tilespmem:s0+$0x7A80];
	_ =	sdelay $0x4  }
0x554: {  	v3 =	vmul.f32 v3, v2;
	_ =	sdelay $0x1  }
0x555: {  	[tilespmem:v1+s6+$0x0] =	vst.idx.add.f32.msk $0xffff, v3  }
0x556: {  	v3 =	vld [tilespmem:s0+$0x7B00];
	_ =	sdelay $0x4  }
0x557: {  	v3 =	vmul.f32 v3, v2  }
0x558: {  	s1 =	sor.u32 s28, s1  }
0x559: {  	s1 =	sor.u32 $0x380, s1;
	[tilespmem:v1+s7+$0x0] =	vst.idx.add.f32.msk $0xffff, v3  }
0x55a: {  	v3 =	vld [tilespmem:s1+$0x7800];
	_ =	sdelay $0x4  }
0x55b: {  	v3 =	vmul.f32 v3, v2;
	_ =	sdelay $0x1  }
0x55c: {  	[tilespmem:v1+s8+$0x0] =	vst.idx.add.f32.msk $0xffff, v3  }
0x55d: {  	v3 =	vld [tilespmem:s0+$0x8800];
	_ =	sdelay $0x4  }
0x55e: {  	v3 =	vmul.f32 v3, v2;
	_ =	sdelay $0x1  }
0x55f: {  	[tilespmem:v1+s9+$0x0] =	vst.idx.add.f32.msk $0xffff, v3  }
0x560: {  	v3 =	vld [tilespmem:s0+$0x8880];
	_ =	sdelay $0x4  }
0x561: {  	v3 =	vmul.f32 v3, v2;
	_ =	sdelay $0x1  }
0x562: {  	[tilespmem:v1+s10+$0x0] =	vst.idx.add.f32.msk $0xffff, v3  }
0x563: {  	v3 =	vld [tilespmem:s0+$0x8900];
	_ =	sdelay $0x4  }
0x564: {  	v3 =	vmul.f32 v3, v2;
	_ =	sdelay $0x1  }
0x565: {  	[tilespmem:v1+s11+$0x0] =	vst.idx.add.f32.msk $0xffff, v3  }
0x566: {  	v3 =	vld [tilespmem:s0+$0x8980];
	_ =	sdelay $0x4  }
0x567: {  	v3 =	vmul.f32 v3, v2;
	_ =	sdelay $0x1  }
0x568: {  	[tilespmem:v1+s12+$0x0] =	vst.idx.add.f32.msk $0xffff, v3  }
0x569: {  	v3 =	vld [tilespmem:s0+$0x8A00];
	_ =	sdelay $0x4  }
0x56a: {  	v3 =	vmul.f32 v3, v2;
	_ =	sdelay $0x1  }
0x56b: {  	[tilespmem:v1+s13+$0x0] =	vst.idx.add.f32.msk $0xffff, v3  }
0x56c: {  	v3 =	vld [tilespmem:s0+$0x8A80];
	_ =	sdelay $0x4  }
0x56d: {  	v3 =	vmul.f32 v3, v2;
	_ =	sdelay $0x1  }
0x56e: {  	[tilespmem:v1+s14+$0x0] =	vst.idx.add.f32.msk $0xffff, v3  }
0x56f: {  	v3 =	vld [tilespmem:s0+$0x8B00];
	_ =	sdelay $0x4  }
0x570: {  	v3 =	vmul.f32 v3, v2;
	_ =	sdelay $0x1  }
0x571: {  	[tilespmem:v1+s15+$0x0] =	vst.idx.add.f32.msk $0xffff, v3  }
0x572: {  	v3 =	vld [tilespmem:s0+$0x8B80];
	_ =	sdelay $0x4  }
0x573: {  	v3 =	vmul.f32 v3, v2;
	_ =	sdelay $0x1  }
0x574: {  	[tilespmem:v1+s22+$0x0] =	vst.idx.add.f32.msk $0xffff, v3  }
0x575: {  	v3 =	vld [tilespmem:s0+$0x9800];
	_ =	sdelay $0x4  }
0x576: {  	v3 =	vmul.f32 v3, v2;
	_ =	sdelay $0x1  }
0x577: {  	[tilespmem:v1+s23+$0x0] =	vst.idx.add.f32.msk $0xffff, v3  }
0x578: {  	v3 =	vld [tilespmem:s0+$0x9880];
	_ =	sdelay $0x4  }
0x579: {  	v3 =	vmul.f32 v3, v2;
	_ =	sdelay $0x1  }
0x57a: {  	[tilespmem:v1+s24+$0x0] =	vst.idx.add.f32.msk $0xffff, v3  }
0x57b: {  	v3 =	vld [tilespmem:s0+$0x9900];
	_ =	sdelay $0x4  }
0x57c: {  	v3 =	vmul.f32 v3, v2;
	_ =	sdelay $0x1  }
0x57d: {  	[tilespmem:v1+s20+$0x0] =	vst.idx.add.f32.msk $0xffff, v3  }
0x57e: {  	v3 =	vld [tilespmem:s0+$0x9980];
	_ =	sdelay $0x4  }
0x57f: {  	v3 =	vmul.f32 v3, v2;
	_ =	sdelay $0x1  }
0x580: {  	[tilespmem:v1+s21+$0x0] =	vst.idx.add.f32.msk $0xffff, v3  }
0x581: {  	v3 =	vld [tilespmem:s0+$0x9A00];
	_ =	sdelay $0x4  }
0x582: {  	v3 =	vmul.f32 v3, v2;
	_ =	sdelay $0x1  }
0x583: {  	[tilespmem:v1+s18+$0x0] =	vst.idx.add.f32.msk $0xffff, v3  }
0x584: {  	v3 =	vld [tilespmem:s0+$0x9A80];
	_ =	sdelay $0x4  }
0x585: {  	v3 =	vmul.f32 v3, v2;
	_ =	sdelay $0x1  }
0x586: {  	[tilespmem:v1+s19+$0x0] =	vst.idx.add.f32.msk $0xffff, v3  }
0x587: {  	v3 =	vld [tilespmem:s0+$0x9B00];
	_ =	sdelay $0x4  }
0x588: {  	v3 =	vmul.f32 v3, v2;
	_ =	sdelay $0x1  }
0x589: {  	[tilespmem:v1+s25+$0x0] =	vst.idx.add.f32.msk $0xffff, v3  }
0x58a: {  	v3 =	vld [tilespmem:s0+$0x9B80];
	_ =	sdelay $0x4  }
0x58b: {  	v3 =	vmul.f32 v3, v2  }
0x58c: {  	s1 =	simm.s32 $0x17000  }
0x58d: {  	[tilespmem:v1+s1+$0x0] =	vst.idx.add.f32.msk $0xffff, v3  }
0x58e: {  	v3 =	vld [tilespmem:s0+$0xA800];
	_ =	sdelay $0x4  }
0x58f: {  	v3 =	vmul.f32 v3, v2;
	_ =	sdelay $0x1  }
0x590: {  	[tilespmem:v1+s26+$0x0] =	vst.idx.add.f32.msk $0xffff, v3  }
0x591: {  	v3 =	vld [tilespmem:s0+$0xA880];
	_ =	sdelay $0x4  }
0x592: {  	v3 =	vmul.f32 v3, v2  }
0x593: {  	s1 =	simm.s32 $0x18000  }
0x594: {  	[tilespmem:v1+s1+$0x0] =	vst.idx.add.f32.msk $0xffff, v3  }
0x595: {  	v3 =	vld [tilespmem:s0+$0xA900];
	_ =	sdelay $0x4  }
0x596: {  	v3 =	vmul.f32 v3, v2  }
0x597: {  	s1 =	simm.s32 $0x18800  }
0x598: {  	[tilespmem:v1+s1+$0x0] =	vst.idx.add.f32.msk $0xffff, v3  }
0x599: {  	v3 =	vld [tilespmem:s0+$0xA980];
	_ =	sdelay $0x4  }
0x59a: {  	v3 =	vmul.f32 v3, v2  }
0x59b: {  	s1 =	simm.s32 $0x19000  }
0x59c: {  	[tilespmem:v1+s1+$0x0] =	vst.idx.add.f32.msk $0xffff, v3  }
0x59d: {  	v3 =	vld [tilespmem:s0+$0xAA00];
	_ =	sdelay $0x4  }
0x59e: {  	v3 =	vmul.f32 v3, v2  }
0x59f: {  	s1 =	simm.s32 $0x19800  }
0x5a0: {  	[tilespmem:v1+s1+$0x0] =	vst.idx.add.f32.msk $0xffff, v3  }
0x5a1: {  	v3 =	vld [tilespmem:s0+$0xAA80];
	_ =	sdelay $0x4  }
0x5a2: {  	v3 =	vmul.f32 v3, v2  }
0x5a3: {  	s1 =	simm.s32 $0x1A000  }
0x5a4: {  	[tilespmem:v1+s1+$0x0] =	vst.idx.add.f32.msk $0xffff, v3  }
0x5a5: {  	v3 =	vld [tilespmem:s0+$0xAB00];
	_ =	sdelay $0x4  }
0x5a6: {  	v3 =	vmul.f32 v3, v2  }
0x5a7: {  	s1 =	simm.s32 $0x1A800  }
0x5a8: {  	[tilespmem:v1+s1+$0x0] =	vst.idx.add.f32.msk $0xffff, v3  }
0x5a9: {  	v3 =	vld [tilespmem:s0+$0xAB80]  }
.Ltmp7:
0x5aa: {  	(pc) =	sbr.rel @p0 .LBB2_16-.Ltmp7, $2  }
0x5ab: {  	_ =	sdelay $0x2  }
0x5ac: {  	v2 =	vmul.f32 v3, v2  }
0x5ad: {  	_ =	sdelay $0x2  }
0x5ae: {  	s0 =	rddreg [dreg:$0xd];
	s1 =	simm.s32 $0x1000  }
0x5af: {  	s28 =	simm.s32 $0x2000;
	s29 =	simm.s32 $0x7800;
	s2 =	simm.s32 $0x4;
	[tilespmem:v1+s16+$0x0] =	vst.idx.add.f32.msk $0xffff, v2  }
0x5b0: {  	[tilespmem:s29], [sflag:$0x5] =	stream.strided.gather [hbm4b:s0+s1], $0x4000, s28, s1, $0x38;
	[tilespmem:$0x1B800] =	vst v63  }
0x5b1: {  	_ =	swait.ge [sflag:s2], $0x4000  }
0x5b2: {  	[sflag:s2] =	ssyncset.done $0x0  }
0x5b3: {  	s28 =	simm.s32 $0x0;
	s29 =	simm.s32 $0x3400;
	[sflag:s2] =	ssyncadd.s32 $0xFFFFC000  }
0x5b4: {  	s30 =	simm.s32 $0x1400;
	s1 =	sand.u32 $0x70, s28;
	s2 =	sand.u32 $0xC00, s28;
	v2 =	vld [tilespmem:s29+$0x0]  }
0x5b5: {  	v1 =	vld [tilespmem:s30+$0x0];
	s0 =	sor.u32 s1, s2  }
0x5b6: {  	v3 =	vld [tilespmem:s0+$0x3800];
	_ =	sdelay $0x4  }
0x5b7: {  	v3 =	vmul.f32 v3, v2  }
0x5b8: {  	s2 =	simm.s32 $0xB800  }
0x5b9: {  	[tilespmem:v1+s2+$0x0] =	vst.idx.add.f32.msk $0xffff, v3  }
0x5ba: {  	v3 =	vld [tilespmem:s0+$0x3880];
	_ =	sdelay $0x4  }
0x5bb: {  	v3 =	vmul.f32 v3, v2;
	_ =	sdelay $0x1  }
0x5bc: {  	[tilespmem:v1+s17+$0x0] =	vst.idx.add.f32.msk $0xffff, v3  }
0x5bd: {  	v3 =	vld [tilespmem:s0+$0x3900];
	_ =	sdelay $0x4  }
0x5be: {  	v3 =	vmul.f32 v3, v2;
	_ =	sdelay $0x1  }
0x5bf: {  	[tilespmem:v1+s3+$0x0] =	vst.idx.add.f32.msk $0xffff, v3  }
0x5c0: {  	v3 =	vld [tilespmem:s0+$0x3980];
	_ =	sdelay $0x4  }
0x5c1: {  	v3 =	vmul.f32 v3, v2;
	_ =	sdelay $0x1  }
0x5c2: {  	[tilespmem:v1+s4+$0x0] =	vst.idx.add.f32.msk $0xffff, v3  }
0x5c3: {  	v3 =	vld [tilespmem:s0+$0x3A00];
	_ =	sdelay $0x4  }
0x5c4: {  	v3 =	vmul.f32 v3, v2;
	_ =	sdelay $0x1  }
0x5c5: {  	[tilespmem:v1+s5+$0x0] =	vst.idx.add.f32.msk $0xffff, v3  }
0x5c6: {  	v3 =	vld [tilespmem:s0+$0x3A80];
	_ =	sdelay $0x4  }
0x5c7: {  	v3 =	vmul.f32 v3, v2;
	_ =	sdelay $0x1  }
0x5c8: {  	[tilespmem:v1+s6+$0x0] =	vst.idx.add.f32.msk $0xffff, v3  }
0x5c9: {  	v3 =	vld [tilespmem:s0+$0x3B00];
	_ =	sdelay $0x4  }
0x5ca: {  	v3 =	vmul.f32 v3, v2  }
0x5cb: {  	s2 =	sor.u32 s28, s28  }
0x5cc: {  	s1 =	sor.u32 $0x380, s2;
	[tilespmem:v1+s7+$0x0] =	vst.idx.add.f32.msk $0xffff, v3  }
0x5cd: {  	v3 =	vld [tilespmem:s1+$0x3800];
	_ =	sdelay $0x4  }
0x5ce: {  	v3 =	vmul.f32 v3, v2;
	_ =	sdelay $0x1  }
0x5cf: {  	[tilespmem:v1+s8+$0x0] =	vst.idx.add.f32.msk $0xffff, v3  }
0x5d0: {  	v3 =	vld [tilespmem:s0+$0x4800];
	_ =	sdelay $0x4  }
0x5d1: {  	v3 =	vmul.f32 v3, v2;
	_ =	sdelay $0x1  }
0x5d2: {  	[tilespmem:v1+s9+$0x0] =	vst.idx.add.f32.msk $0xffff, v3  }
0x5d3: {  	v3 =	vld [tilespmem:s0+$0x4880];
	_ =	sdelay $0x4  }
0x5d4: {  	v3 =	vmul.f32 v3, v2;
	_ =	sdelay $0x1  }
0x5d5: {  	[tilespmem:v1+s10+$0x0] =	vst.idx.add.f32.msk $0xffff, v3  }
0x5d6: {  	v3 =	vld [tilespmem:s0+$0x4900];
	_ =	sdelay $0x4  }
0x5d7: {  	v3 =	vmul.f32 v3, v2;
	_ =	sdelay $0x1  }
0x5d8: {  	[tilespmem:v1+s11+$0x0] =	vst.idx.add.f32.msk $0xffff, v3  }
0x5d9: {  	v3 =	vld [tilespmem:s0+$0x4980];
	_ =	sdelay $0x4  }
0x5da: {  	v3 =	vmul.f32 v3, v2;
	_ =	sdelay $0x1  }
0x5db: {  	[tilespmem:v1+s12+$0x0] =	vst.idx.add.f32.msk $0xffff, v3  }
0x5dc: {  	v3 =	vld [tilespmem:s0+$0x4A00];
	_ =	sdelay $0x4  }
0x5dd: {  	v3 =	vmul.f32 v3, v2;
	_ =	sdelay $0x1  }
0x5de: {  	[tilespmem:v1+s13+$0x0] =	vst.idx.add.f32.msk $0xffff, v3  }
0x5df: {  	v3 =	vld [tilespmem:s0+$0x4A80];
	_ =	sdelay $0x4  }
0x5e0: {  	v3 =	vmul.f32 v3, v2;
	_ =	sdelay $0x1  }
0x5e1: {  	[tilespmem:v1+s14+$0x0] =	vst.idx.add.f32.msk $0xffff, v3  }
0x5e2: {  	v3 =	vld [tilespmem:s0+$0x4B00];
	_ =	sdelay $0x4  }
0x5e3: {  	v3 =	vmul.f32 v3, v2;
	_ =	sdelay $0x1  }
0x5e4: {  	[tilespmem:v1+s15+$0x0] =	vst.idx.add.f32.msk $0xffff, v3  }
0x5e5: {  	v3 =	vld [tilespmem:s0+$0x4B80];
	_ =	sdelay $0x4  }
0x5e6: {  	v3 =	vmul.f32 v3, v2;
	_ =	sdelay $0x1  }
0x5e7: {  	[tilespmem:v1+s22+$0x0] =	vst.idx.add.f32.msk $0xffff, v3  }
0x5e8: {  	v3 =	vld [tilespmem:s0+$0x5800];
	_ =	sdelay $0x4  }
0x5e9: {  	v3 =	vmul.f32 v3, v2;
	_ =	sdelay $0x1  }
0x5ea: {  	[tilespmem:v1+s23+$0x0] =	vst.idx.add.f32.msk $0xffff, v3  }
0x5eb: {  	v3 =	vld [tilespmem:s0+$0x5880];
	_ =	sdelay $0x4  }
0x5ec: {  	v3 =	vmul.f32 v3, v2;
	_ =	sdelay $0x1  }
0x5ed: {  	[tilespmem:v1+s24+$0x0] =	vst.idx.add.f32.msk $0xffff, v3  }
0x5ee: {  	v3 =	vld [tilespmem:s0+$0x5900];
	_ =	sdelay $0x4  }
0x5ef: {  	v3 =	vmul.f32 v3, v2;
	_ =	sdelay $0x1  }
0x5f0: {  	[tilespmem:v1+s20+$0x0] =	vst.idx.add.f32.msk $0xffff, v3  }
0x5f1: {  	v3 =	vld [tilespmem:s0+$0x5980];
	_ =	sdelay $0x4  }
0x5f2: {  	v3 =	vmul.f32 v3, v2;
	_ =	sdelay $0x1  }
0x5f3: {  	[tilespmem:v1+s21+$0x0] =	vst.idx.add.f32.msk $0xffff, v3  }
0x5f4: {  	v3 =	vld [tilespmem:s0+$0x5A00];
	_ =	sdelay $0x4  }
0x5f5: {  	v3 =	vmul.f32 v3, v2;
	_ =	sdelay $0x1  }
0x5f6: {  	[tilespmem:v1+s18+$0x0] =	vst.idx.add.f32.msk $0xffff, v3  }
0x5f7: {  	v3 =	vld [tilespmem:s0+$0x5A80];
	_ =	sdelay $0x4  }
0x5f8: {  	v3 =	vmul.f32 v3, v2;
	_ =	sdelay $0x1  }
0x5f9: {  	[tilespmem:v1+s19+$0x0] =	vst.idx.add.f32.msk $0xffff, v3  }
0x5fa: {  	v3 =	vld [tilespmem:s0+$0x5B00];
	_ =	sdelay $0x4  }
0x5fb: {  	v3 =	vmul.f32 v3, v2;
	_ =	sdelay $0x1  }
0x5fc: {  	[tilespmem:v1+s25+$0x0] =	vst.idx.add.f32.msk $0xffff, v3  }
0x5fd: {  	v3 =	vld [tilespmem:s0+$0x5B80];
	_ =	sdelay $0x4  }
0x5fe: {  	v3 =	vmul.f32 v3, v2  }
0x5ff: {  	s2 =	simm.s32 $0x17000  }
0x600: {  	[tilespmem:v1+s2+$0x0] =	vst.idx.add.f32.msk $0xffff, v3  }
0x601: {  	v3 =	vld [tilespmem:s0+$0x6800];
	_ =	sdelay $0x4  }
0x602: {  	v3 =	vmul.f32 v3, v2;
	_ =	sdelay $0x1  }
0x603: {  	[tilespmem:v1+s26+$0x0] =	vst.idx.add.f32.msk $0xffff, v3  }
0x604: {  	v3 =	vld [tilespmem:s0+$0x6880];
	_ =	sdelay $0x4  }
0x605: {  	v3 =	vmul.f32 v3, v2  }
0x606: {  	s2 =	simm.s32 $0x18000  }
0x607: {  	[tilespmem:v1+s2+$0x0] =	vst.idx.add.f32.msk $0xffff, v3  }
0x608: {  	v3 =	vld [tilespmem:s0+$0x6900];
	_ =	sdelay $0x4  }
0x609: {  	v3 =	vmul.f32 v3, v2  }
0x60a: {  	s2 =	simm.s32 $0x18800  }
0x60b: {  	[tilespmem:v1+s2+$0x0] =	vst.idx.add.f32.msk $0xffff, v3  }
0x60c: {  	v3 =	vld [tilespmem:s0+$0x6980];
	_ =	sdelay $0x4  }
0x60d: {  	v3 =	vmul.f32 v3, v2  }
0x60e: {  	s2 =	simm.s32 $0x19000  }
0x60f: {  	[tilespmem:v1+s2+$0x0] =	vst.idx.add.f32.msk $0xffff, v3  }
0x610: {  	v3 =	vld [tilespmem:s0+$0x6A00];
	_ =	sdelay $0x4  }
0x611: {  	v3 =	vmul.f32 v3, v2  }
0x612: {  	s2 =	simm.s32 $0x19800  }
0x613: {  	[tilespmem:v1+s2+$0x0] =	vst.idx.add.f32.msk $0xffff, v3  }
0x614: {  	v3 =	vld [tilespmem:s0+$0x6A80];
	_ =	sdelay $0x4  }
0x615: {  	v3 =	vmul.f32 v3, v2  }
0x616: {  	s2 =	simm.s32 $0x1A000  }
0x617: {  	[tilespmem:v1+s2+$0x0] =	vst.idx.add.f32.msk $0xffff, v3  }
0x618: {  	v3 =	vld [tilespmem:s0+$0x6B00];
	_ =	sdelay $0x4  }
0x619: {  	v3 =	vmul.f32 v3, v2  }
0x61a: {  	s2 =	simm.s32 $0x1A800  }
0x61b: {  	[tilespmem:v1+s2+$0x0] =	vst.idx.add.f32.msk $0xffff, v3  }
0x61c: {  	v3 =	vld [tilespmem:s0+$0x6B80];
	_ =	sdelay $0x4  }
0x61d: {  	s31 =	simm.s32 $0x10;
	v2 =	vmul.f32 v3, v2  }
.LBB2_18:
0x61e: {  	_ = 	snop  }
0x61f: {  	s28 =	sadd.s32 $0x80, s28;
	s29 =	sadd.s32 $0x10, s29;
	s30 =	sadd.s32 $0x10, s30;
	[tilespmem:v1+s16+$0x0] =	vst.idx.add.f32.msk $0xffff, v2  }
0x620: {  	s0 =	sand.u32 $0x70, s31;
	p0 =	sne.s32 s31, $0x1F0;
	s1 =	sand.u32 $0xC00, s28;
	v2 =	vld [tilespmem:s29+$0x0]  }
0x621: {  	s0 =	sor.u32 s0, s1;
	s1 =	smov.u32 s31;
	s31 =	sadd.s32 $0x10, s31;
	v1 =	vld [tilespmem:s30+$0x0]  }
0x622: {  	v3 =	vld [tilespmem:s0+$0x3800];
	_ =	sdelay $0x4  }
0x623: {  	v3 =	vmul.f32 v3, v2  }
0x624: {  	s2 =	simm.s32 $0xB800  }
0x625: {  	[tilespmem:v1+s2+$0x0] =	vst.idx.add.f32.msk $0xffff, v3  }
0x626: {  	v3 =	vld [tilespmem:s0+$0x3880];
	_ =	sdelay $0x4  }
0x627: {  	v3 =	vmul.f32 v3, v2;
	_ =	sdelay $0x1  }
0x628: {  	[tilespmem:v1+s17+$0x0] =	vst.idx.add.f32.msk $0xffff, v3  }
0x629: {  	v3 =	vld [tilespmem:s0+$0x3900];
	_ =	sdelay $0x4  }
0x62a: {  	v3 =	vmul.f32 v3, v2;
	_ =	sdelay $0x1  }
0x62b: {  	[tilespmem:v1+s3+$0x0] =	vst.idx.add.f32.msk $0xffff, v3  }
0x62c: {  	v3 =	vld [tilespmem:s0+$0x3980];
	_ =	sdelay $0x4  }
0x62d: {  	v3 =	vmul.f32 v3, v2;
	_ =	sdelay $0x1  }
0x62e: {  	[tilespmem:v1+s4+$0x0] =	vst.idx.add.f32.msk $0xffff, v3  }
0x62f: {  	v3 =	vld [tilespmem:s0+$0x3A00];
	_ =	sdelay $0x4  }
0x630: {  	v3 =	vmul.f32 v3, v2;
	_ =	sdelay $0x1  }
0x631: {  	[tilespmem:v1+s5+$0x0] =	vst.idx.add.f32.msk $0xffff, v3  }
0x632: {  	v3 =	vld [tilespmem:s0+$0x3A80];
	_ =	sdelay $0x4  }
0x633: {  	v3 =	vmul.f32 v3, v2;
	_ =	sdelay $0x1  }
0x634: {  	[tilespmem:v1+s6+$0x0] =	vst.idx.add.f32.msk $0xffff, v3  }
0x635: {  	v3 =	vld [tilespmem:s0+$0x3B00];
	_ =	sdelay $0x4  }
0x636: {  	v3 =	vmul.f32 v3, v2  }
0x637: {  	s1 =	sor.u32 s28, s1  }
0x638: {  	s1 =	sor.u32 $0x380, s1;
	[tilespmem:v1+s7+$0x0] =	vst.idx.add.f32.msk $0xffff, v3  }
0x639: {  	v3 =	vld [tilespmem:s1+$0x3800];
	_ =	sdelay $0x4  }
0x63a: {  	v3 =	vmul.f32 v3, v2;
	_ =	sdelay $0x1  }
0x63b: {  	[tilespmem:v1+s8+$0x0] =	vst.idx.add.f32.msk $0xffff, v3  }
0x63c: {  	v3 =	vld [tilespmem:s0+$0x4800];
	_ =	sdelay $0x4  }
0x63d: {  	v3 =	vmul.f32 v3, v2;
	_ =	sdelay $0x1  }
0x63e: {  	[tilespmem:v1+s9+$0x0] =	vst.idx.add.f32.msk $0xffff, v3  }
0x63f: {  	v3 =	vld [tilespmem:s0+$0x4880];
	_ =	sdelay $0x4  }
0x640: {  	v3 =	vmul.f32 v3, v2;
	_ =	sdelay $0x1  }
0x641: {  	[tilespmem:v1+s10+$0x0] =	vst.idx.add.f32.msk $0xffff, v3  }
0x642: {  	v3 =	vld [tilespmem:s0+$0x4900];
	_ =	sdelay $0x4  }
0x643: {  	v3 =	vmul.f32 v3, v2;
	_ =	sdelay $0x1  }
0x644: {  	[tilespmem:v1+s11+$0x0] =	vst.idx.add.f32.msk $0xffff, v3  }
0x645: {  	v3 =	vld [tilespmem:s0+$0x4980];
	_ =	sdelay $0x4  }
0x646: {  	v3 =	vmul.f32 v3, v2;
	_ =	sdelay $0x1  }
0x647: {  	[tilespmem:v1+s12+$0x0] =	vst.idx.add.f32.msk $0xffff, v3  }
0x648: {  	v3 =	vld [tilespmem:s0+$0x4A00];
	_ =	sdelay $0x4  }
0x649: {  	v3 =	vmul.f32 v3, v2;
	_ =	sdelay $0x1  }
0x64a: {  	[tilespmem:v1+s13+$0x0] =	vst.idx.add.f32.msk $0xffff, v3  }
0x64b: {  	v3 =	vld [tilespmem:s0+$0x4A80];
	_ =	sdelay $0x4  }
0x64c: {  	v3 =	vmul.f32 v3, v2;
	_ =	sdelay $0x1  }
0x64d: {  	[tilespmem:v1+s14+$0x0] =	vst.idx.add.f32.msk $0xffff, v3  }
0x64e: {  	v3 =	vld [tilespmem:s0+$0x4B00];
	_ =	sdelay $0x4  }
0x64f: {  	v3 =	vmul.f32 v3, v2;
	_ =	sdelay $0x1  }
0x650: {  	[tilespmem:v1+s15+$0x0] =	vst.idx.add.f32.msk $0xffff, v3  }
0x651: {  	v3 =	vld [tilespmem:s0+$0x4B80];
	_ =	sdelay $0x4  }
0x652: {  	v3 =	vmul.f32 v3, v2;
	_ =	sdelay $0x1  }
0x653: {  	[tilespmem:v1+s22+$0x0] =	vst.idx.add.f32.msk $0xffff, v3  }
0x654: {  	v3 =	vld [tilespmem:s0+$0x5800];
	_ =	sdelay $0x4  }
0x655: {  	v3 =	vmul.f32 v3, v2;
	_ =	sdelay $0x1  }
0x656: {  	[tilespmem:v1+s23+$0x0] =	vst.idx.add.f32.msk $0xffff, v3  }
0x657: {  	v3 =	vld [tilespmem:s0+$0x5880];
	_ =	sdelay $0x4  }
0x658: {  	v3 =	vmul.f32 v3, v2;
	_ =	sdelay $0x1  }
0x659: {  	[tilespmem:v1+s24+$0x0] =	vst.idx.add.f32.msk $0xffff, v3  }
0x65a: {  	v3 =	vld [tilespmem:s0+$0x5900];
	_ =	sdelay $0x4  }
0x65b: {  	v3 =	vmul.f32 v3, v2;
	_ =	sdelay $0x1  }
0x65c: {  	[tilespmem:v1+s20+$0x0] =	vst.idx.add.f32.msk $0xffff, v3  }
0x65d: {  	v3 =	vld [tilespmem:s0+$0x5980];
	_ =	sdelay $0x4  }
0x65e: {  	v3 =	vmul.f32 v3, v2;
	_ =	sdelay $0x1  }
0x65f: {  	[tilespmem:v1+s21+$0x0] =	vst.idx.add.f32.msk $0xffff, v3  }
0x660: {  	v3 =	vld [tilespmem:s0+$0x5A00];
	_ =	sdelay $0x4  }
0x661: {  	v3 =	vmul.f32 v3, v2;
	_ =	sdelay $0x1  }
0x662: {  	[tilespmem:v1+s18+$0x0] =	vst.idx.add.f32.msk $0xffff, v3  }
0x663: {  	v3 =	vld [tilespmem:s0+$0x5A80];
	_ =	sdelay $0x4  }
0x664: {  	v3 =	vmul.f32 v3, v2;
	_ =	sdelay $0x1  }
0x665: {  	[tilespmem:v1+s19+$0x0] =	vst.idx.add.f32.msk $0xffff, v3  }
0x666: {  	v3 =	vld [tilespmem:s0+$0x5B00];
	_ =	sdelay $0x4  }
0x667: {  	v3 =	vmul.f32 v3, v2;
	_ =	sdelay $0x1  }
0x668: {  	[tilespmem:v1+s25+$0x0] =	vst.idx.add.f32.msk $0xffff, v3  }
0x669: {  	v3 =	vld [tilespmem:s0+$0x5B80];
	_ =	sdelay $0x4  }
0x66a: {  	v3 =	vmul.f32 v3, v2  }
0x66b: {  	s1 =	simm.s32 $0x17000  }
0x66c: {  	[tilespmem:v1+s1+$0x0] =	vst.idx.add.f32.msk $0xffff, v3  }
0x66d: {  	v3 =	vld [tilespmem:s0+$0x6800];
	_ =	sdelay $0x4  }
0x66e: {  	v3 =	vmul.f32 v3, v2;
	_ =	sdelay $0x1  }
0x66f: {  	[tilespmem:v1+s26+$0x0] =	vst.idx.add.f32.msk $0xffff, v3  }
0x670: {  	v3 =	vld [tilespmem:s0+$0x6880];
	_ =	sdelay $0x4  }
0x671: {  	v3 =	vmul.f32 v3, v2  }
0x672: {  	s1 =	simm.s32 $0x18000  }
0x673: {  	[tilespmem:v1+s1+$0x0] =	vst.idx.add.f32.msk $0xffff, v3  }
0x674: {  	v3 =	vld [tilespmem:s0+$0x6900];
	_ =	sdelay $0x4  }
0x675: {  	v3 =	vmul.f32 v3, v2  }
0x676: {  	s1 =	simm.s32 $0x18800  }
0x677: {  	[tilespmem:v1+s1+$0x0] =	vst.idx.add.f32.msk $0xffff, v3  }
0x678: {  	v3 =	vld [tilespmem:s0+$0x6980];
	_ =	sdelay $0x4  }
0x679: {  	v3 =	vmul.f32 v3, v2  }
0x67a: {  	s1 =	simm.s32 $0x19000  }
0x67b: {  	[tilespmem:v1+s1+$0x0] =	vst.idx.add.f32.msk $0xffff, v3  }
0x67c: {  	v3 =	vld [tilespmem:s0+$0x6A00];
	_ =	sdelay $0x4  }
0x67d: {  	v3 =	vmul.f32 v3, v2  }
0x67e: {  	s1 =	simm.s32 $0x19800  }
0x67f: {  	[tilespmem:v1+s1+$0x0] =	vst.idx.add.f32.msk $0xffff, v3  }
0x680: {  	v3 =	vld [tilespmem:s0+$0x6A80];
	_ =	sdelay $0x4  }
0x681: {  	v3 =	vmul.f32 v3, v2  }
0x682: {  	s1 =	simm.s32 $0x1A000  }
0x683: {  	[tilespmem:v1+s1+$0x0] =	vst.idx.add.f32.msk $0xffff, v3  }
0x684: {  	v3 =	vld [tilespmem:s0+$0x6B00];
	_ =	sdelay $0x4  }
0x685: {  	v3 =	vmul.f32 v3, v2  }
0x686: {  	s1 =	simm.s32 $0x1A800  }
0x687: {  	[tilespmem:v1+s1+$0x0] =	vst.idx.add.f32.msk $0xffff, v3  }
0x688: {  	v3 =	vld [tilespmem:s0+$0x6B80]  }
.Ltmp8:
0x689: {  	(pc) =	sbr.rel @p0 .LBB2_18-.Ltmp8, $2  }
0x68a: {  	_ =	sdelay $0x2  }
0x68b: {  	v2 =	vmul.f32 v3, v2  }
0x68c: {  	_ =	sdelay $0x3  }
0x68d: {  	s0 =	simm.s32 $0x5;
	[tilespmem:v1+s16+$0x0] =	vst.idx.add.f32.msk $0xffff, v2  }
0x68e: {  	_ =	swait.ge [sflag:s0], $0x4000  }
0x68f: {  	[sflag:s0] =	ssyncset.done $0x0  }
0x690: {  	s28 =	simm.s32 $0x0;
	s29 =	simm.s32 $0x3600;
	[sflag:s0] =	ssyncadd.s32 $0xFFFFC000  }
0x691: {  	s30 =	simm.s32 $0x1600;
	s2 =	sand.u32 $0x70, s28;
	s1 =	sand.u32 $0xC00, s28;
	v2 =	vld [tilespmem:s29+$0x0]  }
0x692: {  	s0 =	sor.u32 s2, s1;
	v1 =	vld [tilespmem:s30+$0x0]  }
0x693: {  	v3 =	vld [tilespmem:s0+$0x7800];
	_ =	sdelay $0x4  }
0x694: {  	v3 =	vmul.f32 v3, v2  }
0x695: {  	s2 =	simm.s32 $0xB800  }
0x696: {  	[tilespmem:v1+s2+$0x0] =	vst.idx.add.f32.msk $0xffff, v3  }
0x697: {  	v3 =	vld [tilespmem:s0+$0x7880];
	_ =	sdelay $0x4  }
0x698: {  	v3 =	vmul.f32 v3, v2;
	_ =	sdelay $0x1  }
0x699: {  	[tilespmem:v1+s17+$0x0] =	vst.idx.add.f32.msk $0xffff, v3  }
0x69a: {  	v3 =	vld [tilespmem:s0+$0x7900];
	_ =	sdelay $0x4  }
0x69b: {  	v3 =	vmul.f32 v3, v2;
	_ =	sdelay $0x1  }
0x69c: {  	[tilespmem:v1+s3+$0x0] =	vst.idx.add.f32.msk $0xffff, v3  }
0x69d: {  	v3 =	vld [tilespmem:s0+$0x7980];
	_ =	sdelay $0x4  }
0x69e: {  	v3 =	vmul.f32 v3, v2;
	_ =	sdelay $0x1  }
0x69f: {  	[tilespmem:v1+s4+$0x0] =	vst.idx.add.f32.msk $0xffff, v3  }
0x6a0: {  	v3 =	vld [tilespmem:s0+$0x7A00];
	_ =	sdelay $0x4  }
0x6a1: {  	v3 =	vmul.f32 v3, v2;
	_ =	sdelay $0x1  }
0x6a2: {  	[tilespmem:v1+s5+$0x0] =	vst.idx.add.f32.msk $0xffff, v3  }
0x6a3: {  	v3 =	vld [tilespmem:s0+$0x7A80];
	_ =	sdelay $0x4  }
0x6a4: {  	v3 =	vmul.f32 v3, v2;
	_ =	sdelay $0x1  }
0x6a5: {  	[tilespmem:v1+s6+$0x0] =	vst.idx.add.f32.msk $0xffff, v3  }
0x6a6: {  	v3 =	vld [tilespmem:s0+$0x7B00];
	_ =	sdelay $0x4  }
0x6a7: {  	v3 =	vmul.f32 v3, v2  }
0x6a8: {  	s17 =	sor.u32 s28, s28  }
0x6a9: {  	s1 =	sor.u32 $0x380, s17;
	[tilespmem:v1+s7+$0x0] =	vst.idx.add.f32.msk $0xffff, v3  }
0x6aa: {  	v3 =	vld [tilespmem:s1+$0x7800];
	_ =	sdelay $0x4  }
0x6ab: {  	v3 =	vmul.f32 v3, v2;
	_ =	sdelay $0x1  }
0x6ac: {  	[tilespmem:v1+s8+$0x0] =	vst.idx.add.f32.msk $0xffff, v3  }
0x6ad: {  	v3 =	vld [tilespmem:s0+$0x8800];
	_ =	sdelay $0x4  }
0x6ae: {  	v3 =	vmul.f32 v3, v2;
	_ =	sdelay $0x1  }
0x6af: {  	[tilespmem:v1+s9+$0x0] =	vst.idx.add.f32.msk $0xffff, v3  }
0x6b0: {  	v3 =	vld [tilespmem:s0+$0x8880];
	_ =	sdelay $0x4  }
0x6b1: {  	v3 =	vmul.f32 v3, v2;
	_ =	sdelay $0x1  }
0x6b2: {  	[tilespmem:v1+s10+$0x0] =	vst.idx.add.f32.msk $0xffff, v3  }
0x6b3: {  	v3 =	vld [tilespmem:s0+$0x8900];
	_ =	sdelay $0x4  }
0x6b4: {  	v3 =	vmul.f32 v3, v2;
	_ =	sdelay $0x1  }
0x6b5: {  	[tilespmem:v1+s11+$0x0] =	vst.idx.add.f32.msk $0xffff, v3  }
0x6b6: {  	v3 =	vld [tilespmem:s0+$0x8980];
	_ =	sdelay $0x4  }
0x6b7: {  	v3 =	vmul.f32 v3, v2;
	_ =	sdelay $0x1  }
0x6b8: {  	[tilespmem:v1+s12+$0x0] =	vst.idx.add.f32.msk $0xffff, v3  }
0x6b9: {  	v3 =	vld [tilespmem:s0+$0x8A00];
	_ =	sdelay $0x4  }
0x6ba: {  	v3 =	vmul.f32 v3, v2;
	_ =	sdelay $0x1  }
0x6bb: {  	[tilespmem:v1+s13+$0x0] =	vst.idx.add.f32.msk $0xffff, v3  }
0x6bc: {  	v3 =	vld [tilespmem:s0+$0x8A80];
	_ =	sdelay $0x4  }
0x6bd: {  	v3 =	vmul.f32 v3, v2;
	_ =	sdelay $0x1  }
0x6be: {  	[tilespmem:v1+s14+$0x0] =	vst.idx.add.f32.msk $0xffff, v3  }
0x6bf: {  	v3 =	vld [tilespmem:s0+$0x8B00];
	_ =	sdelay $0x4  }
0x6c0: {  	v3 =	vmul.f32 v3, v2;
	_ =	sdelay $0x1  }
0x6c1: {  	[tilespmem:v1+s15+$0x0] =	vst.idx.add.f32.msk $0xffff, v3  }
0x6c2: {  	v3 =	vld [tilespmem:s0+$0x8B80];
	_ =	sdelay $0x4  }
0x6c3: {  	v3 =	vmul.f32 v3, v2;
	_ =	sdelay $0x1  }
0x6c4: {  	[tilespmem:v1+s22+$0x0] =	vst.idx.add.f32.msk $0xffff, v3  }
0x6c5: {  	v3 =	vld [tilespmem:s0+$0x9800];
	_ =	sdelay $0x4  }
0x6c6: {  	v3 =	vmul.f32 v3, v2;
	_ =	sdelay $0x1  }
0x6c7: {  	[tilespmem:v1+s23+$0x0] =	vst.idx.add.f32.msk $0xffff, v3  }
0x6c8: {  	v3 =	vld [tilespmem:s0+$0x9880];
	_ =	sdelay $0x4  }
0x6c9: {  	v3 =	vmul.f32 v3, v2;
	_ =	sdelay $0x1  }
0x6ca: {  	[tilespmem:v1+s24+$0x0] =	vst.idx.add.f32.msk $0xffff, v3  }
0x6cb: {  	v3 =	vld [tilespmem:s0+$0x9900];
	_ =	sdelay $0x4  }
0x6cc: {  	v3 =	vmul.f32 v3, v2;
	_ =	sdelay $0x1  }
0x6cd: {  	[tilespmem:v1+s20+$0x0] =	vst.idx.add.f32.msk $0xffff, v3  }
0x6ce: {  	v3 =	vld [tilespmem:s0+$0x9980];
	_ =	sdelay $0x4  }
0x6cf: {  	v3 =	vmul.f32 v3, v2;
	_ =	sdelay $0x1  }
0x6d0: {  	[tilespmem:v1+s21+$0x0] =	vst.idx.add.f32.msk $0xffff, v3  }
0x6d1: {  	v3 =	vld [tilespmem:s0+$0x9A00];
	_ =	sdelay $0x4  }
0x6d2: {  	v3 =	vmul.f32 v3, v2;
	_ =	sdelay $0x1  }
0x6d3: {  	[tilespmem:v1+s18+$0x0] =	vst.idx.add.f32.msk $0xffff, v3  }
0x6d4: {  	v3 =	vld [tilespmem:s0+$0x9A80];
	_ =	sdelay $0x4  }
0x6d5: {  	v3 =	vmul.f32 v3, v2;
	_ =	sdelay $0x1  }
0x6d6: {  	[tilespmem:v1+s19+$0x0] =	vst.idx.add.f32.msk $0xffff, v3  }
0x6d7: {  	v3 =	vld [tilespmem:s0+$0x9B00];
	_ =	sdelay $0x4  }
0x6d8: {  	v3 =	vmul.f32 v3, v2;
	_ =	sdelay $0x1  }
0x6d9: {  	[tilespmem:v1+s25+$0x0] =	vst.idx.add.f32.msk $0xffff, v3  }
0x6da: {  	v3 =	vld [tilespmem:s0+$0x9B80];
	_ =	sdelay $0x4  }
0x6db: {  	v3 =	vmul.f32 v3, v2  }
0x6dc: {  	s20 =	simm.s32 $0x17000  }
0x6dd: {  	[tilespmem:v1+s20+$0x0] =	vst.idx.add.f32.msk $0xffff, v3  }
0x6de: {  	v3 =	vld [tilespmem:s0+$0xA800];
	_ =	sdelay $0x4  }
0x6df: {  	v3 =	vmul.f32 v3, v2;
	_ =	sdelay $0x1  }
0x6e0: {  	[tilespmem:v1+s26+$0x0] =	vst.idx.add.f32.msk $0xffff, v3  }
0x6e1: {  	v3 =	vld [tilespmem:s0+$0xA880];
	_ =	sdelay $0x4  }
0x6e2: {  	v3 =	vmul.f32 v3, v2  }
0x6e3: {  	s21 =	simm.s32 $0x18000  }
0x6e4: {  	[tilespmem:v1+s21+$0x0] =	vst.idx.add.f32.msk $0xffff, v3  }
0x6e5: {  	v3 =	vld [tilespmem:s0+$0xA900];
	_ =	sdelay $0x4  }
0x6e6: {  	v3 =	vmul.f32 v3, v2  }
0x6e7: {  	s22 =	simm.s32 $0x18800  }
0x6e8: {  	[tilespmem:v1+s22+$0x0] =	vst.idx.add.f32.msk $0xffff, v3  }
0x6e9: {  	v3 =	vld [tilespmem:s0+$0xA980];
	_ =	sdelay $0x4  }
0x6ea: {  	v3 =	vmul.f32 v3, v2  }
0x6eb: {  	s23 =	simm.s32 $0x19000  }
0x6ec: {  	[tilespmem:v1+s23+$0x0] =	vst.idx.add.f32.msk $0xffff, v3  }
0x6ed: {  	v3 =	vld [tilespmem:s0+$0xAA00];
	_ =	sdelay $0x4  }
0x6ee: {  	v3 =	vmul.f32 v3, v2  }
0x6ef: {  	s24 =	simm.s32 $0x19800  }
0x6f0: {  	[tilespmem:v1+s24+$0x0] =	vst.idx.add.f32.msk $0xffff, v3  }
0x6f1: {  	v3 =	vld [tilespmem:s0+$0xAA80];
	_ =	sdelay $0x4  }
0x6f2: {  	v3 =	vmul.f32 v3, v2  }
0x6f3: {  	s25 =	simm.s32 $0x1A000  }
0x6f4: {  	[tilespmem:v1+s25+$0x0] =	vst.idx.add.f32.msk $0xffff, v3  }
0x6f5: {  	v3 =	vld [tilespmem:s0+$0xAB00];
	_ =	sdelay $0x4  }
0x6f6: {  	v3 =	vmul.f32 v3, v2  }
0x6f7: {  	s26 =	simm.s32 $0x1A800  }
0x6f8: {  	s31 =	simm.s32 $0x10;
	[tilespmem:v1+s26+$0x0] =	vst.idx.add.f32.msk $0xffff, v3  }
0x6f9: {  	s2 =	simm.s32 $0x17000;
	s8 =	simm.s32 $0xF800;
	s9 =	simm.s32 $0x10000;
	v3 =	vld [tilespmem:s0+$0xAB80]  }
0x6fa: {  	s10 =	simm.s32 $0x10800;
	s11 =	simm.s32 $0x11000;
	s12 =	simm.s32 $0x11800  }
0x6fb: {  	s13 =	simm.s32 $0x12000;
	s14 =	simm.s32 $0x12800;
	s15 =	simm.s32 $0x13000  }
0x6fc: {  	s18 =	simm.s32 $0x15800;
	s19 =	simm.s32 $0x16000;
	s20 =	simm.s32 $0x14800  }
0x6fd: {  	s21 =	simm.s32 $0x15000;
	s22 =	simm.s32 $0x13800;
	s23 =	simm.s32 $0x14000  }
0x6fe: {  	s24 =	simm.s32 $0x16800;
	s25 =	simm.s32 $0x17800;
	s26 =	simm.s32 $0x18000;
	v2 =	vmul.f32 v3, v2  }
.LBB2_20:
0x6ff: {  	_ = 	snop  }
0x700: {  	s28 =	sadd.s32 $0x80, s28;
	s29 =	sadd.s32 $0x10, s29;
	s30 =	sadd.s32 $0x10, s30;
	[tilespmem:v1+s16+$0x0] =	vst.idx.add.f32.msk $0xffff, v2  }
0x701: {  	s0 =	sand.u32 $0x70, s31;
	p0 =	sne.s32 s31, $0x1F0;
	s1 =	sand.u32 $0xC00, s28;
	v2 =	vld [tilespmem:s29+$0x0]  }
0x702: {  	s0 =	sor.u32 s0, s1;
	s1 =	smov.u32 s31;
	s31 =	sadd.s32 $0x10, s31;
	v1 =	vld [tilespmem:s30+$0x0]  }
0x703: {  	v3 =	vld [tilespmem:s0+$0x7800];
	_ =	sdelay $0x4  }
0x704: {  	v3 =	vmul.f32 v3, v2  }
0x705: {  	s17 =	simm.s32 $0xB800  }
0x706: {  	[tilespmem:v1+s17+$0x0] =	vst.idx.add.f32.msk $0xffff, v3;
	s17 =	simm.s32 $0xC000  }
0x707: {  	v3 =	vld [tilespmem:s0+$0x7880];
	_ =	sdelay $0x4  }
0x708: {  	v3 =	vmul.f32 v3, v2;
	_ =	sdelay $0x1  }
0x709: {  	[tilespmem:v1+s17+$0x0] =	vst.idx.add.f32.msk $0xffff, v3  }
0x70a: {  	v3 =	vld [tilespmem:s0+$0x7900];
	_ =	sdelay $0x4  }
0x70b: {  	v3 =	vmul.f32 v3, v2;
	_ =	sdelay $0x1  }
0x70c: {  	[tilespmem:v1+s3+$0x0] =	vst.idx.add.f32.msk $0xffff, v3  }
0x70d: {  	v3 =	vld [tilespmem:s0+$0x7980];
	_ =	sdelay $0x4  }
0x70e: {  	v3 =	vmul.f32 v3, v2;
	_ =	sdelay $0x1  }
0x70f: {  	[tilespmem:v1+s4+$0x0] =	vst.idx.add.f32.msk $0xffff, v3  }
0x710: {  	v3 =	vld [tilespmem:s0+$0x7A00];
	_ =	sdelay $0x4  }
0x711: {  	v3 =	vmul.f32 v3, v2;
	_ =	sdelay $0x1  }
0x712: {  	[tilespmem:v1+s5+$0x0] =	vst.idx.add.f32.msk $0xffff, v3  }
0x713: {  	v3 =	vld [tilespmem:s0+$0x7A80];
	_ =	sdelay $0x4  }
0x714: {  	v3 =	vmul.f32 v3, v2;
	_ =	sdelay $0x1  }
0x715: {  	[tilespmem:v1+s6+$0x0] =	vst.idx.add.f32.msk $0xffff, v3  }
0x716: {  	v3 =	vld [tilespmem:s0+$0x7B00];
	_ =	sdelay $0x4  }
0x717: {  	v3 =	vmul.f32 v3, v2  }
0x718: {  	s1 =	sor.u32 s28, s1  }
0x719: {  	s1 =	sor.u32 $0x380, s1;
	[tilespmem:v1+s7+$0x0] =	vst.idx.add.f32.msk $0xffff, v3  }
0x71a: {  	v3 =	vld [tilespmem:s1+$0x7800];
	s1 =	simm.s32 $0xF000;
	_ =	sdelay $0x4  }
0x71b: {  	v3 =	vmul.f32 v3, v2;
	_ =	sdelay $0x1  }
0x71c: {  	[tilespmem:v1+s1+$0x0] =	vst.idx.add.f32.msk $0xffff, v3;
	s1 =	simm.s32 $0x18800  }
0x71d: {  	v3 =	vld [tilespmem:s0+$0x8800];
	_ =	sdelay $0x4  }
0x71e: {  	v3 =	vmul.f32 v3, v2;
	_ =	sdelay $0x1  }
0x71f: {  	[tilespmem:v1+s8+$0x0] =	vst.idx.add.f32.msk $0xffff, v3  }
0x720: {  	v3 =	vld [tilespmem:s0+$0x8880];
	_ =	sdelay $0x4  }
0x721: {  	v3 =	vmul.f32 v3, v2;
	_ =	sdelay $0x1  }
0x722: {  	[tilespmem:v1+s9+$0x0] =	vst.idx.add.f32.msk $0xffff, v3  }
0x723: {  	v3 =	vld [tilespmem:s0+$0x8900];
	_ =	sdelay $0x4  }
0x724: {  	v3 =	vmul.f32 v3, v2;
	_ =	sdelay $0x1  }
0x725: {  	[tilespmem:v1+s10+$0x0] =	vst.idx.add.f32.msk $0xffff, v3  }
0x726: {  	v3 =	vld [tilespmem:s0+$0x8980];
	_ =	sdelay $0x4  }
0x727: {  	v3 =	vmul.f32 v3, v2;
	_ =	sdelay $0x1  }
0x728: {  	[tilespmem:v1+s11+$0x0] =	vst.idx.add.f32.msk $0xffff, v3  }
0x729: {  	v3 =	vld [tilespmem:s0+$0x8A00];
	_ =	sdelay $0x4  }
0x72a: {  	v3 =	vmul.f32 v3, v2;
	_ =	sdelay $0x1  }
0x72b: {  	[tilespmem:v1+s12+$0x0] =	vst.idx.add.f32.msk $0xffff, v3  }
0x72c: {  	v3 =	vld [tilespmem:s0+$0x8A80];
	_ =	sdelay $0x4  }
0x72d: {  	v3 =	vmul.f32 v3, v2;
	_ =	sdelay $0x1  }
0x72e: {  	[tilespmem:v1+s13+$0x0] =	vst.idx.add.f32.msk $0xffff, v3  }
0x72f: {  	v3 =	vld [tilespmem:s0+$0x8B00];
	_ =	sdelay $0x4  }
0x730: {  	v3 =	vmul.f32 v3, v2;
	_ =	sdelay $0x1  }
0x731: {  	[tilespmem:v1+s14+$0x0] =	vst.idx.add.f32.msk $0xffff, v3  }
0x732: {  	v3 =	vld [tilespmem:s0+$0x8B80];
	_ =	sdelay $0x4  }
0x733: {  	v3 =	vmul.f32 v3, v2;
	_ =	sdelay $0x1  }
0x734: {  	[tilespmem:v1+s15+$0x0] =	vst.idx.add.f32.msk $0xffff, v3  }
0x735: {  	v3 =	vld [tilespmem:s0+$0x9800];
	_ =	sdelay $0x4  }
0x736: {  	v3 =	vmul.f32 v3, v2;
	_ =	sdelay $0x1  }
0x737: {  	[tilespmem:v1+s22+$0x0] =	vst.idx.add.f32.msk $0xffff, v3  }
0x738: {  	v3 =	vld [tilespmem:s0+$0x9880];
	_ =	sdelay $0x4  }
0x739: {  	v3 =	vmul.f32 v3, v2;
	_ =	sdelay $0x1  }
0x73a: {  	[tilespmem:v1+s23+$0x0] =	vst.idx.add.f32.msk $0xffff, v3  }
0x73b: {  	v3 =	vld [tilespmem:s0+$0x9900];
	_ =	sdelay $0x4  }
0x73c: {  	v3 =	vmul.f32 v3, v2;
	_ =	sdelay $0x1  }
0x73d: {  	[tilespmem:v1+s20+$0x0] =	vst.idx.add.f32.msk $0xffff, v3  }
0x73e: {  	v3 =	vld [tilespmem:s0+$0x9980];
	_ =	sdelay $0x4  }
0x73f: {  	v3 =	vmul.f32 v3, v2;
	_ =	sdelay $0x1  }
0x740: {  	[tilespmem:v1+s21+$0x0] =	vst.idx.add.f32.msk $0xffff, v3  }
0x741: {  	v3 =	vld [tilespmem:s0+$0x9A00];
	_ =	sdelay $0x4  }
0x742: {  	v3 =	vmul.f32 v3, v2;
	_ =	sdelay $0x1  }
0x743: {  	[tilespmem:v1+s18+$0x0] =	vst.idx.add.f32.msk $0xffff, v3  }
0x744: {  	v3 =	vld [tilespmem:s0+$0x9A80];
	_ =	sdelay $0x4  }
0x745: {  	v3 =	vmul.f32 v3, v2;
	_ =	sdelay $0x1  }
0x746: {  	[tilespmem:v1+s19+$0x0] =	vst.idx.add.f32.msk $0xffff, v3  }
0x747: {  	v3 =	vld [tilespmem:s0+$0x9B00];
	_ =	sdelay $0x4  }
0x748: {  	v3 =	vmul.f32 v3, v2;
	_ =	sdelay $0x1  }
0x749: {  	[tilespmem:v1+s24+$0x0] =	vst.idx.add.f32.msk $0xffff, v3  }
0x74a: {  	v3 =	vld [tilespmem:s0+$0x9B80];
	_ =	sdelay $0x4  }
0x74b: {  	v3 =	vmul.f32 v3, v2;
	_ =	sdelay $0x1  }
0x74c: {  	[tilespmem:v1+s2+$0x0] =	vst.idx.add.f32.msk $0xffff, v3  }
0x74d: {  	v3 =	vld [tilespmem:s0+$0xA800];
	_ =	sdelay $0x4  }
0x74e: {  	v3 =	vmul.f32 v3, v2;
	_ =	sdelay $0x1  }
0x74f: {  	[tilespmem:v1+s25+$0x0] =	vst.idx.add.f32.msk $0xffff, v3  }
0x750: {  	v3 =	vld [tilespmem:s0+$0xA880];
	_ =	sdelay $0x4  }
0x751: {  	v3 =	vmul.f32 v3, v2;
	_ =	sdelay $0x1  }
0x752: {  	[tilespmem:v1+s26+$0x0] =	vst.idx.add.f32.msk $0xffff, v3  }
0x753: {  	v3 =	vld [tilespmem:s0+$0xA900];
	_ =	sdelay $0x4  }
0x754: {  	v3 =	vmul.f32 v3, v2;
	_ =	sdelay $0x1  }
0x755: {  	[tilespmem:v1+s1+$0x0] =	vst.idx.add.f32.msk $0xffff, v3;
	s1 =	simm.s32 $0x19000  }
0x756: {  	v3 =	vld [tilespmem:s0+$0xA980];
	_ =	sdelay $0x4  }
0x757: {  	v3 =	vmul.f32 v3, v2;
	_ =	sdelay $0x1  }
0x758: {  	[tilespmem:v1+s1+$0x0] =	vst.idx.add.f32.msk $0xffff, v3;
	s1 =	simm.s32 $0x19800  }
0x759: {  	v3 =	vld [tilespmem:s0+$0xAA00];
	_ =	sdelay $0x4  }
0x75a: {  	v3 =	vmul.f32 v3, v2;
	_ =	sdelay $0x1  }
0x75b: {  	[tilespmem:v1+s1+$0x0] =	vst.idx.add.f32.msk $0xffff, v3;
	s1 =	simm.s32 $0x1A000  }
0x75c: {  	v3 =	vld [tilespmem:s0+$0xAA80];
	_ =	sdelay $0x4  }
0x75d: {  	v3 =	vmul.f32 v3, v2;
	_ =	sdelay $0x1  }
0x75e: {  	[tilespmem:v1+s1+$0x0] =	vst.idx.add.f32.msk $0xffff, v3;
	s1 =	simm.s32 $0x1A800  }
0x75f: {  	v3 =	vld [tilespmem:s0+$0xAB00];
	_ =	sdelay $0x4  }
0x760: {  	v3 =	vmul.f32 v3, v2;
	_ =	sdelay $0x1  }
0x761: {  	[tilespmem:v1+s1+$0x0] =	vst.idx.add.f32.msk $0xffff, v3  }
0x762: {  	v3 =	vld [tilespmem:s0+$0xAB80]  }
.Ltmp9:
0x763: {  	(pc) =	sbr.rel @p0 .LBB2_20-.Ltmp9, $2  }
0x764: {  	_ =	sdelay $0x2  }
0x765: {  	v2 =	vmul.f32 v3, v2  }
0x766: {  	_ =	sdelay $0x2  }
0x767: {  	s0 =	rddreg [dreg:$0xe];
	s1 =	simm.s32 $0x80  }
0x768: {  	s2 =	simm.s32 $0x400;
	s3 =	simm.s32 $0xB800;
	s28 =	simm.s32 $0x6;
	[tilespmem:v1+s16+$0x0] =	vst.idx.add.f32.msk $0xffff, v2  }
0x769: {  	[hbm4b:s0+s1] =	stream.strided.scatter [tilespmem:s3], [sflag:$0x6], $0x10000, s2, s1, $0x38;
	[tilespmem:$0x1B800] =	vst v63  }
0x76a: {  	_ =	swait.ge [sflag:s28], $0x10000  }
0x76b: {  	s30 =	rddreg [dreg:$0x10]  }
0x76c: {  	s31 =	rddreg [dreg:$0xf];
	s2 =	sadd.s32 $0x1, s30  }
0x76d: {  	p0 =	sne.s32 s2, s31  }
.Ltmp10:
0x76e: {  	_ = 	snop;
	(pc) =	sbr.rel @p0 .LBB2_1-.Ltmp10, $4  }
0x76f: {  	s29 =	simm.s32 $0x0  }
0x770: {  	s17 =	simm.s32 $0xC000;
	s4 =	simm.s32 $0xD000;
	s5 =	simm.s32 $0xD800  }
0x771: {  	s6 =	simm.s32 $0xE000;
	s7 =	simm.s32 $0xE800;
	[sflag:s28] =	ssyncset.done $0x0  }
0x772: {  	s16 =	simm.s32 $0xB800;
	s3 =	simm.s32 $0xC800;
	[sflag:s28] =	ssyncadd.s32 $0xFFFF0000  }
0x773: {  	_ =	sfence.sel $0x180000  }
0x774: {  	[bflag:$0x0] =	sbarrier.arrive $0xFFFF  }
0x775: {  	_ =	strace $0x90000047  }
0x776: {  	s0 =	stileid.u32;
	[bflag:$0x2] =	sbarrier.arrive $0xFFFF  }
0x777: {  	p0 =	sne.s32 s0, $0x0;
	s0 =	rddreg [dreg:$0x2]  }
0x778: {  	s0 =	sadd.s32 @!p0 $0x100000, s0  }
0x779: {  	[sflag:s0] =	ssyncadd.tile.s32 @!p0 $0x1;
	_ =	shalt  }
.Lfunc_end2:
_tile_overlayer_lowered:
.L_overlay_start_2:
0x77a: {  	(tag) =	ssettag $0x2  }
0x77b: {  	s0 =	rddreg [dreg:$0x0];
	s2 =	stileid.u32  }
0x77c: {  	s1 =	rddreg [dreg:$0x1];
	p0 =	sne.s32 s2, $0x0  }
0x77d: {  	s3 =	rddreg [dreg:$0x2];
	[bflag:$0x3] =	sbarrier.arrive $0xFFFF;
	s2 =	simm.s32 @!p0 $0x1C06  }
0x77e: {  	[timem:s3], [sflag:s2] =	dma.local @!p0 [hbm:s0], s1  }
0x77f: {  	s0 =	simm.s32 @!p0 $0x6  }
0x780: {  	_ =	swait.ge @!p0 [sflag:s0], s1  }
0x781: {  	s1 =	ssub.s32 @!p0 $0x0, s1;
	[sflag:s0] =	ssyncset.done @!p0 $0x0  }
0x782: {  	[sflag:s0] =	ssyncadd.s32 @!p0 s1  }
0x783: {  	[bflag:$0x3] =	sbarrier.arrive $0xFFFF  }
0x784: {  	_ =	shalt  }

</sc_bundles>
